<compile_context>
chip_gen: v7x
topology: tpu7x:2x2x1
jax: 0.10.2.dev20260603
libtpu: 0.0.44.dev20260713+nightly
codegen_flags: <defaults>
</compile_context>

<pallas_src>
import jax
import jax.numpy as jnp
from jax import lax
from jax.experimental import pallas as pl
from jax.experimental.pallas import tpu as pltpu
from jax.experimental.pallas import tpu_sc as plsc

N_NODES = 10000
N_EDGES = 320000
D = 128

NC = 2
NS = 16
NW = NC * NS
N_PAD = 10240
ROWS_PER_TILE = N_PAD // NS

CHUNK = 64
E_PER_WORKER = 10240
E_LAST = N_EDGES - 31 * E_PER_WORKER
BANK = E_PER_WORKER // 2
BANK_LAST = E_LAST // 2
NB = BANK // CHUNK
NB_LAST = BANK_LAST // CHUNK

DEG_CHUNK = 512
DEG_NCH = E_PER_WORKER // DEG_CHUNK
DEG_NCH_LAST = E_LAST // DEG_CHUNK
N_DEG = 10240
DEG_PER_TILE = N_DEG // NS

ROW_BLK = 2048
N_ROW_BLKS = -(-N_NODES // ROW_BLK)


def _zero_vmem_2d(ref, rows, cols):
    z = jnp.zeros((16,), jnp.float32)
    cl = cols // 16

    def body(i, carry):
        r = i // cl
        c = (i % cl) * 16
        ref[r, pl.ds(c, 16)] = z
        return carry

    lax.fori_loop(0, rows * cl, body, 0)


def _zero_vmem_1d(ref, n):
    z = jnp.zeros((16,), jnp.float32)

    def body(i, carry):
        ref[pl.ds(i * 16, 16)] = z
        return carry

    lax.fori_loop(0, n // 16, body, 0)


def _degree_body(ei_hbm, out_hbm, acc, idx_d, ones_v, zeros_v):
    cid = lax.axis_index("c")
    sid = lax.axis_index("s")
    wid = sid * NC + cid

    one = jnp.ones((16,), jnp.float32)

    def fill(i, carry):
        ones_v[pl.ds(i * 16, 16)] = one
        return carry

    lax.fori_loop(0, DEG_CHUNK // 16, fill, 0)
    _zero_vmem_1d(zeros_v, DEG_PER_TILE)
    pltpu.sync_copy(zeros_v, acc.at[pl.ds(sid * DEG_PER_TILE, DEG_PER_TILE)])
    plsc.subcore_barrier()

    is_last = wid == NW - 1

    @pl.when(jnp.logical_not(is_last))
    def _():
        off = N_EDGES + wid * E_PER_WORKER
        pltpu.sync_copy(ei_hbm.at[pl.ds(off, E_PER_WORKER)], idx_d)

    @pl.when(is_last)
    def _():
        off = N_EDGES + (NW - 1) * E_PER_WORKER
        pltpu.sync_copy(ei_hbm.at[pl.ds(off, E_LAST)],
                        idx_d.at[pl.ds(0, E_LAST)])

    def body(j, carry):
        pltpu.sync_copy(ones_v, acc.at[idx_d.at[pl.ds(j * DEG_CHUNK,
                                                      DEG_CHUNK)]], add=True)
        return carry

    lax.fori_loop(0, jnp.where(is_last, DEG_NCH_LAST, DEG_NCH), body, 0)
    plsc.subcore_barrier()

    sl = pl.ds(sid * DEG_PER_TILE, DEG_PER_TILE)
    pltpu.sync_copy(acc.at[sl], out_hbm.at[cid, sl])


def _degree_partials(ei):
    mesh = plsc.VectorSubcoreMesh(core_axis_name="c", subcore_axis_name="s")
    return pl.kernel(
        _degree_body,
        out_type=jax.ShapeDtypeStruct((NC, N_DEG), jnp.float32),
        mesh=mesh,
        scratch_types=[
            pltpu.VMEM_SHARED((N_DEG,), jnp.float32),
            pltpu.VMEM((E_PER_WORKER,), jnp.int32),
            pltpu.VMEM((DEG_CHUNK,), jnp.float32),
            pltpu.VMEM((DEG_PER_TILE,), jnp.float32),
        ],
    )(ei)


def _aggregate_body(y_hbm, ei_hbm, out_hbm, acc, idx_s, idx_d,
                    b0, b1, b2, b3, s0, s1, s2, s3):
    cid = lax.axis_index("c")
    sid = lax.axis_index("s")
    wid = sid * NC + cid

    _zero_vmem_2d(b0, CHUNK, D)
    base = sid * ROWS_PER_TILE

    def zero_acc(t, carry):
        pltpu.sync_copy(b0, acc.at[pl.ds(base + t * CHUNK, CHUNK)])
        return carry

    lax.fori_loop(0, ROWS_PER_TILE // CHUNK, zero_acc, 0)
    plsc.subcore_barrier()

    def gather(j, buf, sem):
        sl = pl.ds(j * CHUNK, CHUNK)
        pltpu.async_copy(y_hbm.at[idx_s.at[sl]], buf, sem)

    def wait_gather(j, buf, sem):
        sl = pl.ds(j * CHUNK, CHUNK)
        pltpu.make_async_copy(y_hbm.at[idx_s.at[sl]], buf, sem).wait()

    def scatter(j, buf):
        sl = pl.ds(j * CHUNK, CHUNK)
        pltpu.sync_copy(buf, acc.at[idx_d.at[sl]], add=True)

    is_last = wid == NW - 1
    n_body = jnp.where(is_last, NB_LAST // 4 - 1, NB // 4 - 1)
    j_tail = jnp.where(is_last, NB_LAST - 4, NB - 4)

    def stage(bank):
        @pl.when(jnp.logical_not(is_last))
        def _():
            off = wid * E_PER_WORKER + bank * BANK
            pltpu.sync_copy(ei_hbm.at[pl.ds(off, BANK)], idx_s)
            pltpu.sync_copy(ei_hbm.at[pl.ds(N_EDGES + off, BANK)], idx_d)

        @pl.when(is_last)
        def _():
            off = (NW - 1) * E_PER_WORKER + bank * BANK_LAST
            pltpu.sync_copy(ei_hbm.at[pl.ds(off, BANK_LAST)],
                            idx_s.at[pl.ds(0, BANK_LAST)])
            pltpu.sync_copy(ei_hbm.at[pl.ds(N_EDGES + off, BANK_LAST)],
                            idx_d.at[pl.ds(0, BANK_LAST)])

    def run_bank():
        gather(0, b0, s0)
        gather(1, b1, s1)
        gather(2, b2, s2)

        def body(t, carry):
            j = 4 * t
            gather(j + 3, b3, s3)
            wait_gather(j, b0, s0)
            scatter(j, b0)
            gather(j + 4, b0, s0)
            wait_gather(j + 1, b1, s1)
            scatter(j + 1, b1)
            gather(j + 5, b1, s1)
            wait_gather(j + 2, b2, s2)
            scatter(j + 2, b2)
            gather(j + 6, b2, s2)
            wait_gather(j + 3, b3, s3)
            scatter(j + 3, b3)
            return carry

        lax.fori_loop(0, n_body, body, 0)
        j = j_tail
        gather(j + 3, b3, s3)
        wait_gather(j, b0, s0)
        scatter(j, b0)
        wait_gather(j + 1, b1, s1)
        scatter(j + 1, b1)
        wait_gather(j + 2, b2, s2)
        scatter(j + 2, b2)
        wait_gather(j + 3, b3, s3)
        scatter(j + 3, b3)

    stage(0)
    run_bank()
    stage(1)
    run_bank()
    plsc.subcore_barrier()

    sl = pl.ds(base, ROWS_PER_TILE)
    pltpu.sync_copy(acc.at[sl], out_hbm.at[cid, sl])


def _aggregate_partials(y, ei):
    mesh = plsc.VectorSubcoreMesh(core_axis_name="c", subcore_axis_name="s")
    return pl.kernel(
        _aggregate_body,
        out_type=jax.ShapeDtypeStruct((NC, N_PAD, D), jnp.float32),
        mesh=mesh,
        scratch_types=[
            pltpu.VMEM_SHARED((N_PAD, D), jnp.float32),
            pltpu.VMEM((BANK,), jnp.int32),
            pltpu.VMEM((BANK,), jnp.int32),
            pltpu.VMEM((CHUNK, D), jnp.float32),
            pltpu.VMEM((CHUNK, D), jnp.float32),
            pltpu.VMEM((CHUNK, D), jnp.float32),
            pltpu.VMEM((CHUNK, D), jnp.float32),
            pltpu.SemaphoreType.DMA,
            pltpu.SemaphoreType.DMA,
            pltpu.SemaphoreType.DMA,
            pltpu.SemaphoreType.DMA,
        ],
    )(y, ei)


def _norm_from_deg(d_ref):
    deg = d_ref[0] + d_ref[1]
    return lax.rsqrt(jnp.maximum(deg, 1.0))[:, None]


def _pre_body(x_ref, w_ref, d_ref, o_ref):
    norm = _norm_from_deg(d_ref)
    xw = jnp.dot(x_ref[...], w_ref[...], preferred_element_type=jnp.float32)
    o_ref[...] = xw * norm


def _mid_body(p_ref, w_ref, b_ref, d_ref, o_ref):
    norm = _norm_from_deg(d_ref)
    b = b_ref[0:1, :]
    h = jnp.maximum((p_ref[0] + p_ref[1]) * norm + b, 0.0)
    hw = jnp.dot(h, w_ref[...], preferred_element_type=jnp.float32)
    o_ref[...] = hw * norm


def _post_body(p_ref, b_ref, d_ref, o_ref):
    norm = _norm_from_deg(d_ref)
    b = b_ref[0:1, :]
    o_ref[...] = jnp.maximum((p_ref[0] + p_ref[1]) * norm + b, 0.0)


def _row_spec():
    return pl.BlockSpec((ROW_BLK, D), lambda i: (i, 0))


def _part_spec():
    return pl.BlockSpec((2, ROW_BLK, D), lambda i: (0, i, 0))


def _deg_spec():
    return pl.BlockSpec((2, ROW_BLK), lambda i: (0, i))


def _full_spec(shape):
    return pl.BlockSpec(shape, lambda i: tuple(0 for _ in shape))


def _tc_pre(x, w, deg3):
    return pl.pallas_call(
        _pre_body,
        grid=(N_ROW_BLKS,),
        in_specs=[_row_spec(), _full_spec((D, D)), _deg_spec()],
        out_specs=_row_spec(),
        out_shape=jax.ShapeDtypeStruct((N_NODES, D), jnp.float32),
    )(x, w, deg3)


def _tc_mid(p, w, b8, deg3):
    return pl.pallas_call(
        _mid_body,
        grid=(N_ROW_BLKS,),
        in_specs=[_part_spec(), _full_spec((D, D)), _full_spec((8, D)),
                  _deg_spec()],
        out_specs=_row_spec(),
        out_shape=jax.ShapeDtypeStruct((N_NODES, D), jnp.float32),
    )(p, w, b8, deg3)


def _tc_post(p, b8, deg3):
    return pl.pallas_call(
        _post_body,
        grid=(N_ROW_BLKS,),
        in_specs=[_part_spec(), _full_spec((8, D)), _deg_spec()],
        out_specs=_row_spec(),
        out_shape=jax.ShapeDtypeStruct((N_NODES, D), jnp.float32),
    )(p, b8, deg3)


def kernel(features, edge_index, W1, b1, W2, b2):
    ei = edge_index.reshape(-1)
    b1_8 = jnp.broadcast_to(b1[None, :], (8, D))
    b2_8 = jnp.broadcast_to(b2[None, :], (8, D))

    deg_p = _degree_partials(ei)

    y1 = _tc_pre(features, W1, deg_p)
    agg1 = _aggregate_partials(y1, ei)
    y2 = _tc_mid(agg1, W2, b1_8, deg_p)
    agg2 = _aggregate_partials(y2, ei)
    return _tc_post(agg2, b2_8, deg_p)

# --- scband reference (transcript-rebuilt; emitter-appended) ---
"""Pipeline reference for scband-encoder-38001870635087 (READ-ONLY COPY).

The authoritative reference and input builder live on the scoring server;
editing this copy changes nothing except your own understanding.
"""

import jax, jax.numpy as jnp
import numpy as np

N_NODES = 10000
N_EDGES = 320000
D_IN = 128
D_HID = 128

def setup_inputs(seed: int = 0) -> dict:
    key = jax.random.key(seed)
    k1, k2, k3, k4 = jax.random.split(key, 4)
    features = jax.random.normal(k1, (N_NODES, D_IN), dtype=jnp.float32)
    edge_index = jax.random.randint(k2, (2, N_EDGES), 0, N_NODES, dtype=jnp.int32)
    s1 = 1.0 / np.sqrt(D_IN)
    s2 = 1.0 / np.sqrt(D_HID)
    W1 = jax.random.normal(k3, (D_IN, D_HID), dtype=jnp.float32) * s1
    b1 = jnp.zeros((D_HID,), dtype=jnp.float32)
    W2 = jax.random.normal(k4, (D_HID, D_HID), dtype=jnp.float32) * s2
    b2 = jnp.zeros((D_HID,), dtype=jnp.float32)
    return {"features": features, "edge_index": edge_index, "W1": W1, "b1": b1, "W2": W2, "b2": b2}

def reference(features, edge_index, W1, b1, W2, b2):
    # 2-layer GCN encoder (symmetric normalization D^{-1/2} A D^{-1/2}), relu activation
    N = features.shape[0]
    src = edge_index[0]
    dst = edge_index[1]
    ones = jnp.ones((src.shape[0],), dtype=jnp.float32)
    deg = jax.ops.segment_sum(ones, dst, num_segments=N)
    deg = jnp.clip(deg, 1.0, None)
    norm = deg ** (-0.5)

    def gcn_layer(x, W, b):
        x = x @ W
        msg = x[src] * norm[src][:, None]
        agg = jax.ops.segment_sum(msg, dst, num_segments=N)
        return agg * norm[:, None] + b

    h = jax.nn.relu(gcn_layer(features, W1, b1))
    h = jax.nn.relu(gcn_layer(h, W2, b2))
    return h

if __name__ == "__main__":
    import jax
    _d = setup_inputs()
    print(jax.jit(kernel)(*tuple(_d.values())))

</pallas_src>

<mosaic_0001>
#map = affine_map<(d0, d1) -> (0)>
#map1 = affine_map<(d0, d1) -> (0, 0)>
module attributes {stable_mosaic.version = 14 : i64} {
  func.func @_degree_body(%arg0: i32, %arg1: i32, %arg2: memref<640000xi32, #tpu.memory_space<hbm>>, %arg3: memref<2x10240xf32, #tpu.memory_space<hbm>>, %arg4: memref<10240xf32, #tpu.memory_space<vmem_shared>>, %arg5: memref<10240xi32, #tpu.memory_space<vmem>>, %arg6: memref<512xf32, #tpu.memory_space<vmem>>, %arg7: memref<640xf32, #tpu.memory_space<vmem>>) attributes {dimension_semantics = [#tpu.dimension_semantics<core_parallel>, #tpu.dimension_semantics<subcore_parallel>], iteration_bounds = array<i64: 2, 16>, scalar_prefetch = 0 : i64, scratch_operands = 4 : i64, tpu.core_type = #tpu.core_type<sc_vector_subcore>, window_params = [{transform_indices = #map}, {transform_indices = #map1}]} {
    %mul3A = arith.constant 2 : i32
    %mul3A_0 = arith.muli %arg1, %mul3A : i32
    %add3A = arith.addi %mul3A_0, %arg0 : i32
    %broadcast_in_dim3A = arith.constant 1.000000e+00 : f32
    %broadcast_in_dim3A_1 = vector.broadcast %broadcast_in_dim3A : f32 to vector<16xf32>
    %scan3A = arith.constant 0 : i32
    %scan3A_2 = arith.constant 0 : i32
    %scan3A_3 = arith.constant 32 : i32
    %scan3A_4 = arith.addi %scan3A_2, %scan3A_3 : i32
    %scan3A_5 = arith.constant 1 : i32
    scf.for %scan3A_36 = %scan3A_2 to %scan3A_4 step %scan3A_5  : i32 {
      %mul3A_37 = arith.constant 16 : i32
      %mul3A_38 = arith.muli %scan3A_36, %mul3A_37 : i32
      %swap3A = arith.index_cast %mul3A_38 : i32 to index
      %swap3A_39 = tpu.vector_load %arg6[%swap3A] {strides = array<i32>} : memref<512xf32, #tpu.memory_space<vmem>>, vector<16xf32>,
      %swap3A_40 = vector.shape_cast %swap3A_39 : vector<16xf32> to vector<16xf32>
      %swap3A_41 = vector.shape_cast %broadcast_in_dim3A_1 : vector<16xf32> to vector<16xf32>
      tpu.vector_store %arg6[%swap3A], %swap3A_41 {strides = array<i32>} : memref<512xf32, #tpu.memory_space<vmem>>, vector<16xf32>,
    }
    %scan3A_6 = arith.constant 32 : i32
    %broadcast_in_dim3A_7 = arith.constant 0.000000e+00 : f32
    %broadcast_in_dim3A_8 = vector.broadcast %broadcast_in_dim3A_7 : f32 to vector<16xf32>
    %scan3A_9 = arith.constant 0 : i32
    %scan3A_10 = arith.constant 0 : i32
    %scan3A_11 = arith.constant 40 : i32
    %scan3A_12 = arith.addi %scan3A_10, %scan3A_11 : i32
    %scan3A_13 = arith.constant 1 : i32
    scf.for %scan3A_36 = %scan3A_10 to %scan3A_12 step %scan3A_13  : i32 {
      %mul3A_37 = arith.constant 16 : i32
      %mul3A_38 = arith.muli %scan3A_36, %mul3A_37 : i32
      %swap3A = arith.index_cast %mul3A_38 : i32 to index
      %swap3A_39 = tpu.vector_load %arg7[%swap3A] {strides = array<i32>} : memref<640xf32, #tpu.memory_space<vmem>>, vector<16xf32>,
      %swap3A_40 = vector.shape_cast %swap3A_39 : vector<16xf32> to vector<16xf32>
      %swap3A_41 = vector.shape_cast %broadcast_in_dim3A_8 : vector<16xf32> to vector<16xf32>
      tpu.vector_store %arg7[%swap3A], %swap3A_41 {strides = array<i32>} : memref<640xf32, #tpu.memory_space<vmem>>, vector<16xf32>,
    }
    %scan3A_14 = arith.constant 40 : i32
    %mul3A_15 = arith.constant 640 : i32
    %mul3A_16 = arith.muli %arg1, %mul3A_15 : i32
    "tpu.region"() ({
      %run_scoped3A = tpu.sem_alloc : memref<!tpu.dma_semaphore, #tpu.memory_space<semaphore_mem>>
      %dma_start3A = tpu.memref_slice %arg4[%mul3A_16] : memref<10240xf32, #tpu.memory_space<vmem_shared>> -> memref<640xf32, #tpu.memory_space<vmem_shared>>
      %dma_start3A_36 = tpu.memref_slice %arg4[%mul3A_16] : memref<10240xf32, #tpu.memory_space<vmem_shared>> -> memref<640xf32, #tpu.memory_space<vmem_shared>>
      tpu.enqueue_dma source(%arg7 : memref<640xf32, #tpu.memory_space<vmem>>) target(%dma_start3A_36 : memref<640xf32, #tpu.memory_space<vmem_shared>>) target_semaphore(%run_scoped3A : memref<!tpu.dma_semaphore, #tpu.memory_space<semaphore_mem>>)
      %dma_wait3A = tpu.memref_slice %arg4[%mul3A_16] : memref<10240xf32, #tpu.memory_space<vmem_shared>> -> memref<640xf32, #tpu.memory_space<vmem_shared>>
      %dma_wait3A_37 = tpu.memref_slice %arg4[%mul3A_16] : memref<10240xf32, #tpu.memory_space<vmem_shared>> -> memref<640xf32, #tpu.memory_space<vmem_shared>>
      tpu.wait_dma2 semaphore(%run_scoped3A : memref<!tpu.dma_semaphore, #tpu.memory_space<semaphore_mem>>) src(%arg7 : memref<640xf32, #tpu.memory_space<vmem>>) dst(%dma_wait3A_37 : memref<640xf32, #tpu.memory_space<vmem_shared>>)
      tpu.yield
    }) : () -> ()
    %barrier3A = arith.constant 0 : index
    tpu.barrier barrier_id(%barrier3A)
    %eq3A = arith.constant 31 : i32
    %eq3A_17 = arith.cmpi eq, %add3A, %eq3A : i32
    %not3A = arith.constant true
    %not3A_18 = arith.xori %eq3A_17, %not3A : i1
    %convert_element_type3A = arith.extui %not3A_18 : i1 to i32
    %cond3A = arith.constant 0 : i32
    %cond3A_19 = arith.cmpi ne, %convert_element_type3A, %cond3A : i32
    scf.if %cond3A_19 {
      %mul3A_36 = arith.constant 10240 : i32
      %mul3A_37 = arith.muli %add3A, %mul3A_36 : i32
      %add3A_38 = arith.constant 320000 : i32
      %add3A_39 = arith.addi %add3A_38, %mul3A_37 : i32
      "tpu.region"() ({
        %run_scoped3A = tpu.sem_alloc : memref<!tpu.dma_semaphore, #tpu.memory_space<semaphore_mem>>
        %dma_start3A = tpu.memref_slice %arg2[%add3A_39] : memref<640000xi32, #tpu.memory_space<hbm>> -> memref<10240xi32, #tpu.memory_space<hbm>>
        %dma_start3A_40 = tpu.memref_slice %arg2[%add3A_39] : memref<640000xi32, #tpu.memory_space<hbm>> -> memref<10240xi32, #tpu.memory_space<hbm>>
        tpu.enqueue_dma source(%dma_start3A_40 : memref<10240xi32, #tpu.memory_space<hbm>>) target(%arg5 : memref<10240xi32, #tpu.memory_space<vmem>>) target_semaphore(%run_scoped3A : memref<!tpu.dma_semaphore, #tpu.memory_space<semaphore_mem>>)
        %dma_wait3A = tpu.memref_slice %arg2[%add3A_39] : memref<640000xi32, #tpu.memory_space<hbm>> -> memref<10240xi32, #tpu.memory_space<hbm>>
        %dma_wait3A_41 = tpu.memref_slice %arg2[%add3A_39] : memref<640000xi32, #tpu.memory_space<hbm>> -> memref<10240xi32, #tpu.memory_space<hbm>>
        tpu.wait_dma2 semaphore(%run_scoped3A : memref<!tpu.dma_semaphore, #tpu.memory_space<semaphore_mem>>) src(%dma_wait3A_41 : memref<10240xi32, #tpu.memory_space<hbm>>) dst(%arg5 : memref<10240xi32, #tpu.memory_space<vmem>>)
        tpu.yield
      }) : () -> ()
    } else {
    }
    %convert_element_type3A_20 = arith.extui %eq3A_17 : i1 to i32
    %cond3A_21 = arith.constant 0 : i32
    %cond3A_22 = arith.cmpi ne, %convert_element_type3A_20, %cond3A_21 : i32
    scf.if %cond3A_22 {
      "tpu.region"() ({
        %run_scoped3A = tpu.sem_alloc : memref<!tpu.dma_semaphore, #tpu.memory_space<semaphore_mem>>
        %dma_start3A = arith.constant 0 : i32
        %dma_start3A_36 = tpu.memref_slice %arg5[%dma_start3A] : memref<10240xi32, #tpu.memory_space<vmem>> -> memref<2560xi32, #tpu.memory_space<vmem>>
        %dma_start3A_37 = arith.constant 637440 : i32
        %dma_start3A_38 = tpu.memref_slice %arg2[%dma_start3A_37] : memref<640000xi32, #tpu.memory_space<hbm>> -> memref<2560xi32, #tpu.memory_space<hbm>>
        %dma_start3A_39 = arith.constant 0 : i32
        %dma_start3A_40 = tpu.memref_slice %arg5[%dma_start3A_39] : memref<10240xi32, #tpu.memory_space<vmem>> -> memref<2560xi32, #tpu.memory_space<vmem>>
        %dma_start3A_41 = arith.constant 637440 : i32
        %dma_start3A_42 = tpu.memref_slice %arg2[%dma_start3A_41] : memref<640000xi32, #tpu.memory_space<hbm>> -> memref<2560xi32, #tpu.memory_space<hbm>>
        tpu.enqueue_dma source(%dma_start3A_42 : memref<2560xi32, #tpu.memory_space<hbm>>) target(%dma_start3A_40 : memref<2560xi32, #tpu.memory_space<vmem>>) target_semaphore(%run_scoped3A : memref<!tpu.dma_semaphore, #tpu.memory_space<semaphore_mem>>)
        %dma_wait3A = arith.constant 0 : i32
        %dma_wait3A_43 = tpu.memref_slice %arg5[%dma_wait3A] : memref<10240xi32, #tpu.memory_space<vmem>> -> memref<2560xi32, #tpu.memory_space<vmem>>
        %dma_wait3A_44 = arith.constant 637440 : i32
        %dma_wait3A_45 = tpu.memref_slice %arg2[%dma_wait3A_44] : memref<640000xi32, #tpu.memory_space<hbm>> -> memref<2560xi32, #tpu.memory_space<hbm>>
        %dma_wait3A_46 = arith.constant 0 : i32
        %dma_wait3A_47 = tpu.memref_slice %arg5[%dma_wait3A_46] : memref<10240xi32, #tpu.memory_space<vmem>> -> memref<2560xi32, #tpu.memory_space<vmem>>
        %dma_wait3A_48 = arith.constant 637440 : i32
        %dma_wait3A_49 = tpu.memref_slice %arg2[%dma_wait3A_48] : memref<640000xi32, #tpu.memory_space<hbm>> -> memref<2560xi32, #tpu.memory_space<hbm>>
        tpu.wait_dma2 semaphore(%run_scoped3A : memref<!tpu.dma_semaphore, #tpu.memory_space<semaphore_mem>>) src(%dma_wait3A_49 : memref<2560xi32, #tpu.memory_space<hbm>>) dst(%dma_wait3A_47 : memref<2560xi32, #tpu.memory_space<vmem>>)
        tpu.yield
      }) : () -> ()
    } else {
    }
    %jit3A = arith.constant 5 : i32
    %jit3A_23 = arith.constant 20 : i32
    %select_n3A = arith.select %eq3A_17, %jit3A, %jit3A_23 : i32
    %while3A = arith.constant 0 : i32
    %while3A_24 = arith.constant 0 : i32
    %while3A_25 = arith.subi %select_n3A, %while3A_24 : i32
    %while3A_26 = arith.addi %while3A_24, %while3A_25 : i32
    %while3A_27 = arith.constant 1 : i32
    %while3A_28 = arith.divsi %while3A_25, %while3A_27 : i32
    %while3A_29 = arith.muli %while3A_28, %while3A_27 : i32
    %while3A_30 = arith.addi %while3A_24, %while3A_29 : i32
    %while3A_31 = arith.constant 1 : i32
    scf.for %while3A_36 = %while3A_24 to %while3A_30 step %while3A_31  : i32 {
      %mul3A_37 = arith.constant 512 : i32
      %mul3A_38 = arith.muli %while3A_36, %mul3A_37 : i32
      "tpu.region"() ({
        %run_scoped3A = tpu.sem_alloc : memref<!tpu.dma_semaphore, #tpu.memory_space<semaphore_mem>>
        %dma_start3A = tpu.memref_slice %arg5[%mul3A_38] : memref<10240xi32, #tpu.memory_space<vmem>> -> memref<512xi32, #tpu.memory_space<vmem>>
        %dma_start3A_39 = arith.constant 0 : i32
        %dma_start3A_40 = tpu.memref_slice %arg4[%dma_start3A_39] : memref<10240xf32, #tpu.memory_space<vmem_shared>> -> memref<10240xf32, #tpu.memory_space<vmem_shared>>
        tpu.enqueue_indirect_dma source(%arg6 : memref<512xf32, #tpu.memory_space<vmem>>) target(%dma_start3A_40 : memref<10240xf32, #tpu.memory_space<vmem_shared>>) offsets(%dma_start3A : memref<512xi32, #tpu.memory_space<vmem>>) semaphore(%run_scoped3A : memref<!tpu.dma_semaphore, #tpu.memory_space<semaphore_mem>>) {add = true}
        %dma_wait3A = tpu.memref_slice %arg5[%mul3A_38] : memref<10240xi32, #tpu.memory_space<vmem>> -> memref<512xi32, #tpu.memory_space<vmem>>
        %dma_wait3A_41 = arith.constant 0 : i32
        %dma_wait3A_42 = tpu.memref_slice %arg4[%dma_wait3A_41] : memref<10240xf32, #tpu.memory_space<vmem_shared>> -> memref<10240xf32, #tpu.memory_space<vmem_shared>>
        tpu.wait_indirect_dma semaphore(%run_scoped3A : memref<!tpu.dma_semaphore, #tpu.memory_space<semaphore_mem>>) src(%arg6 : memref<512xf32, #tpu.memory_space<vmem>>) dst(%dma_wait3A_42 : memref<10240xf32, #tpu.memory_space<vmem_shared>>)
        tpu.yield
      }) : () -> ()
    }
    %while3A_32 = arith.constant 1 : i32
    scf.for %while3A_36 = %while3A_30 to %while3A_26 step %while3A_32  : i32 {
      %mul3A_37 = arith.constant 512 : i32
      %mul3A_38 = arith.muli %while3A_36, %mul3A_37 : i32
      "tpu.region"() ({
        %run_scoped3A = tpu.sem_alloc : memref<!tpu.dma_semaphore, #tpu.memory_space<semaphore_mem>>
        %dma_start3A = tpu.memref_slice %arg5[%mul3A_38] : memref<10240xi32, #tpu.memory_space<vmem>> -> memref<512xi32, #tpu.memory_space<vmem>>
        %dma_start3A_39 = arith.constant 0 : i32
        %dma_start3A_40 = tpu.memref_slice %arg4[%dma_start3A_39] : memref<10240xf32, #tpu.memory_space<vmem_shared>> -> memref<10240xf32, #tpu.memory_space<vmem_shared>>
        tpu.enqueue_indirect_dma source(%arg6 : memref<512xf32, #tpu.memory_space<vmem>>) target(%dma_start3A_40 : memref<10240xf32, #tpu.memory_space<vmem_shared>>) offsets(%dma_start3A : memref<512xi32, #tpu.memory_space<vmem>>) semaphore(%run_scoped3A : memref<!tpu.dma_semaphore, #tpu.memory_space<semaphore_mem>>) {add = true}
        %dma_wait3A = tpu.memref_slice %arg5[%mul3A_38] : memref<10240xi32, #tpu.memory_space<vmem>> -> memref<512xi32, #tpu.memory_space<vmem>>
        %dma_wait3A_41 = arith.constant 0 : i32
        %dma_wait3A_42 = tpu.memref_slice %arg4[%dma_wait3A_41] : memref<10240xf32, #tpu.memory_space<vmem_shared>> -> memref<10240xf32, #tpu.memory_space<vmem_shared>>
        tpu.wait_indirect_dma semaphore(%run_scoped3A : memref<!tpu.dma_semaphore, #tpu.memory_space<semaphore_mem>>) src(%arg6 : memref<512xf32, #tpu.memory_space<vmem>>) dst(%dma_wait3A_42 : memref<10240xf32, #tpu.memory_space<vmem_shared>>)
        tpu.yield
      }) : () -> ()
    }
    %barrier3A_33 = arith.constant 0 : index
    tpu.barrier barrier_id(%barrier3A_33)
    %mul3A_34 = arith.constant 640 : i32
    %mul3A_35 = arith.muli %arg1, %mul3A_34 : i32
    "tpu.region"() ({
      %run_scoped3A = tpu.sem_alloc : memref<!tpu.dma_semaphore, #tpu.memory_space<semaphore_mem>>
      %dma_start3A = tpu.memref_slice %arg3[%arg0, %mul3A_35] : memref<2x10240xf32, #tpu.memory_space<hbm>> -> memref<1x640xf32, #tpu.memory_space<hbm>>
      %dma_start3A_36 = tpu.memref_squeeze %dma_start3A : memref<1x640xf32, #tpu.memory_space<hbm>> -> memref<640xf32, #tpu.memory_space<hbm>>
      %dma_start3A_37 = tpu.memref_slice %arg4[%mul3A_35] : memref<10240xf32, #tpu.memory_space<vmem_shared>> -> memref<640xf32, #tpu.memory_space<vmem_shared>>
      tpu.enqueue_dma source(%dma_start3A_37 : memref<640xf32, #tpu.memory_space<vmem_shared>>) target(%dma_start3A_36 : memref<640xf32, #tpu.memory_space<hbm>>) target_semaphore(%run_scoped3A : memref<!tpu.dma_semaphore, #tpu.memory_space<semaphore_mem>>)
      %dma_wait3A = tpu.memref_slice %arg3[%arg0, %mul3A_35] : memref<2x10240xf32, #tpu.memory_space<hbm>> -> memref<1x640xf32, #tpu.memory_space<hbm>>
      %dma_wait3A_38 = tpu.memref_squeeze %dma_wait3A : memref<1x640xf32, #tpu.memory_space<hbm>> -> memref<640xf32, #tpu.memory_space<hbm>>
      %dma_wait3A_39 = tpu.memref_slice %arg4[%mul3A_35] : memref<10240xf32, #tpu.memory_space<vmem_shared>> -> memref<640xf32, #tpu.memory_space<vmem_shared>>
      tpu.wait_dma2 semaphore(%run_scoped3A : memref<!tpu.dma_semaphore, #tpu.memory_space<semaphore_mem>>) src(%dma_wait3A_39 : memref<640xf32, #tpu.memory_space<vmem_shared>>) dst(%dma_wait3A_38 : memref<640xf32, #tpu.memory_space<hbm>>)
      tpu.yield
    }) : () -> ()
    return
  }
}

#map = affine_map<(d0, d1) -> (0, 0)>
#map1 = affine_map<(d0, d1) -> (0)>
#map2 = affine_map<(d0, d1) -> (0, 0, 0)>
module attributes {stable_mosaic.version = 14 : i64} {
  func.func @_aggregate_body(%arg0: i32, %arg1: i32, %arg2: memref<10000x128xf32, #tpu.memory_space<hbm>>, %arg3: memref<640000xi32, #tpu.memory_space<hbm>>, %arg4: memref<2x10240x128xf32, #tpu.memory_space<hbm>>, %arg5: memref<10240x128xf32, #tpu.memory_space<vmem_shared>>, %arg6: memref<5120xi32, #tpu.memory_space<vmem>>, %arg7: memref<5120xi32, #tpu.memory_space<vmem>>, %arg8: memref<64x128xf32, #tpu.memory_space<vmem>>, %arg9: memref<64x128xf32, #tpu.memory_space<vmem>>, %arg10: memref<64x128xf32, #tpu.memory_space<vmem>>, %arg11: memref<64x128xf32, #tpu.memory_space<vmem>>, %arg12: memref<!tpu.dma_semaphore, #tpu.memory_space<semaphore_mem>>, %arg13: memref<!tpu.dma_semaphore, #tpu.memory_space<semaphore_mem>>, %arg14: memref<!tpu.dma_semaphore, #tpu.memory_space<semaphore_mem>>, %arg15: memref<!tpu.dma_semaphore, #tpu.memory_space<semaphore_mem>>) attributes {dimension_semantics = [#tpu.dimension_semantics<core_parallel>, #tpu.dimension_semantics<subcore_parallel>], iteration_bounds = array<i64: 2, 16>, scalar_prefetch = 0 : i64, scratch_operands = 11 : i64, tpu.core_type = #tpu.core_type<sc_vector_subcore>, window_params = [{transform_indices = #map}, {transform_indices = #map1}, {transform_indices = #map2}]} {
    %mul3A = arith.constant 2 : i32
    %mul3A_0 = arith.muli %arg1, %mul3A : i32
    %add3A = arith.addi %mul3A_0, %arg0 : i32
    %broadcast_in_dim3A = arith.constant 0.000000e+00 : f32
    %broadcast_in_dim3A_1 = vector.broadcast %broadcast_in_dim3A : f32 to vector<16xf32>
    %scan3A = arith.constant 0 : i32
    %scan3A_2 = arith.constant 0 : i32
    %scan3A_3 = arith.constant 512 : i32
    %scan3A_4 = arith.addi %scan3A_2, %scan3A_3 : i32
    %scan3A_5 = arith.constant 1 : i32
    scf.for %scan3A_185 = %scan3A_2 to %scan3A_4 step %scan3A_5  : i32 {
      %jit3A_186 = arith.constant 8 : i32
      %div3A = arith.divsi %scan3A_185, %jit3A_186 : i32
      %sign3A = arith.constant 0 : i32
      %sign3A_187 = arith.cmpi sgt, %scan3A_185, %sign3A : i32
      %sign3A_188 = arith.extui %sign3A_187 : i1 to i32
      %sign3A_189 = arith.constant 0 : i32
      %sign3A_190 = arith.cmpi slt, %scan3A_185, %sign3A_189 : i32
      %sign3A_191 = arith.extui %sign3A_190 : i1 to i32
      %sign3A_192 = arith.subi %sign3A_188, %sign3A_191 : i32
      %sign3A_193 = arith.constant 0 : i32
      %sign3A_194 = arith.cmpi sgt, %jit3A_186, %sign3A_193 : i32
      %sign3A_195 = arith.extui %sign3A_194 : i1 to i32
      %sign3A_196 = arith.constant 0 : i32
      %sign3A_197 = arith.cmpi slt, %jit3A_186, %sign3A_196 : i32
      %sign3A_198 = arith.extui %sign3A_197 : i1 to i32
      %sign3A_199 = arith.subi %sign3A_195, %sign3A_198 : i32
      %ne3A = arith.cmpi ne, %sign3A_192, %sign3A_199 : i32
      %rem3A = arith.remsi %scan3A_185, %jit3A_186 : i32
      %ne3A_200 = arith.constant 0 : i32
      %ne3A_201 = arith.cmpi ne, %rem3A, %ne3A_200 : i32
      %and3A = arith.andi %ne3A, %ne3A_201 : i1
      %sub3A = arith.constant 1 : i32
      %sub3A_202 = arith.subi %div3A, %sub3A : i32
      %select_n3A_203 = arith.select %and3A, %sub3A_202, %div3A : i32
      %jit3A_204 = arith.constant 8 : i32
      %eq3A_205 = arith.constant 0 : i32
      %eq3A_206 = arith.cmpi eq, %jit3A_204, %eq3A_205 : i32
      %jit3A_207 = arith.constant 1 : i32
      %select_n3A_208 = arith.select %eq3A_206, %jit3A_207, %jit3A_204 : i32
      %rem3A_209 = arith.remsi %scan3A_185, %select_n3A_208 : i32
      %ne3A_210 = arith.constant 0 : i32
      %ne3A_211 = arith.cmpi ne, %rem3A_209, %ne3A_210 : i32
      %lt3A = arith.constant 0 : i32
      %lt3A_212 = arith.cmpi slt, %rem3A_209, %lt3A : i32
      %lt3A_213 = arith.constant 0 : i32
      %lt3A_214 = arith.cmpi slt, %select_n3A_208, %lt3A_213 : i32
      %ne3A_215 = arith.xori %lt3A_212, %lt3A_214 : i1
      %and3A_216 = arith.andi %ne3A_215, %ne3A_211 : i1
      %add3A_217 = arith.addi %rem3A_209, %select_n3A_208 : i32
      %select_n3A_218 = arith.select %and3A_216, %add3A_217, %rem3A_209 : i32
      %mul3A_219 = arith.constant 16 : i32
      %mul3A_220 = arith.muli %select_n3A_218, %mul3A_219 : i32
      %swap3A = arith.index_cast %select_n3A_203 : i32 to index
      %swap3A_221 = arith.index_cast %mul3A_220 : i32 to index
      %swap3A_222 = tpu.vector_load %arg8[%swap3A, %swap3A_221] {strides = array<i32>} : memref<64x128xf32, #tpu.memory_space<vmem>>, vector<1x16xf32>,
      %swap3A_223 = vector.shape_cast %swap3A_222 : vector<1x16xf32> to vector<16xf32>
      %swap3A_224 = vector.shape_cast %broadcast_in_dim3A_1 : vector<16xf32> to vector<1x16xf32>
      tpu.vector_store %arg8[%swap3A, %swap3A_221], %swap3A_224 {strides = array<i32>} : memref<64x128xf32, #tpu.memory_space<vmem>>, vector<1x16xf32>,
    }
    %scan3A_6 = arith.constant 512 : i32
    %mul3A_7 = arith.constant 640 : i32
    %mul3A_8 = arith.muli %arg1, %mul3A_7 : i32
    %scan3A_9 = arith.constant 0 : i32
    %scan3A_10 = arith.constant 0 : i32
    %scan3A_11 = arith.constant 10 : i32
    %scan3A_12 = arith.addi %scan3A_10, %scan3A_11 : i32
    %scan3A_13 = arith.constant 1 : i32
    scf.for %scan3A_185 = %scan3A_10 to %scan3A_12 step %scan3A_13  : i32 {
      %mul3A_186 = arith.constant 64 : i32
      %mul3A_187 = arith.muli %scan3A_185, %mul3A_186 : i32
      %add3A_188 = arith.addi %mul3A_8, %mul3A_187 : i32
      "tpu.region"() ({
        %run_scoped3A = tpu.sem_alloc : memref<!tpu.dma_semaphore, #tpu.memory_space<semaphore_mem>>
        %dma_start3A_189 = arith.constant 0 : i32
        %dma_start3A_190 = tpu.memref_slice %arg5[%add3A_188, %dma_start3A_189] : memref<10240x128xf32, #tpu.memory_space<vmem_shared>> -> memref<64x128xf32, #tpu.memory_space<vmem_shared>>
        %dma_start3A_191 = arith.constant 0 : i32
        %dma_start3A_192 = tpu.memref_slice %arg5[%add3A_188, %dma_start3A_191] : memref<10240x128xf32, #tpu.memory_space<vmem_shared>> -> memref<64x128xf32, #tpu.memory_space<vmem_shared>>
        tpu.enqueue_dma source(%arg8 : memref<64x128xf32, #tpu.memory_space<vmem>>) target(%dma_start3A_192 : memref<64x128xf32, #tpu.memory_space<vmem_shared>>) target_semaphore(%run_scoped3A : memref<!tpu.dma_semaphore, #tpu.memory_space<semaphore_mem>>)
        %dma_wait3A_193 = arith.constant 0 : i32
        %dma_wait3A_194 = tpu.memref_slice %arg5[%add3A_188, %dma_wait3A_193] : memref<10240x128xf32, #tpu.memory_space<vmem_shared>> -> memref<64x128xf32, #tpu.memory_space<vmem_shared>>
        %dma_wait3A_195 = arith.constant 0 : i32
        %dma_wait3A_196 = tpu.memref_slice %arg5[%add3A_188, %dma_wait3A_195] : memref<10240x128xf32, #tpu.memory_space<vmem_shared>> -> memref<64x128xf32, #tpu.memory_space<vmem_shared>>
        tpu.wait_dma2 semaphore(%run_scoped3A : memref<!tpu.dma_semaphore, #tpu.memory_space<semaphore_mem>>) src(%arg8 : memref<64x128xf32, #tpu.memory_space<vmem>>) dst(%dma_wait3A_196 : memref<64x128xf32, #tpu.memory_space<vmem_shared>>)
        tpu.yield
      }) : () -> ()
    }
    %scan3A_14 = arith.constant 10 : i32
    %barrier3A = arith.constant 0 : index
    tpu.barrier barrier_id(%barrier3A)
    %eq3A = arith.constant 31 : i32
    %eq3A_15 = arith.cmpi eq, %add3A, %eq3A : i32
    %jit3A = arith.constant 4 : i32
    %jit3A_16 = arith.constant 19 : i32
    %select_n3A = arith.select %eq3A_15, %jit3A, %jit3A_16 : i32
    %jit3A_17 = arith.constant 16 : i32
    %jit3A_18 = arith.constant 76 : i32
    %select_n3A_19 = arith.select %eq3A_15, %jit3A_17, %jit3A_18 : i32
    %not3A = arith.constant true
    %not3A_20 = arith.xori %eq3A_15, %not3A : i1
    %convert_element_type3A = arith.extui %not3A_20 : i1 to i32
    %cond3A = arith.constant 0 : i32
    %cond3A_21 = arith.cmpi ne, %convert_element_type3A, %cond3A : i32
    scf.if %cond3A_21 {
      %mul3A_185 = arith.constant 10240 : i32
      %mul3A_186 = arith.muli %add3A, %mul3A_185 : i32
      %add3A_187 = arith.constant 0 : i32
      %add3A_188 = arith.addi %mul3A_186, %add3A_187 : i32
      "tpu.region"() ({
        %run_scoped3A = tpu.sem_alloc : memref<!tpu.dma_semaphore, #tpu.memory_space<semaphore_mem>>
        %dma_start3A_191 = tpu.memref_slice %arg3[%add3A_188] : memref<640000xi32, #tpu.memory_space<hbm>> -> memref<5120xi32, #tpu.memory_space<hbm>>
        %dma_start3A_192 = tpu.memref_slice %arg3[%add3A_188] : memref<640000xi32, #tpu.memory_space<hbm>> -> memref<5120xi32, #tpu.memory_space<hbm>>
        tpu.enqueue_dma source(%dma_start3A_192 : memref<5120xi32, #tpu.memory_space<hbm>>) target(%arg6 : memref<5120xi32, #tpu.memory_space<vmem>>) target_semaphore(%run_scoped3A : memref<!tpu.dma_semaphore, #tpu.memory_space<semaphore_mem>>)
        %dma_wait3A_193 = tpu.memref_slice %arg3[%add3A_188] : memref<640000xi32, #tpu.memory_space<hbm>> -> memref<5120xi32, #tpu.memory_space<hbm>>
        %dma_wait3A_194 = tpu.memref_slice %arg3[%add3A_188] : memref<640000xi32, #tpu.memory_space<hbm>> -> memref<5120xi32, #tpu.memory_space<hbm>>
        tpu.wait_dma2 semaphore(%run_scoped3A : memref<!tpu.dma_semaphore, #tpu.memory_space<semaphore_mem>>) src(%dma_wait3A_194 : memref<5120xi32, #tpu.memory_space<hbm>>) dst(%arg6 : memref<5120xi32, #tpu.memory_space<vmem>>)
        tpu.yield
      }) : () -> ()
      %add3A_189 = arith.constant 320000 : i32
      %add3A_190 = arith.addi %add3A_189, %add3A_188 : i32
      "tpu.region"() ({
        %run_scoped3A = tpu.sem_alloc : memref<!tpu.dma_semaphore, #tpu.memory_space<semaphore_mem>>
        %dma_start3A_191 = tpu.memref_slice %arg3[%add3A_190] : memref<640000xi32, #tpu.memory_space<hbm>> -> memref<5120xi32, #tpu.memory_space<hbm>>
        %dma_start3A_192 = tpu.memref_slice %arg3[%add3A_190] : memref<640000xi32, #tpu.memory_space<hbm>> -> memref<5120xi32, #tpu.memory_space<hbm>>
        tpu.enqueue_dma source(%dma_start3A_192 : memref<5120xi32, #tpu.memory_space<hbm>>) target(%arg7 : memref<5120xi32, #tpu.memory_space<vmem>>) target_semaphore(%run_scoped3A : memref<!tpu.dma_semaphore, #tpu.memory_space<semaphore_mem>>)
        %dma_wait3A_193 = tpu.memref_slice %arg3[%add3A_190] : memref<640000xi32, #tpu.memory_space<hbm>> -> memref<5120xi32, #tpu.memory_space<hbm>>
        %dma_wait3A_194 = tpu.memref_slice %arg3[%add3A_190] : memref<640000xi32, #tpu.memory_space<hbm>> -> memref<5120xi32, #tpu.memory_space<hbm>>
        tpu.wait_dma2 semaphore(%run_scoped3A : memref<!tpu.dma_semaphore, #tpu.memory_space<semaphore_mem>>) src(%dma_wait3A_194 : memref<5120xi32, #tpu.memory_space<hbm>>) dst(%arg7 : memref<5120xi32, #tpu.memory_space<vmem>>)
        tpu.yield
      }) : () -> ()
    } else {
    }
    %convert_element_type3A_22 = arith.extui %eq3A_15 : i1 to i32
    %cond3A_23 = arith.constant 0 : i32
    %cond3A_24 = arith.cmpi ne, %convert_element_type3A_22, %cond3A_23 : i32
    scf.if %cond3A_24 {
      "tpu.region"() ({
        %run_scoped3A = tpu.sem_alloc : memref<!tpu.dma_semaphore, #tpu.memory_space<semaphore_mem>>
        %dma_start3A_185 = arith.constant 0 : i32
        %dma_start3A_186 = tpu.memref_slice %arg6[%dma_start3A_185] : memref<5120xi32, #tpu.memory_space<vmem>> -> memref<1280xi32, #tpu.memory_space<vmem>>
        %dma_start3A_187 = arith.constant 317440 : i32
        %dma_start3A_188 = tpu.memref_slice %arg3[%dma_start3A_187] : memref<640000xi32, #tpu.memory_space<hbm>> -> memref<1280xi32, #tpu.memory_space<hbm>>
        %dma_start3A_189 = arith.constant 0 : i32
        %dma_start3A_190 = tpu.memref_slice %arg6[%dma_start3A_189] : memref<5120xi32, #tpu.memory_space<vmem>> -> memref<1280xi32, #tpu.memory_space<vmem>>
        %dma_start3A_191 = arith.constant 317440 : i32
        %dma_start3A_192 = tpu.memref_slice %arg3[%dma_start3A_191] : memref<640000xi32, #tpu.memory_space<hbm>> -> memref<1280xi32, #tpu.memory_space<hbm>>
        tpu.enqueue_dma source(%dma_start3A_192 : memref<1280xi32, #tpu.memory_space<hbm>>) target(%dma_start3A_190 : memref<1280xi32, #tpu.memory_space<vmem>>) target_semaphore(%run_scoped3A : memref<!tpu.dma_semaphore, #tpu.memory_space<semaphore_mem>>)
        %dma_wait3A_193 = arith.constant 0 : i32
        %dma_wait3A_194 = tpu.memref_slice %arg6[%dma_wait3A_193] : memref<5120xi32, #tpu.memory_space<vmem>> -> memref<1280xi32, #tpu.memory_space<vmem>>
        %dma_wait3A_195 = arith.constant 317440 : i32
        %dma_wait3A_196 = tpu.memref_slice %arg3[%dma_wait3A_195] : memref<640000xi32, #tpu.memory_space<hbm>> -> memref<1280xi32, #tpu.memory_space<hbm>>
        %dma_wait3A_197 = arith.constant 0 : i32
        %dma_wait3A_198 = tpu.memref_slice %arg6[%dma_wait3A_197] : memref<5120xi32, #tpu.memory_space<vmem>> -> memref<1280xi32, #tpu.memory_space<vmem>>
        %dma_wait3A_199 = arith.constant 317440 : i32
        %dma_wait3A_200 = tpu.memref_slice %arg3[%dma_wait3A_199] : memref<640000xi32, #tpu.memory_space<hbm>> -> memref<1280xi32, #tpu.memory_space<hbm>>
        tpu.wait_dma2 semaphore(%run_scoped3A : memref<!tpu.dma_semaphore, #tpu.memory_space<semaphore_mem>>) src(%dma_wait3A_200 : memref<1280xi32, #tpu.memory_space<hbm>>) dst(%dma_wait3A_198 : memref<1280xi32, #tpu.memory_space<vmem>>)
        tpu.yield
      }) : () -> ()
      "tpu.region"() ({
        %run_scoped3A = tpu.sem_alloc : memref<!tpu.dma_semaphore, #tpu.memory_space<semaphore_mem>>
        %dma_start3A_185 = arith.constant 0 : i32
        %dma_start3A_186 = tpu.memref_slice %arg7[%dma_start3A_185] : memref<5120xi32, #tpu.memory_space<vmem>> -> memref<1280xi32, #tpu.memory_space<vmem>>
        %dma_start3A_187 = arith.constant 637440 : i32
        %dma_start3A_188 = tpu.memref_slice %arg3[%dma_start3A_187] : memref<640000xi32, #tpu.memory_space<hbm>> -> memref<1280xi32, #tpu.memory_space<hbm>>
        %dma_start3A_189 = arith.constant 0 : i32
        %dma_start3A_190 = tpu.memref_slice %arg7[%dma_start3A_189] : memref<5120xi32, #tpu.memory_space<vmem>> -> memref<1280xi32, #tpu.memory_space<vmem>>
        %dma_start3A_191 = arith.constant 637440 : i32
        %dma_start3A_192 = tpu.memref_slice %arg3[%dma_start3A_191] : memref<640000xi32, #tpu.memory_space<hbm>> -> memref<1280xi32, #tpu.memory_space<hbm>>
        tpu.enqueue_dma source(%dma_start3A_192 : memref<1280xi32, #tpu.memory_space<hbm>>) target(%dma_start3A_190 : memref<1280xi32, #tpu.memory_space<vmem>>) target_semaphore(%run_scoped3A : memref<!tpu.dma_semaphore, #tpu.memory_space<semaphore_mem>>)
        %dma_wait3A_193 = arith.constant 0 : i32
        %dma_wait3A_194 = tpu.memref_slice %arg7[%dma_wait3A_193] : memref<5120xi32, #tpu.memory_space<vmem>> -> memref<1280xi32, #tpu.memory_space<vmem>>
        %dma_wait3A_195 = arith.constant 637440 : i32
        %dma_wait3A_196 = tpu.memref_slice %arg3[%dma_wait3A_195] : memref<640000xi32, #tpu.memory_space<hbm>> -> memref<1280xi32, #tpu.memory_space<hbm>>
        %dma_wait3A_197 = arith.constant 0 : i32
        %dma_wait3A_198 = tpu.memref_slice %arg7[%dma_wait3A_197] : memref<5120xi32, #tpu.memory_space<vmem>> -> memref<1280xi32, #tpu.memory_space<vmem>>
        %dma_wait3A_199 = arith.constant 637440 : i32
        %dma_wait3A_200 = tpu.memref_slice %arg3[%dma_wait3A_199] : memref<640000xi32, #tpu.memory_space<hbm>> -> memref<1280xi32, #tpu.memory_space<hbm>>
        tpu.wait_dma2 semaphore(%run_scoped3A : memref<!tpu.dma_semaphore, #tpu.memory_space<semaphore_mem>>) src(%dma_wait3A_200 : memref<1280xi32, #tpu.memory_space<hbm>>) dst(%dma_wait3A_198 : memref<1280xi32, #tpu.memory_space<vmem>>)
        tpu.yield
      }) : () -> ()
    } else {
    }
    %dma_start3A = arith.constant 0 : i32
    %dma_start3A_25 = tpu.memref_slice %arg6[%dma_start3A] : memref<5120xi32, #tpu.memory_space<vmem>> -> memref<64xi32, #tpu.memory_space<vmem>>
    %dma_start3A_26 = arith.constant 0 : i32
    %dma_start3A_27 = arith.constant 0 : i32
    %dma_start3A_28 = tpu.memref_slice %arg2[%dma_start3A_26, %dma_start3A_27] : memref<10000x128xf32, #tpu.memory_space<hbm>> -> memref<10000x128xf32, #tpu.memory_space<hbm>>
    tpu.enqueue_indirect_dma source(%dma_start3A_28 : memref<10000x128xf32, #tpu.memory_space<hbm>>) target(%arg8 : memref<64x128xf32, #tpu.memory_space<vmem>>) offsets(%dma_start3A_25 : memref<64xi32, #tpu.memory_space<vmem>>) semaphore(%arg12 : memref<!tpu.dma_semaphore, #tpu.memory_space<semaphore_mem>>)
    %dma_start3A_29 = arith.constant 64 : i32
    %dma_start3A_30 = tpu.memref_slice %arg6[%dma_start3A_29] : memref<5120xi32, #tpu.memory_space<vmem>> -> memref<64xi32, #tpu.memory_space<vmem>>
    %dma_start3A_31 = arith.constant 0 : i32
    %dma_start3A_32 = arith.constant 0 : i32
    %dma_start3A_33 = tpu.memref_slice %arg2[%dma_start3A_31, %dma_start3A_32] : memref<10000x128xf32, #tpu.memory_space<hbm>> -> memref<10000x128xf32, #tpu.memory_space<hbm>>
    tpu.enqueue_indirect_dma source(%dma_start3A_33 : memref<10000x128xf32, #tpu.memory_space<hbm>>) target(%arg9 : memref<64x128xf32, #tpu.memory_space<vmem>>) offsets(%dma_start3A_30 : memref<64xi32, #tpu.memory_space<vmem>>) semaphore(%arg13 : memref<!tpu.dma_semaphore, #tpu.memory_space<semaphore_mem>>)
    %dma_start3A_34 = arith.constant 128 : i32
    %dma_start3A_35 = tpu.memref_slice %arg6[%dma_start3A_34] : memref<5120xi32, #tpu.memory_space<vmem>> -> memref<64xi32, #tpu.memory_space<vmem>>
    %dma_start3A_36 = arith.constant 0 : i32
    %dma_start3A_37 = arith.constant 0 : i32
    %dma_start3A_38 = tpu.memref_slice %arg2[%dma_start3A_36, %dma_start3A_37] : memref<10000x128xf32, #tpu.memory_space<hbm>> -> memref<10000x128xf32, #tpu.memory_space<hbm>>
    tpu.enqueue_indirect_dma source(%dma_start3A_38 : memref<10000x128xf32, #tpu.memory_space<hbm>>) target(%arg10 : memref<64x128xf32, #tpu.memory_space<vmem>>) offsets(%dma_start3A_35 : memref<64xi32, #tpu.memory_space<vmem>>) semaphore(%arg14 : memref<!tpu.dma_semaphore, #tpu.memory_space<semaphore_mem>>)
    %while3A = arith.constant 0 : i32
    %while3A_39 = arith.constant 0 : i32
    %while3A_40 = arith.subi %select_n3A, %while3A_39 : i32
    %while3A_41 = arith.addi %while3A_39, %while3A_40 : i32
    %while3A_42 = arith.constant 1 : i32
    %while3A_43 = arith.divsi %while3A_40, %while3A_42 : i32
    %while3A_44 = arith.muli %while3A_43, %while3A_42 : i32
    %while3A_45 = arith.addi %while3A_39, %while3A_44 : i32
    %while3A_46 = arith.constant 1 : i32
    scf.for %while3A_185 = %while3A_39 to %while3A_45 step %while3A_46  : i32 {
      %mul3A_186 = arith.constant 4 : i32
      %mul3A_187 = arith.muli %mul3A_186, %while3A_185 : i32
      %add3A_188 = arith.constant 3 : i32
      %add3A_189 = arith.addi %mul3A_187, %add3A_188 : i32
      %mul3A_190 = arith.constant 64 : i32
      %mul3A_191 = arith.muli %add3A_189, %mul3A_190 : i32
      %dma_start3A_192 = tpu.memref_slice %arg6[%mul3A_191] : memref<5120xi32, #tpu.memory_space<vmem>> -> memref<64xi32, #tpu.memory_space<vmem>>
      %dma_start3A_193 = arith.constant 0 : i32
      %dma_start3A_194 = arith.constant 0 : i32
      %dma_start3A_195 = tpu.memref_slice %arg2[%dma_start3A_193, %dma_start3A_194] : memref<10000x128xf32, #tpu.memory_space<hbm>> -> memref<10000x128xf32, #tpu.memory_space<hbm>>
      tpu.enqueue_indirect_dma source(%dma_start3A_195 : memref<10000x128xf32, #tpu.memory_space<hbm>>) target(%arg11 : memref<64x128xf32, #tpu.memory_space<vmem>>) offsets(%dma_start3A_192 : memref<64xi32, #tpu.memory_space<vmem>>) semaphore(%arg15 : memref<!tpu.dma_semaphore, #tpu.memory_space<semaphore_mem>>)
      %mul3A_196 = arith.constant 64 : i32
      %mul3A_197 = arith.muli %mul3A_187, %mul3A_196 : i32
      %dma_wait3A_198 = tpu.memref_slice %arg6[%mul3A_197] : memref<5120xi32, #tpu.memory_space<vmem>> -> memref<64xi32, #tpu.memory_space<vmem>>
      %dma_wait3A_199 = arith.constant 0 : i32
      %dma_wait3A_200 = arith.constant 0 : i32
      %dma_wait3A_201 = tpu.memref_slice %arg2[%dma_wait3A_199, %dma_wait3A_200] : memref<10000x128xf32, #tpu.memory_space<hbm>> -> memref<10000x128xf32, #tpu.memory_space<hbm>>
      tpu.wait_indirect_dma semaphore(%arg12 : memref<!tpu.dma_semaphore, #tpu.memory_space<semaphore_mem>>) src(%dma_wait3A_201 : memref<10000x128xf32, #tpu.memory_space<hbm>>) dst(%arg8 : memref<64x128xf32, #tpu.memory_space<vmem>>)
      %mul3A_202 = arith.constant 64 : i32
      %mul3A_203 = arith.muli %mul3A_187, %mul3A_202 : i32
      "tpu.region"() ({
        %run_scoped3A = tpu.sem_alloc : memref<!tpu.dma_semaphore, #tpu.memory_space<semaphore_mem>>
        %dma_start3A_264 = tpu.memref_slice %arg7[%mul3A_203] : memref<5120xi32, #tpu.memory_space<vmem>> -> memref<64xi32, #tpu.memory_space<vmem>>
        %dma_start3A_265 = arith.constant 0 : i32
        %dma_start3A_266 = arith.constant 0 : i32
        %dma_start3A_267 = tpu.memref_slice %arg5[%dma_start3A_265, %dma_start3A_266] : memref<10240x128xf32, #tpu.memory_space<vmem_shared>> -> memref<10240x128xf32, #tpu.memory_space<vmem_shared>>
        tpu.enqueue_indirect_dma source(%arg8 : memref<64x128xf32, #tpu.memory_space<vmem>>) target(%dma_start3A_267 : memref<10240x128xf32, #tpu.memory_space<vmem_shared>>) offsets(%dma_start3A_264 : memref<64xi32, #tpu.memory_space<vmem>>) semaphore(%run_scoped3A : memref<!tpu.dma_semaphore, #tpu.memory_space<semaphore_mem>>) {add = true}
        %dma_wait3A_268 = tpu.memref_slice %arg7[%mul3A_203] : memref<5120xi32, #tpu.memory_space<vmem>> -> memref<64xi32, #tpu.memory_space<vmem>>
        %dma_wait3A_269 = arith.constant 0 : i32
        %dma_wait3A_270 = arith.constant 0 : i32
        %dma_wait3A_271 = tpu.memref_slice %arg5[%dma_wait3A_269, %dma_wait3A_270] : memref<10240x128xf32, #tpu.memory_space<vmem_shared>> -> memref<10240x128xf32, #tpu.memory_space<vmem_shared>>
        tpu.wait_indirect_dma semaphore(%run_scoped3A : memref<!tpu.dma_semaphore, #tpu.memory_space<semaphore_mem>>) src(%arg8 : memref<64x128xf32, #tpu.memory_space<vmem>>) dst(%dma_wait3A_271 : memref<10240x128xf32, #tpu.memory_space<vmem_shared>>)
        tpu.yield
      }) : () -> ()
      %add3A_204 = arith.constant 4 : i32
      %add3A_205 = arith.addi %mul3A_187, %add3A_204 : i32
      %mul3A_206 = arith.constant 64 : i32
      %mul3A_207 = arith.muli %add3A_205, %mul3A_206 : i32
      %dma_start3A_208 = tpu.memref_slice %arg6[%mul3A_207] : memref<5120xi32, #tpu.memory_space<vmem>> -> memref<64xi32, #tpu.memory_space<vmem>>
      %dma_start3A_209 = arith.constant 0 : i32
      %dma_start3A_210 = arith.constant 0 : i32
      %dma_start3A_211 = tpu.memref_slice %arg2[%dma_start3A_209, %dma_start3A_210] : memref<10000x128xf32, #tpu.memory_space<hbm>> -> memref<10000x128xf32, #tpu.memory_space<hbm>>
      tpu.enqueue_indirect_dma source(%dma_start3A_211 : memref<10000x128xf32, #tpu.memory_space<hbm>>) target(%arg8 : memref<64x128xf32, #tpu.memory_space<vmem>>) offsets(%dma_start3A_208 : memref<64xi32, #tpu.memory_space<vmem>>) semaphore(%arg12 : memref<!tpu.dma_semaphore, #tpu.memory_space<semaphore_mem>>)
      %add3A_212 = arith.constant 1 : i32
      %add3A_213 = arith.addi %mul3A_187, %add3A_212 : i32
      %mul3A_214 = arith.constant 64 : i32
      %mul3A_215 = arith.muli %add3A_213, %mul3A_214 : i32
      %dma_wait3A_216 = tpu.memref_slice %arg6[%mul3A_215] : memref<5120xi32, #tpu.memory_space<vmem>> -> memref<64xi32, #tpu.memory_space<vmem>>
      %dma_wait3A_217 = arith.constant 0 : i32
      %dma_wait3A_218 = arith.constant 0 : i32
      %dma_wait3A_219 = tpu.memref_slice %arg2[%dma_wait3A_217, %dma_wait3A_218] : memref<10000x128xf32, #tpu.memory_space<hbm>> -> memref<10000x128xf32, #tpu.memory_space<hbm>>
      tpu.wait_indirect_dma semaphore(%arg13 : memref<!tpu.dma_semaphore, #tpu.memory_space<semaphore_mem>>) src(%dma_wait3A_219 : memref<10000x128xf32, #tpu.memory_space<hbm>>) dst(%arg9 : memref<64x128xf32, #tpu.memory_space<vmem>>)
      %add3A_220 = arith.constant 1 : i32
      %add3A_221 = arith.addi %mul3A_187, %add3A_220 : i32
      %mul3A_222 = arith.constant 64 : i32
      %mul3A_223 = arith.muli %add3A_221, %mul3A_222 : i32
      "tpu.region"() ({
        %run_scoped3A = tpu.sem_alloc : memref<!tpu.dma_semaphore, #tpu.memory_space<semaphore_mem>>
        %dma_start3A_264 = tpu.memref_slice %arg7[%mul3A_223] : memref<5120xi32, #tpu.memory_space<vmem>> -> memref<64xi32, #tpu.memory_space<vmem>>
        %dma_start3A_265 = arith.constant 0 : i32
        %dma_start3A_266 = arith.constant 0 : i32
        %dma_start3A_267 = tpu.memref_slice %arg5[%dma_start3A_265, %dma_start3A_266] : memref<10240x128xf32, #tpu.memory_space<vmem_shared>> -> memref<10240x128xf32, #tpu.memory_space<vmem_shared>>
        tpu.enqueue_indirect_dma source(%arg9 : memref<64x128xf32, #tpu.memory_space<vmem>>) target(%dma_start3A_267 : memref<10240x128xf32, #tpu.memory_space<vmem_shared>>) offsets(%dma_start3A_264 : memref<64xi32, #tpu.memory_space<vmem>>) semaphore(%run_scoped3A : memref<!tpu.dma_semaphore, #tpu.memory_space<semaphore_mem>>) {add = true}
        %dma_wait3A_268 = tpu.memref_slice %arg7[%mul3A_223] : memref<5120xi32, #tpu.memory_space<vmem>> -> memref<64xi32, #tpu.memory_space<vmem>>
        %dma_wait3A_269 = arith.constant 0 : i32
        %dma_wait3A_270 = arith.constant 0 : i32
        %dma_wait3A_271 = tpu.memref_slice %arg5[%dma_wait3A_269, %dma_wait3A_270] : memref<10240x128xf32, #tpu.memory_space<vmem_shared>> -> memref<10240x128xf32, #tpu.memory_space<vmem_shared>>
        tpu.wait_indirect_dma semaphore(%run_scoped3A : memref<!tpu.dma_semaphore, #tpu.memory_space<semaphore_mem>>) src(%arg9 : memref<64x128xf32, #tpu.memory_space<vmem>>) dst(%dma_wait3A_271 : memref<10240x128xf32, #tpu.memory_space<vmem_shared>>)
        tpu.yield
      }) : () -> ()
      %add3A_224 = arith.constant 5 : i32
      %add3A_225 = arith.addi %mul3A_187, %add3A_224 : i32
      %mul3A_226 = arith.constant 64 : i32
      %mul3A_227 = arith.muli %add3A_225, %mul3A_226 : i32
      %dma_start3A_228 = tpu.memref_slice %arg6[%mul3A_227] : memref<5120xi32, #tpu.memory_space<vmem>> -> memref<64xi32, #tpu.memory_space<vmem>>
      %dma_start3A_229 = arith.constant 0 : i32
      %dma_start3A_230 = arith.constant 0 : i32
      %dma_start3A_231 = tpu.memref_slice %arg2[%dma_start3A_229, %dma_start3A_230] : memref<10000x128xf32, #tpu.memory_space<hbm>> -> memref<10000x128xf32, #tpu.memory_space<hbm>>
      tpu.enqueue_indirect_dma source(%dma_start3A_231 : memref<10000x128xf32, #tpu.memory_space<hbm>>) target(%arg9 : memref<64x128xf32, #tpu.memory_space<vmem>>) offsets(%dma_start3A_228 : memref<64xi32, #tpu.memory_space<vmem>>) semaphore(%arg13 : memref<!tpu.dma_semaphore, #tpu.memory_space<semaphore_mem>>)
      %add3A_232 = arith.constant 2 : i32
      %add3A_233 = arith.addi %mul3A_187, %add3A_232 : i32
      %mul3A_234 = arith.constant 64 : i32
      %mul3A_235 = arith.muli %add3A_233, %mul3A_234 : i32
      %dma_wait3A_236 = tpu.memref_slice %arg6[%mul3A_235] : memref<5120xi32, #tpu.memory_space<vmem>> -> memref<64xi32, #tpu.memory_space<vmem>>
      %dma_wait3A_237 = arith.constant 0 : i32
      %dma_wait3A_238 = arith.constant 0 : i32
      %dma_wait3A_239 = tpu.memref_slice %arg2[%dma_wait3A_237, %dma_wait3A_238] : memref<10000x128xf32, #tpu.memory_space<hbm>> -> memref<10000x128xf32, #tpu.memory_space<hbm>>
      tpu.wait_indirect_dma semaphore(%arg14 : memref<!tpu.dma_semaphore, #tpu.memory_space<semaphore_mem>>) src(%dma_wait3A_239 : memref<10000x128xf32, #tpu.memory_space<hbm>>) dst(%arg10 : memref<64x128xf32, #tpu.memory_space<vmem>>)
      %add3A_240 = arith.constant 2 : i32
      %add3A_241 = arith.addi %mul3A_187, %add3A_240 : i32
      %mul3A_242 = arith.constant 64 : i32
      %mul3A_243 = arith.muli %add3A_241, %mul3A_242 : i32
      "tpu.region"() ({
        %run_scoped3A = tpu.sem_alloc : memref<!tpu.dma_semaphore, #tpu.memory_space<semaphore_mem>>
        %dma_start3A_264 = tpu.memref_slice %arg7[%mul3A_243] : memref<5120xi32, #tpu.memory_space<vmem>> -> memref<64xi32, #tpu.memory_space<vmem>>
        %dma_start3A_265 = arith.constant 0 : i32
        %dma_start3A_266 = arith.constant 0 : i32
        %dma_start3A_267 = tpu.memref_slice %arg5[%dma_start3A_265, %dma_start3A_266] : memref<10240x128xf32, #tpu.memory_space<vmem_shared>> -> memref<10240x128xf32, #tpu.memory_space<vmem_shared>>
        tpu.enqueue_indirect_dma source(%arg10 : memref<64x128xf32, #tpu.memory_space<vmem>>) target(%dma_start3A_267 : memref<10240x128xf32, #tpu.memory_space<vmem_shared>>) offsets(%dma_start3A_264 : memref<64xi32, #tpu.memory_space<vmem>>) semaphore(%run_scoped3A : memref<!tpu.dma_semaphore, #tpu.memory_space<semaphore_mem>>) {add = true}
        %dma_wait3A_268 = tpu.memref_slice %arg7[%mul3A_243] : memref<5120xi32, #tpu.memory_space<vmem>> -> memref<64xi32, #tpu.memory_space<vmem>>
        %dma_wait3A_269 = arith.constant 0 : i32
        %dma_wait3A_270 = arith.constant 0 : i32
        %dma_wait3A_271 = tpu.memref_slice %arg5[%dma_wait3A_269, %dma_wait3A_270] : memref<10240x128xf32, #tpu.memory_space<vmem_shared>> -> memref<10240x128xf32, #tpu.memory_space<vmem_shared>>
        tpu.wait_indirect_dma semaphore(%run_scoped3A : memref<!tpu.dma_semaphore, #tpu.memory_space<semaphore_mem>>) src(%arg10 : memref<64x128xf32, #tpu.memory_space<vmem>>) dst(%dma_wait3A_271 : memref<10240x128xf32, #tpu.memory_space<vmem_shared>>)
        tpu.yield
      }) : () -> ()
      %add3A_244 = arith.constant 6 : i32
      %add3A_245 = arith.addi %mul3A_187, %add3A_244 : i32
      %mul3A_246 = arith.constant 64 : i32
      %mul3A_247 = arith.muli %add3A_245, %mul3A_246 : i32
      %dma_start3A_248 = tpu.memref_slice %arg6[%mul3A_247] : memref<5120xi32, #tpu.memory_space<vmem>> -> memref<64xi32, #tpu.memory_space<vmem>>
      %dma_start3A_249 = arith.constant 0 : i32
      %dma_start3A_250 = arith.constant 0 : i32
      %dma_start3A_251 = tpu.memref_slice %arg2[%dma_start3A_249, %dma_start3A_250] : memref<10000x128xf32, #tpu.memory_space<hbm>> -> memref<10000x128xf32, #tpu.memory_space<hbm>>
      tpu.enqueue_indirect_dma source(%dma_start3A_251 : memref<10000x128xf32, #tpu.memory_space<hbm>>) target(%arg10 : memref<64x128xf32, #tpu.memory_space<vmem>>) offsets(%dma_start3A_248 : memref<64xi32, #tpu.memory_space<vmem>>) semaphore(%arg14 : memref<!tpu.dma_semaphore, #tpu.memory_space<semaphore_mem>>)
      %add3A_252 = arith.constant 3 : i32
      %add3A_253 = arith.addi %mul3A_187, %add3A_252 : i32
      %mul3A_254 = arith.constant 64 : i32
      %mul3A_255 = arith.muli %add3A_253, %mul3A_254 : i32
      %dma_wait3A_256 = tpu.memref_slice %arg6[%mul3A_255] : memref<5120xi32, #tpu.memory_space<vmem>> -> memref<64xi32, #tpu.memory_space<vmem>>
      %dma_wait3A_257 = arith.constant 0 : i32
      %dma_wait3A_258 = arith.constant 0 : i32
      %dma_wait3A_259 = tpu.memref_slice %arg2[%dma_wait3A_257, %dma_wait3A_258] : memref<10000x128xf32, #tpu.memory_space<hbm>> -> memref<10000x128xf32, #tpu.memory_space<hbm>>
      tpu.wait_indirect_dma semaphore(%arg15 : memref<!tpu.dma_semaphore, #tpu.memory_space<semaphore_mem>>) src(%dma_wait3A_259 : memref<10000x128xf32, #tpu.memory_space<hbm>>) dst(%arg11 : memref<64x128xf32, #tpu.memory_space<vmem>>)
      %add3A_260 = arith.constant 3 : i32
      %add3A_261 = arith.addi %mul3A_187, %add3A_260 : i32
      %mul3A_262 = arith.constant 64 : i32
      %mul3A_263 = arith.muli %add3A_261, %mul3A_262 : i32
      "tpu.region"() ({
        %run_scoped3A = tpu.sem_alloc : memref<!tpu.dma_semaphore, #tpu.memory_space<semaphore_mem>>
        %dma_start3A_264 = tpu.memref_slice %arg7[%mul3A_263] : memref<5120xi32, #tpu.memory_space<vmem>> -> memref<64xi32, #tpu.memory_space<vmem>>
        %dma_start3A_265 = arith.constant 0 : i32
        %dma_start3A_266 = arith.constant 0 : i32
        %dma_start3A_267 = tpu.memref_slice %arg5[%dma_start3A_265, %dma_start3A_266] : memref<10240x128xf32, #tpu.memory_space<vmem_shared>> -> memref<10240x128xf32, #tpu.memory_space<vmem_shared>>
        tpu.enqueue_indirect_dma source(%arg11 : memref<64x128xf32, #tpu.memory_space<vmem>>) target(%dma_start3A_267 : memref<10240x128xf32, #tpu.memory_space<vmem_shared>>) offsets(%dma_start3A_264 : memref<64xi32, #tpu.memory_space<vmem>>) semaphore(%run_scoped3A : memref<!tpu.dma_semaphore, #tpu.memory_space<semaphore_mem>>) {add = true}
        %dma_wait3A_268 = tpu.memref_slice %arg7[%mul3A_263] : memref<5120xi32, #tpu.memory_space<vmem>> -> memref<64xi32, #tpu.memory_space<vmem>>
        %dma_wait3A_269 = arith.constant 0 : i32
        %dma_wait3A_270 = arith.constant 0 : i32
        %dma_wait3A_271 = tpu.memref_slice %arg5[%dma_wait3A_269, %dma_wait3A_270] : memref<10240x128xf32, #tpu.memory_space<vmem_shared>> -> memref<10240x128xf32, #tpu.memory_space<vmem_shared>>
        tpu.wait_indirect_dma semaphore(%run_scoped3A : memref<!tpu.dma_semaphore, #tpu.memory_space<semaphore_mem>>) src(%arg11 : memref<64x128xf32, #tpu.memory_space<vmem>>) dst(%dma_wait3A_271 : memref<10240x128xf32, #tpu.memory_space<vmem_shared>>)
        tpu.yield
      }) : () -> ()
    }
    %while3A_47 = arith.constant 1 : i32
    scf.for %while3A_185 = %while3A_45 to %while3A_41 step %while3A_47  : i32 {
      %mul3A_186 = arith.constant 4 : i32
      %mul3A_187 = arith.muli %mul3A_186, %while3A_185 : i32
      %add3A_188 = arith.constant 3 : i32
      %add3A_189 = arith.addi %mul3A_187, %add3A_188 : i32
      %mul3A_190 = arith.constant 64 : i32
      %mul3A_191 = arith.muli %add3A_189, %mul3A_190 : i32
      %dma_start3A_192 = tpu.memref_slice %arg6[%mul3A_191] : memref<5120xi32, #tpu.memory_space<vmem>> -> memref<64xi32, #tpu.memory_space<vmem>>
      %dma_start3A_193 = arith.constant 0 : i32
      %dma_start3A_194 = arith.constant 0 : i32
      %dma_start3A_195 = tpu.memref_slice %arg2[%dma_start3A_193, %dma_start3A_194] : memref<10000x128xf32, #tpu.memory_space<hbm>> -> memref<10000x128xf32, #tpu.memory_space<hbm>>
      tpu.enqueue_indirect_dma source(%dma_start3A_195 : memref<10000x128xf32, #tpu.memory_space<hbm>>) target(%arg11 : memref<64x128xf32, #tpu.memory_space<vmem>>) offsets(%dma_start3A_192 : memref<64xi32, #tpu.memory_space<vmem>>) semaphore(%arg15 : memref<!tpu.dma_semaphore, #tpu.memory_space<semaphore_mem>>)
      %mul3A_196 = arith.constant 64 : i32
      %mul3A_197 = arith.muli %mul3A_187, %mul3A_196 : i32
      %dma_wait3A_198 = tpu.memref_slice %arg6[%mul3A_197] : memref<5120xi32, #tpu.memory_space<vmem>> -> memref<64xi32, #tpu.memory_space<vmem>>
      %dma_wait3A_199 = arith.constant 0 : i32
      %dma_wait3A_200 = arith.constant 0 : i32
      %dma_wait3A_201 = tpu.memref_slice %arg2[%dma_wait3A_199, %dma_wait3A_200] : memref<10000x128xf32, #tpu.memory_space<hbm>> -> memref<10000x128xf32, #tpu.memory_space<hbm>>
      tpu.wait_indirect_dma semaphore(%arg12 : memref<!tpu.dma_semaphore, #tpu.memory_space<semaphore_mem>>) src(%dma_wait3A_201 : memref<10000x128xf32, #tpu.memory_space<hbm>>) dst(%arg8 : memref<64x128xf32, #tpu.memory_space<vmem>>)
      %mul3A_202 = arith.constant 64 : i32
      %mul3A_203 = arith.muli %mul3A_187, %mul3A_202 : i32
      "tpu.region"() ({
        %run_scoped3A = tpu.sem_alloc : memref<!tpu.dma_semaphore, #tpu.memory_space<semaphore_mem>>
        %dma_start3A_264 = tpu.memref_slice %arg7[%mul3A_203] : memref<5120xi32, #tpu.memory_space<vmem>> -> memref<64xi32, #tpu.memory_space<vmem>>
        %dma_start3A_265 = arith.constant 0 : i32
        %dma_start3A_266 = arith.constant 0 : i32
        %dma_start3A_267 = tpu.memref_slice %arg5[%dma_start3A_265, %dma_start3A_266] : memref<10240x128xf32, #tpu.memory_space<vmem_shared>> -> memref<10240x128xf32, #tpu.memory_space<vmem_shared>>
        tpu.enqueue_indirect_dma source(%arg8 : memref<64x128xf32, #tpu.memory_space<vmem>>) target(%dma_start3A_267 : memref<10240x128xf32, #tpu.memory_space<vmem_shared>>) offsets(%dma_start3A_264 : memref<64xi32, #tpu.memory_space<vmem>>) semaphore(%run_scoped3A : memref<!tpu.dma_semaphore, #tpu.memory_space<semaphore_mem>>) {add = true}
        %dma_wait3A_268 = tpu.memref_slice %arg7[%mul3A_203] : memref<5120xi32, #tpu.memory_space<vmem>> -> memref<64xi32, #tpu.memory_space<vmem>>
        %dma_wait3A_269 = arith.constant 0 : i32
        %dma_wait3A_270 = arith.constant 0 : i32
        %dma_wait3A_271 = tpu.memref_slice %arg5[%dma_wait3A_269, %dma_wait3A_270] : memref<10240x128xf32, #tpu.memory_space<vmem_shared>> -> memref<10240x128xf32, #tpu.memory_space<vmem_shared>>
        tpu.wait_indirect_dma semaphore(%run_scoped3A : memref<!tpu.dma_semaphore, #tpu.memory_space<semaphore_mem>>) src(%arg8 : memref<64x128xf32, #tpu.memory_space<vmem>>) dst(%dma_wait3A_271 : memref<10240x128xf32, #tpu.memory_space<vmem_shared>>)
        tpu.yield
      }) : () -> ()
      %add3A_204 = arith.constant 4 : i32
      %add3A_205 = arith.addi %mul3A_187, %add3A_204 : i32
      %mul3A_206 = arith.constant 64 : i32
      %mul3A_207 = arith.muli %add3A_205, %mul3A_206 : i32
      %dma_start3A_208 = tpu.memref_slice %arg6[%mul3A_207] : memref<5120xi32, #tpu.memory_space<vmem>> -> memref<64xi32, #tpu.memory_space<vmem>>
      %dma_start3A_209 = arith.constant 0 : i32
      %dma_start3A_210 = arith.constant 0 : i32
      %dma_start3A_211 = tpu.memref_slice %arg2[%dma_start3A_209, %dma_start3A_210] : memref<10000x128xf32, #tpu.memory_space<hbm>> -> memref<10000x128xf32, #tpu.memory_space<hbm>>
      tpu.enqueue_indirect_dma source(%dma_start3A_211 : memref<10000x128xf32, #tpu.memory_space<hbm>>) target(%arg8 : memref<64x128xf32, #tpu.memory_space<vmem>>) offsets(%dma_start3A_208 : memref<64xi32, #tpu.memory_space<vmem>>) semaphore(%arg12 : memref<!tpu.dma_semaphore, #tpu.memory_space<semaphore_mem>>)
      %add3A_212 = arith.constant 1 : i32
      %add3A_213 = arith.addi %mul3A_187, %add3A_212 : i32
      %mul3A_214 = arith.constant 64 : i32
      %mul3A_215 = arith.muli %add3A_213, %mul3A_214 : i32
      %dma_wait3A_216 = tpu.memref_slice %arg6[%mul3A_215] : memref<5120xi32, #tpu.memory_space<vmem>> -> memref<64xi32, #tpu.memory_space<vmem>>
      %dma_wait3A_217 = arith.constant 0 : i32
      %dma_wait3A_218 = arith.constant 0 : i32
      %dma_wait3A_219 = tpu.memref_slice %arg2[%dma_wait3A_217, %dma_wait3A_218] : memref<10000x128xf32, #tpu.memory_space<hbm>> -> memref<10000x128xf32, #tpu.memory_space<hbm>>
      tpu.wait_indirect_dma semaphore(%arg13 : memref<!tpu.dma_semaphore, #tpu.memory_space<semaphore_mem>>) src(%dma_wait3A_219 : memref<10000x128xf32, #tpu.memory_space<hbm>>) dst(%arg9 : memref<64x128xf32, #tpu.memory_space<vmem>>)
      %add3A_220 = arith.constant 1 : i32
      %add3A_221 = arith.addi %mul3A_187, %add3A_220 : i32
      %mul3A_222 = arith.constant 64 : i32
      %mul3A_223 = arith.muli %add3A_221, %mul3A_222 : i32
      "tpu.region"() ({
        %run_scoped3A = tpu.sem_alloc : memref<!tpu.dma_semaphore, #tpu.memory_space<semaphore_mem>>
        %dma_start3A_264 = tpu.memref_slice %arg7[%mul3A_223] : memref<5120xi32, #tpu.memory_space<vmem>> -> memref<64xi32, #tpu.memory_space<vmem>>
        %dma_start3A_265 = arith.constant 0 : i32
        %dma_start3A_266 = arith.constant 0 : i32
        %dma_start3A_267 = tpu.memref_slice %arg5[%dma_start3A_265, %dma_start3A_266] : memref<10240x128xf32, #tpu.memory_space<vmem_shared>> -> memref<10240x128xf32, #tpu.memory_space<vmem_shared>>
        tpu.enqueue_indirect_dma source(%arg9 : memref<64x128xf32, #tpu.memory_space<vmem>>) target(%dma_start3A_267 : memref<10240x128xf32, #tpu.memory_space<vmem_shared>>) offsets(%dma_start3A_264 : memref<64xi32, #tpu.memory_space<vmem>>) semaphore(%run_scoped3A : memref<!tpu.dma_semaphore, #tpu.memory_space<semaphore_mem>>) {add = true}
        %dma_wait3A_268 = tpu.memref_slice %arg7[%mul3A_223] : memref<5120xi32, #tpu.memory_space<vmem>> -> memref<64xi32, #tpu.memory_space<vmem>>
        %dma_wait3A_269 = arith.constant 0 : i32
        %dma_wait3A_270 = arith.constant 0 : i32
        %dma_wait3A_271 = tpu.memref_slice %arg5[%dma_wait3A_269, %dma_wait3A_270] : memref<10240x128xf32, #tpu.memory_space<vmem_shared>> -> memref<10240x128xf32, #tpu.memory_space<vmem_shared>>
        tpu.wait_indirect_dma semaphore(%run_scoped3A : memref<!tpu.dma_semaphore, #tpu.memory_space<semaphore_mem>>) src(%arg9 : memref<64x128xf32, #tpu.memory_space<vmem>>) dst(%dma_wait3A_271 : memref<10240x128xf32, #tpu.memory_space<vmem_shared>>)
        tpu.yield
      }) : () -> ()
      %add3A_224 = arith.constant 5 : i32
      %add3A_225 = arith.addi %mul3A_187, %add3A_224 : i32
      %mul3A_226 = arith.constant 64 : i32
      %mul3A_227 = arith.muli %add3A_225, %mul3A_226 : i32
      %dma_start3A_228 = tpu.memref_slice %arg6[%mul3A_227] : memref<5120xi32, #tpu.memory_space<vmem>> -> memref<64xi32, #tpu.memory_space<vmem>>
      %dma_start3A_229 = arith.constant 0 : i32
      %dma_start3A_230 = arith.constant 0 : i32
      %dma_start3A_231 = tpu.memref_slice %arg2[%dma_start3A_229, %dma_start3A_230] : memref<10000x128xf32, #tpu.memory_space<hbm>> -> memref<10000x128xf32, #tpu.memory_space<hbm>>
      tpu.enqueue_indirect_dma source(%dma_start3A_231 : memref<10000x128xf32, #tpu.memory_space<hbm>>) target(%arg9 : memref<64x128xf32, #tpu.memory_space<vmem>>) offsets(%dma_start3A_228 : memref<64xi32, #tpu.memory_space<vmem>>) semaphore(%arg13 : memref<!tpu.dma_semaphore, #tpu.memory_space<semaphore_mem>>)
      %add3A_232 = arith.constant 2 : i32
      %add3A_233 = arith.addi %mul3A_187, %add3A_232 : i32
      %mul3A_234 = arith.constant 64 : i32
      %mul3A_235 = arith.muli %add3A_233, %mul3A_234 : i32
      %dma_wait3A_236 = tpu.memref_slice %arg6[%mul3A_235] : memref<5120xi32, #tpu.memory_space<vmem>> -> memref<64xi32, #tpu.memory_space<vmem>>
      %dma_wait3A_237 = arith.constant 0 : i32
      %dma_wait3A_238 = arith.constant 0 : i32
      %dma_wait3A_239 = tpu.memref_slice %arg2[%dma_wait3A_237, %dma_wait3A_238] : memref<10000x128xf32, #tpu.memory_space<hbm>> -> memref<10000x128xf32, #tpu.memory_space<hbm>>
      tpu.wait_indirect_dma semaphore(%arg14 : memref<!tpu.dma_semaphore, #tpu.memory_space<semaphore_mem>>) src(%dma_wait3A_239 : memref<10000x128xf32, #tpu.memory_space<hbm>>) dst(%arg10 : memref<64x128xf32, #tpu.memory_space<vmem>>)
      %add3A_240 = arith.constant 2 : i32
      %add3A_241 = arith.addi %mul3A_187, %add3A_240 : i32
      %mul3A_242 = arith.constant 64 : i32
      %mul3A_243 = arith.muli %add3A_241, %mul3A_242 : i32
      "tpu.region"() ({
        %run_scoped3A = tpu.sem_alloc : memref<!tpu.dma_semaphore, #tpu.memory_space<semaphore_mem>>
        %dma_start3A_264 = tpu.memref_slice %arg7[%mul3A_243] : memref<5120xi32, #tpu.memory_space<vmem>> -> memref<64xi32, #tpu.memory_space<vmem>>
        %dma_start3A_265 = arith.constant 0 : i32
        %dma_start3A_266 = arith.constant 0 : i32
        %dma_start3A_267 = tpu.memref_slice %arg5[%dma_start3A_265, %dma_start3A_266] : memref<10240x128xf32, #tpu.memory_space<vmem_shared>> -> memref<10240x128xf32, #tpu.memory_space<vmem_shared>>
        tpu.enqueue_indirect_dma source(%arg10 : memref<64x128xf32, #tpu.memory_space<vmem>>) target(%dma_start3A_267 : memref<10240x128xf32, #tpu.memory_space<vmem_shared>>) offsets(%dma_start3A_264 : memref<64xi32, #tpu.memory_space<vmem>>) semaphore(%run_scoped3A : memref<!tpu.dma_semaphore, #tpu.memory_space<semaphore_mem>>) {add = true}
        %dma_wait3A_268 = tpu.memref_slice %arg7[%mul3A_243] : memref<5120xi32, #tpu.memory_space<vmem>> -> memref<64xi32, #tpu.memory_space<vmem>>
        %dma_wait3A_269 = arith.constant 0 : i32
        %dma_wait3A_270 = arith.constant 0 : i32
        %dma_wait3A_271 = tpu.memref_slice %arg5[%dma_wait3A_269, %dma_wait3A_270] : memref<10240x128xf32, #tpu.memory_space<vmem_shared>> -> memref<10240x128xf32, #tpu.memory_space<vmem_shared>>
        tpu.wait_indirect_dma semaphore(%run_scoped3A : memref<!tpu.dma_semaphore, #tpu.memory_space<semaphore_mem>>) src(%arg10 : memref<64x128xf32, #tpu.memory_space<vmem>>) dst(%dma_wait3A_271 : memref<10240x128xf32, #tpu.memory_space<vmem_shared>>)
        tpu.yield
      }) : () -> ()
      %add3A_244 = arith.constant 6 : i32
      %add3A_245 = arith.addi %mul3A_187, %add3A_244 : i32
      %mul3A_246 = arith.constant 64 : i32
      %mul3A_247 = arith.muli %add3A_245, %mul3A_246 : i32
      %dma_start3A_248 = tpu.memref_slice %arg6[%mul3A_247] : memref<5120xi32, #tpu.memory_space<vmem>> -> memref<64xi32, #tpu.memory_space<vmem>>
      %dma_start3A_249 = arith.constant 0 : i32
      %dma_start3A_250 = arith.constant 0 : i32
      %dma_start3A_251 = tpu.memref_slice %arg2[%dma_start3A_249, %dma_start3A_250] : memref<10000x128xf32, #tpu.memory_space<hbm>> -> memref<10000x128xf32, #tpu.memory_space<hbm>>
      tpu.enqueue_indirect_dma source(%dma_start3A_251 : memref<10000x128xf32, #tpu.memory_space<hbm>>) target(%arg10 : memref<64x128xf32, #tpu.memory_space<vmem>>) offsets(%dma_start3A_248 : memref<64xi32, #tpu.memory_space<vmem>>) semaphore(%arg14 : memref<!tpu.dma_semaphore, #tpu.memory_space<semaphore_mem>>)
      %add3A_252 = arith.constant 3 : i32
      %add3A_253 = arith.addi %mul3A_187, %add3A_252 : i32
      %mul3A_254 = arith.constant 64 : i32
      %mul3A_255 = arith.muli %add3A_253, %mul3A_254 : i32
      %dma_wait3A_256 = tpu.memref_slice %arg6[%mul3A_255] : memref<5120xi32, #tpu.memory_space<vmem>> -> memref<64xi32, #tpu.memory_space<vmem>>
      %dma_wait3A_257 = arith.constant 0 : i32
      %dma_wait3A_258 = arith.constant 0 : i32
      %dma_wait3A_259 = tpu.memref_slice %arg2[%dma_wait3A_257, %dma_wait3A_258] : memref<10000x128xf32, #tpu.memory_space<hbm>> -> memref<10000x128xf32, #tpu.memory_space<hbm>>
      tpu.wait_indirect_dma semaphore(%arg15 : memref<!tpu.dma_semaphore, #tpu.memory_space<semaphore_mem>>) src(%dma_wait3A_259 : memref<10000x128xf32, #tpu.memory_space<hbm>>) dst(%arg11 : memref<64x128xf32, #tpu.memory_space<vmem>>)
      %add3A_260 = arith.constant 3 : i32
      %add3A_261 = arith.addi %mul3A_187, %add3A_260 : i32
      %mul3A_262 = arith.constant 64 : i32
      %mul3A_263 = arith.muli %add3A_261, %mul3A_262 : i32
      "tpu.region"() ({
        %run_scoped3A = tpu.sem_alloc : memref<!tpu.dma_semaphore, #tpu.memory_space<semaphore_mem>>
        %dma_start3A_264 = tpu.memref_slice %arg7[%mul3A_263] : memref<5120xi32, #tpu.memory_space<vmem>> -> memref<64xi32, #tpu.memory_space<vmem>>
        %dma_start3A_265 = arith.constant 0 : i32
        %dma_start3A_266 = arith.constant 0 : i32
        %dma_start3A_267 = tpu.memref_slice %arg5[%dma_start3A_265, %dma_start3A_266] : memref<10240x128xf32, #tpu.memory_space<vmem_shared>> -> memref<10240x128xf32, #tpu.memory_space<vmem_shared>>
        tpu.enqueue_indirect_dma source(%arg11 : memref<64x128xf32, #tpu.memory_space<vmem>>) target(%dma_start3A_267 : memref<10240x128xf32, #tpu.memory_space<vmem_shared>>) offsets(%dma_start3A_264 : memref<64xi32, #tpu.memory_space<vmem>>) semaphore(%run_scoped3A : memref<!tpu.dma_semaphore, #tpu.memory_space<semaphore_mem>>) {add = true}
        %dma_wait3A_268 = tpu.memref_slice %arg7[%mul3A_263] : memref<5120xi32, #tpu.memory_space<vmem>> -> memref<64xi32, #tpu.memory_space<vmem>>
        %dma_wait3A_269 = arith.constant 0 : i32
        %dma_wait3A_270 = arith.constant 0 : i32
        %dma_wait3A_271 = tpu.memref_slice %arg5[%dma_wait3A_269, %dma_wait3A_270] : memref<10240x128xf32, #tpu.memory_space<vmem_shared>> -> memref<10240x128xf32, #tpu.memory_space<vmem_shared>>
        tpu.wait_indirect_dma semaphore(%run_scoped3A : memref<!tpu.dma_semaphore, #tpu.memory_space<semaphore_mem>>) src(%arg11 : memref<64x128xf32, #tpu.memory_space<vmem>>) dst(%dma_wait3A_271 : memref<10240x128xf32, #tpu.memory_space<vmem_shared>>)
        tpu.yield
      }) : () -> ()
    }
    %add3A_48 = arith.constant 3 : i32
    %add3A_49 = arith.addi %select_n3A_19, %add3A_48 : i32
    %mul3A_50 = arith.constant 64 : i32
    %mul3A_51 = arith.muli %add3A_49, %mul3A_50 : i32
    %dma_start3A_52 = tpu.memref_slice %arg6[%mul3A_51] : memref<5120xi32, #tpu.memory_space<vmem>> -> memref<64xi32, #tpu.memory_space<vmem>>
    %dma_start3A_53 = arith.constant 0 : i32
    %dma_start3A_54 = arith.constant 0 : i32
    %dma_start3A_55 = tpu.memref_slice %arg2[%dma_start3A_53, %dma_start3A_54] : memref<10000x128xf32, #tpu.memory_space<hbm>> -> memref<10000x128xf32, #tpu.memory_space<hbm>>
    tpu.enqueue_indirect_dma source(%dma_start3A_55 : memref<10000x128xf32, #tpu.memory_space<hbm>>) target(%arg11 : memref<64x128xf32, #tpu.memory_space<vmem>>) offsets(%dma_start3A_52 : memref<64xi32, #tpu.memory_space<vmem>>) semaphore(%arg15 : memref<!tpu.dma_semaphore, #tpu.memory_space<semaphore_mem>>)
    %mul3A_56 = arith.constant 64 : i32
    %mul3A_57 = arith.muli %select_n3A_19, %mul3A_56 : i32
    %dma_wait3A = tpu.memref_slice %arg6[%mul3A_57] : memref<5120xi32, #tpu.memory_space<vmem>> -> memref<64xi32, #tpu.memory_space<vmem>>
    %dma_wait3A_58 = arith.constant 0 : i32
    %dma_wait3A_59 = arith.constant 0 : i32
    %dma_wait3A_60 = tpu.memref_slice %arg2[%dma_wait3A_58, %dma_wait3A_59] : memref<10000x128xf32, #tpu.memory_space<hbm>> -> memref<10000x128xf32, #tpu.memory_space<hbm>>
    tpu.wait_indirect_dma semaphore(%arg12 : memref<!tpu.dma_semaphore, #tpu.memory_space<semaphore_mem>>) src(%dma_wait3A_60 : memref<10000x128xf32, #tpu.memory_space<hbm>>) dst(%arg8 : memref<64x128xf32, #tpu.memory_space<vmem>>)
    %mul3A_61 = arith.constant 64 : i32
    %mul3A_62 = arith.muli %select_n3A_19, %mul3A_61 : i32
    "tpu.region"() ({
      %run_scoped3A = tpu.sem_alloc : memref<!tpu.dma_semaphore, #tpu.memory_space<semaphore_mem>>
      %dma_start3A_185 = tpu.memref_slice %arg7[%mul3A_62] : memref<5120xi32, #tpu.memory_space<vmem>> -> memref<64xi32, #tpu.memory_space<vmem>>
      %dma_start3A_186 = arith.constant 0 : i32
      %dma_start3A_187 = arith.constant 0 : i32
      %dma_start3A_188 = tpu.memref_slice %arg5[%dma_start3A_186, %dma_start3A_187] : memref<10240x128xf32, #tpu.memory_space<vmem_shared>> -> memref<10240x128xf32, #tpu.memory_space<vmem_shared>>
      tpu.enqueue_indirect_dma source(%arg8 : memref<64x128xf32, #tpu.memory_space<vmem>>) target(%dma_start3A_188 : memref<10240x128xf32, #tpu.memory_space<vmem_shared>>) offsets(%dma_start3A_185 : memref<64xi32, #tpu.memory_space<vmem>>) semaphore(%run_scoped3A : memref<!tpu.dma_semaphore, #tpu.memory_space<semaphore_mem>>) {add = true}
      %dma_wait3A_189 = tpu.memref_slice %arg7[%mul3A_62] : memref<5120xi32, #tpu.memory_space<vmem>> -> memref<64xi32, #tpu.memory_space<vmem>>
      %dma_wait3A_190 = arith.constant 0 : i32
      %dma_wait3A_191 = arith.constant 0 : i32
      %dma_wait3A_192 = tpu.memref_slice %arg5[%dma_wait3A_190, %dma_wait3A_191] : memref<10240x128xf32, #tpu.memory_space<vmem_shared>> -> memref<10240x128xf32, #tpu.memory_space<vmem_shared>>
      tpu.wait_indirect_dma semaphore(%run_scoped3A : memref<!tpu.dma_semaphore, #tpu.memory_space<semaphore_mem>>) src(%arg8 : memref<64x128xf32, #tpu.memory_space<vmem>>) dst(%dma_wait3A_192 : memref<10240x128xf32, #tpu.memory_space<vmem_shared>>)
      tpu.yield
    }) : () -> ()
    %add3A_63 = arith.constant 1 : i32
    %add3A_64 = arith.addi %select_n3A_19, %add3A_63 : i32
    %mul3A_65 = arith.constant 64 : i32
    %mul3A_66 = arith.muli %add3A_64, %mul3A_65 : i32
    %dma_wait3A_67 = tpu.memref_slice %arg6[%mul3A_66] : memref<5120xi32, #tpu.memory_space<vmem>> -> memref<64xi32, #tpu.memory_space<vmem>>
    %dma_wait3A_68 = arith.constant 0 : i32
    %dma_wait3A_69 = arith.constant 0 : i32
    %dma_wait3A_70 = tpu.memref_slice %arg2[%dma_wait3A_68, %dma_wait3A_69] : memref<10000x128xf32, #tpu.memory_space<hbm>> -> memref<10000x128xf32, #tpu.memory_space<hbm>>
    tpu.wait_indirect_dma semaphore(%arg13 : memref<!tpu.dma_semaphore, #tpu.memory_space<semaphore_mem>>) src(%dma_wait3A_70 : memref<10000x128xf32, #tpu.memory_space<hbm>>) dst(%arg9 : memref<64x128xf32, #tpu.memory_space<vmem>>)
    %add3A_71 = arith.constant 1 : i32
    %add3A_72 = arith.addi %select_n3A_19, %add3A_71 : i32
    %mul3A_73 = arith.constant 64 : i32
    %mul3A_74 = arith.muli %add3A_72, %mul3A_73 : i32
    "tpu.region"() ({
      %run_scoped3A = tpu.sem_alloc : memref<!tpu.dma_semaphore, #tpu.memory_space<semaphore_mem>>
      %dma_start3A_185 = tpu.memref_slice %arg7[%mul3A_74] : memref<5120xi32, #tpu.memory_space<vmem>> -> memref<64xi32, #tpu.memory_space<vmem>>
      %dma_start3A_186 = arith.constant 0 : i32
      %dma_start3A_187 = arith.constant 0 : i32
      %dma_start3A_188 = tpu.memref_slice %arg5[%dma_start3A_186, %dma_start3A_187] : memref<10240x128xf32, #tpu.memory_space<vmem_shared>> -> memref<10240x128xf32, #tpu.memory_space<vmem_shared>>
      tpu.enqueue_indirect_dma source(%arg9 : memref<64x128xf32, #tpu.memory_space<vmem>>) target(%dma_start3A_188 : memref<10240x128xf32, #tpu.memory_space<vmem_shared>>) offsets(%dma_start3A_185 : memref<64xi32, #tpu.memory_space<vmem>>) semaphore(%run_scoped3A : memref<!tpu.dma_semaphore, #tpu.memory_space<semaphore_mem>>) {add = true}
      %dma_wait3A_189 = tpu.memref_slice %arg7[%mul3A_74] : memref<5120xi32, #tpu.memory_space<vmem>> -> memref<64xi32, #tpu.memory_space<vmem>>
      %dma_wait3A_190 = arith.constant 0 : i32
      %dma_wait3A_191 = arith.constant 0 : i32
      %dma_wait3A_192 = tpu.memref_slice %arg5[%dma_wait3A_190, %dma_wait3A_191] : memref<10240x128xf32, #tpu.memory_space<vmem_shared>> -> memref<10240x128xf32, #tpu.memory_space<vmem_shared>>
      tpu.wait_indirect_dma semaphore(%run_scoped3A : memref<!tpu.dma_semaphore, #tpu.memory_space<semaphore_mem>>) src(%arg9 : memref<64x128xf32, #tpu.memory_space<vmem>>) dst(%dma_wait3A_192 : memref<10240x128xf32, #tpu.memory_space<vmem_shared>>)
      tpu.yield
    }) : () -> ()
    %add3A_75 = arith.constant 2 : i32
    %add3A_76 = arith.addi %select_n3A_19, %add3A_75 : i32
    %mul3A_77 = arith.constant 64 : i32
    %mul3A_78 = arith.muli %add3A_76, %mul3A_77 : i32
    %dma_wait3A_79 = tpu.memref_slice %arg6[%mul3A_78] : memref<5120xi32, #tpu.memory_space<vmem>> -> memref<64xi32, #tpu.memory_space<vmem>>
    %dma_wait3A_80 = arith.constant 0 : i32
    %dma_wait3A_81 = arith.constant 0 : i32
    %dma_wait3A_82 = tpu.memref_slice %arg2[%dma_wait3A_80, %dma_wait3A_81] : memref<10000x128xf32, #tpu.memory_space<hbm>> -> memref<10000x128xf32, #tpu.memory_space<hbm>>
    tpu.wait_indirect_dma semaphore(%arg14 : memref<!tpu.dma_semaphore, #tpu.memory_space<semaphore_mem>>) src(%dma_wait3A_82 : memref<10000x128xf32, #tpu.memory_space<hbm>>) dst(%arg10 : memref<64x128xf32, #tpu.memory_space<vmem>>)
    %add3A_83 = arith.constant 2 : i32
    %add3A_84 = arith.addi %select_n3A_19, %add3A_83 : i32
    %mul3A_85 = arith.constant 64 : i32
    %mul3A_86 = arith.muli %add3A_84, %mul3A_85 : i32
    "tpu.region"() ({
      %run_scoped3A = tpu.sem_alloc : memref<!tpu.dma_semaphore, #tpu.memory_space<semaphore_mem>>
      %dma_start3A_185 = tpu.memref_slice %arg7[%mul3A_86] : memref<5120xi32, #tpu.memory_space<vmem>> -> memref<64xi32, #tpu.memory_space<vmem>>
      %dma_start3A_186 = arith.constant 0 : i32
      %dma_start3A_187 = arith.constant 0 : i32
      %dma_start3A_188 = tpu.memref_slice %arg5[%dma_start3A_186, %dma_start3A_187] : memref<10240x128xf32, #tpu.memory_space<vmem_shared>> -> memref<10240x128xf32, #tpu.memory_space<vmem_shared>>
      tpu.enqueue_indirect_dma source(%arg10 : memref<64x128xf32, #tpu.memory_space<vmem>>) target(%dma_start3A_188 : memref<10240x128xf32, #tpu.memory_space<vmem_shared>>) offsets(%dma_start3A_185 : memref<64xi32, #tpu.memory_space<vmem>>) semaphore(%run_scoped3A : memref<!tpu.dma_semaphore, #tpu.memory_space<semaphore_mem>>) {add = true}
      %dma_wait3A_189 = tpu.memref_slice %arg7[%mul3A_86] : memref<5120xi32, #tpu.memory_space<vmem>> -> memref<64xi32, #tpu.memory_space<vmem>>
      %dma_wait3A_190 = arith.constant 0 : i32
      %dma_wait3A_191 = arith.constant 0 : i32
      %dma_wait3A_192 = tpu.memref_slice %arg5[%dma_wait3A_190, %dma_wait3A_191] : memref<10240x128xf32, #tpu.memory_space<vmem_shared>> -> memref<10240x128xf32, #tpu.memory_space<vmem_shared>>
      tpu.wait_indirect_dma semaphore(%run_scoped3A : memref<!tpu.dma_semaphore, #tpu.memory_space<semaphore_mem>>) src(%arg10 : memref<64x128xf32, #tpu.memory_space<vmem>>) dst(%dma_wait3A_192 : memref<10240x128xf32, #tpu.memory_space<vmem_shared>>)
      tpu.yield
    }) : () -> ()
    %add3A_87 = arith.constant 3 : i32
    %add3A_88 = arith.addi %select_n3A_19, %add3A_87 : i32
    %mul3A_89 = arith.constant 64 : i32
    %mul3A_90 = arith.muli %add3A_88, %mul3A_89 : i32
    %dma_wait3A_91 = tpu.memref_slice %arg6[%mul3A_90] : memref<5120xi32, #tpu.memory_space<vmem>> -> memref<64xi32, #tpu.memory_space<vmem>>
    %dma_wait3A_92 = arith.constant 0 : i32
    %dma_wait3A_93 = arith.constant 0 : i32
    %dma_wait3A_94 = tpu.memref_slice %arg2[%dma_wait3A_92, %dma_wait3A_93] : memref<10000x128xf32, #tpu.memory_space<hbm>> -> memref<10000x128xf32, #tpu.memory_space<hbm>>
    tpu.wait_indirect_dma semaphore(%arg15 : memref<!tpu.dma_semaphore, #tpu.memory_space<semaphore_mem>>) src(%dma_wait3A_94 : memref<10000x128xf32, #tpu.memory_space<hbm>>) dst(%arg11 : memref<64x128xf32, #tpu.memory_space<vmem>>)
    %add3A_95 = arith.constant 3 : i32
    %add3A_96 = arith.addi %select_n3A_19, %add3A_95 : i32
    %mul3A_97 = arith.constant 64 : i32
    %mul3A_98 = arith.muli %add3A_96, %mul3A_97 : i32
    "tpu.region"() ({
      %run_scoped3A = tpu.sem_alloc : memref<!tpu.dma_semaphore, #tpu.memory_space<semaphore_mem>>
      %dma_start3A_185 = tpu.memref_slice %arg7[%mul3A_98] : memref<5120xi32, #tpu.memory_space<vmem>> -> memref<64xi32, #tpu.memory_space<vmem>>
      %dma_start3A_186 = arith.constant 0 : i32
      %dma_start3A_187 = arith.constant 0 : i32
      %dma_start3A_188 = tpu.memref_slice %arg5[%dma_start3A_186, %dma_start3A_187] : memref<10240x128xf32, #tpu.memory_space<vmem_shared>> -> memref<10240x128xf32, #tpu.memory_space<vmem_shared>>
      tpu.enqueue_indirect_dma source(%arg11 : memref<64x128xf32, #tpu.memory_space<vmem>>) target(%dma_start3A_188 : memref<10240x128xf32, #tpu.memory_space<vmem_shared>>) offsets(%dma_start3A_185 : memref<64xi32, #tpu.memory_space<vmem>>) semaphore(%run_scoped3A : memref<!tpu.dma_semaphore, #tpu.memory_space<semaphore_mem>>) {add = true}
      %dma_wait3A_189 = tpu.memref_slice %arg7[%mul3A_98] : memref<5120xi32, #tpu.memory_space<vmem>> -> memref<64xi32, #tpu.memory_space<vmem>>
      %dma_wait3A_190 = arith.constant 0 : i32
      %dma_wait3A_191 = arith.constant 0 : i32
      %dma_wait3A_192 = tpu.memref_slice %arg5[%dma_wait3A_190, %dma_wait3A_191] : memref<10240x128xf32, #tpu.memory_space<vmem_shared>> -> memref<10240x128xf32, #tpu.memory_space<vmem_shared>>
      tpu.wait_indirect_dma semaphore(%run_scoped3A : memref<!tpu.dma_semaphore, #tpu.memory_space<semaphore_mem>>) src(%arg11 : memref<64x128xf32, #tpu.memory_space<vmem>>) dst(%dma_wait3A_192 : memref<10240x128xf32, #tpu.memory_space<vmem_shared>>)
      tpu.yield
    }) : () -> ()
    %not3A_99 = arith.constant true
    %not3A_100 = arith.xori %eq3A_15, %not3A_99 : i1
    %convert_element_type3A_101 = arith.extui %not3A_100 : i1 to i32
    %cond3A_102 = arith.constant 0 : i32
    %cond3A_103 = arith.cmpi ne, %convert_element_type3A_101, %cond3A_102 : i32
    scf.if %cond3A_103 {
      %mul3A_185 = arith.constant 10240 : i32
      %mul3A_186 = arith.muli %add3A, %mul3A_185 : i32
      %add3A_187 = arith.constant 5120 : i32
      %add3A_188 = arith.addi %mul3A_186, %add3A_187 : i32
      "tpu.region"() ({
        %run_scoped3A = tpu.sem_alloc : memref<!tpu.dma_semaphore, #tpu.memory_space<semaphore_mem>>
        %dma_start3A_191 = tpu.memref_slice %arg3[%add3A_188] : memref<640000xi32, #tpu.memory_space<hbm>> -> memref<5120xi32, #tpu.memory_space<hbm>>
        %dma_start3A_192 = tpu.memref_slice %arg3[%add3A_188] : memref<640000xi32, #tpu.memory_space<hbm>> -> memref<5120xi32, #tpu.memory_space<hbm>>
        tpu.enqueue_dma source(%dma_start3A_192 : memref<5120xi32, #tpu.memory_space<hbm>>) target(%arg6 : memref<5120xi32, #tpu.memory_space<vmem>>) target_semaphore(%run_scoped3A : memref<!tpu.dma_semaphore, #tpu.memory_space<semaphore_mem>>)
        %dma_wait3A_193 = tpu.memref_slice %arg3[%add3A_188] : memref<640000xi32, #tpu.memory_space<hbm>> -> memref<5120xi32, #tpu.memory_space<hbm>>
        %dma_wait3A_194 = tpu.memref_slice %arg3[%add3A_188] : memref<640000xi32, #tpu.memory_space<hbm>> -> memref<5120xi32, #tpu.memory_space<hbm>>
        tpu.wait_dma2 semaphore(%run_scoped3A : memref<!tpu.dma_semaphore, #tpu.memory_space<semaphore_mem>>) src(%dma_wait3A_194 : memref<5120xi32, #tpu.memory_space<hbm>>) dst(%arg6 : memref<5120xi32, #tpu.memory_space<vmem>>)
        tpu.yield
      }) : () -> ()
      %add3A_189 = arith.constant 320000 : i32
      %add3A_190 = arith.addi %add3A_189, %add3A_188 : i32
      "tpu.region"() ({
        %run_scoped3A = tpu.sem_alloc : memref<!tpu.dma_semaphore, #tpu.memory_space<semaphore_mem>>
        %dma_start3A_191 = tpu.memref_slice %arg3[%add3A_190] : memref<640000xi32, #tpu.memory_space<hbm>> -> memref<5120xi32, #tpu.memory_space<hbm>>
        %dma_start3A_192 = tpu.memref_slice %arg3[%add3A_190] : memref<640000xi32, #tpu.memory_space<hbm>> -> memref<5120xi32, #tpu.memory_space<hbm>>
        tpu.enqueue_dma source(%dma_start3A_192 : memref<5120xi32, #tpu.memory_space<hbm>>) target(%arg7 : memref<5120xi32, #tpu.memory_space<vmem>>) target_semaphore(%run_scoped3A : memref<!tpu.dma_semaphore, #tpu.memory_space<semaphore_mem>>)
        %dma_wait3A_193 = tpu.memref_slice %arg3[%add3A_190] : memref<640000xi32, #tpu.memory_space<hbm>> -> memref<5120xi32, #tpu.memory_space<hbm>>
        %dma_wait3A_194 = tpu.memref_slice %arg3[%add3A_190] : memref<640000xi32, #tpu.memory_space<hbm>> -> memref<5120xi32, #tpu.memory_space<hbm>>
        tpu.wait_dma2 semaphore(%run_scoped3A : memref<!tpu.dma_semaphore, #tpu.memory_space<semaphore_mem>>) src(%dma_wait3A_194 : memref<5120xi32, #tpu.memory_space<hbm>>) dst(%arg7 : memref<5120xi32, #tpu.memory_space<vmem>>)
        tpu.yield
      }) : () -> ()
    } else {
    }
    %convert_element_type3A_104 = arith.extui %eq3A_15 : i1 to i32
    %cond3A_105 = arith.constant 0 : i32
    %cond3A_106 = arith.cmpi ne, %convert_element_type3A_104, %cond3A_105 : i32
    scf.if %cond3A_106 {
      "tpu.region"() ({
        %run_scoped3A = tpu.sem_alloc : memref<!tpu.dma_semaphore, #tpu.memory_space<semaphore_mem>>
        %dma_start3A_185 = arith.constant 0 : i32
        %dma_start3A_186 = tpu.memref_slice %arg6[%dma_start3A_185] : memref<5120xi32, #tpu.memory_space<vmem>> -> memref<1280xi32, #tpu.memory_space<vmem>>
        %dma_start3A_187 = arith.constant 318720 : i32
        %dma_start3A_188 = tpu.memref_slice %arg3[%dma_start3A_187] : memref<640000xi32, #tpu.memory_space<hbm>> -> memref<1280xi32, #tpu.memory_space<hbm>>
        %dma_start3A_189 = arith.constant 0 : i32
        %dma_start3A_190 = tpu.memref_slice %arg6[%dma_start3A_189] : memref<5120xi32, #tpu.memory_space<vmem>> -> memref<1280xi32, #tpu.memory_space<vmem>>
        %dma_start3A_191 = arith.constant 318720 : i32
        %dma_start3A_192 = tpu.memref_slice %arg3[%dma_start3A_191] : memref<640000xi32, #tpu.memory_space<hbm>> -> memref<1280xi32, #tpu.memory_space<hbm>>
        tpu.enqueue_dma source(%dma_start3A_192 : memref<1280xi32, #tpu.memory_space<hbm>>) target(%dma_start3A_190 : memref<1280xi32, #tpu.memory_space<vmem>>) target_semaphore(%run_scoped3A : memref<!tpu.dma_semaphore, #tpu.memory_space<semaphore_mem>>)
        %dma_wait3A_193 = arith.constant 0 : i32
        %dma_wait3A_194 = tpu.memref_slice %arg6[%dma_wait3A_193] : memref<5120xi32, #tpu.memory_space<vmem>> -> memref<1280xi32, #tpu.memory_space<vmem>>
        %dma_wait3A_195 = arith.constant 318720 : i32
        %dma_wait3A_196 = tpu.memref_slice %arg3[%dma_wait3A_195] : memref<640000xi32, #tpu.memory_space<hbm>> -> memref<1280xi32, #tpu.memory_space<hbm>>
        %dma_wait3A_197 = arith.constant 0 : i32
        %dma_wait3A_198 = tpu.memref_slice %arg6[%dma_wait3A_197] : memref<5120xi32, #tpu.memory_space<vmem>> -> memref<1280xi32, #tpu.memory_space<vmem>>
        %dma_wait3A_199 = arith.constant 318720 : i32
        %dma_wait3A_200 = tpu.memref_slice %arg3[%dma_wait3A_199] : memref<640000xi32, #tpu.memory_space<hbm>> -> memref<1280xi32, #tpu.memory_space<hbm>>
        tpu.wait_dma2 semaphore(%run_scoped3A : memref<!tpu.dma_semaphore, #tpu.memory_space<semaphore_mem>>) src(%dma_wait3A_200 : memref<1280xi32, #tpu.memory_space<hbm>>) dst(%dma_wait3A_198 : memref<1280xi32, #tpu.memory_space<vmem>>)
        tpu.yield
      }) : () -> ()
      "tpu.region"() ({
        %run_scoped3A = tpu.sem_alloc : memref<!tpu.dma_semaphore, #tpu.memory_space<semaphore_mem>>
        %dma_start3A_185 = arith.constant 0 : i32
        %dma_start3A_186 = tpu.memref_slice %arg7[%dma_start3A_185] : memref<5120xi32, #tpu.memory_space<vmem>> -> memref<1280xi32, #tpu.memory_space<vmem>>
        %dma_start3A_187 = arith.constant 638720 : i32
        %dma_start3A_188 = tpu.memref_slice %arg3[%dma_start3A_187] : memref<640000xi32, #tpu.memory_space<hbm>> -> memref<1280xi32, #tpu.memory_space<hbm>>
        %dma_start3A_189 = arith.constant 0 : i32
        %dma_start3A_190 = tpu.memref_slice %arg7[%dma_start3A_189] : memref<5120xi32, #tpu.memory_space<vmem>> -> memref<1280xi32, #tpu.memory_space<vmem>>
        %dma_start3A_191 = arith.constant 638720 : i32
        %dma_start3A_192 = tpu.memref_slice %arg3[%dma_start3A_191] : memref<640000xi32, #tpu.memory_space<hbm>> -> memref<1280xi32, #tpu.memory_space<hbm>>
        tpu.enqueue_dma source(%dma_start3A_192 : memref<1280xi32, #tpu.memory_space<hbm>>) target(%dma_start3A_190 : memref<1280xi32, #tpu.memory_space<vmem>>) target_semaphore(%run_scoped3A : memref<!tpu.dma_semaphore, #tpu.memory_space<semaphore_mem>>)
        %dma_wait3A_193 = arith.constant 0 : i32
        %dma_wait3A_194 = tpu.memref_slice %arg7[%dma_wait3A_193] : memref<5120xi32, #tpu.memory_space<vmem>> -> memref<1280xi32, #tpu.memory_space<vmem>>
        %dma_wait3A_195 = arith.constant 638720 : i32
        %dma_wait3A_196 = tpu.memref_slice %arg3[%dma_wait3A_195] : memref<640000xi32, #tpu.memory_space<hbm>> -> memref<1280xi32, #tpu.memory_space<hbm>>
        %dma_wait3A_197 = arith.constant 0 : i32
        %dma_wait3A_198 = tpu.memref_slice %arg7[%dma_wait3A_197] : memref<5120xi32, #tpu.memory_space<vmem>> -> memref<1280xi32, #tpu.memory_space<vmem>>
        %dma_wait3A_199 = arith.constant 638720 : i32
        %dma_wait3A_200 = tpu.memref_slice %arg3[%dma_wait3A_199] : memref<640000xi32, #tpu.memory_space<hbm>> -> memref<1280xi32, #tpu.memory_space<hbm>>
        tpu.wait_dma2 semaphore(%run_scoped3A : memref<!tpu.dma_semaphore, #tpu.memory_space<semaphore_mem>>) src(%dma_wait3A_200 : memref<1280xi32, #tpu.memory_space<hbm>>) dst(%dma_wait3A_198 : memref<1280xi32, #tpu.memory_space<vmem>>)
        tpu.yield
      }) : () -> ()
    } else {
    }
    %dma_start3A_107 = arith.constant 0 : i32
    %dma_start3A_108 = tpu.memref_slice %arg6[%dma_start3A_107] : memref<5120xi32, #tpu.memory_space<vmem>> -> memref<64xi32, #tpu.memory_space<vmem>>
    %dma_start3A_109 = arith.constant 0 : i32
    %dma_start3A_110 = arith.constant 0 : i32
    %dma_start3A_111 = tpu.memref_slice %arg2[%dma_start3A_109, %dma_start3A_110] : memref<10000x128xf32, #tpu.memory_space<hbm>> -> memref<10000x128xf32, #tpu.memory_space<hbm>>
    tpu.enqueue_indirect_dma source(%dma_start3A_111 : memref<10000x128xf32, #tpu.memory_space<hbm>>) target(%arg8 : memref<64x128xf32, #tpu.memory_space<vmem>>) offsets(%dma_start3A_108 : memref<64xi32, #tpu.memory_space<vmem>>) semaphore(%arg12 : memref<!tpu.dma_semaphore, #tpu.memory_space<semaphore_mem>>)
    %dma_start3A_112 = arith.constant 64 : i32
    %dma_start3A_113 = tpu.memref_slice %arg6[%dma_start3A_112] : memref<5120xi32, #tpu.memory_space<vmem>> -> memref<64xi32, #tpu.memory_space<vmem>>
    %dma_start3A_114 = arith.constant 0 : i32
    %dma_start3A_115 = arith.constant 0 : i32
    %dma_start3A_116 = tpu.memref_slice %arg2[%dma_start3A_114, %dma_start3A_115] : memref<10000x128xf32, #tpu.memory_space<hbm>> -> memref<10000x128xf32, #tpu.memory_space<hbm>>
    tpu.enqueue_indirect_dma source(%dma_start3A_116 : memref<10000x128xf32, #tpu.memory_space<hbm>>) target(%arg9 : memref<64x128xf32, #tpu.memory_space<vmem>>) offsets(%dma_start3A_113 : memref<64xi32, #tpu.memory_space<vmem>>) semaphore(%arg13 : memref<!tpu.dma_semaphore, #tpu.memory_space<semaphore_mem>>)
    %dma_start3A_117 = arith.constant 128 : i32
    %dma_start3A_118 = tpu.memref_slice %arg6[%dma_start3A_117] : memref<5120xi32, #tpu.memory_space<vmem>> -> memref<64xi32, #tpu.memory_space<vmem>>
    %dma_start3A_119 = arith.constant 0 : i32
    %dma_start3A_120 = arith.constant 0 : i32
    %dma_start3A_121 = tpu.memref_slice %arg2[%dma_start3A_119, %dma_start3A_120] : memref<10000x128xf32, #tpu.memory_space<hbm>> -> memref<10000x128xf32, #tpu.memory_space<hbm>>
    tpu.enqueue_indirect_dma source(%dma_start3A_121 : memref<10000x128xf32, #tpu.memory_space<hbm>>) target(%arg10 : memref<64x128xf32, #tpu.memory_space<vmem>>) offsets(%dma_start3A_118 : memref<64xi32, #tpu.memory_space<vmem>>) semaphore(%arg14 : memref<!tpu.dma_semaphore, #tpu.memory_space<semaphore_mem>>)
    %while3A_122 = arith.constant 0 : i32
    %while3A_123 = arith.constant 0 : i32
    %while3A_124 = arith.subi %select_n3A, %while3A_123 : i32
    %while3A_125 = arith.addi %while3A_123, %while3A_124 : i32
    %while3A_126 = arith.constant 1 : i32
    %while3A_127 = arith.divsi %while3A_124, %while3A_126 : i32
    %while3A_128 = arith.muli %while3A_127, %while3A_126 : i32
    %while3A_129 = arith.addi %while3A_123, %while3A_128 : i32
    %while3A_130 = arith.constant 1 : i32
    scf.for %while3A_185 = %while3A_123 to %while3A_129 step %while3A_130  : i32 {
      %mul3A_186 = arith.constant 4 : i32
      %mul3A_187 = arith.muli %mul3A_186, %while3A_185 : i32
      %add3A_188 = arith.constant 3 : i32
      %add3A_189 = arith.addi %mul3A_187, %add3A_188 : i32
      %mul3A_190 = arith.constant 64 : i32
      %mul3A_191 = arith.muli %add3A_189, %mul3A_190 : i32
      %dma_start3A_192 = tpu.memref_slice %arg6[%mul3A_191] : memref<5120xi32, #tpu.memory_space<vmem>> -> memref<64xi32, #tpu.memory_space<vmem>>
      %dma_start3A_193 = arith.constant 0 : i32
      %dma_start3A_194 = arith.constant 0 : i32
      %dma_start3A_195 = tpu.memref_slice %arg2[%dma_start3A_193, %dma_start3A_194] : memref<10000x128xf32, #tpu.memory_space<hbm>> -> memref<10000x128xf32, #tpu.memory_space<hbm>>
      tpu.enqueue_indirect_dma source(%dma_start3A_195 : memref<10000x128xf32, #tpu.memory_space<hbm>>) target(%arg11 : memref<64x128xf32, #tpu.memory_space<vmem>>) offsets(%dma_start3A_192 : memref<64xi32, #tpu.memory_space<vmem>>) semaphore(%arg15 : memref<!tpu.dma_semaphore, #tpu.memory_space<semaphore_mem>>)
      %mul3A_196 = arith.constant 64 : i32
      %mul3A_197 = arith.muli %mul3A_187, %mul3A_196 : i32
      %dma_wait3A_198 = tpu.memref_slice %arg6[%mul3A_197] : memref<5120xi32, #tpu.memory_space<vmem>> -> memref<64xi32, #tpu.memory_space<vmem>>
      %dma_wait3A_199 = arith.constant 0 : i32
      %dma_wait3A_200 = arith.constant 0 : i32
      %dma_wait3A_201 = tpu.memref_slice %arg2[%dma_wait3A_199, %dma_wait3A_200] : memref<10000x128xf32, #tpu.memory_space<hbm>> -> memref<10000x128xf32, #tpu.memory_space<hbm>>
      tpu.wait_indirect_dma semaphore(%arg12 : memref<!tpu.dma_semaphore, #tpu.memory_space<semaphore_mem>>) src(%dma_wait3A_201 : memref<10000x128xf32, #tpu.memory_space<hbm>>) dst(%arg8 : memref<64x128xf32, #tpu.memory_space<vmem>>)
      %mul3A_202 = arith.constant 64 : i32
      %mul3A_203 = arith.muli %mul3A_187, %mul3A_202 : i32
      "tpu.region"() ({
        %run_scoped3A = tpu.sem_alloc : memref<!tpu.dma_semaphore, #tpu.memory_space<semaphore_mem>>
        %dma_start3A_264 = tpu.memref_slice %arg7[%mul3A_203] : memref<5120xi32, #tpu.memory_space<vmem>> -> memref<64xi32, #tpu.memory_space<vmem>>
        %dma_start3A_265 = arith.constant 0 : i32
        %dma_start3A_266 = arith.constant 0 : i32
        %dma_start3A_267 = tpu.memref_slice %arg5[%dma_start3A_265, %dma_start3A_266] : memref<10240x128xf32, #tpu.memory_space<vmem_shared>> -> memref<10240x128xf32, #tpu.memory_space<vmem_shared>>
        tpu.enqueue_indirect_dma source(%arg8 : memref<64x128xf32, #tpu.memory_space<vmem>>) target(%dma_start3A_267 : memref<10240x128xf32, #tpu.memory_space<vmem_shared>>) offsets(%dma_start3A_264 : memref<64xi32, #tpu.memory_space<vmem>>) semaphore(%run_scoped3A : memref<!tpu.dma_semaphore, #tpu.memory_space<semaphore_mem>>) {add = true}
        %dma_wait3A_268 = tpu.memref_slice %arg7[%mul3A_203] : memref<5120xi32, #tpu.memory_space<vmem>> -> memref<64xi32, #tpu.memory_space<vmem>>
        %dma_wait3A_269 = arith.constant 0 : i32
        %dma_wait3A_270 = arith.constant 0 : i32
        %dma_wait3A_271 = tpu.memref_slice %arg5[%dma_wait3A_269, %dma_wait3A_270] : memref<10240x128xf32, #tpu.memory_space<vmem_shared>> -> memref<10240x128xf32, #tpu.memory_space<vmem_shared>>
        tpu.wait_indirect_dma semaphore(%run_scoped3A : memref<!tpu.dma_semaphore, #tpu.memory_space<semaphore_mem>>) src(%arg8 : memref<64x128xf32, #tpu.memory_space<vmem>>) dst(%dma_wait3A_271 : memref<10240x128xf32, #tpu.memory_space<vmem_shared>>)
        tpu.yield
      }) : () -> ()
      %add3A_204 = arith.constant 4 : i32
      %add3A_205 = arith.addi %mul3A_187, %add3A_204 : i32
      %mul3A_206 = arith.constant 64 : i32
      %mul3A_207 = arith.muli %add3A_205, %mul3A_206 : i32
      %dma_start3A_208 = tpu.memref_slice %arg6[%mul3A_207] : memref<5120xi32, #tpu.memory_space<vmem>> -> memref<64xi32, #tpu.memory_space<vmem>>
      %dma_start3A_209 = arith.constant 0 : i32
      %dma_start3A_210 = arith.constant 0 : i32
      %dma_start3A_211 = tpu.memref_slice %arg2[%dma_start3A_209, %dma_start3A_210] : memref<10000x128xf32, #tpu.memory_space<hbm>> -> memref<10000x128xf32, #tpu.memory_space<hbm>>
      tpu.enqueue_indirect_dma source(%dma_start3A_211 : memref<10000x128xf32, #tpu.memory_space<hbm>>) target(%arg8 : memref<64x128xf32, #tpu.memory_space<vmem>>) offsets(%dma_start3A_208 : memref<64xi32, #tpu.memory_space<vmem>>) semaphore(%arg12 : memref<!tpu.dma_semaphore, #tpu.memory_space<semaphore_mem>>)
      %add3A_212 = arith.constant 1 : i32
      %add3A_213 = arith.addi %mul3A_187, %add3A_212 : i32
      %mul3A_214 = arith.constant 64 : i32
      %mul3A_215 = arith.muli %add3A_213, %mul3A_214 : i32
      %dma_wait3A_216 = tpu.memref_slice %arg6[%mul3A_215] : memref<5120xi32, #tpu.memory_space<vmem>> -> memref<64xi32, #tpu.memory_space<vmem>>
      %dma_wait3A_217 = arith.constant 0 : i32
      %dma_wait3A_218 = arith.constant 0 : i32
      %dma_wait3A_219 = tpu.memref_slice %arg2[%dma_wait3A_217, %dma_wait3A_218] : memref<10000x128xf32, #tpu.memory_space<hbm>> -> memref<10000x128xf32, #tpu.memory_space<hbm>>
      tpu.wait_indirect_dma semaphore(%arg13 : memref<!tpu.dma_semaphore, #tpu.memory_space<semaphore_mem>>) src(%dma_wait3A_219 : memref<10000x128xf32, #tpu.memory_space<hbm>>) dst(%arg9 : memref<64x128xf32, #tpu.memory_space<vmem>>)
      %add3A_220 = arith.constant 1 : i32
      %add3A_221 = arith.addi %mul3A_187, %add3A_220 : i32
      %mul3A_222 = arith.constant 64 : i32
      %mul3A_223 = arith.muli %add3A_221, %mul3A_222 : i32
      "tpu.region"() ({
        %run_scoped3A = tpu.sem_alloc : memref<!tpu.dma_semaphore, #tpu.memory_space<semaphore_mem>>
        %dma_start3A_264 = tpu.memref_slice %arg7[%mul3A_223] : memref<5120xi32, #tpu.memory_space<vmem>> -> memref<64xi32, #tpu.memory_space<vmem>>
        %dma_start3A_265 = arith.constant 0 : i32
        %dma_start3A_266 = arith.constant 0 : i32
        %dma_start3A_267 = tpu.memref_slice %arg5[%dma_start3A_265, %dma_start3A_266] : memref<10240x128xf32, #tpu.memory_space<vmem_shared>> -> memref<10240x128xf32, #tpu.memory_space<vmem_shared>>
        tpu.enqueue_indirect_dma source(%arg9 : memref<64x128xf32, #tpu.memory_space<vmem>>) target(%dma_start3A_267 : memref<10240x128xf32, #tpu.memory_space<vmem_shared>>) offsets(%dma_start3A_264 : memref<64xi32, #tpu.memory_space<vmem>>) semaphore(%run_scoped3A : memref<!tpu.dma_semaphore, #tpu.memory_space<semaphore_mem>>) {add = true}
        %dma_wait3A_268 = tpu.memref_slice %arg7[%mul3A_223] : memref<5120xi32, #tpu.memory_space<vmem>> -> memref<64xi32, #tpu.memory_space<vmem>>
        %dma_wait3A_269 = arith.constant 0 : i32
        %dma_wait3A_270 = arith.constant 0 : i32
        %dma_wait3A_271 = tpu.memref_slice %arg5[%dma_wait3A_269, %dma_wait3A_270] : memref<10240x128xf32, #tpu.memory_space<vmem_shared>> -> memref<10240x128xf32, #tpu.memory_space<vmem_shared>>
        tpu.wait_indirect_dma semaphore(%run_scoped3A : memref<!tpu.dma_semaphore, #tpu.memory_space<semaphore_mem>>) src(%arg9 : memref<64x128xf32, #tpu.memory_space<vmem>>) dst(%dma_wait3A_271 : memref<10240x128xf32, #tpu.memory_space<vmem_shared>>)
        tpu.yield
      }) : () -> ()
      %add3A_224 = arith.constant 5 : i32
      %add3A_225 = arith.addi %mul3A_187, %add3A_224 : i32
      %mul3A_226 = arith.constant 64 : i32
      %mul3A_227 = arith.muli %add3A_225, %mul3A_226 : i32
      %dma_start3A_228 = tpu.memref_slice %arg6[%mul3A_227] : memref<5120xi32, #tpu.memory_space<vmem>> -> memref<64xi32, #tpu.memory_space<vmem>>
      %dma_start3A_229 = arith.constant 0 : i32
      %dma_start3A_230 = arith.constant 0 : i32
      %dma_start3A_231 = tpu.memref_slice %arg2[%dma_start3A_229, %dma_start3A_230] : memref<10000x128xf32, #tpu.memory_space<hbm>> -> memref<10000x128xf32, #tpu.memory_space<hbm>>
      tpu.enqueue_indirect_dma source(%dma_start3A_231 : memref<10000x128xf32, #tpu.memory_space<hbm>>) target(%arg9 : memref<64x128xf32, #tpu.memory_space<vmem>>) offsets(%dma_start3A_228 : memref<64xi32, #tpu.memory_space<vmem>>) semaphore(%arg13 : memref<!tpu.dma_semaphore, #tpu.memory_space<semaphore_mem>>)
      %add3A_232 = arith.constant 2 : i32
      %add3A_233 = arith.addi %mul3A_187, %add3A_232 : i32
      %mul3A_234 = arith.constant 64 : i32
      %mul3A_235 = arith.muli %add3A_233, %mul3A_234 : i32
      %dma_wait3A_236 = tpu.memref_slice %arg6[%mul3A_235] : memref<5120xi32, #tpu.memory_space<vmem>> -> memref<64xi32, #tpu.memory_space<vmem>>
      %dma_wait3A_237 = arith.constant 0 : i32
      %dma_wait3A_238 = arith.constant 0 : i32
      %dma_wait3A_239 = tpu.memref_slice %arg2[%dma_wait3A_237, %dma_wait3A_238] : memref<10000x128xf32, #tpu.memory_space<hbm>> -> memref<10000x128xf32, #tpu.memory_space<hbm>>
      tpu.wait_indirect_dma semaphore(%arg14 : memref<!tpu.dma_semaphore, #tpu.memory_space<semaphore_mem>>) src(%dma_wait3A_239 : memref<10000x128xf32, #tpu.memory_space<hbm>>) dst(%arg10 : memref<64x128xf32, #tpu.memory_space<vmem>>)
      %add3A_240 = arith.constant 2 : i32
      %add3A_241 = arith.addi %mul3A_187, %add3A_240 : i32
      %mul3A_242 = arith.constant 64 : i32
      %mul3A_243 = arith.muli %add3A_241, %mul3A_242 : i32
      "tpu.region"() ({
        %run_scoped3A = tpu.sem_alloc : memref<!tpu.dma_semaphore, #tpu.memory_space<semaphore_mem>>
        %dma_start3A_264 = tpu.memref_slice %arg7[%mul3A_243] : memref<5120xi32, #tpu.memory_space<vmem>> -> memref<64xi32, #tpu.memory_space<vmem>>
        %dma_start3A_265 = arith.constant 0 : i32
        %dma_start3A_266 = arith.constant 0 : i32
        %dma_start3A_267 = tpu.memref_slice %arg5[%dma_start3A_265, %dma_start3A_266] : memref<10240x128xf32, #tpu.memory_space<vmem_shared>> -> memref<10240x128xf32, #tpu.memory_space<vmem_shared>>
        tpu.enqueue_indirect_dma source(%arg10 : memref<64x128xf32, #tpu.memory_space<vmem>>) target(%dma_start3A_267 : memref<10240x128xf32, #tpu.memory_space<vmem_shared>>) offsets(%dma_start3A_264 : memref<64xi32, #tpu.memory_space<vmem>>) semaphore(%run_scoped3A : memref<!tpu.dma_semaphore, #tpu.memory_space<semaphore_mem>>) {add = true}
        %dma_wait3A_268 = tpu.memref_slice %arg7[%mul3A_243] : memref<5120xi32, #tpu.memory_space<vmem>> -> memref<64xi32, #tpu.memory_space<vmem>>
        %dma_wait3A_269 = arith.constant 0 : i32
        %dma_wait3A_270 = arith.constant 0 : i32
        %dma_wait3A_271 = tpu.memref_slice %arg5[%dma_wait3A_269, %dma_wait3A_270] : memref<10240x128xf32, #tpu.memory_space<vmem_shared>> -> memref<10240x128xf32, #tpu.memory_space<vmem_shared>>
        tpu.wait_indirect_dma semaphore(%run_scoped3A : memref<!tpu.dma_semaphore, #tpu.memory_space<semaphore_mem>>) src(%arg10 : memref<64x128xf32, #tpu.memory_space<vmem>>) dst(%dma_wait3A_271 : memref<10240x128xf32, #tpu.memory_space<vmem_shared>>)
        tpu.yield
      }) : () -> ()
      %add3A_244 = arith.constant 6 : i32
      %add3A_245 = arith.addi %mul3A_187, %add3A_244 : i32
      %mul3A_246 = arith.constant 64 : i32
      %mul3A_247 = arith.muli %add3A_245, %mul3A_246 : i32
      %dma_start3A_248 = tpu.memref_slice %arg6[%mul3A_247] : memref<5120xi32, #tpu.memory_space<vmem>> -> memref<64xi32, #tpu.memory_space<vmem>>
      %dma_start3A_249 = arith.constant 0 : i32
      %dma_start3A_250 = arith.constant 0 : i32
      %dma_start3A_251 = tpu.memref_slice %arg2[%dma_start3A_249, %dma_start3A_250] : memref<10000x128xf32, #tpu.memory_space<hbm>> -> memref<10000x128xf32, #tpu.memory_space<hbm>>
      tpu.enqueue_indirect_dma source(%dma_start3A_251 : memref<10000x128xf32, #tpu.memory_space<hbm>>) target(%arg10 : memref<64x128xf32, #tpu.memory_space<vmem>>) offsets(%dma_start3A_248 : memref<64xi32, #tpu.memory_space<vmem>>) semaphore(%arg14 : memref<!tpu.dma_semaphore, #tpu.memory_space<semaphore_mem>>)
      %add3A_252 = arith.constant 3 : i32
      %add3A_253 = arith.addi %mul3A_187, %add3A_252 : i32
      %mul3A_254 = arith.constant 64 : i32
      %mul3A_255 = arith.muli %add3A_253, %mul3A_254 : i32
      %dma_wait3A_256 = tpu.memref_slice %arg6[%mul3A_255] : memref<5120xi32, #tpu.memory_space<vmem>> -> memref<64xi32, #tpu.memory_space<vmem>>
      %dma_wait3A_257 = arith.constant 0 : i32
      %dma_wait3A_258 = arith.constant 0 : i32
      %dma_wait3A_259 = tpu.memref_slice %arg2[%dma_wait3A_257, %dma_wait3A_258] : memref<10000x128xf32, #tpu.memory_space<hbm>> -> memref<10000x128xf32, #tpu.memory_space<hbm>>
      tpu.wait_indirect_dma semaphore(%arg15 : memref<!tpu.dma_semaphore, #tpu.memory_space<semaphore_mem>>) src(%dma_wait3A_259 : memref<10000x128xf32, #tpu.memory_space<hbm>>) dst(%arg11 : memref<64x128xf32, #tpu.memory_space<vmem>>)
      %add3A_260 = arith.constant 3 : i32
      %add3A_261 = arith.addi %mul3A_187, %add3A_260 : i32
      %mul3A_262 = arith.constant 64 : i32
      %mul3A_263 = arith.muli %add3A_261, %mul3A_262 : i32
      "tpu.region"() ({
        %run_scoped3A = tpu.sem_alloc : memref<!tpu.dma_semaphore, #tpu.memory_space<semaphore_mem>>
        %dma_start3A_264 = tpu.memref_slice %arg7[%mul3A_263] : memref<5120xi32, #tpu.memory_space<vmem>> -> memref<64xi32, #tpu.memory_space<vmem>>
        %dma_start3A_265 = arith.constant 0 : i32
        %dma_start3A_266 = arith.constant 0 : i32
        %dma_start3A_267 = tpu.memref_slice %arg5[%dma_start3A_265, %dma_start3A_266] : memref<10240x128xf32, #tpu.memory_space<vmem_shared>> -> memref<10240x128xf32, #tpu.memory_space<vmem_shared>>
        tpu.enqueue_indirect_dma source(%arg11 : memref<64x128xf32, #tpu.memory_space<vmem>>) target(%dma_start3A_267 : memref<10240x128xf32, #tpu.memory_space<vmem_shared>>) offsets(%dma_start3A_264 : memref<64xi32, #tpu.memory_space<vmem>>) semaphore(%run_scoped3A : memref<!tpu.dma_semaphore, #tpu.memory_space<semaphore_mem>>) {add = true}
        %dma_wait3A_268 = tpu.memref_slice %arg7[%mul3A_263] : memref<5120xi32, #tpu.memory_space<vmem>> -> memref<64xi32, #tpu.memory_space<vmem>>
        %dma_wait3A_269 = arith.constant 0 : i32
        %dma_wait3A_270 = arith.constant 0 : i32
        %dma_wait3A_271 = tpu.memref_slice %arg5[%dma_wait3A_269, %dma_wait3A_270] : memref<10240x128xf32, #tpu.memory_space<vmem_shared>> -> memref<10240x128xf32, #tpu.memory_space<vmem_shared>>
        tpu.wait_indirect_dma semaphore(%run_scoped3A : memref<!tpu.dma_semaphore, #tpu.memory_space<semaphore_mem>>) src(%arg11 : memref<64x128xf32, #tpu.memory_space<vmem>>) dst(%dma_wait3A_271 : memref<10240x128xf32, #tpu.memory_space<vmem_shared>>)
        tpu.yield
      }) : () -> ()
    }
    %while3A_131 = arith.constant 1 : i32
    scf.for %while3A_185 = %while3A_129 to %while3A_125 step %while3A_131  : i32 {
      %mul3A_186 = arith.constant 4 : i32
      %mul3A_187 = arith.muli %mul3A_186, %while3A_185 : i32
      %add3A_188 = arith.constant 3 : i32
      %add3A_189 = arith.addi %mul3A_187, %add3A_188 : i32
      %mul3A_190 = arith.constant 64 : i32
      %mul3A_191 = arith.muli %add3A_189, %mul3A_190 : i32
      %dma_start3A_192 = tpu.memref_slice %arg6[%mul3A_191] : memref<5120xi32, #tpu.memory_space<vmem>> -> memref<64xi32, #tpu.memory_space<vmem>>
      %dma_start3A_193 = arith.constant 0 : i32
      %dma_start3A_194 = arith.constant 0 : i32
      %dma_start3A_195 = tpu.memref_slice %arg2[%dma_start3A_193, %dma_start3A_194] : memref<10000x128xf32, #tpu.memory_space<hbm>> -> memref<10000x128xf32, #tpu.memory_space<hbm>>
      tpu.enqueue_indirect_dma source(%dma_start3A_195 : memref<10000x128xf32, #tpu.memory_space<hbm>>) target(%arg11 : memref<64x128xf32, #tpu.memory_space<vmem>>) offsets(%dma_start3A_192 : memref<64xi32, #tpu.memory_space<vmem>>) semaphore(%arg15 : memref<!tpu.dma_semaphore, #tpu.memory_space<semaphore_mem>>)
      %mul3A_196 = arith.constant 64 : i32
      %mul3A_197 = arith.muli %mul3A_187, %mul3A_196 : i32
      %dma_wait3A_198 = tpu.memref_slice %arg6[%mul3A_197] : memref<5120xi32, #tpu.memory_space<vmem>> -> memref<64xi32, #tpu.memory_space<vmem>>
      %dma_wait3A_199 = arith.constant 0 : i32
      %dma_wait3A_200 = arith.constant 0 : i32
      %dma_wait3A_201 = tpu.memref_slice %arg2[%dma_wait3A_199, %dma_wait3A_200] : memref<10000x128xf32, #tpu.memory_space<hbm>> -> memref<10000x128xf32, #tpu.memory_space<hbm>>
      tpu.wait_indirect_dma semaphore(%arg12 : memref<!tpu.dma_semaphore, #tpu.memory_space<semaphore_mem>>) src(%dma_wait3A_201 : memref<10000x128xf32, #tpu.memory_space<hbm>>) dst(%arg8 : memref<64x128xf32, #tpu.memory_space<vmem>>)
      %mul3A_202 = arith.constant 64 : i32
      %mul3A_203 = arith.muli %mul3A_187, %mul3A_202 : i32
      "tpu.region"() ({
        %run_scoped3A = tpu.sem_alloc : memref<!tpu.dma_semaphore, #tpu.memory_space<semaphore_mem>>
        %dma_start3A_264 = tpu.memref_slice %arg7[%mul3A_203] : memref<5120xi32, #tpu.memory_space<vmem>> -> memref<64xi32, #tpu.memory_space<vmem>>
        %dma_start3A_265 = arith.constant 0 : i32
        %dma_start3A_266 = arith.constant 0 : i32
        %dma_start3A_267 = tpu.memref_slice %arg5[%dma_start3A_265, %dma_start3A_266] : memref<10240x128xf32, #tpu.memory_space<vmem_shared>> -> memref<10240x128xf32, #tpu.memory_space<vmem_shared>>
        tpu.enqueue_indirect_dma source(%arg8 : memref<64x128xf32, #tpu.memory_space<vmem>>) target(%dma_start3A_267 : memref<10240x128xf32, #tpu.memory_space<vmem_shared>>) offsets(%dma_start3A_264 : memref<64xi32, #tpu.memory_space<vmem>>) semaphore(%run_scoped3A : memref<!tpu.dma_semaphore, #tpu.memory_space<semaphore_mem>>) {add = true}
        %dma_wait3A_268 = tpu.memref_slice %arg7[%mul3A_203] : memref<5120xi32, #tpu.memory_space<vmem>> -> memref<64xi32, #tpu.memory_space<vmem>>
        %dma_wait3A_269 = arith.constant 0 : i32
        %dma_wait3A_270 = arith.constant 0 : i32
        %dma_wait3A_271 = tpu.memref_slice %arg5[%dma_wait3A_269, %dma_wait3A_270] : memref<10240x128xf32, #tpu.memory_space<vmem_shared>> -> memref<10240x128xf32, #tpu.memory_space<vmem_shared>>
        tpu.wait_indirect_dma semaphore(%run_scoped3A : memref<!tpu.dma_semaphore, #tpu.memory_space<semaphore_mem>>) src(%arg8 : memref<64x128xf32, #tpu.memory_space<vmem>>) dst(%dma_wait3A_271 : memref<10240x128xf32, #tpu.memory_space<vmem_shared>>)
        tpu.yield
      }) : () -> ()
      %add3A_204 = arith.constant 4 : i32
      %add3A_205 = arith.addi %mul3A_187, %add3A_204 : i32
      %mul3A_206 = arith.constant 64 : i32
      %mul3A_207 = arith.muli %add3A_205, %mul3A_206 : i32
      %dma_start3A_208 = tpu.memref_slice %arg6[%mul3A_207] : memref<5120xi32, #tpu.memory_space<vmem>> -> memref<64xi32, #tpu.memory_space<vmem>>
      %dma_start3A_209 = arith.constant 0 : i32
      %dma_start3A_210 = arith.constant 0 : i32
      %dma_start3A_211 = tpu.memref_slice %arg2[%dma_start3A_209, %dma_start3A_210] : memref<10000x128xf32, #tpu.memory_space<hbm>> -> memref<10000x128xf32, #tpu.memory_space<hbm>>
      tpu.enqueue_indirect_dma source(%dma_start3A_211 : memref<10000x128xf32, #tpu.memory_space<hbm>>) target(%arg8 : memref<64x128xf32, #tpu.memory_space<vmem>>) offsets(%dma_start3A_208 : memref<64xi32, #tpu.memory_space<vmem>>) semaphore(%arg12 : memref<!tpu.dma_semaphore, #tpu.memory_space<semaphore_mem>>)
      %add3A_212 = arith.constant 1 : i32
      %add3A_213 = arith.addi %mul3A_187, %add3A_212 : i32
      %mul3A_214 = arith.constant 64 : i32
      %mul3A_215 = arith.muli %add3A_213, %mul3A_214 : i32
      %dma_wait3A_216 = tpu.memref_slice %arg6[%mul3A_215] : memref<5120xi32, #tpu.memory_space<vmem>> -> memref<64xi32, #tpu.memory_space<vmem>>
      %dma_wait3A_217 = arith.constant 0 : i32
      %dma_wait3A_218 = arith.constant 0 : i32
      %dma_wait3A_219 = tpu.memref_slice %arg2[%dma_wait3A_217, %dma_wait3A_218] : memref<10000x128xf32, #tpu.memory_space<hbm>> -> memref<10000x128xf32, #tpu.memory_space<hbm>>
      tpu.wait_indirect_dma semaphore(%arg13 : memref<!tpu.dma_semaphore, #tpu.memory_space<semaphore_mem>>) src(%dma_wait3A_219 : memref<10000x128xf32, #tpu.memory_space<hbm>>) dst(%arg9 : memref<64x128xf32, #tpu.memory_space<vmem>>)
      %add3A_220 = arith.constant 1 : i32
      %add3A_221 = arith.addi %mul3A_187, %add3A_220 : i32
      %mul3A_222 = arith.constant 64 : i32
      %mul3A_223 = arith.muli %add3A_221, %mul3A_222 : i32
      "tpu.region"() ({
        %run_scoped3A = tpu.sem_alloc : memref<!tpu.dma_semaphore, #tpu.memory_space<semaphore_mem>>
        %dma_start3A_264 = tpu.memref_slice %arg7[%mul3A_223] : memref<5120xi32, #tpu.memory_space<vmem>> -> memref<64xi32, #tpu.memory_space<vmem>>
        %dma_start3A_265 = arith.constant 0 : i32
        %dma_start3A_266 = arith.constant 0 : i32
        %dma_start3A_267 = tpu.memref_slice %arg5[%dma_start3A_265, %dma_start3A_266] : memref<10240x128xf32, #tpu.memory_space<vmem_shared>> -> memref<10240x128xf32, #tpu.memory_space<vmem_shared>>
        tpu.enqueue_indirect_dma source(%arg9 : memref<64x128xf32, #tpu.memory_space<vmem>>) target(%dma_start3A_267 : memref<10240x128xf32, #tpu.memory_space<vmem_shared>>) offsets(%dma_start3A_264 : memref<64xi32, #tpu.memory_space<vmem>>) semaphore(%run_scoped3A : memref<!tpu.dma_semaphore, #tpu.memory_space<semaphore_mem>>) {add = true}
        %dma_wait3A_268 = tpu.memref_slice %arg7[%mul3A_223] : memref<5120xi32, #tpu.memory_space<vmem>> -> memref<64xi32, #tpu.memory_space<vmem>>
        %dma_wait3A_269 = arith.constant 0 : i32
        %dma_wait3A_270 = arith.constant 0 : i32
        %dma_wait3A_271 = tpu.memref_slice %arg5[%dma_wait3A_269, %dma_wait3A_270] : memref<10240x128xf32, #tpu.memory_space<vmem_shared>> -> memref<10240x128xf32, #tpu.memory_space<vmem_shared>>
        tpu.wait_indirect_dma semaphore(%run_scoped3A : memref<!tpu.dma_semaphore, #tpu.memory_space<semaphore_mem>>) src(%arg9 : memref<64x128xf32, #tpu.memory_space<vmem>>) dst(%dma_wait3A_271 : memref<10240x128xf32, #tpu.memory_space<vmem_shared>>)
        tpu.yield
      }) : () -> ()
      %add3A_224 = arith.constant 5 : i32
      %add3A_225 = arith.addi %mul3A_187, %add3A_224 : i32
      %mul3A_226 = arith.constant 64 : i32
      %mul3A_227 = arith.muli %add3A_225, %mul3A_226 : i32
      %dma_start3A_228 = tpu.memref_slice %arg6[%mul3A_227] : memref<5120xi32, #tpu.memory_space<vmem>> -> memref<64xi32, #tpu.memory_space<vmem>>
      %dma_start3A_229 = arith.constant 0 : i32
      %dma_start3A_230 = arith.constant 0 : i32
      %dma_start3A_231 = tpu.memref_slice %arg2[%dma_start3A_229, %dma_start3A_230] : memref<10000x128xf32, #tpu.memory_space<hbm>> -> memref<10000x128xf32, #tpu.memory_space<hbm>>
      tpu.enqueue_indirect_dma source(%dma_start3A_231 : memref<10000x128xf32, #tpu.memory_space<hbm>>) target(%arg9 : memref<64x128xf32, #tpu.memory_space<vmem>>) offsets(%dma_start3A_228 : memref<64xi32, #tpu.memory_space<vmem>>) semaphore(%arg13 : memref<!tpu.dma_semaphore, #tpu.memory_space<semaphore_mem>>)
      %add3A_232 = arith.constant 2 : i32
      %add3A_233 = arith.addi %mul3A_187, %add3A_232 : i32
      %mul3A_234 = arith.constant 64 : i32
      %mul3A_235 = arith.muli %add3A_233, %mul3A_234 : i32
      %dma_wait3A_236 = tpu.memref_slice %arg6[%mul3A_235] : memref<5120xi32, #tpu.memory_space<vmem>> -> memref<64xi32, #tpu.memory_space<vmem>>
      %dma_wait3A_237 = arith.constant 0 : i32
      %dma_wait3A_238 = arith.constant 0 : i32
      %dma_wait3A_239 = tpu.memref_slice %arg2[%dma_wait3A_237, %dma_wait3A_238] : memref<10000x128xf32, #tpu.memory_space<hbm>> -> memref<10000x128xf32, #tpu.memory_space<hbm>>
      tpu.wait_indirect_dma semaphore(%arg14 : memref<!tpu.dma_semaphore, #tpu.memory_space<semaphore_mem>>) src(%dma_wait3A_239 : memref<10000x128xf32, #tpu.memory_space<hbm>>) dst(%arg10 : memref<64x128xf32, #tpu.memory_space<vmem>>)
      %add3A_240 = arith.constant 2 : i32
      %add3A_241 = arith.addi %mul3A_187, %add3A_240 : i32
      %mul3A_242 = arith.constant 64 : i32
      %mul3A_243 = arith.muli %add3A_241, %mul3A_242 : i32
      "tpu.region"() ({
        %run_scoped3A = tpu.sem_alloc : memref<!tpu.dma_semaphore, #tpu.memory_space<semaphore_mem>>
        %dma_start3A_264 = tpu.memref_slice %arg7[%mul3A_243] : memref<5120xi32, #tpu.memory_space<vmem>> -> memref<64xi32, #tpu.memory_space<vmem>>
        %dma_start3A_265 = arith.constant 0 : i32
        %dma_start3A_266 = arith.constant 0 : i32
        %dma_start3A_267 = tpu.memref_slice %arg5[%dma_start3A_265, %dma_start3A_266] : memref<10240x128xf32, #tpu.memory_space<vmem_shared>> -> memref<10240x128xf32, #tpu.memory_space<vmem_shared>>
        tpu.enqueue_indirect_dma source(%arg10 : memref<64x128xf32, #tpu.memory_space<vmem>>) target(%dma_start3A_267 : memref<10240x128xf32, #tpu.memory_space<vmem_shared>>) offsets(%dma_start3A_264 : memref<64xi32, #tpu.memory_space<vmem>>) semaphore(%run_scoped3A : memref<!tpu.dma_semaphore, #tpu.memory_space<semaphore_mem>>) {add = true}
        %dma_wait3A_268 = tpu.memref_slice %arg7[%mul3A_243] : memref<5120xi32, #tpu.memory_space<vmem>> -> memref<64xi32, #tpu.memory_space<vmem>>
        %dma_wait3A_269 = arith.constant 0 : i32
        %dma_wait3A_270 = arith.constant 0 : i32
        %dma_wait3A_271 = tpu.memref_slice %arg5[%dma_wait3A_269, %dma_wait3A_270] : memref<10240x128xf32, #tpu.memory_space<vmem_shared>> -> memref<10240x128xf32, #tpu.memory_space<vmem_shared>>
        tpu.wait_indirect_dma semaphore(%run_scoped3A : memref<!tpu.dma_semaphore, #tpu.memory_space<semaphore_mem>>) src(%arg10 : memref<64x128xf32, #tpu.memory_space<vmem>>) dst(%dma_wait3A_271 : memref<10240x128xf32, #tpu.memory_space<vmem_shared>>)
        tpu.yield
      }) : () -> ()
      %add3A_244 = arith.constant 6 : i32
      %add3A_245 = arith.addi %mul3A_187, %add3A_244 : i32
      %mul3A_246 = arith.constant 64 : i32
      %mul3A_247 = arith.muli %add3A_245, %mul3A_246 : i32
      %dma_start3A_248 = tpu.memref_slice %arg6[%mul3A_247] : memref<5120xi32, #tpu.memory_space<vmem>> -> memref<64xi32, #tpu.memory_space<vmem>>
      %dma_start3A_249 = arith.constant 0 : i32
      %dma_start3A_250 = arith.constant 0 : i32
      %dma_start3A_251 = tpu.memref_slice %arg2[%dma_start3A_249, %dma_start3A_250] : memref<10000x128xf32, #tpu.memory_space<hbm>> -> memref<10000x128xf32, #tpu.memory_space<hbm>>
      tpu.enqueue_indirect_dma source(%dma_start3A_251 : memref<10000x128xf32, #tpu.memory_space<hbm>>) target(%arg10 : memref<64x128xf32, #tpu.memory_space<vmem>>) offsets(%dma_start3A_248 : memref<64xi32, #tpu.memory_space<vmem>>) semaphore(%arg14 : memref<!tpu.dma_semaphore, #tpu.memory_space<semaphore_mem>>)
      %add3A_252 = arith.constant 3 : i32
      %add3A_253 = arith.addi %mul3A_187, %add3A_252 : i32
      %mul3A_254 = arith.constant 64 : i32
      %mul3A_255 = arith.muli %add3A_253, %mul3A_254 : i32
      %dma_wait3A_256 = tpu.memref_slice %arg6[%mul3A_255] : memref<5120xi32, #tpu.memory_space<vmem>> -> memref<64xi32, #tpu.memory_space<vmem>>
      %dma_wait3A_257 = arith.constant 0 : i32
      %dma_wait3A_258 = arith.constant 0 : i32
      %dma_wait3A_259 = tpu.memref_slice %arg2[%dma_wait3A_257, %dma_wait3A_258] : memref<10000x128xf32, #tpu.memory_space<hbm>> -> memref<10000x128xf32, #tpu.memory_space<hbm>>
      tpu.wait_indirect_dma semaphore(%arg15 : memref<!tpu.dma_semaphore, #tpu.memory_space<semaphore_mem>>) src(%dma_wait3A_259 : memref<10000x128xf32, #tpu.memory_space<hbm>>) dst(%arg11 : memref<64x128xf32, #tpu.memory_space<vmem>>)
      %add3A_260 = arith.constant 3 : i32
      %add3A_261 = arith.addi %mul3A_187, %add3A_260 : i32
      %mul3A_262 = arith.constant 64 : i32
      %mul3A_263 = arith.muli %add3A_261, %mul3A_262 : i32
      "tpu.region"() ({
        %run_scoped3A = tpu.sem_alloc : memref<!tpu.dma_semaphore, #tpu.memory_space<semaphore_mem>>
        %dma_start3A_264 = tpu.memref_slice %arg7[%mul3A_263] : memref<5120xi32, #tpu.memory_space<vmem>> -> memref<64xi32, #tpu.memory_space<vmem>>
        %dma_start3A_265 = arith.constant 0 : i32
        %dma_start3A_266 = arith.constant 0 : i32
        %dma_start3A_267 = tpu.memref_slice %arg5[%dma_start3A_265, %dma_start3A_266] : memref<10240x128xf32, #tpu.memory_space<vmem_shared>> -> memref<10240x128xf32, #tpu.memory_space<vmem_shared>>
        tpu.enqueue_indirect_dma source(%arg11 : memref<64x128xf32, #tpu.memory_space<vmem>>) target(%dma_start3A_267 : memref<10240x128xf32, #tpu.memory_space<vmem_shared>>) offsets(%dma_start3A_264 : memref<64xi32, #tpu.memory_space<vmem>>) semaphore(%run_scoped3A : memref<!tpu.dma_semaphore, #tpu.memory_space<semaphore_mem>>) {add = true}
        %dma_wait3A_268 = tpu.memref_slice %arg7[%mul3A_263] : memref<5120xi32, #tpu.memory_space<vmem>> -> memref<64xi32, #tpu.memory_space<vmem>>
        %dma_wait3A_269 = arith.constant 0 : i32
        %dma_wait3A_270 = arith.constant 0 : i32
        %dma_wait3A_271 = tpu.memref_slice %arg5[%dma_wait3A_269, %dma_wait3A_270] : memref<10240x128xf32, #tpu.memory_space<vmem_shared>> -> memref<10240x128xf32, #tpu.memory_space<vmem_shared>>
        tpu.wait_indirect_dma semaphore(%run_scoped3A : memref<!tpu.dma_semaphore, #tpu.memory_space<semaphore_mem>>) src(%arg11 : memref<64x128xf32, #tpu.memory_space<vmem>>) dst(%dma_wait3A_271 : memref<10240x128xf32, #tpu.memory_space<vmem_shared>>)
        tpu.yield
      }) : () -> ()
    }
    %add3A_132 = arith.constant 3 : i32
    %add3A_133 = arith.addi %select_n3A_19, %add3A_132 : i32
    %mul3A_134 = arith.constant 64 : i32
    %mul3A_135 = arith.muli %add3A_133, %mul3A_134 : i32
    %dma_start3A_136 = tpu.memref_slice %arg6[%mul3A_135] : memref<5120xi32, #tpu.memory_space<vmem>> -> memref<64xi32, #tpu.memory_space<vmem>>
    %dma_start3A_137 = arith.constant 0 : i32
    %dma_start3A_138 = arith.constant 0 : i32
    %dma_start3A_139 = tpu.memref_slice %arg2[%dma_start3A_137, %dma_start3A_138] : memref<10000x128xf32, #tpu.memory_space<hbm>> -> memref<10000x128xf32, #tpu.memory_space<hbm>>
    tpu.enqueue_indirect_dma source(%dma_start3A_139 : memref<10000x128xf32, #tpu.memory_space<hbm>>) target(%arg11 : memref<64x128xf32, #tpu.memory_space<vmem>>) offsets(%dma_start3A_136 : memref<64xi32, #tpu.memory_space<vmem>>) semaphore(%arg15 : memref<!tpu.dma_semaphore, #tpu.memory_space<semaphore_mem>>)
    %mul3A_140 = arith.constant 64 : i32
    %mul3A_141 = arith.muli %select_n3A_19, %mul3A_140 : i32
    %dma_wait3A_142 = tpu.memref_slice %arg6[%mul3A_141] : memref<5120xi32, #tpu.memory_space<vmem>> -> memref<64xi32, #tpu.memory_space<vmem>>
    %dma_wait3A_143 = arith.constant 0 : i32
    %dma_wait3A_144 = arith.constant 0 : i32
    %dma_wait3A_145 = tpu.memref_slice %arg2[%dma_wait3A_143, %dma_wait3A_144] : memref<10000x128xf32, #tpu.memory_space<hbm>> -> memref<10000x128xf32, #tpu.memory_space<hbm>>
    tpu.wait_indirect_dma semaphore(%arg12 : memref<!tpu.dma_semaphore, #tpu.memory_space<semaphore_mem>>) src(%dma_wait3A_145 : memref<10000x128xf32, #tpu.memory_space<hbm>>) dst(%arg8 : memref<64x128xf32, #tpu.memory_space<vmem>>)
    %mul3A_146 = arith.constant 64 : i32
    %mul3A_147 = arith.muli %select_n3A_19, %mul3A_146 : i32
    "tpu.region"() ({
      %run_scoped3A = tpu.sem_alloc : memref<!tpu.dma_semaphore, #tpu.memory_space<semaphore_mem>>
      %dma_start3A_185 = tpu.memref_slice %arg7[%mul3A_147] : memref<5120xi32, #tpu.memory_space<vmem>> -> memref<64xi32, #tpu.memory_space<vmem>>
      %dma_start3A_186 = arith.constant 0 : i32
      %dma_start3A_187 = arith.constant 0 : i32
      %dma_start3A_188 = tpu.memref_slice %arg5[%dma_start3A_186, %dma_start3A_187] : memref<10240x128xf32, #tpu.memory_space<vmem_shared>> -> memref<10240x128xf32, #tpu.memory_space<vmem_shared>>
      tpu.enqueue_indirect_dma source(%arg8 : memref<64x128xf32, #tpu.memory_space<vmem>>) target(%dma_start3A_188 : memref<10240x128xf32, #tpu.memory_space<vmem_shared>>) offsets(%dma_start3A_185 : memref<64xi32, #tpu.memory_space<vmem>>) semaphore(%run_scoped3A : memref<!tpu.dma_semaphore, #tpu.memory_space<semaphore_mem>>) {add = true}
      %dma_wait3A_189 = tpu.memref_slice %arg7[%mul3A_147] : memref<5120xi32, #tpu.memory_space<vmem>> -> memref<64xi32, #tpu.memory_space<vmem>>
      %dma_wait3A_190 = arith.constant 0 : i32
      %dma_wait3A_191 = arith.constant 0 : i32
      %dma_wait3A_192 = tpu.memref_slice %arg5[%dma_wait3A_190, %dma_wait3A_191] : memref<10240x128xf32, #tpu.memory_space<vmem_shared>> -> memref<10240x128xf32, #tpu.memory_space<vmem_shared>>
      tpu.wait_indirect_dma semaphore(%run_scoped3A : memref<!tpu.dma_semaphore, #tpu.memory_space<semaphore_mem>>) src(%arg8 : memref<64x128xf32, #tpu.memory_space<vmem>>) dst(%dma_wait3A_192 : memref<10240x128xf32, #tpu.memory_space<vmem_shared>>)
      tpu.yield
    }) : () -> ()
    %add3A_148 = arith.constant 1 : i32
    %add3A_149 = arith.addi %select_n3A_19, %add3A_148 : i32
    %mul3A_150 = arith.constant 64 : i32
    %mul3A_151 = arith.muli %add3A_149, %mul3A_150 : i32
    %dma_wait3A_152 = tpu.memref_slice %arg6[%mul3A_151] : memref<5120xi32, #tpu.memory_space<vmem>> -> memref<64xi32, #tpu.memory_space<vmem>>
    %dma_wait3A_153 = arith.constant 0 : i32
    %dma_wait3A_154 = arith.constant 0 : i32
    %dma_wait3A_155 = tpu.memref_slice %arg2[%dma_wait3A_153, %dma_wait3A_154] : memref<10000x128xf32, #tpu.memory_space<hbm>> -> memref<10000x128xf32, #tpu.memory_space<hbm>>
    tpu.wait_indirect_dma semaphore(%arg13 : memref<!tpu.dma_semaphore, #tpu.memory_space<semaphore_mem>>) src(%dma_wait3A_155 : memref<10000x128xf32, #tpu.memory_space<hbm>>) dst(%arg9 : memref<64x128xf32, #tpu.memory_space<vmem>>)
    %add3A_156 = arith.constant 1 : i32
    %add3A_157 = arith.addi %select_n3A_19, %add3A_156 : i32
    %mul3A_158 = arith.constant 64 : i32
    %mul3A_159 = arith.muli %add3A_157, %mul3A_158 : i32
    "tpu.region"() ({
      %run_scoped3A = tpu.sem_alloc : memref<!tpu.dma_semaphore, #tpu.memory_space<semaphore_mem>>
      %dma_start3A_185 = tpu.memref_slice %arg7[%mul3A_159] : memref<5120xi32, #tpu.memory_space<vmem>> -> memref<64xi32, #tpu.memory_space<vmem>>
      %dma_start3A_186 = arith.constant 0 : i32
      %dma_start3A_187 = arith.constant 0 : i32
      %dma_start3A_188 = tpu.memref_slice %arg5[%dma_start3A_186, %dma_start3A_187] : memref<10240x128xf32, #tpu.memory_space<vmem_shared>> -> memref<10240x128xf32, #tpu.memory_space<vmem_shared>>
      tpu.enqueue_indirect_dma source(%arg9 : memref<64x128xf32, #tpu.memory_space<vmem>>) target(%dma_start3A_188 : memref<10240x128xf32, #tpu.memory_space<vmem_shared>>) offsets(%dma_start3A_185 : memref<64xi32, #tpu.memory_space<vmem>>) semaphore(%run_scoped3A : memref<!tpu.dma_semaphore, #tpu.memory_space<semaphore_mem>>) {add = true}
      %dma_wait3A_189 = tpu.memref_slice %arg7[%mul3A_159] : memref<5120xi32, #tpu.memory_space<vmem>> -> memref<64xi32, #tpu.memory_space<vmem>>
      %dma_wait3A_190 = arith.constant 0 : i32
      %dma_wait3A_191 = arith.constant 0 : i32
      %dma_wait3A_192 = tpu.memref_slice %arg5[%dma_wait3A_190, %dma_wait3A_191] : memref<10240x128xf32, #tpu.memory_space<vmem_shared>> -> memref<10240x128xf32, #tpu.memory_space<vmem_shared>>
      tpu.wait_indirect_dma semaphore(%run_scoped3A : memref<!tpu.dma_semaphore, #tpu.memory_space<semaphore_mem>>) src(%arg9 : memref<64x128xf32, #tpu.memory_space<vmem>>) dst(%dma_wait3A_192 : memref<10240x128xf32, #tpu.memory_space<vmem_shared>>)
      tpu.yield
    }) : () -> ()
    %add3A_160 = arith.constant 2 : i32
    %add3A_161 = arith.addi %select_n3A_19, %add3A_160 : i32
    %mul3A_162 = arith.constant 64 : i32
    %mul3A_163 = arith.muli %add3A_161, %mul3A_162 : i32
    %dma_wait3A_164 = tpu.memref_slice %arg6[%mul3A_163] : memref<5120xi32, #tpu.memory_space<vmem>> -> memref<64xi32, #tpu.memory_space<vmem>>
    %dma_wait3A_165 = arith.constant 0 : i32
    %dma_wait3A_166 = arith.constant 0 : i32
    %dma_wait3A_167 = tpu.memref_slice %arg2[%dma_wait3A_165, %dma_wait3A_166] : memref<10000x128xf32, #tpu.memory_space<hbm>> -> memref<10000x128xf32, #tpu.memory_space<hbm>>
    tpu.wait_indirect_dma semaphore(%arg14 : memref<!tpu.dma_semaphore, #tpu.memory_space<semaphore_mem>>) src(%dma_wait3A_167 : memref<10000x128xf32, #tpu.memory_space<hbm>>) dst(%arg10 : memref<64x128xf32, #tpu.memory_space<vmem>>)
    %add3A_168 = arith.constant 2 : i32
    %add3A_169 = arith.addi %select_n3A_19, %add3A_168 : i32
    %mul3A_170 = arith.constant 64 : i32
    %mul3A_171 = arith.muli %add3A_169, %mul3A_170 : i32
    "tpu.region"() ({
      %run_scoped3A = tpu.sem_alloc : memref<!tpu.dma_semaphore, #tpu.memory_space<semaphore_mem>>
      %dma_start3A_185 = tpu.memref_slice %arg7[%mul3A_171] : memref<5120xi32, #tpu.memory_space<vmem>> -> memref<64xi32, #tpu.memory_space<vmem>>
      %dma_start3A_186 = arith.constant 0 : i32
      %dma_start3A_187 = arith.constant 0 : i32
      %dma_start3A_188 = tpu.memref_slice %arg5[%dma_start3A_186, %dma_start3A_187] : memref<10240x128xf32, #tpu.memory_space<vmem_shared>> -> memref<10240x128xf32, #tpu.memory_space<vmem_shared>>
      tpu.enqueue_indirect_dma source(%arg10 : memref<64x128xf32, #tpu.memory_space<vmem>>) target(%dma_start3A_188 : memref<10240x128xf32, #tpu.memory_space<vmem_shared>>) offsets(%dma_start3A_185 : memref<64xi32, #tpu.memory_space<vmem>>) semaphore(%run_scoped3A : memref<!tpu.dma_semaphore, #tpu.memory_space<semaphore_mem>>) {add = true}
      %dma_wait3A_189 = tpu.memref_slice %arg7[%mul3A_171] : memref<5120xi32, #tpu.memory_space<vmem>> -> memref<64xi32, #tpu.memory_space<vmem>>
      %dma_wait3A_190 = arith.constant 0 : i32
      %dma_wait3A_191 = arith.constant 0 : i32
      %dma_wait3A_192 = tpu.memref_slice %arg5[%dma_wait3A_190, %dma_wait3A_191] : memref<10240x128xf32, #tpu.memory_space<vmem_shared>> -> memref<10240x128xf32, #tpu.memory_space<vmem_shared>>
      tpu.wait_indirect_dma semaphore(%run_scoped3A : memref<!tpu.dma_semaphore, #tpu.memory_space<semaphore_mem>>) src(%arg10 : memref<64x128xf32, #tpu.memory_space<vmem>>) dst(%dma_wait3A_192 : memref<10240x128xf32, #tpu.memory_space<vmem_shared>>)
      tpu.yield
    }) : () -> ()
    %add3A_172 = arith.constant 3 : i32
    %add3A_173 = arith.addi %select_n3A_19, %add3A_172 : i32
    %mul3A_174 = arith.constant 64 : i32
    %mul3A_175 = arith.muli %add3A_173, %mul3A_174 : i32
    %dma_wait3A_176 = tpu.memref_slice %arg6[%mul3A_175] : memref<5120xi32, #tpu.memory_space<vmem>> -> memref<64xi32, #tpu.memory_space<vmem>>
    %dma_wait3A_177 = arith.constant 0 : i32
    %dma_wait3A_178 = arith.constant 0 : i32
    %dma_wait3A_179 = tpu.memref_slice %arg2[%dma_wait3A_177, %dma_wait3A_178] : memref<10000x128xf32, #tpu.memory_space<hbm>> -> memref<10000x128xf32, #tpu.memory_space<hbm>>
    tpu.wait_indirect_dma semaphore(%arg15 : memref<!tpu.dma_semaphore, #tpu.memory_space<semaphore_mem>>) src(%dma_wait3A_179 : memref<10000x128xf32, #tpu.memory_space<hbm>>) dst(%arg11 : memref<64x128xf32, #tpu.memory_space<vmem>>)
    %add3A_180 = arith.constant 3 : i32
    %add3A_181 = arith.addi %select_n3A_19, %add3A_180 : i32
    %mul3A_182 = arith.constant 64 : i32
    %mul3A_183 = arith.muli %add3A_181, %mul3A_182 : i32
    "tpu.region"() ({
      %run_scoped3A = tpu.sem_alloc : memref<!tpu.dma_semaphore, #tpu.memory_space<semaphore_mem>>
      %dma_start3A_185 = tpu.memref_slice %arg7[%mul3A_183] : memref<5120xi32, #tpu.memory_space<vmem>> -> memref<64xi32, #tpu.memory_space<vmem>>
      %dma_start3A_186 = arith.constant 0 : i32
      %dma_start3A_187 = arith.constant 0 : i32
      %dma_start3A_188 = tpu.memref_slice %arg5[%dma_start3A_186, %dma_start3A_187] : memref<10240x128xf32, #tpu.memory_space<vmem_shared>> -> memref<10240x128xf32, #tpu.memory_space<vmem_shared>>
      tpu.enqueue_indirect_dma source(%arg11 : memref<64x128xf32, #tpu.memory_space<vmem>>) target(%dma_start3A_188 : memref<10240x128xf32, #tpu.memory_space<vmem_shared>>) offsets(%dma_start3A_185 : memref<64xi32, #tpu.memory_space<vmem>>) semaphore(%run_scoped3A : memref<!tpu.dma_semaphore, #tpu.memory_space<semaphore_mem>>) {add = true}
      %dma_wait3A_189 = tpu.memref_slice %arg7[%mul3A_183] : memref<5120xi32, #tpu.memory_space<vmem>> -> memref<64xi32, #tpu.memory_space<vmem>>
      %dma_wait3A_190 = arith.constant 0 : i32
      %dma_wait3A_191 = arith.constant 0 : i32
      %dma_wait3A_192 = tpu.memref_slice %arg5[%dma_wait3A_190, %dma_wait3A_191] : memref<10240x128xf32, #tpu.memory_space<vmem_shared>> -> memref<10240x128xf32, #tpu.memory_space<vmem_shared>>
      tpu.wait_indirect_dma semaphore(%run_scoped3A : memref<!tpu.dma_semaphore, #tpu.memory_space<semaphore_mem>>) src(%arg11 : memref<64x128xf32, #tpu.memory_space<vmem>>) dst(%dma_wait3A_192 : memref<10240x128xf32, #tpu.memory_space<vmem_shared>>)
      tpu.yield
    }) : () -> ()
    %barrier3A_184 = arith.constant 0 : index
    tpu.barrier barrier_id(%barrier3A_184)
    "tpu.region"() ({
      %run_scoped3A = tpu.sem_alloc : memref<!tpu.dma_semaphore, #tpu.memory_space<semaphore_mem>>
      %dma_start3A_185 = arith.constant 0 : i32
      %dma_start3A_186 = tpu.memref_slice %arg4[%arg0, %mul3A_8, %dma_start3A_185] : memref<2x10240x128xf32, #tpu.memory_space<hbm>> -> memref<1x640x128xf32, #tpu.memory_space<hbm>>
      %dma_start3A_187 = tpu.memref_squeeze %dma_start3A_186 : memref<1x640x128xf32, #tpu.memory_space<hbm>> -> memref<640x128xf32, #tpu.memory_space<hbm>>
      %dma_start3A_188 = arith.constant 0 : i32
      %dma_start3A_189 = tpu.memref_slice %arg5[%mul3A_8, %dma_start3A_188] : memref<10240x128xf32, #tpu.memory_space<vmem_shared>> -> memref<640x128xf32, #tpu.memory_space<vmem_shared>>
      tpu.enqueue_dma source(%dma_start3A_189 : memref<640x128xf32, #tpu.memory_space<vmem_shared>>) target(%dma_start3A_187 : memref<640x128xf32, #tpu.memory_space<hbm>>) target_semaphore(%run_scoped3A : memref<!tpu.dma_semaphore, #tpu.memory_space<semaphore_mem>>)
      %dma_wait3A_190 = arith.constant 0 : i32
      %dma_wait3A_191 = tpu.memref_slice %arg4[%arg0, %mul3A_8, %dma_wait3A_190] : memref<2x10240x128xf32, #tpu.memory_space<hbm>> -> memref<1x640x128xf32, #tpu.memory_space<hbm>>
      %dma_wait3A_192 = tpu.memref_squeeze %dma_wait3A_191 : memref<1x640x128xf32, #tpu.memory_space<hbm>> -> memref<640x128xf32, #tpu.memory_space<hbm>>
      %dma_wait3A_193 = arith.constant 0 : i32
      %dma_wait3A_194 = tpu.memref_slice %arg5[%mul3A_8, %dma_wait3A_193] : memref<10240x128xf32, #tpu.memory_space<vmem_shared>> -> memref<640x128xf32, #tpu.memory_space<vmem_shared>>
      tpu.wait_dma2 semaphore(%run_scoped3A : memref<!tpu.dma_semaphore, #tpu.memory_space<semaphore_mem>>) src(%dma_wait3A_194 : memref<640x128xf32, #tpu.memory_space<vmem_shared>>) dst(%dma_wait3A_192 : memref<640x128xf32, #tpu.memory_space<hbm>>)
      tpu.yield
    }) : () -> ()
    return
  }
}

#map = affine_map<(d0, d1) -> (0, 0)>
#map1 = affine_map<(d0, d1) -> (0)>
#map2 = affine_map<(d0, d1) -> (0, 0, 0)>
module attributes {stable_mosaic.version = 14 : i64} {
  func.func @_aggregate_body(%arg0: i32, %arg1: i32, %arg2: memref<10000x128xf32, #tpu.memory_space<hbm>>, %arg3: memref<640000xi32, #tpu.memory_space<hbm>>, %arg4: memref<2x10240x128xf32, #tpu.memory_space<hbm>>, %arg5: memref<10240x128xf32, #tpu.memory_space<vmem_shared>>, %arg6: memref<5120xi32, #tpu.memory_space<vmem>>, %arg7: memref<5120xi32, #tpu.memory_space<vmem>>, %arg8: memref<64x128xf32, #tpu.memory_space<vmem>>, %arg9: memref<64x128xf32, #tpu.memory_space<vmem>>, %arg10: memref<64x128xf32, #tpu.memory_space<vmem>>, %arg11: memref<64x128xf32, #tpu.memory_space<vmem>>, %arg12: memref<!tpu.dma_semaphore, #tpu.memory_space<semaphore_mem>>, %arg13: memref<!tpu.dma_semaphore, #tpu.memory_space<semaphore_mem>>, %arg14: memref<!tpu.dma_semaphore, #tpu.memory_space<semaphore_mem>>, %arg15: memref<!tpu.dma_semaphore, #tpu.memory_space<semaphore_mem>>) attributes {dimension_semantics = [#tpu.dimension_semantics<core_parallel>, #tpu.dimension_semantics<subcore_parallel>], iteration_bounds = array<i64: 2, 16>, scalar_prefetch = 0 : i64, scratch_operands = 11 : i64, tpu.core_type = #tpu.core_type<sc_vector_subcore>, window_params = [{transform_indices = #map}, {transform_indices = #map1}, {transform_indices = #map2}]} {
    %mul3A = arith.constant 2 : i32
    %mul3A_0 = arith.muli %arg1, %mul3A : i32
    %add3A = arith.addi %mul3A_0, %arg0 : i32
    %broadcast_in_dim3A = arith.constant 0.000000e+00 : f32
    %broadcast_in_dim3A_1 = vector.broadcast %broadcast_in_dim3A : f32 to vector<16xf32>
    %scan3A = arith.constant 0 : i32
    %scan3A_2 = arith.constant 0 : i32
    %scan3A_3 = arith.constant 512 : i32
    %scan3A_4 = arith.addi %scan3A_2, %scan3A_3 : i32
    %scan3A_5 = arith.constant 1 : i32
    scf.for %scan3A_185 = %scan3A_2 to %scan3A_4 step %scan3A_5  : i32 {
      %jit3A_186 = arith.constant 8 : i32
      %div3A = arith.divsi %scan3A_185, %jit3A_186 : i32
      %sign3A = arith.constant 0 : i32
      %sign3A_187 = arith.cmpi sgt, %scan3A_185, %sign3A : i32
      %sign3A_188 = arith.extui %sign3A_187 : i1 to i32
      %sign3A_189 = arith.constant 0 : i32
      %sign3A_190 = arith.cmpi slt, %scan3A_185, %sign3A_189 : i32
      %sign3A_191 = arith.extui %sign3A_190 : i1 to i32
      %sign3A_192 = arith.subi %sign3A_188, %sign3A_191 : i32
      %sign3A_193 = arith.constant 0 : i32
      %sign3A_194 = arith.cmpi sgt, %jit3A_186, %sign3A_193 : i32
      %sign3A_195 = arith.extui %sign3A_194 : i1 to i32
      %sign3A_196 = arith.constant 0 : i32
      %sign3A_197 = arith.cmpi slt, %jit3A_186, %sign3A_196 : i32
      %sign3A_198 = arith.extui %sign3A_197 : i1 to i32
      %sign3A_199 = arith.subi %sign3A_195, %sign3A_198 : i32
      %ne3A = arith.cmpi ne, %sign3A_192, %sign3A_199 : i32
      %rem3A = arith.remsi %scan3A_185, %jit3A_186 : i32
      %ne3A_200 = arith.constant 0 : i32
      %ne3A_201 = arith.cmpi ne, %rem3A, %ne3A_200 : i32
      %and3A = arith.andi %ne3A, %ne3A_201 : i1
      %sub3A = arith.constant 1 : i32
      %sub3A_202 = arith.subi %div3A, %sub3A : i32
      %select_n3A_203 = arith.select %and3A, %sub3A_202, %div3A : i32
      %jit3A_204 = arith.constant 8 : i32
      %eq3A_205 = arith.constant 0 : i32
      %eq3A_206 = arith.cmpi eq, %jit3A_204, %eq3A_205 : i32
      %jit3A_207 = arith.constant 1 : i32
      %select_n3A_208 = arith.select %eq3A_206, %jit3A_207, %jit3A_204 : i32
      %rem3A_209 = arith.remsi %scan3A_185, %select_n3A_208 : i32
      %ne3A_210 = arith.constant 0 : i32
      %ne3A_211 = arith.cmpi ne, %rem3A_209, %ne3A_210 : i32
      %lt3A = arith.constant 0 : i32
      %lt3A_212 = arith.cmpi slt, %rem3A_209, %lt3A : i32
      %lt3A_213 = arith.constant 0 : i32
      %lt3A_214 = arith.cmpi slt, %select_n3A_208, %lt3A_213 : i32
      %ne3A_215 = arith.xori %lt3A_212, %lt3A_214 : i1
      %and3A_216 = arith.andi %ne3A_215, %ne3A_211 : i1
      %add3A_217 = arith.addi %rem3A_209, %select_n3A_208 : i32
      %select_n3A_218 = arith.select %and3A_216, %add3A_217, %rem3A_209 : i32
      %mul3A_219 = arith.constant 16 : i32
      %mul3A_220 = arith.muli %select_n3A_218, %mul3A_219 : i32
      %swap3A = arith.index_cast %select_n3A_203 : i32 to index
      %swap3A_221 = arith.index_cast %mul3A_220 : i32 to index
      %swap3A_222 = tpu.vector_load %arg8[%swap3A, %swap3A_221] {strides = array<i32>} : memref<64x128xf32, #tpu.memory_space<vmem>>, vector<1x16xf32>,
      %swap3A_223 = vector.shape_cast %swap3A_222 : vector<1x16xf32> to vector<16xf32>
      %swap3A_224 = vector.shape_cast %broadcast_in_dim3A_1 : vector<16xf32> to vector<1x16xf32>
      tpu.vector_store %arg8[%swap3A, %swap3A_221], %swap3A_224 {strides = array<i32>} : memref<64x128xf32, #tpu.memory_space<vmem>>, vector<1x16xf32>,
    }
    %scan3A_6 = arith.constant 512 : i32
    %mul3A_7 = arith.constant 640 : i32
    %mul3A_8 = arith.muli %arg1, %mul3A_7 : i32
    %scan3A_9 = arith.constant 0 : i32
    %scan3A_10 = arith.constant 0 : i32
    %scan3A_11 = arith.constant 10 : i32
    %scan3A_12 = arith.addi %scan3A_10, %scan3A_11 : i32
    %scan3A_13 = arith.constant 1 : i32
    scf.for %scan3A_185 = %scan3A_10 to %scan3A_12 step %scan3A_13  : i32 {
      %mul3A_186 = arith.constant 64 : i32
      %mul3A_187 = arith.muli %scan3A_185, %mul3A_186 : i32
      %add3A_188 = arith.addi %mul3A_8, %mul3A_187 : i32
      "tpu.region"() ({
        %run_scoped3A = tpu.sem_alloc : memref<!tpu.dma_semaphore, #tpu.memory_space<semaphore_mem>>
        %dma_start3A_189 = arith.constant 0 : i32
        %dma_start3A_190 = tpu.memref_slice %arg5[%add3A_188, %dma_start3A_189] : memref<10240x128xf32, #tpu.memory_space<vmem_shared>> -> memref<64x128xf32, #tpu.memory_space<vmem_shared>>
        %dma_start3A_191 = arith.constant 0 : i32
        %dma_start3A_192 = tpu.memref_slice %arg5[%add3A_188, %dma_start3A_191] : memref<10240x128xf32, #tpu.memory_space<vmem_shared>> -> memref<64x128xf32, #tpu.memory_space<vmem_shared>>
        tpu.enqueue_dma source(%arg8 : memref<64x128xf32, #tpu.memory_space<vmem>>) target(%dma_start3A_192 : memref<64x128xf32, #tpu.memory_space<vmem_shared>>) target_semaphore(%run_scoped3A : memref<!tpu.dma_semaphore, #tpu.memory_space<semaphore_mem>>)
        %dma_wait3A_193 = arith.constant 0 : i32
        %dma_wait3A_194 = tpu.memref_slice %arg5[%add3A_188, %dma_wait3A_193] : memref<10240x128xf32, #tpu.memory_space<vmem_shared>> -> memref<64x128xf32, #tpu.memory_space<vmem_shared>>
        %dma_wait3A_195 = arith.constant 0 : i32
        %dma_wait3A_196 = tpu.memref_slice %arg5[%add3A_188, %dma_wait3A_195] : memref<10240x128xf32, #tpu.memory_space<vmem_shared>> -> memref<64x128xf32, #tpu.memory_space<vmem_shared>>
        tpu.wait_dma2 semaphore(%run_scoped3A : memref<!tpu.dma_semaphore, #tpu.memory_space<semaphore_mem>>) src(%arg8 : memref<64x128xf32, #tpu.memory_space<vmem>>) dst(%dma_wait3A_196 : memref<64x128xf32, #tpu.memory_space<vmem_shared>>)
        tpu.yield
      }) : () -> ()
    }
    %scan3A_14 = arith.constant 10 : i32
    %barrier3A = arith.constant 0 : index
    tpu.barrier barrier_id(%barrier3A)
    %eq3A = arith.constant 31 : i32
    %eq3A_15 = arith.cmpi eq, %add3A, %eq3A : i32
    %jit3A = arith.constant 4 : i32
    %jit3A_16 = arith.constant 19 : i32
    %select_n3A = arith.select %eq3A_15, %jit3A, %jit3A_16 : i32
    %jit3A_17 = arith.constant 16 : i32
    %jit3A_18 = arith.constant 76 : i32
    %select_n3A_19 = arith.select %eq3A_15, %jit3A_17, %jit3A_18 : i32
    %not3A = arith.constant true
    %not3A_20 = arith.xori %eq3A_15, %not3A : i1
    %convert_element_type3A = arith.extui %not3A_20 : i1 to i32
    %cond3A = arith.constant 0 : i32
    %cond3A_21 = arith.cmpi ne, %convert_element_type3A, %cond3A : i32
    scf.if %cond3A_21 {
      %mul3A_185 = arith.constant 10240 : i32
      %mul3A_186 = arith.muli %add3A, %mul3A_185 : i32
      %add3A_187 = arith.constant 0 : i32
      %add3A_188 = arith.addi %mul3A_186, %add3A_187 : i32
      "tpu.region"() ({
        %run_scoped3A = tpu.sem_alloc : memref<!tpu.dma_semaphore, #tpu.memory_space<semaphore_mem>>
        %dma_start3A_191 = tpu.memref_slice %arg3[%add3A_188] : memref<640000xi32, #tpu.memory_space<hbm>> -> memref<5120xi32, #tpu.memory_space<hbm>>
        %dma_start3A_192 = tpu.memref_slice %arg3[%add3A_188] : memref<640000xi32, #tpu.memory_space<hbm>> -> memref<5120xi32, #tpu.memory_space<hbm>>
        tpu.enqueue_dma source(%dma_start3A_192 : memref<5120xi32, #tpu.memory_space<hbm>>) target(%arg6 : memref<5120xi32, #tpu.memory_space<vmem>>) target_semaphore(%run_scoped3A : memref<!tpu.dma_semaphore, #tpu.memory_space<semaphore_mem>>)
        %dma_wait3A_193 = tpu.memref_slice %arg3[%add3A_188] : memref<640000xi32, #tpu.memory_space<hbm>> -> memref<5120xi32, #tpu.memory_space<hbm>>
        %dma_wait3A_194 = tpu.memref_slice %arg3[%add3A_188] : memref<640000xi32, #tpu.memory_space<hbm>> -> memref<5120xi32, #tpu.memory_space<hbm>>
        tpu.wait_dma2 semaphore(%run_scoped3A : memref<!tpu.dma_semaphore, #tpu.memory_space<semaphore_mem>>) src(%dma_wait3A_194 : memref<5120xi32, #tpu.memory_space<hbm>>) dst(%arg6 : memref<5120xi32, #tpu.memory_space<vmem>>)
        tpu.yield
      }) : () -> ()
      %add3A_189 = arith.constant 320000 : i32
      %add3A_190 = arith.addi %add3A_189, %add3A_188 : i32
      "tpu.region"() ({
        %run_scoped3A = tpu.sem_alloc : memref<!tpu.dma_semaphore, #tpu.memory_space<semaphore_mem>>
        %dma_start3A_191 = tpu.memref_slice %arg3[%add3A_190] : memref<640000xi32, #tpu.memory_space<hbm>> -> memref<5120xi32, #tpu.memory_space<hbm>>
        %dma_start3A_192 = tpu.memref_slice %arg3[%add3A_190] : memref<640000xi32, #tpu.memory_space<hbm>> -> memref<5120xi32, #tpu.memory_space<hbm>>
        tpu.enqueue_dma source(%dma_start3A_192 : memref<5120xi32, #tpu.memory_space<hbm>>) target(%arg7 : memref<5120xi32, #tpu.memory_space<vmem>>) target_semaphore(%run_scoped3A : memref<!tpu.dma_semaphore, #tpu.memory_space<semaphore_mem>>)
        %dma_wait3A_193 = tpu.memref_slice %arg3[%add3A_190] : memref<640000xi32, #tpu.memory_space<hbm>> -> memref<5120xi32, #tpu.memory_space<hbm>>
        %dma_wait3A_194 = tpu.memref_slice %arg3[%add3A_190] : memref<640000xi32, #tpu.memory_space<hbm>> -> memref<5120xi32, #tpu.memory_space<hbm>>
        tpu.wait_dma2 semaphore(%run_scoped3A : memref<!tpu.dma_semaphore, #tpu.memory_space<semaphore_mem>>) src(%dma_wait3A_194 : memref<5120xi32, #tpu.memory_space<hbm>>) dst(%arg7 : memref<5120xi32, #tpu.memory_space<vmem>>)
        tpu.yield
      }) : () -> ()
    } else {
    }
    %convert_element_type3A_22 = arith.extui %eq3A_15 : i1 to i32
    %cond3A_23 = arith.constant 0 : i32
    %cond3A_24 = arith.cmpi ne, %convert_element_type3A_22, %cond3A_23 : i32
    scf.if %cond3A_24 {
      "tpu.region"() ({
        %run_scoped3A = tpu.sem_alloc : memref<!tpu.dma_semaphore, #tpu.memory_space<semaphore_mem>>
        %dma_start3A_185 = arith.constant 0 : i32
        %dma_start3A_186 = tpu.memref_slice %arg6[%dma_start3A_185] : memref<5120xi32, #tpu.memory_space<vmem>> -> memref<1280xi32, #tpu.memory_space<vmem>>
        %dma_start3A_187 = arith.constant 317440 : i32
        %dma_start3A_188 = tpu.memref_slice %arg3[%dma_start3A_187] : memref<640000xi32, #tpu.memory_space<hbm>> -> memref<1280xi32, #tpu.memory_space<hbm>>
        %dma_start3A_189 = arith.constant 0 : i32
        %dma_start3A_190 = tpu.memref_slice %arg6[%dma_start3A_189] : memref<5120xi32, #tpu.memory_space<vmem>> -> memref<1280xi32, #tpu.memory_space<vmem>>
        %dma_start3A_191 = arith.constant 317440 : i32
        %dma_start3A_192 = tpu.memref_slice %arg3[%dma_start3A_191] : memref<640000xi32, #tpu.memory_space<hbm>> -> memref<1280xi32, #tpu.memory_space<hbm>>
        tpu.enqueue_dma source(%dma_start3A_192 : memref<1280xi32, #tpu.memory_space<hbm>>) target(%dma_start3A_190 : memref<1280xi32, #tpu.memory_space<vmem>>) target_semaphore(%run_scoped3A : memref<!tpu.dma_semaphore, #tpu.memory_space<semaphore_mem>>)
        %dma_wait3A_193 = arith.constant 0 : i32
        %dma_wait3A_194 = tpu.memref_slice %arg6[%dma_wait3A_193] : memref<5120xi32, #tpu.memory_space<vmem>> -> memref<1280xi32, #tpu.memory_space<vmem>>
        %dma_wait3A_195 = arith.constant 317440 : i32
        %dma_wait3A_196 = tpu.memref_slice %arg3[%dma_wait3A_195] : memref<640000xi32, #tpu.memory_space<hbm>> -> memref<1280xi32, #tpu.memory_space<hbm>>
        %dma_wait3A_197 = arith.constant 0 : i32
        %dma_wait3A_198 = tpu.memref_slice %arg6[%dma_wait3A_197] : memref<5120xi32, #tpu.memory_space<vmem>> -> memref<1280xi32, #tpu.memory_space<vmem>>
        %dma_wait3A_199 = arith.constant 317440 : i32
        %dma_wait3A_200 = tpu.memref_slice %arg3[%dma_wait3A_199] : memref<640000xi32, #tpu.memory_space<hbm>> -> memref<1280xi32, #tpu.memory_space<hbm>>
        tpu.wait_dma2 semaphore(%run_scoped3A : memref<!tpu.dma_semaphore, #tpu.memory_space<semaphore_mem>>) src(%dma_wait3A_200 : memref<1280xi32, #tpu.memory_space<hbm>>) dst(%dma_wait3A_198 : memref<1280xi32, #tpu.memory_space<vmem>>)
        tpu.yield
      }) : () -> ()
      "tpu.region"() ({
        %run_scoped3A = tpu.sem_alloc : memref<!tpu.dma_semaphore, #tpu.memory_space<semaphore_mem>>
        %dma_start3A_185 = arith.constant 0 : i32
        %dma_start3A_186 = tpu.memref_slice %arg7[%dma_start3A_185] : memref<5120xi32, #tpu.memory_space<vmem>> -> memref<1280xi32, #tpu.memory_space<vmem>>
        %dma_start3A_187 = arith.constant 637440 : i32
        %dma_start3A_188 = tpu.memref_slice %arg3[%dma_start3A_187] : memref<640000xi32, #tpu.memory_space<hbm>> -> memref<1280xi32, #tpu.memory_space<hbm>>
        %dma_start3A_189 = arith.constant 0 : i32
        %dma_start3A_190 = tpu.memref_slice %arg7[%dma_start3A_189] : memref<5120xi32, #tpu.memory_space<vmem>> -> memref<1280xi32, #tpu.memory_space<vmem>>
        %dma_start3A_191 = arith.constant 637440 : i32
        %dma_start3A_192 = tpu.memref_slice %arg3[%dma_start3A_191] : memref<640000xi32, #tpu.memory_space<hbm>> -> memref<1280xi32, #tpu.memory_space<hbm>>
        tpu.enqueue_dma source(%dma_start3A_192 : memref<1280xi32, #tpu.memory_space<hbm>>) target(%dma_start3A_190 : memref<1280xi32, #tpu.memory_space<vmem>>) target_semaphore(%run_scoped3A : memref<!tpu.dma_semaphore, #tpu.memory_space<semaphore_mem>>)
        %dma_wait3A_193 = arith.constant 0 : i32
        %dma_wait3A_194 = tpu.memref_slice %arg7[%dma_wait3A_193] : memref<5120xi32, #tpu.memory_space<vmem>> -> memref<1280xi32, #tpu.memory_space<vmem>>
        %dma_wait3A_195 = arith.constant 637440 : i32
        %dma_wait3A_196 = tpu.memref_slice %arg3[%dma_wait3A_195] : memref<640000xi32, #tpu.memory_space<hbm>> -> memref<1280xi32, #tpu.memory_space<hbm>>
        %dma_wait3A_197 = arith.constant 0 : i32
        %dma_wait3A_198 = tpu.memref_slice %arg7[%dma_wait3A_197] : memref<5120xi32, #tpu.memory_space<vmem>> -> memref<1280xi32, #tpu.memory_space<vmem>>
        %dma_wait3A_199 = arith.constant 637440 : i32
        %dma_wait3A_200 = tpu.memref_slice %arg3[%dma_wait3A_199] : memref<640000xi32, #tpu.memory_space<hbm>> -> memref<1280xi32, #tpu.memory_space<hbm>>
        tpu.wait_dma2 semaphore(%run_scoped3A : memref<!tpu.dma_semaphore, #tpu.memory_space<semaphore_mem>>) src(%dma_wait3A_200 : memref<1280xi32, #tpu.memory_space<hbm>>) dst(%dma_wait3A_198 : memref<1280xi32, #tpu.memory_space<vmem>>)
        tpu.yield
      }) : () -> ()
    } else {
    }
    %dma_start3A = arith.constant 0 : i32
    %dma_start3A_25 = tpu.memref_slice %arg6[%dma_start3A] : memref<5120xi32, #tpu.memory_space<vmem>> -> memref<64xi32, #tpu.memory_space<vmem>>
    %dma_start3A_26 = arith.constant 0 : i32
    %dma_start3A_27 = arith.constant 0 : i32
    %dma_start3A_28 = tpu.memref_slice %arg2[%dma_start3A_26, %dma_start3A_27] : memref<10000x128xf32, #tpu.memory_space<hbm>> -> memref<10000x128xf32, #tpu.memory_space<hbm>>
    tpu.enqueue_indirect_dma source(%dma_start3A_28 : memref<10000x128xf32, #tpu.memory_space<hbm>>) target(%arg8 : memref<64x128xf32, #tpu.memory_space<vmem>>) offsets(%dma_start3A_25 : memref<64xi32, #tpu.memory_space<vmem>>) semaphore(%arg12 : memref<!tpu.dma_semaphore, #tpu.memory_space<semaphore_mem>>)
    %dma_start3A_29 = arith.constant 64 : i32
    %dma_start3A_30 = tpu.memref_slice %arg6[%dma_start3A_29] : memref<5120xi32, #tpu.memory_space<vmem>> -> memref<64xi32, #tpu.memory_space<vmem>>
    %dma_start3A_31 = arith.constant 0 : i32
    %dma_start3A_32 = arith.constant 0 : i32
    %dma_start3A_33 = tpu.memref_slice %arg2[%dma_start3A_31, %dma_start3A_32] : memref<10000x128xf32, #tpu.memory_space<hbm>> -> memref<10000x128xf32, #tpu.memory_space<hbm>>
    tpu.enqueue_indirect_dma source(%dma_start3A_33 : memref<10000x128xf32, #tpu.memory_space<hbm>>) target(%arg9 : memref<64x128xf32, #tpu.memory_space<vmem>>) offsets(%dma_start3A_30 : memref<64xi32, #tpu.memory_space<vmem>>) semaphore(%arg13 : memref<!tpu.dma_semaphore, #tpu.memory_space<semaphore_mem>>)
    %dma_start3A_34 = arith.constant 128 : i32
    %dma_start3A_35 = tpu.memref_slice %arg6[%dma_start3A_34] : memref<5120xi32, #tpu.memory_space<vmem>> -> memref<64xi32, #tpu.memory_space<vmem>>
    %dma_start3A_36 = arith.constant 0 : i32
    %dma_start3A_37 = arith.constant 0 : i32
    %dma_start3A_38 = tpu.memref_slice %arg2[%dma_start3A_36, %dma_start3A_37] : memref<10000x128xf32, #tpu.memory_space<hbm>> -> memref<10000x128xf32, #tpu.memory_space<hbm>>
    tpu.enqueue_indirect_dma source(%dma_start3A_38 : memref<10000x128xf32, #tpu.memory_space<hbm>>) target(%arg10 : memref<64x128xf32, #tpu.memory_space<vmem>>) offsets(%dma_start3A_35 : memref<64xi32, #tpu.memory_space<vmem>>) semaphore(%arg14 : memref<!tpu.dma_semaphore, #tpu.memory_space<semaphore_mem>>)
    %while3A = arith.constant 0 : i32
    %while3A_39 = arith.constant 0 : i32
    %while3A_40 = arith.subi %select_n3A, %while3A_39 : i32
    %while3A_41 = arith.addi %while3A_39, %while3A_40 : i32
    %while3A_42 = arith.constant 1 : i32
    %while3A_43 = arith.divsi %while3A_40, %while3A_42 : i32
    %while3A_44 = arith.muli %while3A_43, %while3A_42 : i32
    %while3A_45 = arith.addi %while3A_39, %while3A_44 : i32
    %while3A_46 = arith.constant 1 : i32
    scf.for %while3A_185 = %while3A_39 to %while3A_45 step %while3A_46  : i32 {
      %mul3A_186 = arith.constant 4 : i32
      %mul3A_187 = arith.muli %mul3A_186, %while3A_185 : i32
      %add3A_188 = arith.constant 3 : i32
      %add3A_189 = arith.addi %mul3A_187, %add3A_188 : i32
      %mul3A_190 = arith.constant 64 : i32
      %mul3A_191 = arith.muli %add3A_189, %mul3A_190 : i32
      %dma_start3A_192 = tpu.memref_slice %arg6[%mul3A_191] : memref<5120xi32, #tpu.memory_space<vmem>> -> memref<64xi32, #tpu.memory_space<vmem>>
      %dma_start3A_193 = arith.constant 0 : i32
      %dma_start3A_194 = arith.constant 0 : i32
      %dma_start3A_195 = tpu.memref_slice %arg2[%dma_start3A_193, %dma_start3A_194] : memref<10000x128xf32, #tpu.memory_space<hbm>> -> memref<10000x128xf32, #tpu.memory_space<hbm>>
      tpu.enqueue_indirect_dma source(%dma_start3A_195 : memref<10000x128xf32, #tpu.memory_space<hbm>>) target(%arg11 : memref<64x128xf32, #tpu.memory_space<vmem>>) offsets(%dma_start3A_192 : memref<64xi32, #tpu.memory_space<vmem>>) semaphore(%arg15 : memref<!tpu.dma_semaphore, #tpu.memory_space<semaphore_mem>>)
      %mul3A_196 = arith.constant 64 : i32
      %mul3A_197 = arith.muli %mul3A_187, %mul3A_196 : i32
      %dma_wait3A_198 = tpu.memref_slice %arg6[%mul3A_197] : memref<5120xi32, #tpu.memory_space<vmem>> -> memref<64xi32, #tpu.memory_space<vmem>>
      %dma_wait3A_199 = arith.constant 0 : i32
      %dma_wait3A_200 = arith.constant 0 : i32
      %dma_wait3A_201 = tpu.memref_slice %arg2[%dma_wait3A_199, %dma_wait3A_200] : memref<10000x128xf32, #tpu.memory_space<hbm>> -> memref<10000x128xf32, #tpu.memory_space<hbm>>
      tpu.wait_indirect_dma semaphore(%arg12 : memref<!tpu.dma_semaphore, #tpu.memory_space<semaphore_mem>>) src(%dma_wait3A_201 : memref<10000x128xf32, #tpu.memory_space<hbm>>) dst(%arg8 : memref<64x128xf32, #tpu.memory_space<vmem>>)
      %mul3A_202 = arith.constant 64 : i32
      %mul3A_203 = arith.muli %mul3A_187, %mul3A_202 : i32
      "tpu.region"() ({
        %run_scoped3A = tpu.sem_alloc : memref<!tpu.dma_semaphore, #tpu.memory_space<semaphore_mem>>
        %dma_start3A_264 = tpu.memref_slice %arg7[%mul3A_203] : memref<5120xi32, #tpu.memory_space<vmem>> -> memref<64xi32, #tpu.memory_space<vmem>>
        %dma_start3A_265 = arith.constant 0 : i32
        %dma_start3A_266 = arith.constant 0 : i32
        %dma_start3A_267 = tpu.memref_slice %arg5[%dma_start3A_265, %dma_start3A_266] : memref<10240x128xf32, #tpu.memory_space<vmem_shared>> -> memref<10240x128xf32, #tpu.memory_space<vmem_shared>>
        tpu.enqueue_indirect_dma source(%arg8 : memref<64x128xf32, #tpu.memory_space<vmem>>) target(%dma_start3A_267 : memref<10240x128xf32, #tpu.memory_space<vmem_shared>>) offsets(%dma_start3A_264 : memref<64xi32, #tpu.memory_space<vmem>>) semaphore(%run_scoped3A : memref<!tpu.dma_semaphore, #tpu.memory_space<semaphore_mem>>) {add = true}
        %dma_wait3A_268 = tpu.memref_slice %arg7[%mul3A_203] : memref<5120xi32, #tpu.memory_space<vmem>> -> memref<64xi32, #tpu.memory_space<vmem>>
        %dma_wait3A_269 = arith.constant 0 : i32
        %dma_wait3A_270 = arith.constant 0 : i32
        %dma_wait3A_271 = tpu.memref_slice %arg5[%dma_wait3A_269, %dma_wait3A_270] : memref<10240x128xf32, #tpu.memory_space<vmem_shared>> -> memref<10240x128xf32, #tpu.memory_space<vmem_shared>>
        tpu.wait_indirect_dma semaphore(%run_scoped3A : memref<!tpu.dma_semaphore, #tpu.memory_space<semaphore_mem>>) src(%arg8 : memref<64x128xf32, #tpu.memory_space<vmem>>) dst(%dma_wait3A_271 : memref<10240x128xf32, #tpu.memory_space<vmem_shared>>)
        tpu.yield
      }) : () -> ()
      %add3A_204 = arith.constant 4 : i32
      %add3A_205 = arith.addi %mul3A_187, %add3A_204 : i32
      %mul3A_206 = arith.constant 64 : i32
      %mul3A_207 = arith.muli %add3A_205, %mul3A_206 : i32
      %dma_start3A_208 = tpu.memref_slice %arg6[%mul3A_207] : memref<5120xi32, #tpu.memory_space<vmem>> -> memref<64xi32, #tpu.memory_space<vmem>>
      %dma_start3A_209 = arith.constant 0 : i32
      %dma_start3A_210 = arith.constant 0 : i32
      %dma_start3A_211 = tpu.memref_slice %arg2[%dma_start3A_209, %dma_start3A_210] : memref<10000x128xf32, #tpu.memory_space<hbm>> -> memref<10000x128xf32, #tpu.memory_space<hbm>>
      tpu.enqueue_indirect_dma source(%dma_start3A_211 : memref<10000x128xf32, #tpu.memory_space<hbm>>) target(%arg8 : memref<64x128xf32, #tpu.memory_space<vmem>>) offsets(%dma_start3A_208 : memref<64xi32, #tpu.memory_space<vmem>>) semaphore(%arg12 : memref<!tpu.dma_semaphore, #tpu.memory_space<semaphore_mem>>)
      %add3A_212 = arith.constant 1 : i32
      %add3A_213 = arith.addi %mul3A_187, %add3A_212 : i32
      %mul3A_214 = arith.constant 64 : i32
      %mul3A_215 = arith.muli %add3A_213, %mul3A_214 : i32
      %dma_wait3A_216 = tpu.memref_slice %arg6[%mul3A_215] : memref<5120xi32, #tpu.memory_space<vmem>> -> memref<64xi32, #tpu.memory_space<vmem>>
      %dma_wait3A_217 = arith.constant 0 : i32
      %dma_wait3A_218 = arith.constant 0 : i32
      %dma_wait3A_219 = tpu.memref_slice %arg2[%dma_wait3A_217, %dma_wait3A_218] : memref<10000x128xf32, #tpu.memory_space<hbm>> -> memref<10000x128xf32, #tpu.memory_space<hbm>>
      tpu.wait_indirect_dma semaphore(%arg13 : memref<!tpu.dma_semaphore, #tpu.memory_space<semaphore_mem>>) src(%dma_wait3A_219 : memref<10000x128xf32, #tpu.memory_space<hbm>>) dst(%arg9 : memref<64x128xf32, #tpu.memory_space<vmem>>)
      %add3A_220 = arith.constant 1 : i32
      %add3A_221 = arith.addi %mul3A_187, %add3A_220 : i32
      %mul3A_222 = arith.constant 64 : i32
      %mul3A_223 = arith.muli %add3A_221, %mul3A_222 : i32
      "tpu.region"() ({
        %run_scoped3A = tpu.sem_alloc : memref<!tpu.dma_semaphore, #tpu.memory_space<semaphore_mem>>
        %dma_start3A_264 = tpu.memref_slice %arg7[%mul3A_223] : memref<5120xi32, #tpu.memory_space<vmem>> -> memref<64xi32, #tpu.memory_space<vmem>>
        %dma_start3A_265 = arith.constant 0 : i32
        %dma_start3A_266 = arith.constant 0 : i32
        %dma_start3A_267 = tpu.memref_slice %arg5[%dma_start3A_265, %dma_start3A_266] : memref<10240x128xf32, #tpu.memory_space<vmem_shared>> -> memref<10240x128xf32, #tpu.memory_space<vmem_shared>>
        tpu.enqueue_indirect_dma source(%arg9 : memref<64x128xf32, #tpu.memory_space<vmem>>) target(%dma_start3A_267 : memref<10240x128xf32, #tpu.memory_space<vmem_shared>>) offsets(%dma_start3A_264 : memref<64xi32, #tpu.memory_space<vmem>>) semaphore(%run_scoped3A : memref<!tpu.dma_semaphore, #tpu.memory_space<semaphore_mem>>) {add = true}
        %dma_wait3A_268 = tpu.memref_slice %arg7[%mul3A_223] : memref<5120xi32, #tpu.memory_space<vmem>> -> memref<64xi32, #tpu.memory_space<vmem>>
        %dma_wait3A_269 = arith.constant 0 : i32
        %dma_wait3A_270 = arith.constant 0 : i32
        %dma_wait3A_271 = tpu.memref_slice %arg5[%dma_wait3A_269, %dma_wait3A_270] : memref<10240x128xf32, #tpu.memory_space<vmem_shared>> -> memref<10240x128xf32, #tpu.memory_space<vmem_shared>>
        tpu.wait_indirect_dma semaphore(%run_scoped3A : memref<!tpu.dma_semaphore, #tpu.memory_space<semaphore_mem>>) src(%arg9 : memref<64x128xf32, #tpu.memory_space<vmem>>) dst(%dma_wait3A_271 : memref<10240x128xf32, #tpu.memory_space<vmem_shared>>)
        tpu.yield
      }) : () -> ()
      %add3A_224 = arith.constant 5 : i32
      %add3A_225 = arith.addi %mul3A_187, %add3A_224 : i32
      %mul3A_226 = arith.constant 64 : i32
      %mul3A_227 = arith.muli %add3A_225, %mul3A_226 : i32
      %dma_start3A_228 = tpu.memref_slice %arg6[%mul3A_227] : memref<5120xi32, #tpu.memory_space<vmem>> -> memref<64xi32, #tpu.memory_space<vmem>>
      %dma_start3A_229 = arith.constant 0 : i32
      %dma_start3A_230 = arith.constant 0 : i32
      %dma_start3A_231 = tpu.memref_slice %arg2[%dma_start3A_229, %dma_start3A_230] : memref<10000x128xf32, #tpu.memory_space<hbm>> -> memref<10000x128xf32, #tpu.memory_space<hbm>>
      tpu.enqueue_indirect_dma source(%dma_start3A_231 : memref<10000x128xf32, #tpu.memory_space<hbm>>) target(%arg9 : memref<64x128xf32, #tpu.memory_space<vmem>>) offsets(%dma_start3A_228 : memref<64xi32, #tpu.memory_space<vmem>>) semaphore(%arg13 : memref<!tpu.dma_semaphore, #tpu.memory_space<semaphore_mem>>)
      %add3A_232 = arith.constant 2 : i32
      %add3A_233 = arith.addi %mul3A_187, %add3A_232 : i32
      %mul3A_234 = arith.constant 64 : i32
      %mul3A_235 = arith.muli %add3A_233, %mul3A_234 : i32
      %dma_wait3A_236 = tpu.memref_slice %arg6[%mul3A_235] : memref<5120xi32, #tpu.memory_space<vmem>> -> memref<64xi32, #tpu.memory_space<vmem>>
      %dma_wait3A_237 = arith.constant 0 : i32
      %dma_wait3A_238 = arith.constant 0 : i32
      %dma_wait3A_239 = tpu.memref_slice %arg2[%dma_wait3A_237, %dma_wait3A_238] : memref<10000x128xf32, #tpu.memory_space<hbm>> -> memref<10000x128xf32, #tpu.memory_space<hbm>>
      tpu.wait_indirect_dma semaphore(%arg14 : memref<!tpu.dma_semaphore, #tpu.memory_space<semaphore_mem>>) src(%dma_wait3A_239 : memref<10000x128xf32, #tpu.memory_space<hbm>>) dst(%arg10 : memref<64x128xf32, #tpu.memory_space<vmem>>)
      %add3A_240 = arith.constant 2 : i32
      %add3A_241 = arith.addi %mul3A_187, %add3A_240 : i32
      %mul3A_242 = arith.constant 64 : i32
      %mul3A_243 = arith.muli %add3A_241, %mul3A_242 : i32
      "tpu.region"() ({
        %run_scoped3A = tpu.sem_alloc : memref<!tpu.dma_semaphore, #tpu.memory_space<semaphore_mem>>
        %dma_start3A_264 = tpu.memref_slice %arg7[%mul3A_243] : memref<5120xi32, #tpu.memory_space<vmem>> -> memref<64xi32, #tpu.memory_space<vmem>>
        %dma_start3A_265 = arith.constant 0 : i32
        %dma_start3A_266 = arith.constant 0 : i32
        %dma_start3A_267 = tpu.memref_slice %arg5[%dma_start3A_265, %dma_start3A_266] : memref<10240x128xf32, #tpu.memory_space<vmem_shared>> -> memref<10240x128xf32, #tpu.memory_space<vmem_shared>>
        tpu.enqueue_indirect_dma source(%arg10 : memref<64x128xf32, #tpu.memory_space<vmem>>) target(%dma_start3A_267 : memref<10240x128xf32, #tpu.memory_space<vmem_shared>>) offsets(%dma_start3A_264 : memref<64xi32, #tpu.memory_space<vmem>>) semaphore(%run_scoped3A : memref<!tpu.dma_semaphore, #tpu.memory_space<semaphore_mem>>) {add = true}
        %dma_wait3A_268 = tpu.memref_slice %arg7[%mul3A_243] : memref<5120xi32, #tpu.memory_space<vmem>> -> memref<64xi32, #tpu.memory_space<vmem>>
        %dma_wait3A_269 = arith.constant 0 : i32
        %dma_wait3A_270 = arith.constant 0 : i32
        %dma_wait3A_271 = tpu.memref_slice %arg5[%dma_wait3A_269, %dma_wait3A_270] : memref<10240x128xf32, #tpu.memory_space<vmem_shared>> -> memref<10240x128xf32, #tpu.memory_space<vmem_shared>>
        tpu.wait_indirect_dma semaphore(%run_scoped3A : memref<!tpu.dma_semaphore, #tpu.memory_space<semaphore_mem>>) src(%arg10 : memref<64x128xf32, #tpu.memory_space<vmem>>) dst(%dma_wait3A_271 : memref<10240x128xf32, #tpu.memory_space<vmem_shared>>)
        tpu.yield
      }) : () -> ()
      %add3A_244 = arith.constant 6 : i32
      %add3A_245 = arith.addi %mul3A_187, %add3A_244 : i32
      %mul3A_246 = arith.constant 64 : i32
      %mul3A_247 = arith.muli %add3A_245, %mul3A_246 : i32
      %dma_start3A_248 = tpu.memref_slice %arg6[%mul3A_247] : memref<5120xi32, #tpu.memory_space<vmem>> -> memref<64xi32, #tpu.memory_space<vmem>>
      %dma_start3A_249 = arith.constant 0 : i32
      %dma_start3A_250 = arith.constant 0 : i32
      %dma_start3A_251 = tpu.memref_slice %arg2[%dma_start3A_249, %dma_start3A_250] : memref<10000x128xf32, #tpu.memory_space<hbm>> -> memref<10000x128xf32, #tpu.memory_space<hbm>>
      tpu.enqueue_indirect_dma source(%dma_start3A_251 : memref<10000x128xf32, #tpu.memory_space<hbm>>) target(%arg10 : memref<64x128xf32, #tpu.memory_space<vmem>>) offsets(%dma_start3A_248 : memref<64xi32, #tpu.memory_space<vmem>>) semaphore(%arg14 : memref<!tpu.dma_semaphore, #tpu.memory_space<semaphore_mem>>)
      %add3A_252 = arith.constant 3 : i32
      %add3A_253 = arith.addi %mul3A_187, %add3A_252 : i32
      %mul3A_254 = arith.constant 64 : i32
      %mul3A_255 = arith.muli %add3A_253, %mul3A_254 : i32
      %dma_wait3A_256 = tpu.memref_slice %arg6[%mul3A_255] : memref<5120xi32, #tpu.memory_space<vmem>> -> memref<64xi32, #tpu.memory_space<vmem>>
      %dma_wait3A_257 = arith.constant 0 : i32
      %dma_wait3A_258 = arith.constant 0 : i32
      %dma_wait3A_259 = tpu.memref_slice %arg2[%dma_wait3A_257, %dma_wait3A_258] : memref<10000x128xf32, #tpu.memory_space<hbm>> -> memref<10000x128xf32, #tpu.memory_space<hbm>>
      tpu.wait_indirect_dma semaphore(%arg15 : memref<!tpu.dma_semaphore, #tpu.memory_space<semaphore_mem>>) src(%dma_wait3A_259 : memref<10000x128xf32, #tpu.memory_space<hbm>>) dst(%arg11 : memref<64x128xf32, #tpu.memory_space<vmem>>)
      %add3A_260 = arith.constant 3 : i32
      %add3A_261 = arith.addi %mul3A_187, %add3A_260 : i32
      %mul3A_262 = arith.constant 64 : i32
      %mul3A_263 = arith.muli %add3A_261, %mul3A_262 : i32
      "tpu.region"() ({
        %run_scoped3A = tpu.sem_alloc : memref<!tpu.dma_semaphore, #tpu.memory_space<semaphore_mem>>
        %dma_start3A_264 = tpu.memref_slice %arg7[%mul3A_263] : memref<5120xi32, #tpu.memory_space<vmem>> -> memref<64xi32, #tpu.memory_space<vmem>>
        %dma_start3A_265 = arith.constant 0 : i32
        %dma_start3A_266 = arith.constant 0 : i32
        %dma_start3A_267 = tpu.memref_slice %arg5[%dma_start3A_265, %dma_start3A_266] : memref<10240x128xf32, #tpu.memory_space<vmem_shared>> -> memref<10240x128xf32, #tpu.memory_space<vmem_shared>>
        tpu.enqueue_indirect_dma source(%arg11 : memref<64x128xf32, #tpu.memory_space<vmem>>) target(%dma_start3A_267 : memref<10240x128xf32, #tpu.memory_space<vmem_shared>>) offsets(%dma_start3A_264 : memref<64xi32, #tpu.memory_space<vmem>>) semaphore(%run_scoped3A : memref<!tpu.dma_semaphore, #tpu.memory_space<semaphore_mem>>) {add = true}
        %dma_wait3A_268 = tpu.memref_slice %arg7[%mul3A_263] : memref<5120xi32, #tpu.memory_space<vmem>> -> memref<64xi32, #tpu.memory_space<vmem>>
        %dma_wait3A_269 = arith.constant 0 : i32
        %dma_wait3A_270 = arith.constant 0 : i32
        %dma_wait3A_271 = tpu.memref_slice %arg5[%dma_wait3A_269, %dma_wait3A_270] : memref<10240x128xf32, #tpu.memory_space<vmem_shared>> -> memref<10240x128xf32, #tpu.memory_space<vmem_shared>>
        tpu.wait_indirect_dma semaphore(%run_scoped3A : memref<!tpu.dma_semaphore, #tpu.memory_space<semaphore_mem>>) src(%arg11 : memref<64x128xf32, #tpu.memory_space<vmem>>) dst(%dma_wait3A_271 : memref<10240x128xf32, #tpu.memory_space<vmem_shared>>)
        tpu.yield
      }) : () -> ()
    }
    %while3A_47 = arith.constant 1 : i32
    scf.for %while3A_185 = %while3A_45 to %while3A_41 step %while3A_47  : i32 {
      %mul3A_186 = arith.constant 4 : i32
      %mul3A_187 = arith.muli %mul3A_186, %while3A_185 : i32
      %add3A_188 = arith.constant 3 : i32
      %add3A_189 = arith.addi %mul3A_187, %add3A_188 : i32
      %mul3A_190 = arith.constant 64 : i32
      %mul3A_191 = arith.muli %add3A_189, %mul3A_190 : i32
      %dma_start3A_192 = tpu.memref_slice %arg6[%mul3A_191] : memref<5120xi32, #tpu.memory_space<vmem>> -> memref<64xi32, #tpu.memory_space<vmem>>
      %dma_start3A_193 = arith.constant 0 : i32
      %dma_start3A_194 = arith.constant 0 : i32
      %dma_start3A_195 = tpu.memref_slice %arg2[%dma_start3A_193, %dma_start3A_194] : memref<10000x128xf32, #tpu.memory_space<hbm>> -> memref<10000x128xf32, #tpu.memory_space<hbm>>
      tpu.enqueue_indirect_dma source(%dma_start3A_195 : memref<10000x128xf32, #tpu.memory_space<hbm>>) target(%arg11 : memref<64x128xf32, #tpu.memory_space<vmem>>) offsets(%dma_start3A_192 : memref<64xi32, #tpu.memory_space<vmem>>) semaphore(%arg15 : memref<!tpu.dma_semaphore, #tpu.memory_space<semaphore_mem>>)
      %mul3A_196 = arith.constant 64 : i32
      %mul3A_197 = arith.muli %mul3A_187, %mul3A_196 : i32
      %dma_wait3A_198 = tpu.memref_slice %arg6[%mul3A_197] : memref<5120xi32, #tpu.memory_space<vmem>> -> memref<64xi32, #tpu.memory_space<vmem>>
      %dma_wait3A_199 = arith.constant 0 : i32
      %dma_wait3A_200 = arith.constant 0 : i32
      %dma_wait3A_201 = tpu.memref_slice %arg2[%dma_wait3A_199, %dma_wait3A_200] : memref<10000x128xf32, #tpu.memory_space<hbm>> -> memref<10000x128xf32, #tpu.memory_space<hbm>>
      tpu.wait_indirect_dma semaphore(%arg12 : memref<!tpu.dma_semaphore, #tpu.memory_space<semaphore_mem>>) src(%dma_wait3A_201 : memref<10000x128xf32, #tpu.memory_space<hbm>>) dst(%arg8 : memref<64x128xf32, #tpu.memory_space<vmem>>)
      %mul3A_202 = arith.constant 64 : i32
      %mul3A_203 = arith.muli %mul3A_187, %mul3A_202 : i32
      "tpu.region"() ({
        %run_scoped3A = tpu.sem_alloc : memref<!tpu.dma_semaphore, #tpu.memory_space<semaphore_mem>>
        %dma_start3A_264 = tpu.memref_slice %arg7[%mul3A_203] : memref<5120xi32, #tpu.memory_space<vmem>> -> memref<64xi32, #tpu.memory_space<vmem>>
        %dma_start3A_265 = arith.constant 0 : i32
        %dma_start3A_266 = arith.constant 0 : i32
        %dma_start3A_267 = tpu.memref_slice %arg5[%dma_start3A_265, %dma_start3A_266] : memref<10240x128xf32, #tpu.memory_space<vmem_shared>> -> memref<10240x128xf32, #tpu.memory_space<vmem_shared>>
        tpu.enqueue_indirect_dma source(%arg8 : memref<64x128xf32, #tpu.memory_space<vmem>>) target(%dma_start3A_267 : memref<10240x128xf32, #tpu.memory_space<vmem_shared>>) offsets(%dma_start3A_264 : memref<64xi32, #tpu.memory_space<vmem>>) semaphore(%run_scoped3A : memref<!tpu.dma_semaphore, #tpu.memory_space<semaphore_mem>>) {add = true}
        %dma_wait3A_268 = tpu.memref_slice %arg7[%mul3A_203] : memref<5120xi32, #tpu.memory_space<vmem>> -> memref<64xi32, #tpu.memory_space<vmem>>
        %dma_wait3A_269 = arith.constant 0 : i32
        %dma_wait3A_270 = arith.constant 0 : i32
        %dma_wait3A_271 = tpu.memref_slice %arg5[%dma_wait3A_269, %dma_wait3A_270] : memref<10240x128xf32, #tpu.memory_space<vmem_shared>> -> memref<10240x128xf32, #tpu.memory_space<vmem_shared>>
        tpu.wait_indirect_dma semaphore(%run_scoped3A : memref<!tpu.dma_semaphore, #tpu.memory_space<semaphore_mem>>) src(%arg8 : memref<64x128xf32, #tpu.memory_space<vmem>>) dst(%dma_wait3A_271 : memref<10240x128xf32, #tpu.memory_space<vmem_shared>>)
        tpu.yield
      }) : () -> ()
      %add3A_204 = arith.constant 4 : i32
      %add3A_205 = arith.addi %mul3A_187, %add3A_204 : i32
      %mul3A_206 = arith.constant 64 : i32
      %mul3A_207 = arith.muli %add3A_205, %mul3A_206 : i32
      %dma_start3A_208 = tpu.memref_slice %arg6[%mul3A_207] : memref<5120xi32, #tpu.memory_space<vmem>> -> memref<64xi32, #tpu.memory_space<vmem>>
      %dma_start3A_209 = arith.constant 0 : i32
      %dma_start3A_210 = arith.constant 0 : i32
      %dma_start3A_211 = tpu.memref_slice %arg2[%dma_start3A_209, %dma_start3A_210] : memref<10000x128xf32, #tpu.memory_space<hbm>> -> memref<10000x128xf32, #tpu.memory_space<hbm>>
      tpu.enqueue_indirect_dma source(%dma_start3A_211 : memref<10000x128xf32, #tpu.memory_space<hbm>>) target(%arg8 : memref<64x128xf32, #tpu.memory_space<vmem>>) offsets(%dma_start3A_208 : memref<64xi32, #tpu.memory_space<vmem>>) semaphore(%arg12 : memref<!tpu.dma_semaphore, #tpu.memory_space<semaphore_mem>>)
      %add3A_212 = arith.constant 1 : i32
      %add3A_213 = arith.addi %mul3A_187, %add3A_212 : i32
      %mul3A_214 = arith.constant 64 : i32
      %mul3A_215 = arith.muli %add3A_213, %mul3A_214 : i32
      %dma_wait3A_216 = tpu.memref_slice %arg6[%mul3A_215] : memref<5120xi32, #tpu.memory_space<vmem>> -> memref<64xi32, #tpu.memory_space<vmem>>
      %dma_wait3A_217 = arith.constant 0 : i32
      %dma_wait3A_218 = arith.constant 0 : i32
      %dma_wait3A_219 = tpu.memref_slice %arg2[%dma_wait3A_217, %dma_wait3A_218] : memref<10000x128xf32, #tpu.memory_space<hbm>> -> memref<10000x128xf32, #tpu.memory_space<hbm>>
      tpu.wait_indirect_dma semaphore(%arg13 : memref<!tpu.dma_semaphore, #tpu.memory_space<semaphore_mem>>) src(%dma_wait3A_219 : memref<10000x128xf32, #tpu.memory_space<hbm>>) dst(%arg9 : memref<64x128xf32, #tpu.memory_space<vmem>>)
      %add3A_220 = arith.constant 1 : i32
      %add3A_221 = arith.addi %mul3A_187, %add3A_220 : i32
      %mul3A_222 = arith.constant 64 : i32
      %mul3A_223 = arith.muli %add3A_221, %mul3A_222 : i32
      "tpu.region"() ({
        %run_scoped3A = tpu.sem_alloc : memref<!tpu.dma_semaphore, #tpu.memory_space<semaphore_mem>>
        %dma_start3A_264 = tpu.memref_slice %arg7[%mul3A_223] : memref<5120xi32, #tpu.memory_space<vmem>> -> memref<64xi32, #tpu.memory_space<vmem>>
        %dma_start3A_265 = arith.constant 0 : i32
        %dma_start3A_266 = arith.constant 0 : i32
        %dma_start3A_267 = tpu.memref_slice %arg5[%dma_start3A_265, %dma_start3A_266] : memref<10240x128xf32, #tpu.memory_space<vmem_shared>> -> memref<10240x128xf32, #tpu.memory_space<vmem_shared>>
        tpu.enqueue_indirect_dma source(%arg9 : memref<64x128xf32, #tpu.memory_space<vmem>>) target(%dma_start3A_267 : memref<10240x128xf32, #tpu.memory_space<vmem_shared>>) offsets(%dma_start3A_264 : memref<64xi32, #tpu.memory_space<vmem>>) semaphore(%run_scoped3A : memref<!tpu.dma_semaphore, #tpu.memory_space<semaphore_mem>>) {add = true}
        %dma_wait3A_268 = tpu.memref_slice %arg7[%mul3A_223] : memref<5120xi32, #tpu.memory_space<vmem>> -> memref<64xi32, #tpu.memory_space<vmem>>
        %dma_wait3A_269 = arith.constant 0 : i32
        %dma_wait3A_270 = arith.constant 0 : i32
        %dma_wait3A_271 = tpu.memref_slice %arg5[%dma_wait3A_269, %dma_wait3A_270] : memref<10240x128xf32, #tpu.memory_space<vmem_shared>> -> memref<10240x128xf32, #tpu.memory_space<vmem_shared>>
        tpu.wait_indirect_dma semaphore(%run_scoped3A : memref<!tpu.dma_semaphore, #tpu.memory_space<semaphore_mem>>) src(%arg9 : memref<64x128xf32, #tpu.memory_space<vmem>>) dst(%dma_wait3A_271 : memref<10240x128xf32, #tpu.memory_space<vmem_shared>>)
        tpu.yield
      }) : () -> ()
      %add3A_224 = arith.constant 5 : i32
      %add3A_225 = arith.addi %mul3A_187, %add3A_224 : i32
      %mul3A_226 = arith.constant 64 : i32
      %mul3A_227 = arith.muli %add3A_225, %mul3A_226 : i32
      %dma_start3A_228 = tpu.memref_slice %arg6[%mul3A_227] : memref<5120xi32, #tpu.memory_space<vmem>> -> memref<64xi32, #tpu.memory_space<vmem>>
      %dma_start3A_229 = arith.constant 0 : i32
      %dma_start3A_230 = arith.constant 0 : i32
      %dma_start3A_231 = tpu.memref_slice %arg2[%dma_start3A_229, %dma_start3A_230] : memref<10000x128xf32, #tpu.memory_space<hbm>> -> memref<10000x128xf32, #tpu.memory_space<hbm>>
      tpu.enqueue_indirect_dma source(%dma_start3A_231 : memref<10000x128xf32, #tpu.memory_space<hbm>>) target(%arg9 : memref<64x128xf32, #tpu.memory_space<vmem>>) offsets(%dma_start3A_228 : memref<64xi32, #tpu.memory_space<vmem>>) semaphore(%arg13 : memref<!tpu.dma_semaphore, #tpu.memory_space<semaphore_mem>>)
      %add3A_232 = arith.constant 2 : i32
      %add3A_233 = arith.addi %mul3A_187, %add3A_232 : i32
      %mul3A_234 = arith.constant 64 : i32
      %mul3A_235 = arith.muli %add3A_233, %mul3A_234 : i32
      %dma_wait3A_236 = tpu.memref_slice %arg6[%mul3A_235] : memref<5120xi32, #tpu.memory_space<vmem>> -> memref<64xi32, #tpu.memory_space<vmem>>
      %dma_wait3A_237 = arith.constant 0 : i32
      %dma_wait3A_238 = arith.constant 0 : i32
      %dma_wait3A_239 = tpu.memref_slice %arg2[%dma_wait3A_237, %dma_wait3A_238] : memref<10000x128xf32, #tpu.memory_space<hbm>> -> memref<10000x128xf32, #tpu.memory_space<hbm>>
      tpu.wait_indirect_dma semaphore(%arg14 : memref<!tpu.dma_semaphore, #tpu.memory_space<semaphore_mem>>) src(%dma_wait3A_239 : memref<10000x128xf32, #tpu.memory_space<hbm>>) dst(%arg10 : memref<64x128xf32, #tpu.memory_space<vmem>>)
      %add3A_240 = arith.constant 2 : i32
      %add3A_241 = arith.addi %mul3A_187, %add3A_240 : i32
      %mul3A_242 = arith.constant 64 : i32
      %mul3A_243 = arith.muli %add3A_241, %mul3A_242 : i32
      "tpu.region"() ({
        %run_scoped3A = tpu.sem_alloc : memref<!tpu.dma_semaphore, #tpu.memory_space<semaphore_mem>>
        %dma_start3A_264 = tpu.memref_slice %arg7[%mul3A_243] : memref<5120xi32, #tpu.memory_space<vmem>> -> memref<64xi32, #tpu.memory_space<vmem>>
        %dma_start3A_265 = arith.constant 0 : i32
        %dma_start3A_266 = arith.constant 0 : i32
        %dma_start3A_267 = tpu.memref_slice %arg5[%dma_start3A_265, %dma_start3A_266] : memref<10240x128xf32, #tpu.memory_space<vmem_shared>> -> memref<10240x128xf32, #tpu.memory_space<vmem_shared>>
        tpu.enqueue_indirect_dma source(%arg10 : memref<64x128xf32, #tpu.memory_space<vmem>>) target(%dma_start3A_267 : memref<10240x128xf32, #tpu.memory_space<vmem_shared>>) offsets(%dma_start3A_264 : memref<64xi32, #tpu.memory_space<vmem>>) semaphore(%run_scoped3A : memref<!tpu.dma_semaphore, #tpu.memory_space<semaphore_mem>>) {add = true}
        %dma_wait3A_268 = tpu.memref_slice %arg7[%mul3A_243] : memref<5120xi32, #tpu.memory_space<vmem>> -> memref<64xi32, #tpu.memory_space<vmem>>
        %dma_wait3A_269 = arith.constant 0 : i32
        %dma_wait3A_270 = arith.constant 0 : i32
        %dma_wait3A_271 = tpu.memref_slice %arg5[%dma_wait3A_269, %dma_wait3A_270] : memref<10240x128xf32, #tpu.memory_space<vmem_shared>> -> memref<10240x128xf32, #tpu.memory_space<vmem_shared>>
        tpu.wait_indirect_dma semaphore(%run_scoped3A : memref<!tpu.dma_semaphore, #tpu.memory_space<semaphore_mem>>) src(%arg10 : memref<64x128xf32, #tpu.memory_space<vmem>>) dst(%dma_wait3A_271 : memref<10240x128xf32, #tpu.memory_space<vmem_shared>>)
        tpu.yield
      }) : () -> ()
      %add3A_244 = arith.constant 6 : i32
      %add3A_245 = arith.addi %mul3A_187, %add3A_244 : i32
      %mul3A_246 = arith.constant 64 : i32
      %mul3A_247 = arith.muli %add3A_245, %mul3A_246 : i32
      %dma_start3A_248 = tpu.memref_slice %arg6[%mul3A_247] : memref<5120xi32, #tpu.memory_space<vmem>> -> memref<64xi32, #tpu.memory_space<vmem>>
      %dma_start3A_249 = arith.constant 0 : i32
      %dma_start3A_250 = arith.constant 0 : i32
      %dma_start3A_251 = tpu.memref_slice %arg2[%dma_start3A_249, %dma_start3A_250] : memref<10000x128xf32, #tpu.memory_space<hbm>> -> memref<10000x128xf32, #tpu.memory_space<hbm>>
      tpu.enqueue_indirect_dma source(%dma_start3A_251 : memref<10000x128xf32, #tpu.memory_space<hbm>>) target(%arg10 : memref<64x128xf32, #tpu.memory_space<vmem>>) offsets(%dma_start3A_248 : memref<64xi32, #tpu.memory_space<vmem>>) semaphore(%arg14 : memref<!tpu.dma_semaphore, #tpu.memory_space<semaphore_mem>>)
      %add3A_252 = arith.constant 3 : i32
      %add3A_253 = arith.addi %mul3A_187, %add3A_252 : i32
      %mul3A_254 = arith.constant 64 : i32
      %mul3A_255 = arith.muli %add3A_253, %mul3A_254 : i32
      %dma_wait3A_256 = tpu.memref_slice %arg6[%mul3A_255] : memref<5120xi32, #tpu.memory_space<vmem>> -> memref<64xi32, #tpu.memory_space<vmem>>
      %dma_wait3A_257 = arith.constant 0 : i32
      %dma_wait3A_258 = arith.constant 0 : i32
      %dma_wait3A_259 = tpu.memref_slice %arg2[%dma_wait3A_257, %dma_wait3A_258] : memref<10000x128xf32, #tpu.memory_space<hbm>> -> memref<10000x128xf32, #tpu.memory_space<hbm>>
      tpu.wait_indirect_dma semaphore(%arg15 : memref<!tpu.dma_semaphore, #tpu.memory_space<semaphore_mem>>) src(%dma_wait3A_259 : memref<10000x128xf32, #tpu.memory_space<hbm>>) dst(%arg11 : memref<64x128xf32, #tpu.memory_space<vmem>>)
      %add3A_260 = arith.constant 3 : i32
      %add3A_261 = arith.addi %mul3A_187, %add3A_260 : i32
      %mul3A_262 = arith.constant 64 : i32
      %mul3A_263 = arith.muli %add3A_261, %mul3A_262 : i32
      "tpu.region"() ({
        %run_scoped3A = tpu.sem_alloc : memref<!tpu.dma_semaphore, #tpu.memory_space<semaphore_mem>>
        %dma_start3A_264 = tpu.memref_slice %arg7[%mul3A_263] : memref<5120xi32, #tpu.memory_space<vmem>> -> memref<64xi32, #tpu.memory_space<vmem>>
        %dma_start3A_265 = arith.constant 0 : i32
        %dma_start3A_266 = arith.constant 0 : i32
        %dma_start3A_267 = tpu.memref_slice %arg5[%dma_start3A_265, %dma_start3A_266] : memref<10240x128xf32, #tpu.memory_space<vmem_shared>> -> memref<10240x128xf32, #tpu.memory_space<vmem_shared>>
        tpu.enqueue_indirect_dma source(%arg11 : memref<64x128xf32, #tpu.memory_space<vmem>>) target(%dma_start3A_267 : memref<10240x128xf32, #tpu.memory_space<vmem_shared>>) offsets(%dma_start3A_264 : memref<64xi32, #tpu.memory_space<vmem>>) semaphore(%run_scoped3A : memref<!tpu.dma_semaphore, #tpu.memory_space<semaphore_mem>>) {add = true}
        %dma_wait3A_268 = tpu.memref_slice %arg7[%mul3A_263] : memref<5120xi32, #tpu.memory_space<vmem>> -> memref<64xi32, #tpu.memory_space<vmem>>
        %dma_wait3A_269 = arith.constant 0 : i32
        %dma_wait3A_270 = arith.constant 0 : i32
        %dma_wait3A_271 = tpu.memref_slice %arg5[%dma_wait3A_269, %dma_wait3A_270] : memref<10240x128xf32, #tpu.memory_space<vmem_shared>> -> memref<10240x128xf32, #tpu.memory_space<vmem_shared>>
        tpu.wait_indirect_dma semaphore(%run_scoped3A : memref<!tpu.dma_semaphore, #tpu.memory_space<semaphore_mem>>) src(%arg11 : memref<64x128xf32, #tpu.memory_space<vmem>>) dst(%dma_wait3A_271 : memref<10240x128xf32, #tpu.memory_space<vmem_shared>>)
        tpu.yield
      }) : () -> ()
    }
    %add3A_48 = arith.constant 3 : i32
    %add3A_49 = arith.addi %select_n3A_19, %add3A_48 : i32
    %mul3A_50 = arith.constant 64 : i32
    %mul3A_51 = arith.muli %add3A_49, %mul3A_50 : i32
    %dma_start3A_52 = tpu.memref_slice %arg6[%mul3A_51] : memref<5120xi32, #tpu.memory_space<vmem>> -> memref<64xi32, #tpu.memory_space<vmem>>
    %dma_start3A_53 = arith.constant 0 : i32
    %dma_start3A_54 = arith.constant 0 : i32
    %dma_start3A_55 = tpu.memref_slice %arg2[%dma_start3A_53, %dma_start3A_54] : memref<10000x128xf32, #tpu.memory_space<hbm>> -> memref<10000x128xf32, #tpu.memory_space<hbm>>
    tpu.enqueue_indirect_dma source(%dma_start3A_55 : memref<10000x128xf32, #tpu.memory_space<hbm>>) target(%arg11 : memref<64x128xf32, #tpu.memory_space<vmem>>) offsets(%dma_start3A_52 : memref<64xi32, #tpu.memory_space<vmem>>) semaphore(%arg15 : memref<!tpu.dma_semaphore, #tpu.memory_space<semaphore_mem>>)
    %mul3A_56 = arith.constant 64 : i32
    %mul3A_57 = arith.muli %select_n3A_19, %mul3A_56 : i32
    %dma_wait3A = tpu.memref_slice %arg6[%mul3A_57] : memref<5120xi32, #tpu.memory_space<vmem>> -> memref<64xi32, #tpu.memory_space<vmem>>
    %dma_wait3A_58 = arith.constant 0 : i32
    %dma_wait3A_59 = arith.constant 0 : i32
    %dma_wait3A_60 = tpu.memref_slice %arg2[%dma_wait3A_58, %dma_wait3A_59] : memref<10000x128xf32, #tpu.memory_space<hbm>> -> memref<10000x128xf32, #tpu.memory_space<hbm>>
    tpu.wait_indirect_dma semaphore(%arg12 : memref<!tpu.dma_semaphore, #tpu.memory_space<semaphore_mem>>) src(%dma_wait3A_60 : memref<10000x128xf32, #tpu.memory_space<hbm>>) dst(%arg8 : memref<64x128xf32, #tpu.memory_space<vmem>>)
    %mul3A_61 = arith.constant 64 : i32
    %mul3A_62 = arith.muli %select_n3A_19, %mul3A_61 : i32
    "tpu.region"() ({
      %run_scoped3A = tpu.sem_alloc : memref<!tpu.dma_semaphore, #tpu.memory_space<semaphore_mem>>
      %dma_start3A_185 = tpu.memref_slice %arg7[%mul3A_62] : memref<5120xi32, #tpu.memory_space<vmem>> -> memref<64xi32, #tpu.memory_space<vmem>>
      %dma_start3A_186 = arith.constant 0 : i32
      %dma_start3A_187 = arith.constant 0 : i32
      %dma_start3A_188 = tpu.memref_slice %arg5[%dma_start3A_186, %dma_start3A_187] : memref<10240x128xf32, #tpu.memory_space<vmem_shared>> -> memref<10240x128xf32, #tpu.memory_space<vmem_shared>>
      tpu.enqueue_indirect_dma source(%arg8 : memref<64x128xf32, #tpu.memory_space<vmem>>) target(%dma_start3A_188 : memref<10240x128xf32, #tpu.memory_space<vmem_shared>>) offsets(%dma_start3A_185 : memref<64xi32, #tpu.memory_space<vmem>>) semaphore(%run_scoped3A : memref<!tpu.dma_semaphore, #tpu.memory_space<semaphore_mem>>) {add = true}
      %dma_wait3A_189 = tpu.memref_slice %arg7[%mul3A_62] : memref<5120xi32, #tpu.memory_space<vmem>> -> memref<64xi32, #tpu.memory_space<vmem>>
      %dma_wait3A_190 = arith.constant 0 : i32
      %dma_wait3A_191 = arith.constant 0 : i32
      %dma_wait3A_192 = tpu.memref_slice %arg5[%dma_wait3A_190, %dma_wait3A_191] : memref<10240x128xf32, #tpu.memory_space<vmem_shared>> -> memref<10240x128xf32, #tpu.memory_space<vmem_shared>>
      tpu.wait_indirect_dma semaphore(%run_scoped3A : memref<!tpu.dma_semaphore, #tpu.memory_space<semaphore_mem>>) src(%arg8 : memref<64x128xf32, #tpu.memory_space<vmem>>) dst(%dma_wait3A_192 : memref<10240x128xf32, #tpu.memory_space<vmem_shared>>)
      tpu.yield
    }) : () -> ()
    %add3A_63 = arith.constant 1 : i32
    %add3A_64 = arith.addi %select_n3A_19, %add3A_63 : i32
    %mul3A_65 = arith.constant 64 : i32
    %mul3A_66 = arith.muli %add3A_64, %mul3A_65 : i32
    %dma_wait3A_67 = tpu.memref_slice %arg6[%mul3A_66] : memref<5120xi32, #tpu.memory_space<vmem>> -> memref<64xi32, #tpu.memory_space<vmem>>
    %dma_wait3A_68 = arith.constant 0 : i32
    %dma_wait3A_69 = arith.constant 0 : i32
    %dma_wait3A_70 = tpu.memref_slice %arg2[%dma_wait3A_68, %dma_wait3A_69] : memref<10000x128xf32, #tpu.memory_space<hbm>> -> memref<10000x128xf32, #tpu.memory_space<hbm>>
    tpu.wait_indirect_dma semaphore(%arg13 : memref<!tpu.dma_semaphore, #tpu.memory_space<semaphore_mem>>) src(%dma_wait3A_70 : memref<10000x128xf32, #tpu.memory_space<hbm>>) dst(%arg9 : memref<64x128xf32, #tpu.memory_space<vmem>>)
    %add3A_71 = arith.constant 1 : i32
    %add3A_72 = arith.addi %select_n3A_19, %add3A_71 : i32
    %mul3A_73 = arith.constant 64 : i32
    %mul3A_74 = arith.muli %add3A_72, %mul3A_73 : i32
    "tpu.region"() ({
      %run_scoped3A = tpu.sem_alloc : memref<!tpu.dma_semaphore, #tpu.memory_space<semaphore_mem>>
      %dma_start3A_185 = tpu.memref_slice %arg7[%mul3A_74] : memref<5120xi32, #tpu.memory_space<vmem>> -> memref<64xi32, #tpu.memory_space<vmem>>
      %dma_start3A_186 = arith.constant 0 : i32
      %dma_start3A_187 = arith.constant 0 : i32
      %dma_start3A_188 = tpu.memref_slice %arg5[%dma_start3A_186, %dma_start3A_187] : memref<10240x128xf32, #tpu.memory_space<vmem_shared>> -> memref<10240x128xf32, #tpu.memory_space<vmem_shared>>
      tpu.enqueue_indirect_dma source(%arg9 : memref<64x128xf32, #tpu.memory_space<vmem>>) target(%dma_start3A_188 : memref<10240x128xf32, #tpu.memory_space<vmem_shared>>) offsets(%dma_start3A_185 : memref<64xi32, #tpu.memory_space<vmem>>) semaphore(%run_scoped3A : memref<!tpu.dma_semaphore, #tpu.memory_space<semaphore_mem>>) {add = true}
      %dma_wait3A_189 = tpu.memref_slice %arg7[%mul3A_74] : memref<5120xi32, #tpu.memory_space<vmem>> -> memref<64xi32, #tpu.memory_space<vmem>>
      %dma_wait3A_190 = arith.constant 0 : i32
      %dma_wait3A_191 = arith.constant 0 : i32
      %dma_wait3A_192 = tpu.memref_slice %arg5[%dma_wait3A_190, %dma_wait3A_191] : memref<10240x128xf32, #tpu.memory_space<vmem_shared>> -> memref<10240x128xf32, #tpu.memory_space<vmem_shared>>
      tpu.wait_indirect_dma semaphore(%run_scoped3A : memref<!tpu.dma_semaphore, #tpu.memory_space<semaphore_mem>>) src(%arg9 : memref<64x128xf32, #tpu.memory_space<vmem>>) dst(%dma_wait3A_192 : memref<10240x128xf32, #tpu.memory_space<vmem_shared>>)
      tpu.yield
    }) : () -> ()
    %add3A_75 = arith.constant 2 : i32
    %add3A_76 = arith.addi %select_n3A_19, %add3A_75 : i32
    %mul3A_77 = arith.constant 64 : i32
    %mul3A_78 = arith.muli %add3A_76, %mul3A_77 : i32
    %dma_wait3A_79 = tpu.memref_slice %arg6[%mul3A_78] : memref<5120xi32, #tpu.memory_space<vmem>> -> memref<64xi32, #tpu.memory_space<vmem>>
    %dma_wait3A_80 = arith.constant 0 : i32
    %dma_wait3A_81 = arith.constant 0 : i32
    %dma_wait3A_82 = tpu.memref_slice %arg2[%dma_wait3A_80, %dma_wait3A_81] : memref<10000x128xf32, #tpu.memory_space<hbm>> -> memref<10000x128xf32, #tpu.memory_space<hbm>>
    tpu.wait_indirect_dma semaphore(%arg14 : memref<!tpu.dma_semaphore, #tpu.memory_space<semaphore_mem>>) src(%dma_wait3A_82 : memref<10000x128xf32, #tpu.memory_space<hbm>>) dst(%arg10 : memref<64x128xf32, #tpu.memory_space<vmem>>)
    %add3A_83 = arith.constant 2 : i32
    %add3A_84 = arith.addi %select_n3A_19, %add3A_83 : i32
    %mul3A_85 = arith.constant 64 : i32
    %mul3A_86 = arith.muli %add3A_84, %mul3A_85 : i32
    "tpu.region"() ({
      %run_scoped3A = tpu.sem_alloc : memref<!tpu.dma_semaphore, #tpu.memory_space<semaphore_mem>>
      %dma_start3A_185 = tpu.memref_slice %arg7[%mul3A_86] : memref<5120xi32, #tpu.memory_space<vmem>> -> memref<64xi32, #tpu.memory_space<vmem>>
      %dma_start3A_186 = arith.constant 0 : i32
      %dma_start3A_187 = arith.constant 0 : i32
      %dma_start3A_188 = tpu.memref_slice %arg5[%dma_start3A_186, %dma_start3A_187] : memref<10240x128xf32, #tpu.memory_space<vmem_shared>> -> memref<10240x128xf32, #tpu.memory_space<vmem_shared>>
      tpu.enqueue_indirect_dma source(%arg10 : memref<64x128xf32, #tpu.memory_space<vmem>>) target(%dma_start3A_188 : memref<10240x128xf32, #tpu.memory_space<vmem_shared>>) offsets(%dma_start3A_185 : memref<64xi32, #tpu.memory_space<vmem>>) semaphore(%run_scoped3A : memref<!tpu.dma_semaphore, #tpu.memory_space<semaphore_mem>>) {add = true}
      %dma_wait3A_189 = tpu.memref_slice %arg7[%mul3A_86] : memref<5120xi32, #tpu.memory_space<vmem>> -> memref<64xi32, #tpu.memory_space<vmem>>
      %dma_wait3A_190 = arith.constant 0 : i32
      %dma_wait3A_191 = arith.constant 0 : i32
      %dma_wait3A_192 = tpu.memref_slice %arg5[%dma_wait3A_190, %dma_wait3A_191] : memref<10240x128xf32, #tpu.memory_space<vmem_shared>> -> memref<10240x128xf32, #tpu.memory_space<vmem_shared>>
      tpu.wait_indirect_dma semaphore(%run_scoped3A : memref<!tpu.dma_semaphore, #tpu.memory_space<semaphore_mem>>) src(%arg10 : memref<64x128xf32, #tpu.memory_space<vmem>>) dst(%dma_wait3A_192 : memref<10240x128xf32, #tpu.memory_space<vmem_shared>>)
      tpu.yield
    }) : () -> ()
    %add3A_87 = arith.constant 3 : i32
    %add3A_88 = arith.addi %select_n3A_19, %add3A_87 : i32
    %mul3A_89 = arith.constant 64 : i32
    %mul3A_90 = arith.muli %add3A_88, %mul3A_89 : i32
    %dma_wait3A_91 = tpu.memref_slice %arg6[%mul3A_90] : memref<5120xi32, #tpu.memory_space<vmem>> -> memref<64xi32, #tpu.memory_space<vmem>>
    %dma_wait3A_92 = arith.constant 0 : i32
    %dma_wait3A_93 = arith.constant 0 : i32
    %dma_wait3A_94 = tpu.memref_slice %arg2[%dma_wait3A_92, %dma_wait3A_93] : memref<10000x128xf32, #tpu.memory_space<hbm>> -> memref<10000x128xf32, #tpu.memory_space<hbm>>
    tpu.wait_indirect_dma semaphore(%arg15 : memref<!tpu.dma_semaphore, #tpu.memory_space<semaphore_mem>>) src(%dma_wait3A_94 : memref<10000x128xf32, #tpu.memory_space<hbm>>) dst(%arg11 : memref<64x128xf32, #tpu.memory_space<vmem>>)
    %add3A_95 = arith.constant 3 : i32
    %add3A_96 = arith.addi %select_n3A_19, %add3A_95 : i32
    %mul3A_97 = arith.constant 64 : i32
    %mul3A_98 = arith.muli %add3A_96, %mul3A_97 : i32
    "tpu.region"() ({
      %run_scoped3A = tpu.sem_alloc : memref<!tpu.dma_semaphore, #tpu.memory_space<semaphore_mem>>
      %dma_start3A_185 = tpu.memref_slice %arg7[%mul3A_98] : memref<5120xi32, #tpu.memory_space<vmem>> -> memref<64xi32, #tpu.memory_space<vmem>>
      %dma_start3A_186 = arith.constant 0 : i32
      %dma_start3A_187 = arith.constant 0 : i32
      %dma_start3A_188 = tpu.memref_slice %arg5[%dma_start3A_186, %dma_start3A_187] : memref<10240x128xf32, #tpu.memory_space<vmem_shared>> -> memref<10240x128xf32, #tpu.memory_space<vmem_shared>>
      tpu.enqueue_indirect_dma source(%arg11 : memref<64x128xf32, #tpu.memory_space<vmem>>) target(%dma_start3A_188 : memref<10240x128xf32, #tpu.memory_space<vmem_shared>>) offsets(%dma_start3A_185 : memref<64xi32, #tpu.memory_space<vmem>>) semaphore(%run_scoped3A : memref<!tpu.dma_semaphore, #tpu.memory_space<semaphore_mem>>) {add = true}
      %dma_wait3A_189 = tpu.memref_slice %arg7[%mul3A_98] : memref<5120xi32, #tpu.memory_space<vmem>> -> memref<64xi32, #tpu.memory_space<vmem>>
      %dma_wait3A_190 = arith.constant 0 : i32
      %dma_wait3A_191 = arith.constant 0 : i32
      %dma_wait3A_192 = tpu.memref_slice %arg5[%dma_wait3A_190, %dma_wait3A_191] : memref<10240x128xf32, #tpu.memory_space<vmem_shared>> -> memref<10240x128xf32, #tpu.memory_space<vmem_shared>>
      tpu.wait_indirect_dma semaphore(%run_scoped3A : memref<!tpu.dma_semaphore, #tpu.memory_space<semaphore_mem>>) src(%arg11 : memref<64x128xf32, #tpu.memory_space<vmem>>) dst(%dma_wait3A_192 : memref<10240x128xf32, #tpu.memory_space<vmem_shared>>)
      tpu.yield
    }) : () -> ()
    %not3A_99 = arith.constant true
    %not3A_100 = arith.xori %eq3A_15, %not3A_99 : i1
    %convert_element_type3A_101 = arith.extui %not3A_100 : i1 to i32
    %cond3A_102 = arith.constant 0 : i32
    %cond3A_103 = arith.cmpi ne, %convert_element_type3A_101, %cond3A_102 : i32
    scf.if %cond3A_103 {
      %mul3A_185 = arith.constant 10240 : i32
      %mul3A_186 = arith.muli %add3A, %mul3A_185 : i32
      %add3A_187 = arith.constant 5120 : i32
      %add3A_188 = arith.addi %mul3A_186, %add3A_187 : i32
      "tpu.region"() ({
        %run_scoped3A = tpu.sem_alloc : memref<!tpu.dma_semaphore, #tpu.memory_space<semaphore_mem>>
        %dma_start3A_191 = tpu.memref_slice %arg3[%add3A_188] : memref<640000xi32, #tpu.memory_space<hbm>> -> memref<5120xi32, #tpu.memory_space<hbm>>
        %dma_start3A_192 = tpu.memref_slice %arg3[%add3A_188] : memref<640000xi32, #tpu.memory_space<hbm>> -> memref<5120xi32, #tpu.memory_space<hbm>>
        tpu.enqueue_dma source(%dma_start3A_192 : memref<5120xi32, #tpu.memory_space<hbm>>) target(%arg6 : memref<5120xi32, #tpu.memory_space<vmem>>) target_semaphore(%run_scoped3A : memref<!tpu.dma_semaphore, #tpu.memory_space<semaphore_mem>>)
        %dma_wait3A_193 = tpu.memref_slice %arg3[%add3A_188] : memref<640000xi32, #tpu.memory_space<hbm>> -> memref<5120xi32, #tpu.memory_space<hbm>>
        %dma_wait3A_194 = tpu.memref_slice %arg3[%add3A_188] : memref<640000xi32, #tpu.memory_space<hbm>> -> memref<5120xi32, #tpu.memory_space<hbm>>
        tpu.wait_dma2 semaphore(%run_scoped3A : memref<!tpu.dma_semaphore, #tpu.memory_space<semaphore_mem>>) src(%dma_wait3A_194 : memref<5120xi32, #tpu.memory_space<hbm>>) dst(%arg6 : memref<5120xi32, #tpu.memory_space<vmem>>)
        tpu.yield
      }) : () -> ()
      %add3A_189 = arith.constant 320000 : i32
      %add3A_190 = arith.addi %add3A_189, %add3A_188 : i32
      "tpu.region"() ({
        %run_scoped3A = tpu.sem_alloc : memref<!tpu.dma_semaphore, #tpu.memory_space<semaphore_mem>>
        %dma_start3A_191 = tpu.memref_slice %arg3[%add3A_190] : memref<640000xi32, #tpu.memory_space<hbm>> -> memref<5120xi32, #tpu.memory_space<hbm>>
        %dma_start3A_192 = tpu.memref_slice %arg3[%add3A_190] : memref<640000xi32, #tpu.memory_space<hbm>> -> memref<5120xi32, #tpu.memory_space<hbm>>
        tpu.enqueue_dma source(%dma_start3A_192 : memref<5120xi32, #tpu.memory_space<hbm>>) target(%arg7 : memref<5120xi32, #tpu.memory_space<vmem>>) target_semaphore(%run_scoped3A : memref<!tpu.dma_semaphore, #tpu.memory_space<semaphore_mem>>)
        %dma_wait3A_193 = tpu.memref_slice %arg3[%add3A_190] : memref<640000xi32, #tpu.memory_space<hbm>> -> memref<5120xi32, #tpu.memory_space<hbm>>
        %dma_wait3A_194 = tpu.memref_slice %arg3[%add3A_190] : memref<640000xi32, #tpu.memory_space<hbm>> -> memref<5120xi32, #tpu.memory_space<hbm>>
        tpu.wait_dma2 semaphore(%run_scoped3A : memref<!tpu.dma_semaphore, #tpu.memory_space<semaphore_mem>>) src(%dma_wait3A_194 : memref<5120xi32, #tpu.memory_space<hbm>>) dst(%arg7 : memref<5120xi32, #tpu.memory_space<vmem>>)
        tpu.yield
      }) : () -> ()
    } else {
    }
    %convert_element_type3A_104 = arith.extui %eq3A_15 : i1 to i32
    %cond3A_105 = arith.constant 0 : i32
    %cond3A_106 = arith.cmpi ne, %convert_element_type3A_104, %cond3A_105 : i32
    scf.if %cond3A_106 {
      "tpu.region"() ({
        %run_scoped3A = tpu.sem_alloc : memref<!tpu.dma_semaphore, #tpu.memory_space<semaphore_mem>>
        %dma_start3A_185 = arith.constant 0 : i32
        %dma_start3A_186 = tpu.memref_slice %arg6[%dma_start3A_185] : memref<5120xi32, #tpu.memory_space<vmem>> -> memref<1280xi32, #tpu.memory_space<vmem>>
        %dma_start3A_187 = arith.constant 318720 : i32
        %dma_start3A_188 = tpu.memref_slice %arg3[%dma_start3A_187] : memref<640000xi32, #tpu.memory_space<hbm>> -> memref<1280xi32, #tpu.memory_space<hbm>>
        %dma_start3A_189 = arith.constant 0 : i32
        %dma_start3A_190 = tpu.memref_slice %arg6[%dma_start3A_189] : memref<5120xi32, #tpu.memory_space<vmem>> -> memref<1280xi32, #tpu.memory_space<vmem>>
        %dma_start3A_191 = arith.constant 318720 : i32
        %dma_start3A_192 = tpu.memref_slice %arg3[%dma_start3A_191] : memref<640000xi32, #tpu.memory_space<hbm>> -> memref<1280xi32, #tpu.memory_space<hbm>>
        tpu.enqueue_dma source(%dma_start3A_192 : memref<1280xi32, #tpu.memory_space<hbm>>) target(%dma_start3A_190 : memref<1280xi32, #tpu.memory_space<vmem>>) target_semaphore(%run_scoped3A : memref<!tpu.dma_semaphore, #tpu.memory_space<semaphore_mem>>)
        %dma_wait3A_193 = arith.constant 0 : i32
        %dma_wait3A_194 = tpu.memref_slice %arg6[%dma_wait3A_193] : memref<5120xi32, #tpu.memory_space<vmem>> -> memref<1280xi32, #tpu.memory_space<vmem>>
        %dma_wait3A_195 = arith.constant 318720 : i32
        %dma_wait3A_196 = tpu.memref_slice %arg3[%dma_wait3A_195] : memref<640000xi32, #tpu.memory_space<hbm>> -> memref<1280xi32, #tpu.memory_space<hbm>>
        %dma_wait3A_197 = arith.constant 0 : i32
        %dma_wait3A_198 = tpu.memref_slice %arg6[%dma_wait3A_197] : memref<5120xi32, #tpu.memory_space<vmem>> -> memref<1280xi32, #tpu.memory_space<vmem>>
        %dma_wait3A_199 = arith.constant 318720 : i32
        %dma_wait3A_200 = tpu.memref_slice %arg3[%dma_wait3A_199] : memref<640000xi32, #tpu.memory_space<hbm>> -> memref<1280xi32, #tpu.memory_space<hbm>>
        tpu.wait_dma2 semaphore(%run_scoped3A : memref<!tpu.dma_semaphore, #tpu.memory_space<semaphore_mem>>) src(%dma_wait3A_200 : memref<1280xi32, #tpu.memory_space<hbm>>) dst(%dma_wait3A_198 : memref<1280xi32, #tpu.memory_space<vmem>>)
        tpu.yield
      }) : () -> ()
      "tpu.region"() ({
        %run_scoped3A = tpu.sem_alloc : memref<!tpu.dma_semaphore, #tpu.memory_space<semaphore_mem>>
        %dma_start3A_185 = arith.constant 0 : i32
        %dma_start3A_186 = tpu.memref_slice %arg7[%dma_start3A_185] : memref<5120xi32, #tpu.memory_space<vmem>> -> memref<1280xi32, #tpu.memory_space<vmem>>
        %dma_start3A_187 = arith.constant 638720 : i32
        %dma_start3A_188 = tpu.memref_slice %arg3[%dma_start3A_187] : memref<640000xi32, #tpu.memory_space<hbm>> -> memref<1280xi32, #tpu.memory_space<hbm>>
        %dma_start3A_189 = arith.constant 0 : i32
        %dma_start3A_190 = tpu.memref_slice %arg7[%dma_start3A_189] : memref<5120xi32, #tpu.memory_space<vmem>> -> memref<1280xi32, #tpu.memory_space<vmem>>
        %dma_start3A_191 = arith.constant 638720 : i32
        %dma_start3A_192 = tpu.memref_slice %arg3[%dma_start3A_191] : memref<640000xi32, #tpu.memory_space<hbm>> -> memref<1280xi32, #tpu.memory_space<hbm>>
        tpu.enqueue_dma source(%dma_start3A_192 : memref<1280xi32, #tpu.memory_space<hbm>>) target(%dma_start3A_190 : memref<1280xi32, #tpu.memory_space<vmem>>) target_semaphore(%run_scoped3A : memref<!tpu.dma_semaphore, #tpu.memory_space<semaphore_mem>>)
        %dma_wait3A_193 = arith.constant 0 : i32
        %dma_wait3A_194 = tpu.memref_slice %arg7[%dma_wait3A_193] : memref<5120xi32, #tpu.memory_space<vmem>> -> memref<1280xi32, #tpu.memory_space<vmem>>
        %dma_wait3A_195 = arith.constant 638720 : i32
        %dma_wait3A_196 = tpu.memref_slice %arg3[%dma_wait3A_195] : memref<640000xi32, #tpu.memory_space<hbm>> -> memref<1280xi32, #tpu.memory_space<hbm>>
        %dma_wait3A_197 = arith.constant 0 : i32
        %dma_wait3A_198 = tpu.memref_slice %arg7[%dma_wait3A_197] : memref<5120xi32, #tpu.memory_space<vmem>> -> memref<1280xi32, #tpu.memory_space<vmem>>
        %dma_wait3A_199 = arith.constant 638720 : i32
        %dma_wait3A_200 = tpu.memref_slice %arg3[%dma_wait3A_199] : memref<640000xi32, #tpu.memory_space<hbm>> -> memref<1280xi32, #tpu.memory_space<hbm>>
        tpu.wait_dma2 semaphore(%run_scoped3A : memref<!tpu.dma_semaphore, #tpu.memory_space<semaphore_mem>>) src(%dma_wait3A_200 : memref<1280xi32, #tpu.memory_space<hbm>>) dst(%dma_wait3A_198 : memref<1280xi32, #tpu.memory_space<vmem>>)
        tpu.yield
      }) : () -> ()
    } else {
    }
    %dma_start3A_107 = arith.constant 0 : i32
    %dma_start3A_108 = tpu.memref_slice %arg6[%dma_start3A_107] : memref<5120xi32, #tpu.memory_space<vmem>> -> memref<64xi32, #tpu.memory_space<vmem>>
    %dma_start3A_109 = arith.constant 0 : i32
    %dma_start3A_110 = arith.constant 0 : i32
    %dma_start3A_111 = tpu.memref_slice %arg2[%dma_start3A_109, %dma_start3A_110] : memref<10000x128xf32, #tpu.memory_space<hbm>> -> memref<10000x128xf32, #tpu.memory_space<hbm>>
    tpu.enqueue_indirect_dma source(%dma_start3A_111 : memref<10000x128xf32, #tpu.memory_space<hbm>>) target(%arg8 : memref<64x128xf32, #tpu.memory_space<vmem>>) offsets(%dma_start3A_108 : memref<64xi32, #tpu.memory_space<vmem>>) semaphore(%arg12 : memref<!tpu.dma_semaphore, #tpu.memory_space<semaphore_mem>>)
    %dma_start3A_112 = arith.constant 64 : i32
    %dma_start3A_113 = tpu.memref_slice %arg6[%dma_start3A_112] : memref<5120xi32, #tpu.memory_space<vmem>> -> memref<64xi32, #tpu.memory_space<vmem>>
    %dma_start3A_114 = arith.constant 0 : i32
    %dma_start3A_115 = arith.constant 0 : i32
    %dma_start3A_116 = tpu.memref_slice %arg2[%dma_start3A_114, %dma_start3A_115] : memref<10000x128xf32, #tpu.memory_space<hbm>> -> memref<10000x128xf32, #tpu.memory_space<hbm>>
    tpu.enqueue_indirect_dma source(%dma_start3A_116 : memref<10000x128xf32, #tpu.memory_space<hbm>>) target(%arg9 : memref<64x128xf32, #tpu.memory_space<vmem>>) offsets(%dma_start3A_113 : memref<64xi32, #tpu.memory_space<vmem>>) semaphore(%arg13 : memref<!tpu.dma_semaphore, #tpu.memory_space<semaphore_mem>>)
    %dma_start3A_117 = arith.constant 128 : i32
    %dma_start3A_118 = tpu.memref_slice %arg6[%dma_start3A_117] : memref<5120xi32, #tpu.memory_space<vmem>> -> memref<64xi32, #tpu.memory_space<vmem>>
    %dma_start3A_119 = arith.constant 0 : i32
    %dma_start3A_120 = arith.constant 0 : i32
    %dma_start3A_121 = tpu.memref_slice %arg2[%dma_start3A_119, %dma_start3A_120] : memref<10000x128xf32, #tpu.memory_space<hbm>> -> memref<10000x128xf32, #tpu.memory_space<hbm>>
    tpu.enqueue_indirect_dma source(%dma_start3A_121 : memref<10000x128xf32, #tpu.memory_space<hbm>>) target(%arg10 : memref<64x128xf32, #tpu.memory_space<vmem>>) offsets(%dma_start3A_118 : memref<64xi32, #tpu.memory_space<vmem>>) semaphore(%arg14 : memref<!tpu.dma_semaphore, #tpu.memory_space<semaphore_mem>>)
    %while3A_122 = arith.constant 0 : i32
    %while3A_123 = arith.constant 0 : i32
    %while3A_124 = arith.subi %select_n3A, %while3A_123 : i32
    %while3A_125 = arith.addi %while3A_123, %while3A_124 : i32
    %while3A_126 = arith.constant 1 : i32
    %while3A_127 = arith.divsi %while3A_124, %while3A_126 : i32
    %while3A_128 = arith.muli %while3A_127, %while3A_126 : i32
    %while3A_129 = arith.addi %while3A_123, %while3A_128 : i32
    %while3A_130 = arith.constant 1 : i32
    scf.for %while3A_185 = %while3A_123 to %while3A_129 step %while3A_130  : i32 {
      %mul3A_186 = arith.constant 4 : i32
      %mul3A_187 = arith.muli %mul3A_186, %while3A_185 : i32
      %add3A_188 = arith.constant 3 : i32
      %add3A_189 = arith.addi %mul3A_187, %add3A_188 : i32
      %mul3A_190 = arith.constant 64 : i32
      %mul3A_191 = arith.muli %add3A_189, %mul3A_190 : i32
      %dma_start3A_192 = tpu.memref_slice %arg6[%mul3A_191] : memref<5120xi32, #tpu.memory_space<vmem>> -> memref<64xi32, #tpu.memory_space<vmem>>
      %dma_start3A_193 = arith.constant 0 : i32
      %dma_start3A_194 = arith.constant 0 : i32
      %dma_start3A_195 = tpu.memref_slice %arg2[%dma_start3A_193, %dma_start3A_194] : memref<10000x128xf32, #tpu.memory_space<hbm>> -> memref<10000x128xf32, #tpu.memory_space<hbm>>
      tpu.enqueue_indirect_dma source(%dma_start3A_195 : memref<10000x128xf32, #tpu.memory_space<hbm>>) target(%arg11 : memref<64x128xf32, #tpu.memory_space<vmem>>) offsets(%dma_start3A_192 : memref<64xi32, #tpu.memory_space<vmem>>) semaphore(%arg15 : memref<!tpu.dma_semaphore, #tpu.memory_space<semaphore_mem>>)
      %mul3A_196 = arith.constant 64 : i32
      %mul3A_197 = arith.muli %mul3A_187, %mul3A_196 : i32
      %dma_wait3A_198 = tpu.memref_slice %arg6[%mul3A_197] : memref<5120xi32, #tpu.memory_space<vmem>> -> memref<64xi32, #tpu.memory_space<vmem>>
      %dma_wait3A_199 = arith.constant 0 : i32
      %dma_wait3A_200 = arith.constant 0 : i32
      %dma_wait3A_201 = tpu.memref_slice %arg2[%dma_wait3A_199, %dma_wait3A_200] : memref<10000x128xf32, #tpu.memory_space<hbm>> -> memref<10000x128xf32, #tpu.memory_space<hbm>>
      tpu.wait_indirect_dma semaphore(%arg12 : memref<!tpu.dma_semaphore, #tpu.memory_space<semaphore_mem>>) src(%dma_wait3A_201 : memref<10000x128xf32, #tpu.memory_space<hbm>>) dst(%arg8 : memref<64x128xf32, #tpu.memory_space<vmem>>)
      %mul3A_202 = arith.constant 64 : i32
      %mul3A_203 = arith.muli %mul3A_187, %mul3A_202 : i32
      "tpu.region"() ({
        %run_scoped3A = tpu.sem_alloc : memref<!tpu.dma_semaphore, #tpu.memory_space<semaphore_mem>>
        %dma_start3A_264 = tpu.memref_slice %arg7[%mul3A_203] : memref<5120xi32, #tpu.memory_space<vmem>> -> memref<64xi32, #tpu.memory_space<vmem>>
        %dma_start3A_265 = arith.constant 0 : i32
        %dma_start3A_266 = arith.constant 0 : i32
        %dma_start3A_267 = tpu.memref_slice %arg5[%dma_start3A_265, %dma_start3A_266] : memref<10240x128xf32, #tpu.memory_space<vmem_shared>> -> memref<10240x128xf32, #tpu.memory_space<vmem_shared>>
        tpu.enqueue_indirect_dma source(%arg8 : memref<64x128xf32, #tpu.memory_space<vmem>>) target(%dma_start3A_267 : memref<10240x128xf32, #tpu.memory_space<vmem_shared>>) offsets(%dma_start3A_264 : memref<64xi32, #tpu.memory_space<vmem>>) semaphore(%run_scoped3A : memref<!tpu.dma_semaphore, #tpu.memory_space<semaphore_mem>>) {add = true}
        %dma_wait3A_268 = tpu.memref_slice %arg7[%mul3A_203] : memref<5120xi32, #tpu.memory_space<vmem>> -> memref<64xi32, #tpu.memory_space<vmem>>
        %dma_wait3A_269 = arith.constant 0 : i32
        %dma_wait3A_270 = arith.constant 0 : i32
        %dma_wait3A_271 = tpu.memref_slice %arg5[%dma_wait3A_269, %dma_wait3A_270] : memref<10240x128xf32, #tpu.memory_space<vmem_shared>> -> memref<10240x128xf32, #tpu.memory_space<vmem_shared>>
        tpu.wait_indirect_dma semaphore(%run_scoped3A : memref<!tpu.dma_semaphore, #tpu.memory_space<semaphore_mem>>) src(%arg8 : memref<64x128xf32, #tpu.memory_space<vmem>>) dst(%dma_wait3A_271 : memref<10240x128xf32, #tpu.memory_space<vmem_shared>>)
        tpu.yield
      }) : () -> ()
      %add3A_204 = arith.constant 4 : i32
      %add3A_205 = arith.addi %mul3A_187, %add3A_204 : i32
      %mul3A_206 = arith.constant 64 : i32
      %mul3A_207 = arith.muli %add3A_205, %mul3A_206 : i32
      %dma_start3A_208 = tpu.memref_slice %arg6[%mul3A_207] : memref<5120xi32, #tpu.memory_space<vmem>> -> memref<64xi32, #tpu.memory_space<vmem>>
      %dma_start3A_209 = arith.constant 0 : i32
      %dma_start3A_210 = arith.constant 0 : i32
      %dma_start3A_211 = tpu.memref_slice %arg2[%dma_start3A_209, %dma_start3A_210] : memref<10000x128xf32, #tpu.memory_space<hbm>> -> memref<10000x128xf32, #tpu.memory_space<hbm>>
      tpu.enqueue_indirect_dma source(%dma_start3A_211 : memref<10000x128xf32, #tpu.memory_space<hbm>>) target(%arg8 : memref<64x128xf32, #tpu.memory_space<vmem>>) offsets(%dma_start3A_208 : memref<64xi32, #tpu.memory_space<vmem>>) semaphore(%arg12 : memref<!tpu.dma_semaphore, #tpu.memory_space<semaphore_mem>>)
      %add3A_212 = arith.constant 1 : i32
      %add3A_213 = arith.addi %mul3A_187, %add3A_212 : i32
      %mul3A_214 = arith.constant 64 : i32
      %mul3A_215 = arith.muli %add3A_213, %mul3A_214 : i32
      %dma_wait3A_216 = tpu.memref_slice %arg6[%mul3A_215] : memref<5120xi32, #tpu.memory_space<vmem>> -> memref<64xi32, #tpu.memory_space<vmem>>
      %dma_wait3A_217 = arith.constant 0 : i32
      %dma_wait3A_218 = arith.constant 0 : i32
      %dma_wait3A_219 = tpu.memref_slice %arg2[%dma_wait3A_217, %dma_wait3A_218] : memref<10000x128xf32, #tpu.memory_space<hbm>> -> memref<10000x128xf32, #tpu.memory_space<hbm>>
      tpu.wait_indirect_dma semaphore(%arg13 : memref<!tpu.dma_semaphore, #tpu.memory_space<semaphore_mem>>) src(%dma_wait3A_219 : memref<10000x128xf32, #tpu.memory_space<hbm>>) dst(%arg9 : memref<64x128xf32, #tpu.memory_space<vmem>>)
      %add3A_220 = arith.constant 1 : i32
      %add3A_221 = arith.addi %mul3A_187, %add3A_220 : i32
      %mul3A_222 = arith.constant 64 : i32
      %mul3A_223 = arith.muli %add3A_221, %mul3A_222 : i32
      "tpu.region"() ({
        %run_scoped3A = tpu.sem_alloc : memref<!tpu.dma_semaphore, #tpu.memory_space<semaphore_mem>>
        %dma_start3A_264 = tpu.memref_slice %arg7[%mul3A_223] : memref<5120xi32, #tpu.memory_space<vmem>> -> memref<64xi32, #tpu.memory_space<vmem>>
        %dma_start3A_265 = arith.constant 0 : i32
        %dma_start3A_266 = arith.constant 0 : i32
        %dma_start3A_267 = tpu.memref_slice %arg5[%dma_start3A_265, %dma_start3A_266] : memref<10240x128xf32, #tpu.memory_space<vmem_shared>> -> memref<10240x128xf32, #tpu.memory_space<vmem_shared>>
        tpu.enqueue_indirect_dma source(%arg9 : memref<64x128xf32, #tpu.memory_space<vmem>>) target(%dma_start3A_267 : memref<10240x128xf32, #tpu.memory_space<vmem_shared>>) offsets(%dma_start3A_264 : memref<64xi32, #tpu.memory_space<vmem>>) semaphore(%run_scoped3A : memref<!tpu.dma_semaphore, #tpu.memory_space<semaphore_mem>>) {add = true}
        %dma_wait3A_268 = tpu.memref_slice %arg7[%mul3A_223] : memref<5120xi32, #tpu.memory_space<vmem>> -> memref<64xi32, #tpu.memory_space<vmem>>
        %dma_wait3A_269 = arith.constant 0 : i32
        %dma_wait3A_270 = arith.constant 0 : i32
        %dma_wait3A_271 = tpu.memref_slice %arg5[%dma_wait3A_269, %dma_wait3A_270] : memref<10240x128xf32, #tpu.memory_space<vmem_shared>> -> memref<10240x128xf32, #tpu.memory_space<vmem_shared>>
        tpu.wait_indirect_dma semaphore(%run_scoped3A : memref<!tpu.dma_semaphore, #tpu.memory_space<semaphore_mem>>) src(%arg9 : memref<64x128xf32, #tpu.memory_space<vmem>>) dst(%dma_wait3A_271 : memref<10240x128xf32, #tpu.memory_space<vmem_shared>>)
        tpu.yield
      }) : () -> ()
      %add3A_224 = arith.constant 5 : i32
      %add3A_225 = arith.addi %mul3A_187, %add3A_224 : i32
      %mul3A_226 = arith.constant 64 : i32
      %mul3A_227 = arith.muli %add3A_225, %mul3A_226 : i32
      %dma_start3A_228 = tpu.memref_slice %arg6[%mul3A_227] : memref<5120xi32, #tpu.memory_space<vmem>> -> memref<64xi32, #tpu.memory_space<vmem>>
      %dma_start3A_229 = arith.constant 0 : i32
      %dma_start3A_230 = arith.constant 0 : i32
      %dma_start3A_231 = tpu.memref_slice %arg2[%dma_start3A_229, %dma_start3A_230] : memref<10000x128xf32, #tpu.memory_space<hbm>> -> memref<10000x128xf32, #tpu.memory_space<hbm>>
      tpu.enqueue_indirect_dma source(%dma_start3A_231 : memref<10000x128xf32, #tpu.memory_space<hbm>>) target(%arg9 : memref<64x128xf32, #tpu.memory_space<vmem>>) offsets(%dma_start3A_228 : memref<64xi32, #tpu.memory_space<vmem>>) semaphore(%arg13 : memref<!tpu.dma_semaphore, #tpu.memory_space<semaphore_mem>>)
      %add3A_232 = arith.constant 2 : i32
      %add3A_233 = arith.addi %mul3A_187, %add3A_232 : i32
      %mul3A_234 = arith.constant 64 : i32
      %mul3A_235 = arith.muli %add3A_233, %mul3A_234 : i32
      %dma_wait3A_236 = tpu.memref_slice %arg6[%mul3A_235] : memref<5120xi32, #tpu.memory_space<vmem>> -> memref<64xi32, #tpu.memory_space<vmem>>
      %dma_wait3A_237 = arith.constant 0 : i32
      %dma_wait3A_238 = arith.constant 0 : i32
      %dma_wait3A_239 = tpu.memref_slice %arg2[%dma_wait3A_237, %dma_wait3A_238] : memref<10000x128xf32, #tpu.memory_space<hbm>> -> memref<10000x128xf32, #tpu.memory_space<hbm>>
      tpu.wait_indirect_dma semaphore(%arg14 : memref<!tpu.dma_semaphore, #tpu.memory_space<semaphore_mem>>) src(%dma_wait3A_239 : memref<10000x128xf32, #tpu.memory_space<hbm>>) dst(%arg10 : memref<64x128xf32, #tpu.memory_space<vmem>>)
      %add3A_240 = arith.constant 2 : i32
      %add3A_241 = arith.addi %mul3A_187, %add3A_240 : i32
      %mul3A_242 = arith.constant 64 : i32
      %mul3A_243 = arith.muli %add3A_241, %mul3A_242 : i32
      "tpu.region"() ({
        %run_scoped3A = tpu.sem_alloc : memref<!tpu.dma_semaphore, #tpu.memory_space<semaphore_mem>>
        %dma_start3A_264 = tpu.memref_slice %arg7[%mul3A_243] : memref<5120xi32, #tpu.memory_space<vmem>> -> memref<64xi32, #tpu.memory_space<vmem>>
        %dma_start3A_265 = arith.constant 0 : i32
        %dma_start3A_266 = arith.constant 0 : i32
        %dma_start3A_267 = tpu.memref_slice %arg5[%dma_start3A_265, %dma_start3A_266] : memref<10240x128xf32, #tpu.memory_space<vmem_shared>> -> memref<10240x128xf32, #tpu.memory_space<vmem_shared>>
        tpu.enqueue_indirect_dma source(%arg10 : memref<64x128xf32, #tpu.memory_space<vmem>>) target(%dma_start3A_267 : memref<10240x128xf32, #tpu.memory_space<vmem_shared>>) offsets(%dma_start3A_264 : memref<64xi32, #tpu.memory_space<vmem>>) semaphore(%run_scoped3A : memref<!tpu.dma_semaphore, #tpu.memory_space<semaphore_mem>>) {add = true}
        %dma_wait3A_268 = tpu.memref_slice %arg7[%mul3A_243] : memref<5120xi32, #tpu.memory_space<vmem>> -> memref<64xi32, #tpu.memory_space<vmem>>
        %dma_wait3A_269 = arith.constant 0 : i32
        %dma_wait3A_270 = arith.constant 0 : i32
        %dma_wait3A_271 = tpu.memref_slice %arg5[%dma_wait3A_269, %dma_wait3A_270] : memref<10240x128xf32, #tpu.memory_space<vmem_shared>> -> memref<10240x128xf32, #tpu.memory_space<vmem_shared>>
        tpu.wait_indirect_dma semaphore(%run_scoped3A : memref<!tpu.dma_semaphore, #tpu.memory_space<semaphore_mem>>) src(%arg10 : memref<64x128xf32, #tpu.memory_space<vmem>>) dst(%dma_wait3A_271 : memref<10240x128xf32, #tpu.memory_space<vmem_shared>>)
        tpu.yield
      }) : () -> ()
      %add3A_244 = arith.constant 6 : i32
      %add3A_245 = arith.addi %mul3A_187, %add3A_244 : i32
      %mul3A_246 = arith.constant 64 : i32
      %mul3A_247 = arith.muli %add3A_245, %mul3A_246 : i32
      %dma_start3A_248 = tpu.memref_slice %arg6[%mul3A_247] : memref<5120xi32, #tpu.memory_space<vmem>> -> memref<64xi32, #tpu.memory_space<vmem>>
      %dma_start3A_249 = arith.constant 0 : i32
      %dma_start3A_250 = arith.constant 0 : i32
      %dma_start3A_251 = tpu.memref_slice %arg2[%dma_start3A_249, %dma_start3A_250] : memref<10000x128xf32, #tpu.memory_space<hbm>> -> memref<10000x128xf32, #tpu.memory_space<hbm>>
      tpu.enqueue_indirect_dma source(%dma_start3A_251 : memref<10000x128xf32, #tpu.memory_space<hbm>>) target(%arg10 : memref<64x128xf32, #tpu.memory_space<vmem>>) offsets(%dma_start3A_248 : memref<64xi32, #tpu.memory_space<vmem>>) semaphore(%arg14 : memref<!tpu.dma_semaphore, #tpu.memory_space<semaphore_mem>>)
      %add3A_252 = arith.constant 3 : i32
      %add3A_253 = arith.addi %mul3A_187, %add3A_252 : i32
      %mul3A_254 = arith.constant 64 : i32
      %mul3A_255 = arith.muli %add3A_253, %mul3A_254 : i32
      %dma_wait3A_256 = tpu.memref_slice %arg6[%mul3A_255] : memref<5120xi32, #tpu.memory_space<vmem>> -> memref<64xi32, #tpu.memory_space<vmem>>
      %dma_wait3A_257 = arith.constant 0 : i32
      %dma_wait3A_258 = arith.constant 0 : i32
      %dma_wait3A_259 = tpu.memref_slice %arg2[%dma_wait3A_257, %dma_wait3A_258] : memref<10000x128xf32, #tpu.memory_space<hbm>> -> memref<10000x128xf32, #tpu.memory_space<hbm>>
      tpu.wait_indirect_dma semaphore(%arg15 : memref<!tpu.dma_semaphore, #tpu.memory_space<semaphore_mem>>) src(%dma_wait3A_259 : memref<10000x128xf32, #tpu.memory_space<hbm>>) dst(%arg11 : memref<64x128xf32, #tpu.memory_space<vmem>>)
      %add3A_260 = arith.constant 3 : i32
      %add3A_261 = arith.addi %mul3A_187, %add3A_260 : i32
      %mul3A_262 = arith.constant 64 : i32
      %mul3A_263 = arith.muli %add3A_261, %mul3A_262 : i32
      "tpu.region"() ({
        %run_scoped3A = tpu.sem_alloc : memref<!tpu.dma_semaphore, #tpu.memory_space<semaphore_mem>>
        %dma_start3A_264 = tpu.memref_slice %arg7[%mul3A_263] : memref<5120xi32, #tpu.memory_space<vmem>> -> memref<64xi32, #tpu.memory_space<vmem>>
        %dma_start3A_265 = arith.constant 0 : i32
        %dma_start3A_266 = arith.constant 0 : i32
        %dma_start3A_267 = tpu.memref_slice %arg5[%dma_start3A_265, %dma_start3A_266] : memref<10240x128xf32, #tpu.memory_space<vmem_shared>> -> memref<10240x128xf32, #tpu.memory_space<vmem_shared>>
        tpu.enqueue_indirect_dma source(%arg11 : memref<64x128xf32, #tpu.memory_space<vmem>>) target(%dma_start3A_267 : memref<10240x128xf32, #tpu.memory_space<vmem_shared>>) offsets(%dma_start3A_264 : memref<64xi32, #tpu.memory_space<vmem>>) semaphore(%run_scoped3A : memref<!tpu.dma_semaphore, #tpu.memory_space<semaphore_mem>>) {add = true}
        %dma_wait3A_268 = tpu.memref_slice %arg7[%mul3A_263] : memref<5120xi32, #tpu.memory_space<vmem>> -> memref<64xi32, #tpu.memory_space<vmem>>
        %dma_wait3A_269 = arith.constant 0 : i32
        %dma_wait3A_270 = arith.constant 0 : i32
        %dma_wait3A_271 = tpu.memref_slice %arg5[%dma_wait3A_269, %dma_wait3A_270] : memref<10240x128xf32, #tpu.memory_space<vmem_shared>> -> memref<10240x128xf32, #tpu.memory_space<vmem_shared>>
        tpu.wait_indirect_dma semaphore(%run_scoped3A : memref<!tpu.dma_semaphore, #tpu.memory_space<semaphore_mem>>) src(%arg11 : memref<64x128xf32, #tpu.memory_space<vmem>>) dst(%dma_wait3A_271 : memref<10240x128xf32, #tpu.memory_space<vmem_shared>>)
        tpu.yield
      }) : () -> ()
    }
    %while3A_131 = arith.constant 1 : i32
    scf.for %while3A_185 = %while3A_129 to %while3A_125 step %while3A_131  : i32 {
      %mul3A_186 = arith.constant 4 : i32
      %mul3A_187 = arith.muli %mul3A_186, %while3A_185 : i32
      %add3A_188 = arith.constant 3 : i32
      %add3A_189 = arith.addi %mul3A_187, %add3A_188 : i32
      %mul3A_190 = arith.constant 64 : i32
      %mul3A_191 = arith.muli %add3A_189, %mul3A_190 : i32
      %dma_start3A_192 = tpu.memref_slice %arg6[%mul3A_191] : memref<5120xi32, #tpu.memory_space<vmem>> -> memref<64xi32, #tpu.memory_space<vmem>>
      %dma_start3A_193 = arith.constant 0 : i32
      %dma_start3A_194 = arith.constant 0 : i32
      %dma_start3A_195 = tpu.memref_slice %arg2[%dma_start3A_193, %dma_start3A_194] : memref<10000x128xf32, #tpu.memory_space<hbm>> -> memref<10000x128xf32, #tpu.memory_space<hbm>>
      tpu.enqueue_indirect_dma source(%dma_start3A_195 : memref<10000x128xf32, #tpu.memory_space<hbm>>) target(%arg11 : memref<64x128xf32, #tpu.memory_space<vmem>>) offsets(%dma_start3A_192 : memref<64xi32, #tpu.memory_space<vmem>>) semaphore(%arg15 : memref<!tpu.dma_semaphore, #tpu.memory_space<semaphore_mem>>)
      %mul3A_196 = arith.constant 64 : i32
      %mul3A_197 = arith.muli %mul3A_187, %mul3A_196 : i32
      %dma_wait3A_198 = tpu.memref_slice %arg6[%mul3A_197] : memref<5120xi32, #tpu.memory_space<vmem>> -> memref<64xi32, #tpu.memory_space<vmem>>
      %dma_wait3A_199 = arith.constant 0 : i32
      %dma_wait3A_200 = arith.constant 0 : i32
      %dma_wait3A_201 = tpu.memref_slice %arg2[%dma_wait3A_199, %dma_wait3A_200] : memref<10000x128xf32, #tpu.memory_space<hbm>> -> memref<10000x128xf32, #tpu.memory_space<hbm>>
      tpu.wait_indirect_dma semaphore(%arg12 : memref<!tpu.dma_semaphore, #tpu.memory_space<semaphore_mem>>) src(%dma_wait3A_201 : memref<10000x128xf32, #tpu.memory_space<hbm>>) dst(%arg8 : memref<64x128xf32, #tpu.memory_space<vmem>>)
      %mul3A_202 = arith.constant 64 : i32
      %mul3A_203 = arith.muli %mul3A_187, %mul3A_202 : i32
      "tpu.region"() ({
        %run_scoped3A = tpu.sem_alloc : memref<!tpu.dma_semaphore, #tpu.memory_space<semaphore_mem>>
        %dma_start3A_264 = tpu.memref_slice %arg7[%mul3A_203] : memref<5120xi32, #tpu.memory_space<vmem>> -> memref<64xi32, #tpu.memory_space<vmem>>
        %dma_start3A_265 = arith.constant 0 : i32
        %dma_start3A_266 = arith.constant 0 : i32
        %dma_start3A_267 = tpu.memref_slice %arg5[%dma_start3A_265, %dma_start3A_266] : memref<10240x128xf32, #tpu.memory_space<vmem_shared>> -> memref<10240x128xf32, #tpu.memory_space<vmem_shared>>
        tpu.enqueue_indirect_dma source(%arg8 : memref<64x128xf32, #tpu.memory_space<vmem>>) target(%dma_start3A_267 : memref<10240x128xf32, #tpu.memory_space<vmem_shared>>) offsets(%dma_start3A_264 : memref<64xi32, #tpu.memory_space<vmem>>) semaphore(%run_scoped3A : memref<!tpu.dma_semaphore, #tpu.memory_space<semaphore_mem>>) {add = true}
        %dma_wait3A_268 = tpu.memref_slice %arg7[%mul3A_203] : memref<5120xi32, #tpu.memory_space<vmem>> -> memref<64xi32, #tpu.memory_space<vmem>>
        %dma_wait3A_269 = arith.constant 0 : i32
        %dma_wait3A_270 = arith.constant 0 : i32
        %dma_wait3A_271 = tpu.memref_slice %arg5[%dma_wait3A_269, %dma_wait3A_270] : memref<10240x128xf32, #tpu.memory_space<vmem_shared>> -> memref<10240x128xf32, #tpu.memory_space<vmem_shared>>
        tpu.wait_indirect_dma semaphore(%run_scoped3A : memref<!tpu.dma_semaphore, #tpu.memory_space<semaphore_mem>>) src(%arg8 : memref<64x128xf32, #tpu.memory_space<vmem>>) dst(%dma_wait3A_271 : memref<10240x128xf32, #tpu.memory_space<vmem_shared>>)
        tpu.yield
      }) : () -> ()
      %add3A_204 = arith.constant 4 : i32
      %add3A_205 = arith.addi %mul3A_187, %add3A_204 : i32
      %mul3A_206 = arith.constant 64 : i32
      %mul3A_207 = arith.muli %add3A_205, %mul3A_206 : i32
      %dma_start3A_208 = tpu.memref_slice %arg6[%mul3A_207] : memref<5120xi32, #tpu.memory_space<vmem>> -> memref<64xi32, #tpu.memory_space<vmem>>
      %dma_start3A_209 = arith.constant 0 : i32
      %dma_start3A_210 = arith.constant 0 : i32
      %dma_start3A_211 = tpu.memref_slice %arg2[%dma_start3A_209, %dma_start3A_210] : memref<10000x128xf32, #tpu.memory_space<hbm>> -> memref<10000x128xf32, #tpu.memory_space<hbm>>
      tpu.enqueue_indirect_dma source(%dma_start3A_211 : memref<10000x128xf32, #tpu.memory_space<hbm>>) target(%arg8 : memref<64x128xf32, #tpu.memory_space<vmem>>) offsets(%dma_start3A_208 : memref<64xi32, #tpu.memory_space<vmem>>) semaphore(%arg12 : memref<!tpu.dma_semaphore, #tpu.memory_space<semaphore_mem>>)
      %add3A_212 = arith.constant 1 : i32
      %add3A_213 = arith.addi %mul3A_187, %add3A_212 : i32
      %mul3A_214 = arith.constant 64 : i32
      %mul3A_215 = arith.muli %add3A_213, %mul3A_214 : i32
      %dma_wait3A_216 = tpu.memref_slice %arg6[%mul3A_215] : memref<5120xi32, #tpu.memory_space<vmem>> -> memref<64xi32, #tpu.memory_space<vmem>>
      %dma_wait3A_217 = arith.constant 0 : i32
      %dma_wait3A_218 = arith.constant 0 : i32
      %dma_wait3A_219 = tpu.memref_slice %arg2[%dma_wait3A_217, %dma_wait3A_218] : memref<10000x128xf32, #tpu.memory_space<hbm>> -> memref<10000x128xf32, #tpu.memory_space<hbm>>
      tpu.wait_indirect_dma semaphore(%arg13 : memref<!tpu.dma_semaphore, #tpu.memory_space<semaphore_mem>>) src(%dma_wait3A_219 : memref<10000x128xf32, #tpu.memory_space<hbm>>) dst(%arg9 : memref<64x128xf32, #tpu.memory_space<vmem>>)
      %add3A_220 = arith.constant 1 : i32
      %add3A_221 = arith.addi %mul3A_187, %add3A_220 : i32
      %mul3A_222 = arith.constant 64 : i32
      %mul3A_223 = arith.muli %add3A_221, %mul3A_222 : i32
      "tpu.region"() ({
        %run_scoped3A = tpu.sem_alloc : memref<!tpu.dma_semaphore, #tpu.memory_space<semaphore_mem>>
        %dma_start3A_264 = tpu.memref_slice %arg7[%mul3A_223] : memref<5120xi32, #tpu.memory_space<vmem>> -> memref<64xi32, #tpu.memory_space<vmem>>
        %dma_start3A_265 = arith.constant 0 : i32
        %dma_start3A_266 = arith.constant 0 : i32
        %dma_start3A_267 = tpu.memref_slice %arg5[%dma_start3A_265, %dma_start3A_266] : memref<10240x128xf32, #tpu.memory_space<vmem_shared>> -> memref<10240x128xf32, #tpu.memory_space<vmem_shared>>
        tpu.enqueue_indirect_dma source(%arg9 : memref<64x128xf32, #tpu.memory_space<vmem>>) target(%dma_start3A_267 : memref<10240x128xf32, #tpu.memory_space<vmem_shared>>) offsets(%dma_start3A_264 : memref<64xi32, #tpu.memory_space<vmem>>) semaphore(%run_scoped3A : memref<!tpu.dma_semaphore, #tpu.memory_space<semaphore_mem>>) {add = true}
        %dma_wait3A_268 = tpu.memref_slice %arg7[%mul3A_223] : memref<5120xi32, #tpu.memory_space<vmem>> -> memref<64xi32, #tpu.memory_space<vmem>>
        %dma_wait3A_269 = arith.constant 0 : i32
        %dma_wait3A_270 = arith.constant 0 : i32
        %dma_wait3A_271 = tpu.memref_slice %arg5[%dma_wait3A_269, %dma_wait3A_270] : memref<10240x128xf32, #tpu.memory_space<vmem_shared>> -> memref<10240x128xf32, #tpu.memory_space<vmem_shared>>
        tpu.wait_indirect_dma semaphore(%run_scoped3A : memref<!tpu.dma_semaphore, #tpu.memory_space<semaphore_mem>>) src(%arg9 : memref<64x128xf32, #tpu.memory_space<vmem>>) dst(%dma_wait3A_271 : memref<10240x128xf32, #tpu.memory_space<vmem_shared>>)
        tpu.yield
      }) : () -> ()
      %add3A_224 = arith.constant 5 : i32
      %add3A_225 = arith.addi %mul3A_187, %add3A_224 : i32
      %mul3A_226 = arith.constant 64 : i32
      %mul3A_227 = arith.muli %add3A_225, %mul3A_226 : i32
      %dma_start3A_228 = tpu.memref_slice %arg6[%mul3A_227] : memref<5120xi32, #tpu.memory_space<vmem>> -> memref<64xi32, #tpu.memory_space<vmem>>
      %dma_start3A_229 = arith.constant 0 : i32
      %dma_start3A_230 = arith.constant 0 : i32
      %dma_start3A_231 = tpu.memref_slice %arg2[%dma_start3A_229, %dma_start3A_230] : memref<10000x128xf32, #tpu.memory_space<hbm>> -> memref<10000x128xf32, #tpu.memory_space<hbm>>
      tpu.enqueue_indirect_dma source(%dma_start3A_231 : memref<10000x128xf32, #tpu.memory_space<hbm>>) target(%arg9 : memref<64x128xf32, #tpu.memory_space<vmem>>) offsets(%dma_start3A_228 : memref<64xi32, #tpu.memory_space<vmem>>) semaphore(%arg13 : memref<!tpu.dma_semaphore, #tpu.memory_space<semaphore_mem>>)
      %add3A_232 = arith.constant 2 : i32
      %add3A_233 = arith.addi %mul3A_187, %add3A_232 : i32
      %mul3A_234 = arith.constant 64 : i32
      %mul3A_235 = arith.muli %add3A_233, %mul3A_234 : i32
      %dma_wait3A_236 = tpu.memref_slice %arg6[%mul3A_235] : memref<5120xi32, #tpu.memory_space<vmem>> -> memref<64xi32, #tpu.memory_space<vmem>>
      %dma_wait3A_237 = arith.constant 0 : i32
      %dma_wait3A_238 = arith.constant 0 : i32
      %dma_wait3A_239 = tpu.memref_slice %arg2[%dma_wait3A_237, %dma_wait3A_238] : memref<10000x128xf32, #tpu.memory_space<hbm>> -> memref<10000x128xf32, #tpu.memory_space<hbm>>
      tpu.wait_indirect_dma semaphore(%arg14 : memref<!tpu.dma_semaphore, #tpu.memory_space<semaphore_mem>>) src(%dma_wait3A_239 : memref<10000x128xf32, #tpu.memory_space<hbm>>) dst(%arg10 : memref<64x128xf32, #tpu.memory_space<vmem>>)
      %add3A_240 = arith.constant 2 : i32
      %add3A_241 = arith.addi %mul3A_187, %add3A_240 : i32
      %mul3A_242 = arith.constant 64 : i32
      %mul3A_243 = arith.muli %add3A_241, %mul3A_242 : i32
      "tpu.region"() ({
        %run_scoped3A = tpu.sem_alloc : memref<!tpu.dma_semaphore, #tpu.memory_space<semaphore_mem>>
        %dma_start3A_264 = tpu.memref_slice %arg7[%mul3A_243] : memref<5120xi32, #tpu.memory_space<vmem>> -> memref<64xi32, #tpu.memory_space<vmem>>
        %dma_start3A_265 = arith.constant 0 : i32
        %dma_start3A_266 = arith.constant 0 : i32
        %dma_start3A_267 = tpu.memref_slice %arg5[%dma_start3A_265, %dma_start3A_266] : memref<10240x128xf32, #tpu.memory_space<vmem_shared>> -> memref<10240x128xf32, #tpu.memory_space<vmem_shared>>
        tpu.enqueue_indirect_dma source(%arg10 : memref<64x128xf32, #tpu.memory_space<vmem>>) target(%dma_start3A_267 : memref<10240x128xf32, #tpu.memory_space<vmem_shared>>) offsets(%dma_start3A_264 : memref<64xi32, #tpu.memory_space<vmem>>) semaphore(%run_scoped3A : memref<!tpu.dma_semaphore, #tpu.memory_space<semaphore_mem>>) {add = true}
        %dma_wait3A_268 = tpu.memref_slice %arg7[%mul3A_243] : memref<5120xi32, #tpu.memory_space<vmem>> -> memref<64xi32, #tpu.memory_space<vmem>>
        %dma_wait3A_269 = arith.constant 0 : i32
        %dma_wait3A_270 = arith.constant 0 : i32
        %dma_wait3A_271 = tpu.memref_slice %arg5[%dma_wait3A_269, %dma_wait3A_270] : memref<10240x128xf32, #tpu.memory_space<vmem_shared>> -> memref<10240x128xf32, #tpu.memory_space<vmem_shared>>
        tpu.wait_indirect_dma semaphore(%run_scoped3A : memref<!tpu.dma_semaphore, #tpu.memory_space<semaphore_mem>>) src(%arg10 : memref<64x128xf32, #tpu.memory_space<vmem>>) dst(%dma_wait3A_271 : memref<10240x128xf32, #tpu.memory_space<vmem_shared>>)
        tpu.yield
      }) : () -> ()
      %add3A_244 = arith.constant 6 : i32
      %add3A_245 = arith.addi %mul3A_187, %add3A_244 : i32
      %mul3A_246 = arith.constant 64 : i32
      %mul3A_247 = arith.muli %add3A_245, %mul3A_246 : i32
      %dma_start3A_248 = tpu.memref_slice %arg6[%mul3A_247] : memref<5120xi32, #tpu.memory_space<vmem>> -> memref<64xi32, #tpu.memory_space<vmem>>
      %dma_start3A_249 = arith.constant 0 : i32
      %dma_start3A_250 = arith.constant 0 : i32
      %dma_start3A_251 = tpu.memref_slice %arg2[%dma_start3A_249, %dma_start3A_250] : memref<10000x128xf32, #tpu.memory_space<hbm>> -> memref<10000x128xf32, #tpu.memory_space<hbm>>
      tpu.enqueue_indirect_dma source(%dma_start3A_251 : memref<10000x128xf32, #tpu.memory_space<hbm>>) target(%arg10 : memref<64x128xf32, #tpu.memory_space<vmem>>) offsets(%dma_start3A_248 : memref<64xi32, #tpu.memory_space<vmem>>) semaphore(%arg14 : memref<!tpu.dma_semaphore, #tpu.memory_space<semaphore_mem>>)
      %add3A_252 = arith.constant 3 : i32
      %add3A_253 = arith.addi %mul3A_187, %add3A_252 : i32
      %mul3A_254 = arith.constant 64 : i32
      %mul3A_255 = arith.muli %add3A_253, %mul3A_254 : i32
      %dma_wait3A_256 = tpu.memref_slice %arg6[%mul3A_255] : memref<5120xi32, #tpu.memory_space<vmem>> -> memref<64xi32, #tpu.memory_space<vmem>>
      %dma_wait3A_257 = arith.constant 0 : i32
      %dma_wait3A_258 = arith.constant 0 : i32
      %dma_wait3A_259 = tpu.memref_slice %arg2[%dma_wait3A_257, %dma_wait3A_258] : memref<10000x128xf32, #tpu.memory_space<hbm>> -> memref<10000x128xf32, #tpu.memory_space<hbm>>
      tpu.wait_indirect_dma semaphore(%arg15 : memref<!tpu.dma_semaphore, #tpu.memory_space<semaphore_mem>>) src(%dma_wait3A_259 : memref<10000x128xf32, #tpu.memory_space<hbm>>) dst(%arg11 : memref<64x128xf32, #tpu.memory_space<vmem>>)
      %add3A_260 = arith.constant 3 : i32
      %add3A_261 = arith.addi %mul3A_187, %add3A_260 : i32
      %mul3A_262 = arith.constant 64 : i32
      %mul3A_263 = arith.muli %add3A_261, %mul3A_262 : i32
      "tpu.region"() ({
        %run_scoped3A = tpu.sem_alloc : memref<!tpu.dma_semaphore, #tpu.memory_space<semaphore_mem>>
        %dma_start3A_264 = tpu.memref_slice %arg7[%mul3A_263] : memref<5120xi32, #tpu.memory_space<vmem>> -> memref<64xi32, #tpu.memory_space<vmem>>
        %dma_start3A_265 = arith.constant 0 : i32
        %dma_start3A_266 = arith.constant 0 : i32
        %dma_start3A_267 = tpu.memref_slice %arg5[%dma_start3A_265, %dma_start3A_266] : memref<10240x128xf32, #tpu.memory_space<vmem_shared>> -> memref<10240x128xf32, #tpu.memory_space<vmem_shared>>
        tpu.enqueue_indirect_dma source(%arg11 : memref<64x128xf32, #tpu.memory_space<vmem>>) target(%dma_start3A_267 : memref<10240x128xf32, #tpu.memory_space<vmem_shared>>) offsets(%dma_start3A_264 : memref<64xi32, #tpu.memory_space<vmem>>) semaphore(%run_scoped3A : memref<!tpu.dma_semaphore, #tpu.memory_space<semaphore_mem>>) {add = true}
        %dma_wait3A_268 = tpu.memref_slice %arg7[%mul3A_263] : memref<5120xi32, #tpu.memory_space<vmem>> -> memref<64xi32, #tpu.memory_space<vmem>>
        %dma_wait3A_269 = arith.constant 0 : i32
        %dma_wait3A_270 = arith.constant 0 : i32
        %dma_wait3A_271 = tpu.memref_slice %arg5[%dma_wait3A_269, %dma_wait3A_270] : memref<10240x128xf32, #tpu.memory_space<vmem_shared>> -> memref<10240x128xf32, #tpu.memory_space<vmem_shared>>
        tpu.wait_indirect_dma semaphore(%run_scoped3A : memref<!tpu.dma_semaphore, #tpu.memory_space<semaphore_mem>>) src(%arg11 : memref<64x128xf32, #tpu.memory_space<vmem>>) dst(%dma_wait3A_271 : memref<10240x128xf32, #tpu.memory_space<vmem_shared>>)
        tpu.yield
      }) : () -> ()
    }
    %add3A_132 = arith.constant 3 : i32
    %add3A_133 = arith.addi %select_n3A_19, %add3A_132 : i32
    %mul3A_134 = arith.constant 64 : i32
    %mul3A_135 = arith.muli %add3A_133, %mul3A_134 : i32
    %dma_start3A_136 = tpu.memref_slice %arg6[%mul3A_135] : memref<5120xi32, #tpu.memory_space<vmem>> -> memref<64xi32, #tpu.memory_space<vmem>>
    %dma_start3A_137 = arith.constant 0 : i32
    %dma_start3A_138 = arith.constant 0 : i32
    %dma_start3A_139 = tpu.memref_slice %arg2[%dma_start3A_137, %dma_start3A_138] : memref<10000x128xf32, #tpu.memory_space<hbm>> -> memref<10000x128xf32, #tpu.memory_space<hbm>>
    tpu.enqueue_indirect_dma source(%dma_start3A_139 : memref<10000x128xf32, #tpu.memory_space<hbm>>) target(%arg11 : memref<64x128xf32, #tpu.memory_space<vmem>>) offsets(%dma_start3A_136 : memref<64xi32, #tpu.memory_space<vmem>>) semaphore(%arg15 : memref<!tpu.dma_semaphore, #tpu.memory_space<semaphore_mem>>)
    %mul3A_140 = arith.constant 64 : i32
    %mul3A_141 = arith.muli %select_n3A_19, %mul3A_140 : i32
    %dma_wait3A_142 = tpu.memref_slice %arg6[%mul3A_141] : memref<5120xi32, #tpu.memory_space<vmem>> -> memref<64xi32, #tpu.memory_space<vmem>>
    %dma_wait3A_143 = arith.constant 0 : i32
    %dma_wait3A_144 = arith.constant 0 : i32
    %dma_wait3A_145 = tpu.memref_slice %arg2[%dma_wait3A_143, %dma_wait3A_144] : memref<10000x128xf32, #tpu.memory_space<hbm>> -> memref<10000x128xf32, #tpu.memory_space<hbm>>
    tpu.wait_indirect_dma semaphore(%arg12 : memref<!tpu.dma_semaphore, #tpu.memory_space<semaphore_mem>>) src(%dma_wait3A_145 : memref<10000x128xf32, #tpu.memory_space<hbm>>) dst(%arg8 : memref<64x128xf32, #tpu.memory_space<vmem>>)
    %mul3A_146 = arith.constant 64 : i32
    %mul3A_147 = arith.muli %select_n3A_19, %mul3A_146 : i32
    "tpu.region"() ({
      %run_scoped3A = tpu.sem_alloc : memref<!tpu.dma_semaphore, #tpu.memory_space<semaphore_mem>>
      %dma_start3A_185 = tpu.memref_slice %arg7[%mul3A_147] : memref<5120xi32, #tpu.memory_space<vmem>> -> memref<64xi32, #tpu.memory_space<vmem>>
      %dma_start3A_186 = arith.constant 0 : i32
      %dma_start3A_187 = arith.constant 0 : i32
      %dma_start3A_188 = tpu.memref_slice %arg5[%dma_start3A_186, %dma_start3A_187] : memref<10240x128xf32, #tpu.memory_space<vmem_shared>> -> memref<10240x128xf32, #tpu.memory_space<vmem_shared>>
      tpu.enqueue_indirect_dma source(%arg8 : memref<64x128xf32, #tpu.memory_space<vmem>>) target(%dma_start3A_188 : memref<10240x128xf32, #tpu.memory_space<vmem_shared>>) offsets(%dma_start3A_185 : memref<64xi32, #tpu.memory_space<vmem>>) semaphore(%run_scoped3A : memref<!tpu.dma_semaphore, #tpu.memory_space<semaphore_mem>>) {add = true}
      %dma_wait3A_189 = tpu.memref_slice %arg7[%mul3A_147] : memref<5120xi32, #tpu.memory_space<vmem>> -> memref<64xi32, #tpu.memory_space<vmem>>
      %dma_wait3A_190 = arith.constant 0 : i32
      %dma_wait3A_191 = arith.constant 0 : i32
      %dma_wait3A_192 = tpu.memref_slice %arg5[%dma_wait3A_190, %dma_wait3A_191] : memref<10240x128xf32, #tpu.memory_space<vmem_shared>> -> memref<10240x128xf32, #tpu.memory_space<vmem_shared>>
      tpu.wait_indirect_dma semaphore(%run_scoped3A : memref<!tpu.dma_semaphore, #tpu.memory_space<semaphore_mem>>) src(%arg8 : memref<64x128xf32, #tpu.memory_space<vmem>>) dst(%dma_wait3A_192 : memref<10240x128xf32, #tpu.memory_space<vmem_shared>>)
      tpu.yield
    }) : () -> ()
    %add3A_148 = arith.constant 1 : i32
    %add3A_149 = arith.addi %select_n3A_19, %add3A_148 : i32
    %mul3A_150 = arith.constant 64 : i32
    %mul3A_151 = arith.muli %add3A_149, %mul3A_150 : i32
    %dma_wait3A_152 = tpu.memref_slice %arg6[%mul3A_151] : memref<5120xi32, #tpu.memory_space<vmem>> -> memref<64xi32, #tpu.memory_space<vmem>>
    %dma_wait3A_153 = arith.constant 0 : i32
    %dma_wait3A_154 = arith.constant 0 : i32
    %dma_wait3A_155 = tpu.memref_slice %arg2[%dma_wait3A_153, %dma_wait3A_154] : memref<10000x128xf32, #tpu.memory_space<hbm>> -> memref<10000x128xf32, #tpu.memory_space<hbm>>
    tpu.wait_indirect_dma semaphore(%arg13 : memref<!tpu.dma_semaphore, #tpu.memory_space<semaphore_mem>>) src(%dma_wait3A_155 : memref<10000x128xf32, #tpu.memory_space<hbm>>) dst(%arg9 : memref<64x128xf32, #tpu.memory_space<vmem>>)
    %add3A_156 = arith.constant 1 : i32
    %add3A_157 = arith.addi %select_n3A_19, %add3A_156 : i32
    %mul3A_158 = arith.constant 64 : i32
    %mul3A_159 = arith.muli %add3A_157, %mul3A_158 : i32
    "tpu.region"() ({
      %run_scoped3A = tpu.sem_alloc : memref<!tpu.dma_semaphore, #tpu.memory_space<semaphore_mem>>
      %dma_start3A_185 = tpu.memref_slice %arg7[%mul3A_159] : memref<5120xi32, #tpu.memory_space<vmem>> -> memref<64xi32, #tpu.memory_space<vmem>>
      %dma_start3A_186 = arith.constant 0 : i32
      %dma_start3A_187 = arith.constant 0 : i32
      %dma_start3A_188 = tpu.memref_slice %arg5[%dma_start3A_186, %dma_start3A_187] : memref<10240x128xf32, #tpu.memory_space<vmem_shared>> -> memref<10240x128xf32, #tpu.memory_space<vmem_shared>>
      tpu.enqueue_indirect_dma source(%arg9 : memref<64x128xf32, #tpu.memory_space<vmem>>) target(%dma_start3A_188 : memref<10240x128xf32, #tpu.memory_space<vmem_shared>>) offsets(%dma_start3A_185 : memref<64xi32, #tpu.memory_space<vmem>>) semaphore(%run_scoped3A : memref<!tpu.dma_semaphore, #tpu.memory_space<semaphore_mem>>) {add = true}
      %dma_wait3A_189 = tpu.memref_slice %arg7[%mul3A_159] : memref<5120xi32, #tpu.memory_space<vmem>> -> memref<64xi32, #tpu.memory_space<vmem>>
      %dma_wait3A_190 = arith.constant 0 : i32
      %dma_wait3A_191 = arith.constant 0 : i32
      %dma_wait3A_192 = tpu.memref_slice %arg5[%dma_wait3A_190, %dma_wait3A_191] : memref<10240x128xf32, #tpu.memory_space<vmem_shared>> -> memref<10240x128xf32, #tpu.memory_space<vmem_shared>>
      tpu.wait_indirect_dma semaphore(%run_scoped3A : memref<!tpu.dma_semaphore, #tpu.memory_space<semaphore_mem>>) src(%arg9 : memref<64x128xf32, #tpu.memory_space<vmem>>) dst(%dma_wait3A_192 : memref<10240x128xf32, #tpu.memory_space<vmem_shared>>)
      tpu.yield
    }) : () -> ()
    %add3A_160 = arith.constant 2 : i32
    %add3A_161 = arith.addi %select_n3A_19, %add3A_160 : i32
    %mul3A_162 = arith.constant 64 : i32
    %mul3A_163 = arith.muli %add3A_161, %mul3A_162 : i32
    %dma_wait3A_164 = tpu.memref_slice %arg6[%mul3A_163] : memref<5120xi32, #tpu.memory_space<vmem>> -> memref<64xi32, #tpu.memory_space<vmem>>
    %dma_wait3A_165 = arith.constant 0 : i32
    %dma_wait3A_166 = arith.constant 0 : i32
    %dma_wait3A_167 = tpu.memref_slice %arg2[%dma_wait3A_165, %dma_wait3A_166] : memref<10000x128xf32, #tpu.memory_space<hbm>> -> memref<10000x128xf32, #tpu.memory_space<hbm>>
    tpu.wait_indirect_dma semaphore(%arg14 : memref<!tpu.dma_semaphore, #tpu.memory_space<semaphore_mem>>) src(%dma_wait3A_167 : memref<10000x128xf32, #tpu.memory_space<hbm>>) dst(%arg10 : memref<64x128xf32, #tpu.memory_space<vmem>>)
    %add3A_168 = arith.constant 2 : i32
    %add3A_169 = arith.addi %select_n3A_19, %add3A_168 : i32
    %mul3A_170 = arith.constant 64 : i32
    %mul3A_171 = arith.muli %add3A_169, %mul3A_170 : i32
    "tpu.region"() ({
      %run_scoped3A = tpu.sem_alloc : memref<!tpu.dma_semaphore, #tpu.memory_space<semaphore_mem>>
      %dma_start3A_185 = tpu.memref_slice %arg7[%mul3A_171] : memref<5120xi32, #tpu.memory_space<vmem>> -> memref<64xi32, #tpu.memory_space<vmem>>
      %dma_start3A_186 = arith.constant 0 : i32
      %dma_start3A_187 = arith.constant 0 : i32
      %dma_start3A_188 = tpu.memref_slice %arg5[%dma_start3A_186, %dma_start3A_187] : memref<10240x128xf32, #tpu.memory_space<vmem_shared>> -> memref<10240x128xf32, #tpu.memory_space<vmem_shared>>
      tpu.enqueue_indirect_dma source(%arg10 : memref<64x128xf32, #tpu.memory_space<vmem>>) target(%dma_start3A_188 : memref<10240x128xf32, #tpu.memory_space<vmem_shared>>) offsets(%dma_start3A_185 : memref<64xi32, #tpu.memory_space<vmem>>) semaphore(%run_scoped3A : memref<!tpu.dma_semaphore, #tpu.memory_space<semaphore_mem>>) {add = true}
      %dma_wait3A_189 = tpu.memref_slice %arg7[%mul3A_171] : memref<5120xi32, #tpu.memory_space<vmem>> -> memref<64xi32, #tpu.memory_space<vmem>>
      %dma_wait3A_190 = arith.constant 0 : i32
      %dma_wait3A_191 = arith.constant 0 : i32
      %dma_wait3A_192 = tpu.memref_slice %arg5[%dma_wait3A_190, %dma_wait3A_191] : memref<10240x128xf32, #tpu.memory_space<vmem_shared>> -> memref<10240x128xf32, #tpu.memory_space<vmem_shared>>
      tpu.wait_indirect_dma semaphore(%run_scoped3A : memref<!tpu.dma_semaphore, #tpu.memory_space<semaphore_mem>>) src(%arg10 : memref<64x128xf32, #tpu.memory_space<vmem>>) dst(%dma_wait3A_192 : memref<10240x128xf32, #tpu.memory_space<vmem_shared>>)
      tpu.yield
    }) : () -> ()
    %add3A_172 = arith.constant 3 : i32
    %add3A_173 = arith.addi %select_n3A_19, %add3A_172 : i32
    %mul3A_174 = arith.constant 64 : i32
    %mul3A_175 = arith.muli %add3A_173, %mul3A_174 : i32
    %dma_wait3A_176 = tpu.memref_slice %arg6[%mul3A_175] : memref<5120xi32, #tpu.memory_space<vmem>> -> memref<64xi32, #tpu.memory_space<vmem>>
    %dma_wait3A_177 = arith.constant 0 : i32
    %dma_wait3A_178 = arith.constant 0 : i32
    %dma_wait3A_179 = tpu.memref_slice %arg2[%dma_wait3A_177, %dma_wait3A_178] : memref<10000x128xf32, #tpu.memory_space<hbm>> -> memref<10000x128xf32, #tpu.memory_space<hbm>>
    tpu.wait_indirect_dma semaphore(%arg15 : memref<!tpu.dma_semaphore, #tpu.memory_space<semaphore_mem>>) src(%dma_wait3A_179 : memref<10000x128xf32, #tpu.memory_space<hbm>>) dst(%arg11 : memref<64x128xf32, #tpu.memory_space<vmem>>)
    %add3A_180 = arith.constant 3 : i32
    %add3A_181 = arith.addi %select_n3A_19, %add3A_180 : i32
    %mul3A_182 = arith.constant 64 : i32
    %mul3A_183 = arith.muli %add3A_181, %mul3A_182 : i32
    "tpu.region"() ({
      %run_scoped3A = tpu.sem_alloc : memref<!tpu.dma_semaphore, #tpu.memory_space<semaphore_mem>>
      %dma_start3A_185 = tpu.memref_slice %arg7[%mul3A_183] : memref<5120xi32, #tpu.memory_space<vmem>> -> memref<64xi32, #tpu.memory_space<vmem>>
      %dma_start3A_186 = arith.constant 0 : i32
      %dma_start3A_187 = arith.constant 0 : i32
      %dma_start3A_188 = tpu.memref_slice %arg5[%dma_start3A_186, %dma_start3A_187] : memref<10240x128xf32, #tpu.memory_space<vmem_shared>> -> memref<10240x128xf32, #tpu.memory_space<vmem_shared>>
      tpu.enqueue_indirect_dma source(%arg11 : memref<64x128xf32, #tpu.memory_space<vmem>>) target(%dma_start3A_188 : memref<10240x128xf32, #tpu.memory_space<vmem_shared>>) offsets(%dma_start3A_185 : memref<64xi32, #tpu.memory_space<vmem>>) semaphore(%run_scoped3A : memref<!tpu.dma_semaphore, #tpu.memory_space<semaphore_mem>>) {add = true}
      %dma_wait3A_189 = tpu.memref_slice %arg7[%mul3A_183] : memref<5120xi32, #tpu.memory_space<vmem>> -> memref<64xi32, #tpu.memory_space<vmem>>
      %dma_wait3A_190 = arith.constant 0 : i32
      %dma_wait3A_191 = arith.constant 0 : i32
      %dma_wait3A_192 = tpu.memref_slice %arg5[%dma_wait3A_190, %dma_wait3A_191] : memref<10240x128xf32, #tpu.memory_space<vmem_shared>> -> memref<10240x128xf32, #tpu.memory_space<vmem_shared>>
      tpu.wait_indirect_dma semaphore(%run_scoped3A : memref<!tpu.dma_semaphore, #tpu.memory_space<semaphore_mem>>) src(%arg11 : memref<64x128xf32, #tpu.memory_space<vmem>>) dst(%dma_wait3A_192 : memref<10240x128xf32, #tpu.memory_space<vmem_shared>>)
      tpu.yield
    }) : () -> ()
    %barrier3A_184 = arith.constant 0 : index
    tpu.barrier barrier_id(%barrier3A_184)
    "tpu.region"() ({
      %run_scoped3A = tpu.sem_alloc : memref<!tpu.dma_semaphore, #tpu.memory_space<semaphore_mem>>
      %dma_start3A_185 = arith.constant 0 : i32
      %dma_start3A_186 = tpu.memref_slice %arg4[%arg0, %mul3A_8, %dma_start3A_185] : memref<2x10240x128xf32, #tpu.memory_space<hbm>> -> memref<1x640x128xf32, #tpu.memory_space<hbm>>
      %dma_start3A_187 = tpu.memref_squeeze %dma_start3A_186 : memref<1x640x128xf32, #tpu.memory_space<hbm>> -> memref<640x128xf32, #tpu.memory_space<hbm>>
      %dma_start3A_188 = arith.constant 0 : i32
      %dma_start3A_189 = tpu.memref_slice %arg5[%mul3A_8, %dma_start3A_188] : memref<10240x128xf32, #tpu.memory_space<vmem_shared>> -> memref<640x128xf32, #tpu.memory_space<vmem_shared>>
      tpu.enqueue_dma source(%dma_start3A_189 : memref<640x128xf32, #tpu.memory_space<vmem_shared>>) target(%dma_start3A_187 : memref<640x128xf32, #tpu.memory_space<hbm>>) target_semaphore(%run_scoped3A : memref<!tpu.dma_semaphore, #tpu.memory_space<semaphore_mem>>)
      %dma_wait3A_190 = arith.constant 0 : i32
      %dma_wait3A_191 = tpu.memref_slice %arg4[%arg0, %mul3A_8, %dma_wait3A_190] : memref<2x10240x128xf32, #tpu.memory_space<hbm>> -> memref<1x640x128xf32, #tpu.memory_space<hbm>>
      %dma_wait3A_192 = tpu.memref_squeeze %dma_wait3A_191 : memref<1x640x128xf32, #tpu.memory_space<hbm>> -> memref<640x128xf32, #tpu.memory_space<hbm>>
      %dma_wait3A_193 = arith.constant 0 : i32
      %dma_wait3A_194 = tpu.memref_slice %arg5[%mul3A_8, %dma_wait3A_193] : memref<10240x128xf32, #tpu.memory_space<vmem_shared>> -> memref<640x128xf32, #tpu.memory_space<vmem_shared>>
      tpu.wait_dma2 semaphore(%run_scoped3A : memref<!tpu.dma_semaphore, #tpu.memory_space<semaphore_mem>>) src(%dma_wait3A_194 : memref<640x128xf32, #tpu.memory_space<vmem_shared>>) dst(%dma_wait3A_192 : memref<640x128xf32, #tpu.memory_space<hbm>>)
      tpu.yield
    }) : () -> ()
    return
  }
}

module attributes {stable_mosaic.version = 14 : i64} {
  func.func @_pre_body(%arg0: i32, %arg1: memref<2048x128xf32, #tpu.memory_space<vmem>>, %arg2: memref<128x128xf32, #tpu.memory_space<vmem>>, %arg3: memref<2x2048xf32, #tpu.memory_space<vmem>>, %arg4: memref<2048x128xf32, #tpu.memory_space<vmem>>) attributes {dimension_semantics = [#tpu.dimension_semantics<arbitrary>], iteration_bounds = array<i64: 5>, scalar_prefetch = 0 : i64, scratch_operands = 0 : i64, tpu.core_type = #tpu.core_type<tc>, window_params = [{transform_indices = @transform_0, window_bounds = array<i64: 2048, 128>}, {pipeline_mode = #tpu.pipeline_mode<synchronous>, transform_indices = @transform_1, window_bounds = array<i64: 128, 128>}, {transform_indices = @transform_2, window_bounds = array<i64: 2, 2048>}, {transform_indices = @transform_3, window_bounds = array<i64: 2048, 128>}]} {
    %get3A = arith.constant 0 : index
    %get3A_0 = arith.constant 0 : index
    %get3A_1 = vector.load %arg3[%get3A, %get3A_0] : memref<2x2048xf32, #tpu.memory_space<vmem>>, vector<1x2048xf32>
    %get3A_2 = vector.shape_cast %get3A_1 : vector<1x2048xf32> to vector<2048xf32>
    %get3A_3 = arith.constant 1 : index
    %get3A_4 = arith.constant 0 : index
    %get3A_5 = vector.load %arg3[%get3A_3, %get3A_4] : memref<2x2048xf32, #tpu.memory_space<vmem>>, vector<1x2048xf32>
    %get3A_6 = vector.shape_cast %get3A_5 : vector<1x2048xf32> to vector<2048xf32>
    %add3A = arith.addf %get3A_2, %get3A_6 : vector<2048xf32>
    %max3A = arith.constant 1.000000e+00 : f32
    %max3A_7 = vector.broadcast %max3A : f32 to vector<2048xf32>
    %max3A_8 = arith.maximumf %add3A, %max3A_7 : vector<2048xf32>
    %rsqrt3A = math.rsqrt %max3A_8 : vector<2048xf32>
    %broadcast_in_dim3A = vector.shape_cast %rsqrt3A : vector<2048xf32> to vector<2048x1xf32>
    %get3A_9 = arith.constant 0 : index
    %get3A_10 = arith.constant 0 : index
    %get3A_11 = vector.load %arg1[%get3A_9, %get3A_10] : memref<2048x128xf32, #tpu.memory_space<vmem>>, vector<2048x128xf32>
    %get3A_12 = arith.constant 0 : index
    %get3A_13 = arith.constant 0 : index
    %get3A_14 = vector.load %arg2[%get3A_12, %get3A_13] : memref<128x128xf32, #tpu.memory_space<vmem>>, vector<128x128xf32>
    %dot_general3A = arith.constant dense<0.000000e+00> : vector<2048x128xf32>
    %dot_general3A_15 = tpu.matmul %get3A_11, %get3A_14, %dot_general3A {dimension_numbers = #tpu.dot_dimension_numbers<[1], [0], [0], [1], [0, 0, 1, 1], [], []>, transpose_lhs_hint = false} : vector<2048x128xf32>, vector<128x128xf32>, vector<2048x128xf32> -> vector<2048x128xf32>
    %mul3A = vector.broadcast %broadcast_in_dim3A : vector<2048x1xf32> to vector<2048x128xf32>
    %mul3A_16 = arith.mulf %dot_general3A_15, %mul3A : vector<2048x128xf32>
    %swap3A = arith.constant 0 : index
    %swap3A_17 = arith.constant 0 : index
    %swap3A_18 = vector.load %arg4[%swap3A, %swap3A_17] : memref<2048x128xf32, #tpu.memory_space<vmem>>, vector<2048x128xf32>
    tpu.vector_store %arg4[%swap3A, %swap3A_17], %mul3A_16 {strides = array<i32>} : memref<2048x128xf32, #tpu.memory_space<vmem>>, vector<2048x128xf32>,
    return
  }
  func.func @transform_0(%arg0: i32) -> (i32, i32) {
    %c0_i32 = arith.constant 0 : i32
    %c0_i32_0 = arith.constant 0 : i32
    return %arg0, %c0_i32 : i32, i32
  }
  func.func @transform_1(%arg0: i32) -> (i32, i32) {
    %c0_i32 = arith.constant 0 : i32
    %c0_i32_0 = arith.constant 0 : i32
    %c0_i32_1 = arith.constant 0 : i32
    return %c0_i32, %c0_i32_0 : i32, i32
  }
  func.func @transform_2(%arg0: i32) -> (i32, i32) {
    %c0_i32 = arith.constant 0 : i32
    %c0_i32_0 = arith.constant 0 : i32
    return %c0_i32, %arg0 : i32, i32
  }
  func.func @transform_3(%arg0: i32) -> (i32, i32) {
    %c0_i32 = arith.constant 0 : i32
    %c0_i32_0 = arith.constant 0 : i32
    return %arg0, %c0_i32 : i32, i32
  }
}

module attributes {stable_mosaic.version = 14 : i64} {
  func.func @_mid_body(%arg0: i32, %arg1: memref<2x2048x128xf32, #tpu.memory_space<vmem>>, %arg2: memref<128x128xf32, #tpu.memory_space<vmem>>, %arg3: memref<8x128xf32, #tpu.memory_space<vmem>>, %arg4: memref<2x2048xf32, #tpu.memory_space<vmem>>, %arg5: memref<2048x128xf32, #tpu.memory_space<vmem>>) attributes {dimension_semantics = [#tpu.dimension_semantics<arbitrary>], iteration_bounds = array<i64: 5>, scalar_prefetch = 0 : i64, scratch_operands = 0 : i64, tpu.core_type = #tpu.core_type<tc>, window_params = [{transform_indices = @transform_0, window_bounds = array<i64: 2, 2048, 128>}, {pipeline_mode = #tpu.pipeline_mode<synchronous>, transform_indices = @transform_1, window_bounds = array<i64: 128, 128>}, {pipeline_mode = #tpu.pipeline_mode<synchronous>, transform_indices = @transform_2, window_bounds = array<i64: 8, 128>}, {transform_indices = @transform_3, window_bounds = array<i64: 2, 2048>}, {transform_indices = @transform_4, window_bounds = array<i64: 2048, 128>}]} {
    %get3A = arith.constant 0 : index
    %get3A_0 = arith.constant 0 : index
    %get3A_1 = vector.load %arg4[%get3A, %get3A_0] : memref<2x2048xf32, #tpu.memory_space<vmem>>, vector<1x2048xf32>
    %get3A_2 = vector.shape_cast %get3A_1 : vector<1x2048xf32> to vector<2048xf32>
    %get3A_3 = arith.constant 1 : index
    %get3A_4 = arith.constant 0 : index
    %get3A_5 = vector.load %arg4[%get3A_3, %get3A_4] : memref<2x2048xf32, #tpu.memory_space<vmem>>, vector<1x2048xf32>
    %get3A_6 = vector.shape_cast %get3A_5 : vector<1x2048xf32> to vector<2048xf32>
    %add3A = arith.addf %get3A_2, %get3A_6 : vector<2048xf32>
    %max3A = arith.constant 1.000000e+00 : f32
    %max3A_7 = vector.broadcast %max3A : f32 to vector<2048xf32>
    %max3A_8 = arith.maximumf %add3A, %max3A_7 : vector<2048xf32>
    %rsqrt3A = math.rsqrt %max3A_8 : vector<2048xf32>
    %broadcast_in_dim3A = vector.shape_cast %rsqrt3A : vector<2048xf32> to vector<2048x1xf32>
    %get3A_9 = arith.constant 0 : index
    %get3A_10 = arith.constant 0 : index
    %get3A_11 = vector.load %arg3[%get3A_9, %get3A_10] : memref<8x128xf32, #tpu.memory_space<vmem>>, vector<1x128xf32>
    %get3A_12 = arith.constant 0 : index
    %get3A_13 = arith.constant 0 : index
    %get3A_14 = arith.constant 0 : index
    %get3A_15 = vector.load %arg1[%get3A_12, %get3A_13, %get3A_14] : memref<2x2048x128xf32, #tpu.memory_space<vmem>>, vector<1x2048x128xf32>
    %get3A_16 = vector.shape_cast %get3A_15 : vector<1x2048x128xf32> to vector<2048x128xf32>
    %get3A_17 = arith.constant 1 : index
    %get3A_18 = arith.constant 0 : index
    %get3A_19 = arith.constant 0 : index
    %get3A_20 = vector.load %arg1[%get3A_17, %get3A_18, %get3A_19] : memref<2x2048x128xf32, #tpu.memory_space<vmem>>, vector<1x2048x128xf32>
    %get3A_21 = vector.shape_cast %get3A_20 : vector<1x2048x128xf32> to vector<2048x128xf32>
    %add3A_22 = arith.addf %get3A_16, %get3A_21 : vector<2048x128xf32>
    %mul3A = vector.broadcast %broadcast_in_dim3A : vector<2048x1xf32> to vector<2048x128xf32>
    %mul3A_23 = arith.mulf %add3A_22, %mul3A : vector<2048x128xf32>
    %add3A_24 = vector.broadcast %get3A_11 : vector<1x128xf32> to vector<2048x128xf32>
    %add3A_25 = arith.addf %mul3A_23, %add3A_24 : vector<2048x128xf32>
    %max3A_26 = arith.constant 0.000000e+00 : f32
    %max3A_27 = vector.broadcast %max3A_26 : f32 to vector<2048x128xf32>
    %max3A_28 = arith.maximumf %add3A_25, %max3A_27 : vector<2048x128xf32>
    %get3A_29 = arith.constant 0 : index
    %get3A_30 = arith.constant 0 : index
    %get3A_31 = vector.load %arg2[%get3A_29, %get3A_30] : memref<128x128xf32, #tpu.memory_space<vmem>>, vector<128x128xf32>
    %dot_general3A = arith.constant dense<0.000000e+00> : vector<2048x128xf32>
    %dot_general3A_32 = tpu.matmul %max3A_28, %get3A_31, %dot_general3A {dimension_numbers = #tpu.dot_dimension_numbers<[1], [0], [0], [1], [0, 0, 1, 1], [], []>, transpose_lhs_hint = false} : vector<2048x128xf32>, vector<128x128xf32>, vector<2048x128xf32> -> vector<2048x128xf32>
    %mul3A_33 = vector.broadcast %broadcast_in_dim3A : vector<2048x1xf32> to vector<2048x128xf32>
    %mul3A_34 = arith.mulf %dot_general3A_32, %mul3A_33 : vector<2048x128xf32>
    %swap3A = arith.constant 0 : index
    %swap3A_35 = arith.constant 0 : index
    %swap3A_36 = vector.load %arg5[%swap3A, %swap3A_35] : memref<2048x128xf32, #tpu.memory_space<vmem>>, vector<2048x128xf32>
    tpu.vector_store %arg5[%swap3A, %swap3A_35], %mul3A_34 {strides = array<i32>} : memref<2048x128xf32, #tpu.memory_space<vmem>>, vector<2048x128xf32>,
    return
  }
  func.func @transform_0(%arg0: i32) -> (i32, i32, i32) {
    %c0_i32 = arith.constant 0 : i32
    %c0_i32_0 = arith.constant 0 : i32
    %c0_i32_1 = arith.constant 0 : i32
    return %c0_i32, %arg0, %c0_i32_0 : i32, i32, i32
  }
  func.func @transform_1(%arg0: i32) -> (i32, i32) {
    %c0_i32 = arith.constant 0 : i32
    %c0_i32_0 = arith.constant 0 : i32
    %c0_i32_1 = arith.constant 0 : i32
    return %c0_i32, %c0_i32_0 : i32, i32
  }
  func.func @transform_2(%arg0: i32) -> (i32, i32) {
    %c0_i32 = arith.constant 0 : i32
    %c0_i32_0 = arith.constant 0 : i32
    %c0_i32_1 = arith.constant 0 : i32
    return %c0_i32, %c0_i32_0 : i32, i32
  }
  func.func @transform_3(%arg0: i32) -> (i32, i32) {
    %c0_i32 = arith.constant 0 : i32
    %c0_i32_0 = arith.constant 0 : i32
    return %c0_i32, %arg0 : i32, i32
  }
  func.func @transform_4(%arg0: i32) -> (i32, i32) {
    %c0_i32 = arith.constant 0 : i32
    %c0_i32_0 = arith.constant 0 : i32
    return %arg0, %c0_i32 : i32, i32
  }
}

module attributes {stable_mosaic.version = 14 : i64} {
  func.func @_post_body(%arg0: i32, %arg1: memref<2x2048x128xf32, #tpu.memory_space<vmem>>, %arg2: memref<8x128xf32, #tpu.memory_space<vmem>>, %arg3: memref<2x2048xf32, #tpu.memory_space<vmem>>, %arg4: memref<2048x128xf32, #tpu.memory_space<vmem>>) attributes {dimension_semantics = [#tpu.dimension_semantics<arbitrary>], iteration_bounds = array<i64: 5>, scalar_prefetch = 0 : i64, scratch_operands = 0 : i64, tpu.core_type = #tpu.core_type<tc>, window_params = [{transform_indices = @transform_0, window_bounds = array<i64: 2, 2048, 128>}, {pipeline_mode = #tpu.pipeline_mode<synchronous>, transform_indices = @transform_1, window_bounds = array<i64: 8, 128>}, {transform_indices = @transform_2, window_bounds = array<i64: 2, 2048>}, {transform_indices = @transform_3, window_bounds = array<i64: 2048, 128>}]} {
    %get3A = arith.constant 0 : index
    %get3A_0 = arith.constant 0 : index
    %get3A_1 = vector.load %arg3[%get3A, %get3A_0] : memref<2x2048xf32, #tpu.memory_space<vmem>>, vector<1x2048xf32>
    %get3A_2 = vector.shape_cast %get3A_1 : vector<1x2048xf32> to vector<2048xf32>
    %get3A_3 = arith.constant 1 : index
    %get3A_4 = arith.constant 0 : index
    %get3A_5 = vector.load %arg3[%get3A_3, %get3A_4] : memref<2x2048xf32, #tpu.memory_space<vmem>>, vector<1x2048xf32>
    %get3A_6 = vector.shape_cast %get3A_5 : vector<1x2048xf32> to vector<2048xf32>
    %add3A = arith.addf %get3A_2, %get3A_6 : vector<2048xf32>
    %max3A = arith.constant 1.000000e+00 : f32
    %max3A_7 = vector.broadcast %max3A : f32 to vector<2048xf32>
    %max3A_8 = arith.maximumf %add3A, %max3A_7 : vector<2048xf32>
    %rsqrt3A = math.rsqrt %max3A_8 : vector<2048xf32>
    %broadcast_in_dim3A = vector.shape_cast %rsqrt3A : vector<2048xf32> to vector<2048x1xf32>
    %get3A_9 = arith.constant 0 : index
    %get3A_10 = arith.constant 0 : index
    %get3A_11 = vector.load %arg2[%get3A_9, %get3A_10] : memref<8x128xf32, #tpu.memory_space<vmem>>, vector<1x128xf32>
    %get3A_12 = arith.constant 0 : index
    %get3A_13 = arith.constant 0 : index
    %get3A_14 = arith.constant 0 : index
    %get3A_15 = vector.load %arg1[%get3A_12, %get3A_13, %get3A_14] : memref<2x2048x128xf32, #tpu.memory_space<vmem>>, vector<1x2048x128xf32>
    %get3A_16 = vector.shape_cast %get3A_15 : vector<1x2048x128xf32> to vector<2048x128xf32>
    %get3A_17 = arith.constant 1 : index
    %get3A_18 = arith.constant 0 : index
    %get3A_19 = arith.constant 0 : index
    %get3A_20 = vector.load %arg1[%get3A_17, %get3A_18, %get3A_19] : memref<2x2048x128xf32, #tpu.memory_space<vmem>>, vector<1x2048x128xf32>
    %get3A_21 = vector.shape_cast %get3A_20 : vector<1x2048x128xf32> to vector<2048x128xf32>
    %add3A_22 = arith.addf %get3A_16, %get3A_21 : vector<2048x128xf32>
    %mul3A = vector.broadcast %broadcast_in_dim3A : vector<2048x1xf32> to vector<2048x128xf32>
    %mul3A_23 = arith.mulf %add3A_22, %mul3A : vector<2048x128xf32>
    %add3A_24 = vector.broadcast %get3A_11 : vector<1x128xf32> to vector<2048x128xf32>
    %add3A_25 = arith.addf %mul3A_23, %add3A_24 : vector<2048x128xf32>
    %max3A_26 = arith.constant 0.000000e+00 : f32
    %max3A_27 = vector.broadcast %max3A_26 : f32 to vector<2048x128xf32>
    %max3A_28 = arith.maximumf %add3A_25, %max3A_27 : vector<2048x128xf32>
    %swap3A = arith.constant 0 : index
    %swap3A_29 = arith.constant 0 : index
    %swap3A_30 = vector.load %arg4[%swap3A, %swap3A_29] : memref<2048x128xf32, #tpu.memory_space<vmem>>, vector<2048x128xf32>
    tpu.vector_store %arg4[%swap3A, %swap3A_29], %max3A_28 {strides = array<i32>} : memref<2048x128xf32, #tpu.memory_space<vmem>>, vector<2048x128xf32>,
    return
  }
  func.func @transform_0(%arg0: i32) -> (i32, i32, i32) {
    %c0_i32 = arith.constant 0 : i32
    %c0_i32_0 = arith.constant 0 : i32
    %c0_i32_1 = arith.constant 0 : i32
    return %c0_i32, %arg0, %c0_i32_0 : i32, i32, i32
  }
  func.func @transform_1(%arg0: i32) -> (i32, i32) {
    %c0_i32 = arith.constant 0 : i32
    %c0_i32_0 = arith.constant 0 : i32
    %c0_i32_1 = arith.constant 0 : i32
    return %c0_i32, %c0_i32_0 : i32, i32
  }
  func.func @transform_2(%arg0: i32) -> (i32, i32) {
    %c0_i32 = arith.constant 0 : i32
    %c0_i32_0 = arith.constant 0 : i32
    return %c0_i32, %arg0 : i32, i32
  }
  func.func @transform_3(%arg0: i32) -> (i32, i32) {
    %c0_i32 = arith.constant 0 : i32
    %c0_i32_0 = arith.constant 0 : i32
    return %arg0, %c0_i32 : i32, i32
  }
}

</mosaic_0001>

<sc_bundles>
// kernel: kernel.11.cloned.1.call-start
scs
__scs_entry_jumppad:
0x0: {  	(pc) =	sbr.rel $0x88, $3  }
0x1: {  	(tag) =	ssettag $0x0;
	lr =	simm.s32 $0x1  }
0x2: {  	[smem:$0x3F9B] =	sst lr;
	_ =	strace $0xD0000000  }
0x3: {  	_ = 	snop  }
0x4: {  	_ = 	snop  }
0x5: {  	_ = 	snop  }
0x6: {  	_ = 	snop  }
0x7: {  	_ = 	snop  }
__scs_overlays_trampoline_lowered:
0x8: {  	[smem:$0x3FAA] =	sst s0  }
0x9: {  	[smem:$0x3FAB] =	sst s1  }
0xa: {  	[smem:$0x3FAC] =	sst s2  }
0xb: {  	[smem:$0x3FAD] =	sst s3  }
0xc: {  	[smem:$0x3FAE] =	sst s4  }
0xd: {  	[smem:$0x3FAF] =	sst s5  }
0xe: {  	[smem:$0x3FB0] =	sst s6  }
0xf: {  	[smem:$0x3FB1] =	sst s7  }
0x10: {  	[smem:$0x3FB2] =	sst s8  }
0x11: {  	[smem:$0x3FB3] =	sst s9;
	s0 =	simm.s32 @!p0 $0x0  }
0x12: {  	s1 =	sld [smem:$0x3F99];
	s0 =	simm.s32 @p0 $0x1  }
0x13: {  	[smem:$0x3FB4] =	sst s0;
	s0 =	simm.s32 @!p1 $0x0  }
0x14: {  	s2 =	sld [smem:$0x3F98];
	s0 =	simm.s32 @p1 $0x1  }
0x15: {  	[smem:$0x3FB5] =	sst s0;
	s0 =	simm.s32 @!p2 $0x0  }
0x16: {  	s3 =	sld [smem:$0x3FDB];
	s0 =	simm.s32 @p2 $0x1  }
0x17: {  	s4 =	simm.s32 $0x1BF5;
	[smem:$0x3FB7] =	sst s0  }
0x18: {  	s0 =	sld [smem:$0x3F9A];
	_ =	swait.ge [sflag:s4], $0x0  }
0x19: {  	s7 =	sld [smem:$0x3F9B]  }
0x1a: {  	s8 =	sadd.s32 $0xFFFFE003, lr  }
0x1b: {  	s9 =	sadd.s32 $0xFFFFFEF7, lr;
	s5 =	simm.s32 $0xFFFFFFFF;
	p2 =	slt.u32 s8, $0xFFFFF086  }
0x1c: {  	p1 =	slt.u32 s9, $0xF7A;
	s5 =	simm.s32 @!p2 $0x0  }
0x1d: {  	s5 =	simm.s32 @p1 $0x1;
	p0 =	seq.s32 s7, s2  }
0x1e: {  	s7 =	smul.u32 @!p0 $0xF7A, s2;
	p2 =	seq.s32 @!p0 s5, $0x0  }
0x1f: {  	s9 =	smul.u32 $0xF7A, s1;
	s8 =	simm.s32 @!p0 $0x1BF5;
	p2 =	por !p2, p0  }
0x20: {  	[sflag:s8] =	ssyncset.s32 @!p0 $0xFFFFF086;
	s6 =	sadd.s32 @!p0 s3, s7;
	s7 =	simm.s32 @!p0 $0x108  }
0x21: {  	s3 =	sadd.s32 s3, s9;
	s6 =	sadd.s32 @!p0 $0x88, s6;
	s7 =	simm.s32 @p2 $0x1082  }
0x22: {  	[simem:s7], [sflag:s8] =	dma.local @!p0 [hbm:s6], $0xF7A  }
0x23: {  	s9 =	sor.u32 $0xD0000000, s2;
	s6 =	simm.s32 $0x108;
	_ =	swait.ge @!p0 [sflag:s8], $0x0  }
0x24: {  	s3 =	sadd.s32 $0x88, s3;
	s6 =	simm.s32 @!p1 $0x1082;
	[sflag:s4] =	ssyncset.s32 $0xFFFFF086  }
0x25: {  	[simem:s6], [sflag:s4] =	dma.local [hbm:s3], $0xF7A  }
0x26: {  	[smem:$0x3F9B] =	sst s1;
	(tag) =	ssettag s2;
	_ =	strace s9  }
0x27: {  	s1 =	sld [smem:$0x3FAB]  }
0x28: {  	s2 =	sld [smem:$0x3FAC]  }
0x29: {  	s4 =	sld [smem:$0x3FAE]  }
0x2a: {  	p0 =	seq.s32 s5, $0x0;
	s5 =	sld [smem:$0x3FAF]  }
0x2b: {  	s6 =	sld [smem:$0x3FB0]  }
0x2c: {  	s7 =	sld [smem:$0x3FB1]  }
0x2d: {  	s3 =	simm.s32 $0x108;
	s8 =	sld [smem:$0x3FB2]  }
0x2e: {  	s3 =	simm.s32 @!p0 $0x1082;
	s9 =	sld [smem:$0x3FB3]  }
0x2f: {  	lr =	sadd.s32 s0, s3;
	s0 =	sld [smem:$0x3FAA]  }
0x30: {  	s3 =	sld [smem:$0x3FAD]  }
0x31: {  	[smem:$0x3FB6] =	sst s10  }
0x32: {  	s10 =	sld [smem:$0x3FB4];
	_ =	sdelay $0x3  }
0x33: {  	p0 =	seq.s32 s10, $0x1;
	s10 =	sld [smem:$0x3FB6];
	_ =	sdelay $0x3  }
0x34: {  	[smem:$0x3FB6] =	sst s10  }
0x35: {  	s10 =	sld [smem:$0x3FB5];
	_ =	sdelay $0x3  }
0x36: {  	p1 =	seq.s32 s10, $0x1;
	s10 =	sld [smem:$0x3FB6];
	_ =	sdelay $0x3  }
0x37: {  	[smem:$0x3FB6] =	sst s10  }
0x38: {  	s10 =	sld [smem:$0x3FB7]  }
0x39: {  	_ = 	snop;
	(pc) =	sbr.ind lr, $3  }
0x3a: {  	_ = 	snop  }
0x3b: {  	_ = 	snop  }
0x3c: {  	p2 =	seq.s32 s10, $0x1;
	s10 =	sld [smem:$0x3FB6]  }
0x3d: {  	_ =	shalt  }
0x3e: {  	_ =	shalt  }
0x3f: {  	_ =	shalt  }
0x40: {  	_ =	shalt  }
0x41: {  	_ =	shalt  }
0x42: {  	_ =	shalt  }
0x43: {  	_ =	shalt  }
0x44: {  	_ =	shalt  }
0x45: {  	_ =	shalt  }
0x46: {  	_ =	shalt  }
0x47: {  	_ =	shalt  }
0x48: {  	_ =	shalt  }
0x49: {  	_ =	shalt  }
0x4a: {  	_ =	shalt  }
0x4b: {  	_ =	shalt  }
0x4c: {  	_ =	shalt  }
0x4d: {  	_ =	shalt  }
0x4e: {  	_ =	shalt  }
0x4f: {  	_ =	shalt  }
0x50: {  	_ =	shalt  }
0x51: {  	_ =	shalt  }
0x52: {  	_ =	shalt  }
0x53: {  	_ =	shalt  }
0x54: {  	_ =	shalt  }
0x55: {  	_ =	shalt  }
0x56: {  	_ =	shalt  }
0x57: {  	_ =	shalt  }
0x58: {  	_ =	shalt  }
0x59: {  	_ =	shalt  }
0x5a: {  	_ =	shalt  }
0x5b: {  	_ =	shalt  }
0x5c: {  	_ =	shalt  }
0x5d: {  	_ =	shalt  }
0x5e: {  	_ =	shalt  }
0x5f: {  	_ =	shalt  }
0x60: {  	_ =	shalt  }
0x61: {  	_ =	shalt  }
0x62: {  	_ =	shalt  }
0x63: {  	_ =	shalt  }
0x64: {  	_ =	shalt  }
0x65: {  	_ =	shalt  }
0x66: {  	_ =	shalt  }
0x67: {  	_ =	shalt  }
0x68: {  	_ =	shalt  }
0x69: {  	_ =	shalt  }
0x6a: {  	_ =	shalt  }
0x6b: {  	_ =	shalt  }
0x6c: {  	_ =	shalt  }
0x6d: {  	_ =	shalt  }
0x6e: {  	_ =	shalt  }
0x6f: {  	_ =	shalt  }
0x70: {  	_ =	shalt  }
0x71: {  	_ =	shalt  }
0x72: {  	_ =	shalt  }
0x73: {  	_ =	shalt  }
0x74: {  	_ =	shalt  }
0x75: {  	_ =	shalt  }
0x76: {  	_ =	shalt  }
0x77: {  	_ =	shalt  }
0x78: {  	_ =	shalt  }
0x79: {  	_ =	shalt  }
0x7a: {  	_ =	shalt  }
0x7b: {  	_ =	shalt  }
0x7c: {  	_ =	shalt  }
0x7d: {  	_ =	shalt  }
0x7e: {  	_ =	shalt  }
0x7f: {  	_ =	shalt  }
0x80: {  	_ =	shalt  }
0x81: {  	_ =	shalt  }
0x82: {  	_ =	shalt  }
0x83: {  	_ =	shalt  }
0x84: {  	_ =	shalt  }
0x85: {  	_ =	shalt  }
0x86: {  	_ =	shalt  }
0x87: {  	_ =	shalt  }
.Lfunc_end0:
.L_simem_size_0:
called_computation.1_lowered:
.L_overlay_start_0:
0x88: {  	s2 =	sld [smem:$0x3FD9]  }
0x89: {  	s3 =	sld [smem:$0x3FFE];
	_ =	sdelay $0x1  }
0x8a: {  	s1 =	srdreg.scid  }
0x8b: {  	s0 =	sand.u32 $0x1, s1  }
0x8c: {  	s17 =	sshll.u32 s0, $0xA;
	s2 =	sadd.s32 s3, s2  }
0x8d: {  	s2 =	sadd.s32 s2, s17  }
0x8e: {  	[smem:$0x3FC2] =	sst s2  }
0x8f: {  	_ = 	snop  }
0x90: {  	s2 =	sld [smem:$0x3FD0];
	(tm) =	ssettm $0x1  }
0x91: {  	s18 =	sld [smem:$0x3FFB];
	_ =	sdelay $0x3  }
0x92: {  	_ =	strace s18  }
0x93: {  	s3 =	sld [smem:$0x3FFC];
	_ =	sdelay $0x3  }
0x94: {  	_ =	strace s3  }
0x95: {  	s3 =	sld [smem:$0x3FFD];
	_ =	sdelay $0x3  }
0x96: {  	_ =	strace s3  }
0x97: {  	_ =	strace $0x8FFFFFFF  }
0x98: {  	s19 =	sld [smem:$0x3FDB];
	_ =	sdelay $0x1  }
0x99: {  	s4 =	simm.s32 $_scs_section_size  }
0x9a: {  	s5 =	simm.s32 $_size__tile_overlayer_lowered;
	s6 =	simm.s32 $_tile_overlayer_lowered  }
0x9b: {  	s22 =	simm.s32 $0x1BFF;
	s21 =	sshll.u32 s6, $0x1;
	s3 =	sadd.s32 s4, s19  }
0x9c: {  	s7 =	simm.s32 $0x0;
	s20 =	sshll.u32 s5, $0x1;
	s5 =	sadd.s32 s21, s3  }
0x9d: {  	[timem:s7], [sflag:s22] =	dma.local [hbm:s5], s20  }
0x9e: {  	_ =	swait.ge [sflag:s22], s20  }
0x9f: {  	s4 =	ssub.s32 $0x0, s20;
	[sflag:s22] =	ssyncset.done $0x0  }
0xa0: {  	[sflag:s22] =	ssyncadd.s32 s4;
	_ =	sdelay $0x1  }
0xa1: {  	s23 =	simm.s32 $0x1B8B  }
0xa2: {  	_ =	swait.ge [sflag:s23], $0x1  }
0xa3: {  	[sflag:s23] =	ssyncset.done $0x0  }
0xa4: {  	s25 =	simm.s32 $0x1B8E;
	s24 =	sld [smem:$0x3FFE];
	[sflag:s23] =	ssyncadd.s32 $0xFFFFFFFF  }
0xa5: {  	s26 =	simm.s32 $execute0_lowered;
	[smem:$0x3FD2] =	sst s25  }
0xa6: {  	s5 =	sshll.u32 s26, $0x1;
	_ =	strace $0x80000049;
	[dreg:$0x1] =	wrdreg $0xFFFFFFFF  }
0xa7: {  	s28 =	simm.s32 $_size_execute0_lowered;
	s3 =	sadd.s32 s3, s5;
	[dreg:$0x0] =	wrdreg $0x0  }
0xa8: {  	s5 =	sshll.u32 s28, $0x1;
	[dreg:$0x2] =	wrdreg s3  }
0xa9: {  	[dreg:$0x3] =	wrdreg s5  }
0xaa: {  	[dreg:$0x4] =	wrdreg $0xC0  }
0xab: {  	_ =	task [dreg:s7], $0x5FFFF  }
0xac: {  	[dreg:$0x1] =	wrdreg $0xFFFFFFFF  }
0xad: {  	[dreg:$0x0] =	wrdreg $0x60  }
0xae: {  	[dreg:$0x2] =	wrdreg s2  }
0xaf: {  	[dreg:$0x3] =	wrdreg s24  }
0xb0: {  	[dreg:$0x4] =	wrdreg $0x0  }
0xb1: {  	[dreg:$0x5] =	wrdreg $0x9  }
0xb2: {  	_ =	task.clear_ibuf [dreg:s7], $0x6FFFF;
	_ =	strace $0x90000049  }
0xb3: {  	s29 =	simm.s32 $0x9;
	_ =	strace $0x8000004B  }
0xb4: {  	_ =	swait.ge [sflag:s29], $0x1  }
0xb5: {  	[sflag:s29] =	ssyncadd.s32 $0xFFFFFFFF  }
0xb6: {  	_ =	strace $0x9000004B  }
0xb7: {  	_ =	sfence  }
0xb8: {  	s30 =	sld [smem:$0x0];
	_ =	sdelay $0x2  }
0xb9: {  	s31 =	sshll.u32 s1, $0xD;
	s1 =	sshrl.u32 s1, $0x2  }
0xba: {  	s3 =	sand.u32 $0x4000, s31;
	s1 =	sadd.s32 s1, s30  }
0xbb: {  	s0 =	sor.u32 s3, s0;
	s1 =	sshll.u32 s1, $0x11  }
0xbc: {  	s0 =	sor.u32 s1, s0  }
0xbd: {  	s0 =	sadd.s32 $0x8F2B, s0  }
0xbe: {  	[sflag:s0] =	ssyncadd.remote.s32 $0x1  }
0xbf: {  	_ =	sfence.sel $0xFFFF  }
0xc0: {  	[dreg:$0x0] =	wrdreg $0xFFFFFFFF;
	(pc) =	sbr.abs _section_cstart, $3  }
0xc1: {  	[dreg:$0x1] =	wrdreg $0xFFFFFFFF  }
0xc2: {  	_ =	task.clear_ibuf [dreg:s7], $0x2FFFF;
	_ =	strace $0x9FFFFFFF  }
0xc3: {  	(tm) =	ssettm $0x7FFFFFFF  }
tec
execute0_lowered:
.L_overlay_start_1:
0x0: {  	(tag) =	ssettag $0x1  }
0x1: {  	s1 =	rddreg [dreg:$0x0]  }
0x2: {  	s0 =	srdreg.scid;
	s4 =	rddreg [dreg:$0x1]  }
0x3: {  	s8 =	stileid.u32;
	s3 =	rddreg [dreg:$0x2];
	s7 =	simm.s32 $0x0  }
0x4: {  	s29 =	simm.s32 $0x14000;
	s30 =	simm.s32 $0x14040;
	s0 =	sand.u32 $0x1, s0  }
0x5: {  	s2 =	sshll.u32 s8, $0x1;
	[smem:$0x7FF] =	sst s7;
	s21 =	smul.u32 $0x14000, s8  }
0x6: {  	s22 =	smul.u32 $0x50000, s8;
	s7 =	simm.s32 $0x4;
	s31 =	sadd.s32 $0xC100, s4  }
0x7: {  	s17 =	sadd.s32 $0xC1A0, s4;
	s18 =	sadd.s32 $0x15DE0, s4;
	s8 =	simm.s32 $0x40  }
0x8: {  	s2 =	sor.u32 s0, s2;
	_ =	strace $0x8000004A;
	[dreg:$0x6] =	wrdreg s31  }
0x9: {  	s6 =	smul.u32 $0x140000, s0;
	s0 =	ssub.s32 $0x2, s0;
	[dreg:$0xb] =	wrdreg s17  }
0xa: {  	[dreg:$0xc] =	wrdreg s18;
	s18 =	simm.s32 $0x1A800;
	s5 =	smul.u32 $0x2800, s2  }
0xb: {  	s25 =	sshrl.u32 s0, $0x1;
	s26 =	sshrl.u32 s22, $0x2;
	p0 =	seq.s32 s2, $0x1F  }
0xc: {  	s2 =	simm.s32 $0x400;
	s0 =	ssub.s32 s0, s25;
	s7 =	simm.s32 @!p0 $0x13  }
0xd: {  	s5 =	sshrl.u32 s5, $0x3;
	[dreg:$0x8] =	wrdreg s7;
	s7 =	sadd.s32 $0x15D40, s4  }
0xe: {  	s0 =	smax.u32 s0, $0x1;
	s23 =	sadd.s32 s5, s4;
	[dreg:$0x7] =	wrdreg s7  }
0xf: {  	s6 =	sadd.s32 s21, s6;
	[dreg:$0xe] =	wrdreg s0;
	s10 =	sadd.s32 $0x2600, s23  }
0x10: {  	s2 =	simm.s32 @!p0 $0x1300;
	s28 =	sadd.s32 $0xC240, s23;
	[dreg:$0x4] =	wrdreg s10  }
0x11: {  	s24 =	sshrl.u32 s6, $0x3;
	s11 =	sadd.s32 $0x2880, s23;
	[dreg:$0x5] =	wrdreg s28  }
0x12: {  	s9 =	sadd.s32 s24, s4;
	s12 =	sadd.s32 $0xC4C0, s23;
	[dreg:$0x9] =	wrdreg s11  }
0x13: {  	s5 =	sadd.s32 s26, s3;
	s19 =	sadd.s32 $0x16000, s9;
	[dreg:$0xa] =	wrdreg s12  }
0x14: {  	s6 =	simm.s32 $0x4;
	s20 =	sadd.s32 $0x2000, s5;
	[dreg:$0xd] =	wrdreg s19  }
0x15: {  	s13 =	sor.u32 $0x140C0, s2;
	s21 =	sadd.s32 $0x4000, s5;
	[dreg:$0xf] =	wrdreg s20  }
0x16: {  	s14 =	sadd.s32 $0x15400, s2;
	s22 =	sadd.s32 $0x6000, s5;
	[dreg:$0x10] =	wrdreg s21  }
0x17: {  	s15 =	sadd.s32 $0x15440, s2;
	s23 =	sadd.s32 $0x8000, s5;
	[dreg:$0x11] =	wrdreg s22  }
0x18: {  	s16 =	sadd.s32 $0x154C0, s2;
	s24 =	sadd.s32 $0xA000, s5;
	[dreg:$0x12] =	wrdreg s23  }
0x19: {  	s7 =	sadd.s32 $0x15480, s2;
	s25 =	sadd.s32 $0xC000, s5;
	[dreg:$0x13] =	wrdreg s24  }
0x1a: {  	s0 =	simm.s32 $0x16800;
	s26 =	sadd.s32 $0xE000, s5;
	[dreg:$0x14] =	wrdreg s25  }
0x1b: {  	s4 =	simm.s32 $0x5;
	s31 =	sadd.s32 $0x12000, s5;
	[dreg:$0x15] =	wrdreg s26  }
0x1c: {  	s28 =	sadd.s32 $0x10000, s5;
	[dreg:$0x17] =	wrdreg s31;
	s11 =	simm.s32 $0x18800  }
0x1d: {  	s19 =	simm.s32 $0x1C800;
	s20 =	simm.s32 $0x1;
	s21 =	simm.s32 $0x2  }
0x1e: {  	v0 =	vimm.f32 $0.0e+00;
	s22 =	simm.s32 $0x3;
	s23 =	simm.s32 $0x0;
	[dreg:$0x16] =	wrdreg s28  }
.LBB2_1:
0x1f: {  	s9 =	simm.s32 $0x0  }
0x20: {  	s2 =	sand.u32 $0x7E00, s9  }
0x21: {  	s9 =	sand.u32 $0x70, s9;
	s10 =	sshrl.u32 s2, $0x2  }
0x22: {  	s2 =	simm.s32 $0x40;
	s10 =	sor.u32 s9, s10;
	s9 =	simm.s32 $0x0  }
.LBB2_2:
0x23: {  	p1 =	sne.s32 s2, $0x7FC0  }
0x24: {  	[tilespmem:s10+$0x16800] =	vst v0;
	s9 =	sadd.s32 $0x10, s9;
	s10 =	smov.u32 s2;
	s2 =	sadd.s32 $0x40, s2  }
.Ltmp0:
0x25: {  	(pc) =	sbr.rel @p1 .LBB2_2-.Ltmp0, $4  }
0x26: {  	_ = 	snop  }
0x27: {  	s10 =	sand.u32 $0x7E00, s10  }
0x28: {  	s12 =	sand.u32 $0x70, s9;
	s10 =	sshrl.u32 s10, $0x2  }
0x29: {  	s10 =	sor.u32 s12, s10  }
0x2a: {  	[tilespmem:s10+$0x16800] =	vst v0  }
0x2b: {  	[spmem:s5] =	stream.linear.scatter [tilespmem:s0], [sflag:$0x5], $0x2000, $0x38;
	[tilespmem:$0x1E800] =	vst v63  }
0x2c: {  	_ =	swait.ge [sflag:s4], $0x2000  }
0x2d: {  	[sflag:s4] =	ssyncset.done $0x0  }
0x2e: {  	s2 =	rddreg [dreg:$0xf];
	[sflag:s4] =	ssyncadd.s32 $0xFFFFE000  }
0x2f: {  	[spmem:s2] =	stream.linear.scatter [tilespmem:s0], [sflag:$0x5], $0x2000, $0x38;
	[tilespmem:$0x1E800] =	vst v63  }
0x30: {  	_ =	swait.ge [sflag:s4], $0x2000  }
0x31: {  	[sflag:s4] =	ssyncset.done $0x0  }
0x32: {  	s17 =	rddreg [dreg:$0x10];
	[sflag:s4] =	ssyncadd.s32 $0xFFFFE000  }
0x33: {  	[spmem:s17] =	stream.linear.scatter [tilespmem:s0], [sflag:$0x5], $0x2000, $0x38;
	[tilespmem:$0x1E800] =	vst v63  }
0x34: {  	_ =	swait.ge [sflag:s4], $0x2000  }
0x35: {  	[sflag:s4] =	ssyncset.done $0x0  }
0x36: {  	s24 =	rddreg [dreg:$0x11];
	[sflag:s4] =	ssyncadd.s32 $0xFFFFE000  }
0x37: {  	[spmem:s24] =	stream.linear.scatter [tilespmem:s0], [sflag:$0x5], $0x2000, $0x38;
	[tilespmem:$0x1E800] =	vst v63  }
0x38: {  	_ =	swait.ge [sflag:s4], $0x2000  }
0x39: {  	[sflag:s4] =	ssyncset.done $0x0  }
0x3a: {  	s25 =	rddreg [dreg:$0x12];
	[sflag:s4] =	ssyncadd.s32 $0xFFFFE000  }
0x3b: {  	[spmem:s25] =	stream.linear.scatter [tilespmem:s0], [sflag:$0x5], $0x2000, $0x38;
	[tilespmem:$0x1E800] =	vst v63  }
0x3c: {  	_ =	swait.ge [sflag:s4], $0x2000  }
0x3d: {  	[sflag:s4] =	ssyncset.done $0x0  }
0x3e: {  	s26 =	rddreg [dreg:$0x13];
	[sflag:s4] =	ssyncadd.s32 $0xFFFFE000  }
0x3f: {  	[spmem:s26] =	stream.linear.scatter [tilespmem:s0], [sflag:$0x5], $0x2000, $0x38;
	[tilespmem:$0x1E800] =	vst v63  }
0x40: {  	_ =	swait.ge [sflag:s4], $0x2000  }
0x41: {  	[sflag:s4] =	ssyncset.done $0x0  }
0x42: {  	s9 =	rddreg [dreg:$0x14];
	[sflag:s4] =	ssyncadd.s32 $0xFFFFE000  }
0x43: {  	[spmem:s9] =	stream.linear.scatter [tilespmem:s0], [sflag:$0x5], $0x2000, $0x38;
	[tilespmem:$0x1E800] =	vst v63  }
0x44: {  	_ =	swait.ge [sflag:s4], $0x2000  }
0x45: {  	[sflag:s4] =	ssyncset.done $0x0  }
0x46: {  	s10 =	rddreg [dreg:$0x15];
	[sflag:s4] =	ssyncadd.s32 $0xFFFFE000  }
0x47: {  	[spmem:s10] =	stream.linear.scatter [tilespmem:s0], [sflag:$0x5], $0x2000, $0x38;
	[tilespmem:$0x1E800] =	vst v63  }
0x48: {  	_ =	swait.ge [sflag:s4], $0x2000  }
0x49: {  	[sflag:s4] =	ssyncset.done $0x0  }
0x4a: {  	s12 =	rddreg [dreg:$0x16];
	[sflag:s4] =	ssyncadd.s32 $0xFFFFE000  }
0x4b: {  	[spmem:s12] =	stream.linear.scatter [tilespmem:s0], [sflag:$0x5], $0x2000, $0x38;
	[tilespmem:$0x1E800] =	vst v63  }
0x4c: {  	_ =	swait.ge [sflag:s4], $0x2000  }
0x4d: {  	[sflag:s4] =	ssyncset.done $0x0  }
0x4e: {  	s17 =	rddreg [dreg:$0x17];
	[sflag:s4] =	ssyncadd.s32 $0xFFFFE000  }
0x4f: {  	[spmem:s17] =	stream.linear.scatter [tilespmem:s0], [sflag:$0x5], $0x2000, $0x38;
	[tilespmem:$0x1E800] =	vst v63  }
0x50: {  	_ =	swait.ge [sflag:s4], $0x2000  }
0x51: {  	[sflag:s4] =	ssyncset.done $0x0  }
0x52: {  	[sflag:s4] =	ssyncadd.s32 $0xFFFFE000  }
0x53: {  	[bflag:$0x0] =	sbarrier.arrive $0xFFFF  }
0x54: {  	s26 =	simm.s32 @p0 $0x0;
	s9 =	simm.s32 @p0 $0x14000;
	s2 =	rddreg [dreg:$0x6]  }
0x55: {  	[tilespmem:s9], [sflag:$0x5] =	stream.linear.gather @p0 [hbm4b:s2+s26], $0x500, $0x38;
	[tilespmem:$0x1E800] =	vst v63  }
0x56: {  	s9 =	simm.s32 @p0 $0x5  }
0x57: {  	_ =	swait.ge @p0 [sflag:s9], $0x500  }
0x58: {  	[sflag:s9] =	ssyncset.done @p0 $0x0  }
0x59: {  	s10 =	simm.s32 @p0 $0x15400;
	s2 =	rddreg [dreg:$0x7];
	[sflag:s9] =	ssyncadd.s32 @p0 $0xFFFFFB00  }
0x5a: {  	[tilespmem:s10], [sflag:$0x5] =	stream.linear.gather @p0 [hbm4b:s2+s26], $0x500, $0x38;
	[tilespmem:$0x1E800] =	vst v63  }
0x5b: {  	_ =	swait.ge @p0 [sflag:s9], $0x500  }
0x5c: {  	s28 =	simm.s32 @!p0 $0x0;
	s17 =	simm.s32 @!p0 $0x14000;
	[sflag:s9] =	ssyncset.done @p0 $0x0  }
0x5d: {  	s10 =	simm.s32 @!p0 $0x5;
	s2 =	rddreg [dreg:$0x4];
	[sflag:s9] =	ssyncadd.s32 @p0 $0xFFFFFB00  }
0x5e: {  	[tilespmem:s17], [sflag:$0x5] =	stream.linear.gather @!p0 [hbm4b:s2+s28], $0x1400, $0x38;
	[tilespmem:$0x1E800] =	vst v63  }
0x5f: {  	_ =	swait.ge @!p0 [sflag:s10], $0x1400  }
0x60: {  	[sflag:s10] =	ssyncset.done @!p0 $0x0  }
0x61: {  	s31 =	simm.s32 @!p0 $0x15400;
	s2 =	rddreg [dreg:$0x5];
	[sflag:s10] =	ssyncadd.s32 @!p0 $0xFFFFEC00  }
0x62: {  	[tilespmem:s31], [sflag:$0x5] =	stream.linear.gather @!p0 [hbm4b:s2+s28], $0x1400, $0x38;
	[tilespmem:$0x1E800] =	vst v63  }
0x63: {  	_ =	swait.ge @!p0 [sflag:s10], $0x1400  }
0x64: {  	[sflag:s10] =	ssyncset.done @!p0 $0x0;
	s25 =	rddreg [dreg:$0x8]  }
0x65: {  	[sflag:s10] =	ssyncadd.s32 @!p0 $0xFFFFEC00;
	p2 =	sne.s32 s25, $0x1  }
0x66: {  	[tilespmem:s0], [sflag:$0x1] =	stream.indirect.gather [hbm4b:s1+s8], $0x80, s29, s8, $0xb8;
	[tilespmem:$0x1E800] =	vst v63  }
.Ltmp1:
0x67: {  	_ = 	snop;
	(pc) =	sbr.rel @!p2 .LBB2_8-.Ltmp1, $4  }
0x68: {  	[tilespmem:s11], [sflag:$0x2] =	stream.indirect.gather [hbm4b:s1+s8], $0x80, s30, s8, $0xb8;
	[tilespmem:$0x1E800] =	vst v63  }
0x69: {  	p1 =	por $0x0, $0x0;
	p3 =	por $0x0, $0x0;
	s24 =	simm.s32 $0x14080  }
0x6a: {  	[tilespmem:s18], [sflag:$0x3] =	stream.indirect.gather [hbm4b:s1+s8], $0x80, s24, s8, $0xb8;
	[tilespmem:$0x1E800] =	vst v63  }
0x6b: {  	s2 =	simm.s32 $0x0;
	s25 =	sadd.s32 $0xFFFFFFFF, s25;
	s24 =	simm.s32 $0x0  }
0x6c: {  	s2 =	simm.s32 $0x140C0  }
0x6d: {  	[tilespmem:s19], [sflag:$0x4] =	stream.indirect.gather [hbm4b:s1+s8], $0x80, s2, s8, $0xb8;
	[tilespmem:$0x1E800] =	vst v63  }
0x6e: {  	_ =	swait.ge [sflag:s20], $0x2000  }
0x6f: {  	s30 =	smov.u32 s16;
	[sflag:s20] =	ssyncset.done $0x0  }
0x70: {  	s16 =	smov.u32 s14;
	s14 =	simm.s32 $0x15400;
	[sflag:s20] =	ssyncadd.s32 $0xFFFFE000  }
0x71: {  	[spmem:s3] =	stream.indirect.scatter.add.f32 [tilespmem:s0], [sflag:$0x5], $0x80, s14, s8, $0xb8;
	[tilespmem:$0x1E800] =	vst v63  }
0x72: {  	_ =	swait.ge [sflag:s4], $0x2000  }
0x73: {  	[sflag:s4] =	ssyncset.done $0x0  }
0x74: {  	s12 =	simm.s32 $0x14100;
	[sflag:s4] =	ssyncadd.s32 $0xFFFFE000  }
0x75: {  	[tilespmem:s0], [sflag:$0x1] =	stream.indirect.gather [hbm4b:s1+s8], $0x80, s12, s8, $0xb8;
	[tilespmem:$0x1E800] =	vst v63  }
0x76: {  	_ =	swait.ge [sflag:s21], $0x2000  }
0x77: {  	s29 =	smov.u32 s7;
	s7 =	smov.u32 s15;
	[sflag:s21] =	ssyncset.done $0x0  }
0x78: {  	s15 =	smov.u32 s13;
	s13 =	simm.s32 $0x15440;
	[sflag:s21] =	ssyncadd.s32 $0xFFFFE000  }
0x79: {  	[spmem:s3] =	stream.indirect.scatter.add.f32 [tilespmem:s11], [sflag:$0x5], $0x80, s13, s8, $0xb8;
	[tilespmem:$0x1E800] =	vst v63  }
0x7a: {  	_ =	swait.ge [sflag:s4], $0x2000  }
0x7b: {  	[sflag:s4] =	ssyncset.done $0x0  }
0x7c: {  	s14 =	simm.s32 $0x14140;
	[sflag:s4] =	ssyncadd.s32 $0xFFFFE000  }
0x7d: {  	[tilespmem:s11], [sflag:$0x2] =	stream.indirect.gather [hbm4b:s1+s8], $0x80, s14, s8, $0xb8;
	[tilespmem:$0x1E800] =	vst v63  }
0x7e: {  	_ =	swait.ge [sflag:s22], $0x2000  }
0x7f: {  	[sflag:s22] =	ssyncset.done $0x0  }
0x80: {  	s12 =	simm.s32 $0x15480;
	[sflag:s22] =	ssyncadd.s32 $0xFFFFE000  }
0x81: {  	[spmem:s3] =	stream.indirect.scatter.add.f32 [tilespmem:s18], [sflag:$0x5], $0x80, s12, s8, $0xb8;
	[tilespmem:$0x1E800] =	vst v63  }
0x82: {  	_ =	swait.ge [sflag:s4], $0x2000  }
0x83: {  	[sflag:s4] =	ssyncset.done $0x0  }
0x84: {  	s13 =	simm.s32 $0x14180;
	[sflag:s4] =	ssyncadd.s32 $0xFFFFE000  }
0x85: {  	[tilespmem:s18], [sflag:$0x3] =	stream.indirect.gather [hbm4b:s1+s8], $0x80, s13, s8, $0xb8;
	[tilespmem:$0x1E800] =	vst v63  }
0x86: {  	p4 =	sne.s32 s25, $0x1;
	_ =	swait.ge [sflag:s6], $0x2000  }
.Ltmp2:
0x87: {  	[sflag:s6] =	ssyncset.done $0x0;
	(pc) =	sbr.rel @!p4 .LBB2_5-.Ltmp2, $4  }
0x88: {  	s14 =	simm.s32 $0x154C0;
	[sflag:s6] =	ssyncadd.s32 $0xFFFFE000  }
0x89: {  	[spmem:s3] =	stream.indirect.scatter.add.f32 [tilespmem:s19], [sflag:$0x5], $0x80, s14, s8, $0xb8;
	[tilespmem:$0x1E800] =	vst v63  }
0x8a: {  	p3 =	por $0x1, $0x1;
	s2 =	simm.s32 $0x100;
	_ =	swait.ge [sflag:s4], $0x2000  }
0x8b: {  	s12 =	sadd.s32 $0xFFFFFFFF, s25;
	s13 =	simm.s32 $0x400;
	[sflag:s4] =	ssyncset.done $0x0  }
.LBB2_6:
0x8c: {  	p4 =	sne.s32 s12, $0x1;
	s14 =	sadd.s32 $0x140C0, s2;
	[sflag:s4] =	ssyncadd.s32 $0xFFFFE000  }
0x8d: {  	[tilespmem:s19], [sflag:$0x4] =	stream.indirect.gather [hbm4b:s1+s8], $0x80, s14, s8, $0xb8;
	[tilespmem:$0x1E800] =	vst v63  }
0x8e: {  	s12 =	sadd.s32 $0xFFFFFFFF, s12;
	_ =	swait.ge [sflag:s20], $0x2000  }
0x8f: {  	[sflag:s20] =	ssyncset.done $0x0  }
0x90: {  	s14 =	sadd.s32 $0x15400, s2;
	[sflag:s20] =	ssyncadd.s32 $0xFFFFE000  }
0x91: {  	[spmem:s3] =	stream.indirect.scatter.add.f32 [tilespmem:s0], [sflag:$0x5], $0x80, s14, s8, $0xb8;
	[tilespmem:$0x1E800] =	vst v63  }
0x92: {  	_ =	swait.ge [sflag:s4], $0x2000  }
0x93: {  	[sflag:s4] =	ssyncset.done $0x0  }
0x94: {  	s14 =	sadd.s32 $0x14100, s2;
	[sflag:s4] =	ssyncadd.s32 $0xFFFFE000  }
0x95: {  	[tilespmem:s0], [sflag:$0x1] =	stream.indirect.gather [hbm4b:s1+s8], $0x80, s14, s8, $0xb8;
	[tilespmem:$0x1E800] =	vst v63  }
0x96: {  	_ =	swait.ge [sflag:s21], $0x2000  }
0x97: {  	[sflag:s21] =	ssyncset.done $0x0  }
0x98: {  	s14 =	sadd.s32 $0x15440, s2;
	[sflag:s21] =	ssyncadd.s32 $0xFFFFE000  }
0x99: {  	[spmem:s3] =	stream.indirect.scatter.add.f32 [tilespmem:s11], [sflag:$0x5], $0x80, s14, s8, $0xb8;
	[tilespmem:$0x1E800] =	vst v63  }
0x9a: {  	_ =	swait.ge [sflag:s4], $0x2000  }
0x9b: {  	[sflag:s4] =	ssyncset.done $0x0  }
0x9c: {  	s14 =	sadd.s32 $0x14140, s2;
	[sflag:s4] =	ssyncadd.s32 $0xFFFFE000  }
0x9d: {  	[tilespmem:s11], [sflag:$0x2] =	stream.indirect.gather [hbm4b:s1+s8], $0x80, s14, s8, $0xb8;
	[tilespmem:$0x1E800] =	vst v63  }
0x9e: {  	_ =	swait.ge [sflag:s22], $0x2000  }
0x9f: {  	[sflag:s22] =	ssyncset.done $0x0  }
0xa0: {  	s14 =	sadd.s32 $0x15480, s2;
	[sflag:s22] =	ssyncadd.s32 $0xFFFFE000  }
0xa1: {  	[spmem:s3] =	stream.indirect.scatter.add.f32 [tilespmem:s18], [sflag:$0x5], $0x80, s14, s8, $0xb8;
	[tilespmem:$0x1E800] =	vst v63  }
0xa2: {  	_ =	swait.ge [sflag:s4], $0x2000  }
0xa3: {  	[sflag:s4] =	ssyncset.done $0x0  }
0xa4: {  	s14 =	sadd.s32 $0x14180, s2;
	[sflag:s4] =	ssyncadd.s32 $0xFFFFE000  }
0xa5: {  	[tilespmem:s18], [sflag:$0x3] =	stream.indirect.gather [hbm4b:s1+s8], $0x80, s14, s8, $0xb8;
	[tilespmem:$0x1E800] =	vst v63  }
0xa6: {  	_ =	swait.ge [sflag:s6], $0x2000  }
.Ltmp3:
0xa7: {  	[sflag:s6] =	ssyncset.done $0x0;
	(pc) =	sbr.rel @p4 .LBB2_6-.Ltmp3, $4  }
0xa8: {  	s2 =	sadd.s32 $0x154C0, s2;
	[sflag:s6] =	ssyncadd.s32 $0xFFFFE000  }
0xa9: {  	[spmem:s3] =	stream.indirect.scatter.add.f32 [tilespmem:s19], [sflag:$0x5], $0x80, s2, s8, $0xb8;
	[tilespmem:$0x1E800] =	vst v63  }
0xaa: {  	s13 =	sadd.s32 $0x400, s13;
	_ =	swait.ge [sflag:s4], $0x2000  }
0xab: {  	s2 =	sshra.s32 s13, $0x2;
	[sflag:s4] =	ssyncset.done $0x0  }
0xac: {  	s13 =	smov.u32 s15  }
0xad: {  	s14 =	smov.u32 s16;
	s15 =	smov.u32 s7;
	s7 =	smov.u32 s29  }
0xae: {  	s16 =	smov.u32 s30;
	s29 =	simm.s32 $0x14000;
	s30 =	simm.s32 $0x14040  }
.LBB2_8:
0xaf: {  	s12 =	sadd.s32 $0x140C0, s2;
	[sflag:s4] =	ssyncadd.s32 @p3 $0xFFFFE000  }
0xb0: {  	[tilespmem:s19], [sflag:$0x4] =	stream.indirect.gather [hbm4b:s1+s8], $0x80, s12, s8, $0xb8;
	[tilespmem:$0x1E800] =	vst v63  }
0xb1: {  	_ =	swait.ge [sflag:s20], $0x2000  }
0xb2: {  	[sflag:s20] =	ssyncset.done $0x0  }
0xb3: {  	s12 =	sadd.s32 $0x15400, s2;
	[sflag:s20] =	ssyncadd.s32 $0xFFFFE000  }
0xb4: {  	[spmem:s3] =	stream.indirect.scatter.add.f32 [tilespmem:s0], [sflag:$0x5], $0x80, s12, s8, $0xb8;
	[tilespmem:$0x1E800] =	vst v63  }
0xb5: {  	_ =	swait.ge [sflag:s4], $0x2000  }
0xb6: {  	[sflag:s4] =	ssyncset.done $0x0  }
0xb7: {  	s12 =	sadd.s32 $0x14100, s2;
	[sflag:s4] =	ssyncadd.s32 $0xFFFFE000  }
0xb8: {  	[tilespmem:s0], [sflag:$0x1] =	stream.indirect.gather [hbm4b:s1+s8], $0x80, s12, s8, $0xb8;
	[tilespmem:$0x1E800] =	vst v63  }
0xb9: {  	_ =	swait.ge [sflag:s21], $0x2000  }
0xba: {  	[sflag:s21] =	ssyncset.done $0x0  }
0xbb: {  	s12 =	sadd.s32 $0x15440, s2;
	[sflag:s21] =	ssyncadd.s32 $0xFFFFE000  }
0xbc: {  	[spmem:s3] =	stream.indirect.scatter.add.f32 [tilespmem:s11], [sflag:$0x5], $0x80, s12, s8, $0xb8;
	[tilespmem:$0x1E800] =	vst v63  }
0xbd: {  	_ =	swait.ge [sflag:s4], $0x2000  }
0xbe: {  	[sflag:s4] =	ssyncset.done $0x0  }
0xbf: {  	s12 =	sadd.s32 $0x14140, s2;
	[sflag:s4] =	ssyncadd.s32 $0xFFFFE000  }
0xc0: {  	[tilespmem:s11], [sflag:$0x2] =	stream.indirect.gather [hbm4b:s1+s8], $0x80, s12, s8, $0xb8;
	[tilespmem:$0x1E800] =	vst v63  }
0xc1: {  	_ =	swait.ge [sflag:s22], $0x2000  }
0xc2: {  	[sflag:s22] =	ssyncset.done $0x0  }
0xc3: {  	s12 =	sadd.s32 $0x15480, s2;
	[sflag:s22] =	ssyncadd.s32 $0xFFFFE000  }
0xc4: {  	[spmem:s3] =	stream.indirect.scatter.add.f32 [tilespmem:s18], [sflag:$0x5], $0x80, s12, s8, $0xb8;
	[tilespmem:$0x1E800] =	vst v63  }
0xc5: {  	_ =	swait.ge [sflag:s4], $0x2000  }
0xc6: {  	[sflag:s4] =	ssyncset.done $0x0  }
0xc7: {  	s12 =	sadd.s32 $0x14180, s2;
	[sflag:s4] =	ssyncadd.s32 $0xFFFFE000  }
0xc8: {  	[tilespmem:s18], [sflag:$0x3] =	stream.indirect.gather [hbm4b:s1+s8], $0x80, s12, s8, $0xb8;
	[tilespmem:$0x1E800] =	vst v63  }
0xc9: {  	_ =	swait.ge [sflag:s6], $0x2000  }
0xca: {  	[sflag:s6] =	ssyncset.done $0x0  }
0xcb: {  	s12 =	sadd.s32 $0x154C0, s2;
	[sflag:s6] =	ssyncadd.s32 $0xFFFFE000  }
0xcc: {  	[spmem:s3] =	stream.indirect.scatter.add.f32 [tilespmem:s19], [sflag:$0x5], $0x80, s12, s8, $0xb8;
	[tilespmem:$0x1E800] =	vst v63  }
0xcd: {  	_ =	swait.ge [sflag:s4], $0x2000  }
0xce: {  	[sflag:s4] =	ssyncset.done $0x0  }
0xcf: {  	[sflag:s4] =	ssyncadd.s32 $0xFFFFE000  }
0xd0: {  	[tilespmem:s19], [sflag:$0x4] =	stream.indirect.gather [hbm4b:s1+s8], $0x80, s13, s8, $0xb8;
	[tilespmem:$0x1E800] =	vst v63  }
0xd1: {  	_ =	swait.ge [sflag:s20], $0x2000  }
0xd2: {  	[sflag:s20] =	ssyncset.done $0x0  }
0xd3: {  	[sflag:s20] =	ssyncadd.s32 $0xFFFFE000  }
0xd4: {  	[spmem:s3] =	stream.indirect.scatter.add.f32 [tilespmem:s0], [sflag:$0x5], $0x80, s14, s8, $0xb8;
	[tilespmem:$0x1E800] =	vst v63  }
0xd5: {  	_ =	swait.ge [sflag:s4], $0x2000  }
0xd6: {  	[sflag:s4] =	ssyncset.done $0x0  }
0xd7: {  	[sflag:s4] =	ssyncadd.s32 $0xFFFFE000  }
0xd8: {  	_ =	swait.ge [sflag:s21], $0x2000  }
0xd9: {  	[sflag:s21] =	ssyncset.done $0x0  }
0xda: {  	[sflag:s21] =	ssyncadd.s32 $0xFFFFE000  }
0xdb: {  	[spmem:s3] =	stream.indirect.scatter.add.f32 [tilespmem:s11], [sflag:$0x5], $0x80, s15, s8, $0xb8;
	[tilespmem:$0x1E800] =	vst v63  }
0xdc: {  	_ =	swait.ge [sflag:s4], $0x2000  }
0xdd: {  	[sflag:s4] =	ssyncset.done $0x0  }
0xde: {  	[sflag:s4] =	ssyncadd.s32 $0xFFFFE000  }
0xdf: {  	_ =	swait.ge [sflag:s22], $0x2000  }
0xe0: {  	[sflag:s22] =	ssyncset.done $0x0  }
0xe1: {  	[sflag:s22] =	ssyncadd.s32 $0xFFFFE000  }
0xe2: {  	[spmem:s3] =	stream.indirect.scatter.add.f32 [tilespmem:s18], [sflag:$0x5], $0x80, s7, s8, $0xb8;
	[tilespmem:$0x1E800] =	vst v63  }
0xe3: {  	_ =	swait.ge [sflag:s4], $0x2000  }
0xe4: {  	[sflag:s4] =	ssyncset.done $0x0  }
0xe5: {  	[sflag:s4] =	ssyncadd.s32 $0xFFFFE000  }
0xe6: {  	_ =	swait.ge [sflag:s6], $0x2000  }
0xe7: {  	[sflag:s6] =	ssyncset.done $0x0  }
0xe8: {  	[sflag:s6] =	ssyncadd.s32 $0xFFFFE000  }
0xe9: {  	[spmem:s3] =	stream.indirect.scatter.add.f32 [tilespmem:s19], [sflag:$0x5], $0x80, s16, s8, $0xb8;
	[tilespmem:$0x1E800] =	vst v63  }
0xea: {  	_ =	swait.ge [sflag:s4], $0x2000  }
0xeb: {  	[sflag:s4] =	ssyncset.done $0x0  }
0xec: {  	s12 =	simm.s32 @p0 $0x14000;
	s2 =	rddreg [dreg:$0xb];
	[sflag:s4] =	ssyncadd.s32 $0xFFFFE000  }
0xed: {  	[tilespmem:s12], [sflag:$0x5] =	stream.linear.gather @p0 [hbm4b:s2+s26], $0x500, $0x38;
	[tilespmem:$0x1E800] =	vst v63  }
0xee: {  	_ =	swait.ge @p0 [sflag:s9], $0x500  }
0xef: {  	[sflag:s9] =	ssyncset.done @p0 $0x0  }
0xf0: {  	s12 =	simm.s32 @p0 $0x15400;
	s2 =	rddreg [dreg:$0xc];
	[sflag:s9] =	ssyncadd.s32 @p0 $0xFFFFFB00  }
0xf1: {  	[tilespmem:s12], [sflag:$0x5] =	stream.linear.gather @p0 [hbm4b:s2+s26], $0x500, $0x38;
	[tilespmem:$0x1E800] =	vst v63  }
0xf2: {  	_ =	swait.ge @p0 [sflag:s9], $0x500  }
0xf3: {  	[sflag:s9] =	ssyncset.done @p0 $0x0  }
0xf4: {  	s2 =	rddreg [dreg:$0x9];
	[sflag:s9] =	ssyncadd.s32 @p0 $0xFFFFFB00  }
0xf5: {  	[tilespmem:s17], [sflag:$0x5] =	stream.linear.gather @!p0 [hbm4b:s2+s28], $0x1400, $0x38;
	[tilespmem:$0x1E800] =	vst v63  }
0xf6: {  	_ =	swait.ge @!p0 [sflag:s10], $0x1400  }
0xf7: {  	[sflag:s10] =	ssyncset.done @!p0 $0x0  }
0xf8: {  	s2 =	rddreg [dreg:$0xa];
	[sflag:s10] =	ssyncadd.s32 @!p0 $0xFFFFEC00  }
0xf9: {  	[tilespmem:s31], [sflag:$0x5] =	stream.linear.gather @!p0 [hbm4b:s2+s28], $0x1400, $0x38;
	[tilespmem:$0x1E800] =	vst v63  }
0xfa: {  	_ =	swait.ge @!p0 [sflag:s10], $0x1400  }
0xfb: {  	[sflag:s10] =	ssyncset.done @!p0 $0x0  }
0xfc: {  	[sflag:s10] =	ssyncadd.s32 @!p0 $0xFFFFEC00  }
0xfd: {  	[tilespmem:s0], [sflag:$0x1] =	stream.indirect.gather [hbm4b:s1+s8], $0x80, s29, s8, $0xb8;
	[tilespmem:$0x1E800] =	vst v63  }
.Ltmp4:
0xfe: {  	_ = 	snop;
	(pc) =	sbr.rel @!p2 .LBB2_11-.Ltmp4, $4  }
0xff: {  	_ = 	snop  }
0x100: {  	[tilespmem:s11], [sflag:$0x2] =	stream.indirect.gather [hbm4b:s1+s8], $0x80, s30, s8, $0xb8;
	[tilespmem:$0x1E800] =	vst v63  }
0x101: {  	s31 =	simm.s32 $0x14080  }
0x102: {  	[tilespmem:s18], [sflag:$0x3] =	stream.indirect.gather [hbm4b:s1+s8], $0x80, s31, s8, $0xb8;
	[tilespmem:$0x1E800] =	vst v63  }
0x103: {  	s2 =	simm.s32 $0x140C0  }
0x104: {  	[tilespmem:s19], [sflag:$0x4] =	stream.indirect.gather [hbm4b:s1+s8], $0x80, s2, s8, $0xb8;
	[tilespmem:$0x1E800] =	vst v63  }
0x105: {  	_ =	swait.ge [sflag:s20], $0x2000  }
0x106: {  	[sflag:s20] =	ssyncset.done $0x0  }
0x107: {  	s10 =	simm.s32 $0x15400;
	[sflag:s20] =	ssyncadd.s32 $0xFFFFE000  }
0x108: {  	[spmem:s3] =	stream.indirect.scatter.add.f32 [tilespmem:s0], [sflag:$0x5], $0x80, s10, s8, $0xb8;
	[tilespmem:$0x1E800] =	vst v63  }
0x109: {  	_ =	swait.ge [sflag:s4], $0x2000  }
0x10a: {  	[sflag:s4] =	ssyncset.done $0x0  }
0x10b: {  	s12 =	simm.s32 $0x14100;
	[sflag:s4] =	ssyncadd.s32 $0xFFFFE000  }
0x10c: {  	[tilespmem:s0], [sflag:$0x1] =	stream.indirect.gather [hbm4b:s1+s8], $0x80, s12, s8, $0xb8;
	[tilespmem:$0x1E800] =	vst v63  }
0x10d: {  	_ =	swait.ge [sflag:s21], $0x2000  }
0x10e: {  	[sflag:s21] =	ssyncset.done $0x0  }
0x10f: {  	s17 =	simm.s32 $0x15440;
	[sflag:s21] =	ssyncadd.s32 $0xFFFFE000  }
0x110: {  	[spmem:s3] =	stream.indirect.scatter.add.f32 [tilespmem:s11], [sflag:$0x5], $0x80, s17, s8, $0xb8;
	[tilespmem:$0x1E800] =	vst v63  }
0x111: {  	_ =	swait.ge [sflag:s4], $0x2000  }
0x112: {  	[sflag:s4] =	ssyncset.done $0x0  }
0x113: {  	s24 =	simm.s32 $0x14140;
	[sflag:s4] =	ssyncadd.s32 $0xFFFFE000  }
0x114: {  	[tilespmem:s11], [sflag:$0x2] =	stream.indirect.gather [hbm4b:s1+s8], $0x80, s24, s8, $0xb8;
	[tilespmem:$0x1E800] =	vst v63  }
0x115: {  	_ =	swait.ge [sflag:s22], $0x2000  }
0x116: {  	[sflag:s22] =	ssyncset.done $0x0  }
0x117: {  	s26 =	simm.s32 $0x15480;
	[sflag:s22] =	ssyncadd.s32 $0xFFFFE000  }
0x118: {  	[spmem:s3] =	stream.indirect.scatter.add.f32 [tilespmem:s18], [sflag:$0x5], $0x80, s26, s8, $0xb8;
	[tilespmem:$0x1E800] =	vst v63  }
0x119: {  	_ =	swait.ge [sflag:s4], $0x2000  }
0x11a: {  	[sflag:s4] =	ssyncset.done $0x0  }
0x11b: {  	s28 =	simm.s32 $0x14180;
	[sflag:s4] =	ssyncadd.s32 $0xFFFFE000  }
0x11c: {  	[tilespmem:s18], [sflag:$0x3] =	stream.indirect.gather [hbm4b:s1+s8], $0x80, s28, s8, $0xb8;
	[tilespmem:$0x1E800] =	vst v63  }
0x11d: {  	p2 =	sne.s32 s25, $0x1;
	_ =	swait.ge [sflag:s6], $0x2000  }
.Ltmp5:
0x11e: {  	[sflag:s6] =	ssyncset.done $0x0;
	(pc) =	sbr.rel @!p2 .LBB2_11-.Ltmp5, $4  }
0x11f: {  	s31 =	simm.s32 $0x154C0;
	[sflag:s6] =	ssyncadd.s32 $0xFFFFE000  }
0x120: {  	[spmem:s3] =	stream.indirect.scatter.add.f32 [tilespmem:s19], [sflag:$0x5], $0x80, s31, s8, $0xb8;
	[tilespmem:$0x1E800] =	vst v63  }
0x121: {  	s9 =	simm.s32 $0x400;
	p1 =	por $0x1, $0x1;
	_ =	swait.ge [sflag:s4], $0x2000  }
0x122: {  	s2 =	sadd.s32 $0xFFFFFFFF, s25;
	s24 =	simm.s32 $0x100;
	[sflag:s4] =	ssyncset.done $0x0  }
.LBB2_10:
0x123: {  	p2 =	sne.s32 s2, $0x1;
	s10 =	sadd.s32 $0x140C0, s24;
	[sflag:s4] =	ssyncadd.s32 $0xFFFFE000  }
0x124: {  	[tilespmem:s19], [sflag:$0x4] =	stream.indirect.gather [hbm4b:s1+s8], $0x80, s10, s8, $0xb8;
	[tilespmem:$0x1E800] =	vst v63  }
0x125: {  	s2 =	sadd.s32 $0xFFFFFFFF, s2;
	_ =	swait.ge [sflag:s20], $0x2000  }
0x126: {  	[sflag:s20] =	ssyncset.done $0x0  }
0x127: {  	s10 =	sadd.s32 $0x15400, s24;
	[sflag:s20] =	ssyncadd.s32 $0xFFFFE000  }
0x128: {  	[spmem:s3] =	stream.indirect.scatter.add.f32 [tilespmem:s0], [sflag:$0x5], $0x80, s10, s8, $0xb8;
	[tilespmem:$0x1E800] =	vst v63  }
0x129: {  	_ =	swait.ge [sflag:s4], $0x2000  }
0x12a: {  	[sflag:s4] =	ssyncset.done $0x0  }
0x12b: {  	s10 =	sadd.s32 $0x14100, s24;
	[sflag:s4] =	ssyncadd.s32 $0xFFFFE000  }
0x12c: {  	[tilespmem:s0], [sflag:$0x1] =	stream.indirect.gather [hbm4b:s1+s8], $0x80, s10, s8, $0xb8;
	[tilespmem:$0x1E800] =	vst v63  }
0x12d: {  	_ =	swait.ge [sflag:s21], $0x2000  }
0x12e: {  	[sflag:s21] =	ssyncset.done $0x0  }
0x12f: {  	s10 =	sadd.s32 $0x15440, s24;
	[sflag:s21] =	ssyncadd.s32 $0xFFFFE000  }
0x130: {  	[spmem:s3] =	stream.indirect.scatter.add.f32 [tilespmem:s11], [sflag:$0x5], $0x80, s10, s8, $0xb8;
	[tilespmem:$0x1E800] =	vst v63  }
0x131: {  	_ =	swait.ge [sflag:s4], $0x2000  }
0x132: {  	[sflag:s4] =	ssyncset.done $0x0  }
0x133: {  	s10 =	sadd.s32 $0x14140, s24;
	[sflag:s4] =	ssyncadd.s32 $0xFFFFE000  }
0x134: {  	[tilespmem:s11], [sflag:$0x2] =	stream.indirect.gather [hbm4b:s1+s8], $0x80, s10, s8, $0xb8;
	[tilespmem:$0x1E800] =	vst v63  }
0x135: {  	_ =	swait.ge [sflag:s22], $0x2000  }
0x136: {  	[sflag:s22] =	ssyncset.done $0x0  }
0x137: {  	s10 =	sadd.s32 $0x15480, s24;
	[sflag:s22] =	ssyncadd.s32 $0xFFFFE000  }
0x138: {  	[spmem:s3] =	stream.indirect.scatter.add.f32 [tilespmem:s18], [sflag:$0x5], $0x80, s10, s8, $0xb8;
	[tilespmem:$0x1E800] =	vst v63  }
0x139: {  	_ =	swait.ge [sflag:s4], $0x2000  }
0x13a: {  	[sflag:s4] =	ssyncset.done $0x0  }
0x13b: {  	s10 =	sadd.s32 $0x14180, s24;
	[sflag:s4] =	ssyncadd.s32 $0xFFFFE000  }
0x13c: {  	[tilespmem:s18], [sflag:$0x3] =	stream.indirect.gather [hbm4b:s1+s8], $0x80, s10, s8, $0xb8;
	[tilespmem:$0x1E800] =	vst v63  }
0x13d: {  	_ =	swait.ge [sflag:s6], $0x2000  }
.Ltmp6:
0x13e: {  	[sflag:s6] =	ssyncset.done $0x0;
	(pc) =	sbr.rel @p2 .LBB2_10-.Ltmp6, $4  }
0x13f: {  	s10 =	sadd.s32 $0x154C0, s24;
	[sflag:s6] =	ssyncadd.s32 $0xFFFFE000  }
0x140: {  	[spmem:s3] =	stream.indirect.scatter.add.f32 [tilespmem:s19], [sflag:$0x5], $0x80, s10, s8, $0xb8;
	[tilespmem:$0x1E800] =	vst v63  }
0x141: {  	s9 =	sadd.s32 $0x400, s9;
	_ =	swait.ge [sflag:s4], $0x2000  }
0x142: {  	s24 =	sshra.s32 s9, $0x2;
	[sflag:s4] =	ssyncset.done $0x0  }
.LBB2_11:
0x143: {  	s2 =	sadd.s32 $0x140C0, s24;
	[sflag:s4] =	ssyncadd.s32 @p1 $0xFFFFE000  }
0x144: {  	[tilespmem:s19], [sflag:$0x4] =	stream.indirect.gather [hbm4b:s1+s8], $0x80, s2, s8, $0xb8;
	[tilespmem:$0x1E800] =	vst v63  }
0x145: {  	_ =	swait.ge [sflag:s20], $0x2000  }
0x146: {  	[sflag:s20] =	ssyncset.done $0x0  }
0x147: {  	s31 =	sadd.s32 $0x15400, s24;
	[sflag:s20] =	ssyncadd.s32 $0xFFFFE000  }
0x148: {  	[spmem:s3] =	stream.indirect.scatter.add.f32 [tilespmem:s0], [sflag:$0x5], $0x80, s31, s8, $0xb8;
	[tilespmem:$0x1E800] =	vst v63  }
0x149: {  	_ =	swait.ge [sflag:s4], $0x2000  }
0x14a: {  	[sflag:s4] =	ssyncset.done $0x0  }
0x14b: {  	s9 =	sadd.s32 $0x14100, s24;
	[sflag:s4] =	ssyncadd.s32 $0xFFFFE000  }
0x14c: {  	[tilespmem:s0], [sflag:$0x1] =	stream.indirect.gather [hbm4b:s1+s8], $0x80, s9, s8, $0xb8;
	[tilespmem:$0x1E800] =	vst v63  }
0x14d: {  	_ =	swait.ge [sflag:s21], $0x2000  }
0x14e: {  	[sflag:s21] =	ssyncset.done $0x0  }
0x14f: {  	s10 =	sadd.s32 $0x15440, s24;
	[sflag:s21] =	ssyncadd.s32 $0xFFFFE000  }
0x150: {  	[spmem:s3] =	stream.indirect.scatter.add.f32 [tilespmem:s11], [sflag:$0x5], $0x80, s10, s8, $0xb8;
	[tilespmem:$0x1E800] =	vst v63  }
0x151: {  	_ =	swait.ge [sflag:s4], $0x2000  }
0x152: {  	[sflag:s4] =	ssyncset.done $0x0  }
0x153: {  	s12 =	sadd.s32 $0x14140, s24;
	[sflag:s4] =	ssyncadd.s32 $0xFFFFE000  }
0x154: {  	[tilespmem:s11], [sflag:$0x2] =	stream.indirect.gather [hbm4b:s1+s8], $0x80, s12, s8, $0xb8;
	[tilespmem:$0x1E800] =	vst v63  }
0x155: {  	_ =	swait.ge [sflag:s22], $0x2000  }
0x156: {  	[sflag:s22] =	ssyncset.done $0x0  }
0x157: {  	s17 =	sadd.s32 $0x15480, s24;
	[sflag:s22] =	ssyncadd.s32 $0xFFFFE000  }
0x158: {  	[spmem:s3] =	stream.indirect.scatter.add.f32 [tilespmem:s18], [sflag:$0x5], $0x80, s17, s8, $0xb8;
	[tilespmem:$0x1E800] =	vst v63  }
0x159: {  	_ =	swait.ge [sflag:s4], $0x2000  }
0x15a: {  	[sflag:s4] =	ssyncset.done $0x0  }
0x15b: {  	s25 =	sadd.s32 $0x14180, s24;
	[sflag:s4] =	ssyncadd.s32 $0xFFFFE000  }
0x15c: {  	[tilespmem:s18], [sflag:$0x3] =	stream.indirect.gather [hbm4b:s1+s8], $0x80, s25, s8, $0xb8;
	[tilespmem:$0x1E800] =	vst v63  }
0x15d: {  	_ =	swait.ge [sflag:s6], $0x2000  }
0x15e: {  	[sflag:s6] =	ssyncset.done $0x0  }
0x15f: {  	s26 =	sadd.s32 $0x154C0, s24;
	[sflag:s6] =	ssyncadd.s32 $0xFFFFE000  }
0x160: {  	[spmem:s3] =	stream.indirect.scatter.add.f32 [tilespmem:s19], [sflag:$0x5], $0x80, s26, s8, $0xb8;
	[tilespmem:$0x1E800] =	vst v63  }
0x161: {  	_ =	swait.ge [sflag:s4], $0x2000  }
0x162: {  	[sflag:s4] =	ssyncset.done $0x0  }
0x163: {  	[sflag:s4] =	ssyncadd.s32 $0xFFFFE000  }
0x164: {  	[tilespmem:s19], [sflag:$0x4] =	stream.indirect.gather [hbm4b:s1+s8], $0x80, s13, s8, $0xb8;
	[tilespmem:$0x1E800] =	vst v63  }
0x165: {  	_ =	swait.ge [sflag:s20], $0x2000  }
0x166: {  	[sflag:s20] =	ssyncset.done $0x0  }
0x167: {  	[sflag:s20] =	ssyncadd.s32 $0xFFFFE000  }
0x168: {  	[spmem:s3] =	stream.indirect.scatter.add.f32 [tilespmem:s0], [sflag:$0x5], $0x80, s14, s8, $0xb8;
	[tilespmem:$0x1E800] =	vst v63  }
0x169: {  	_ =	swait.ge [sflag:s4], $0x2000  }
0x16a: {  	[sflag:s4] =	ssyncset.done $0x0  }
0x16b: {  	[sflag:s4] =	ssyncadd.s32 $0xFFFFE000  }
0x16c: {  	_ =	swait.ge [sflag:s21], $0x2000  }
0x16d: {  	[sflag:s21] =	ssyncset.done $0x0  }
0x16e: {  	[sflag:s21] =	ssyncadd.s32 $0xFFFFE000  }
0x16f: {  	[spmem:s3] =	stream.indirect.scatter.add.f32 [tilespmem:s11], [sflag:$0x5], $0x80, s15, s8, $0xb8;
	[tilespmem:$0x1E800] =	vst v63  }
0x170: {  	_ =	swait.ge [sflag:s4], $0x2000  }
0x171: {  	[sflag:s4] =	ssyncset.done $0x0  }
0x172: {  	[sflag:s4] =	ssyncadd.s32 $0xFFFFE000  }
0x173: {  	_ =	swait.ge [sflag:s22], $0x2000  }
0x174: {  	[sflag:s22] =	ssyncset.done $0x0  }
0x175: {  	[sflag:s22] =	ssyncadd.s32 $0xFFFFE000  }
0x176: {  	[spmem:s3] =	stream.indirect.scatter.add.f32 [tilespmem:s18], [sflag:$0x5], $0x80, s7, s8, $0xb8;
	[tilespmem:$0x1E800] =	vst v63  }
0x177: {  	_ =	swait.ge [sflag:s4], $0x2000  }
0x178: {  	[sflag:s4] =	ssyncset.done $0x0  }
0x179: {  	[sflag:s4] =	ssyncadd.s32 $0xFFFFE000  }
0x17a: {  	_ =	swait.ge [sflag:s6], $0x2000  }
0x17b: {  	[sflag:s6] =	ssyncset.done $0x0  }
0x17c: {  	[sflag:s6] =	ssyncadd.s32 $0xFFFFE000  }
0x17d: {  	[spmem:s3] =	stream.indirect.scatter.add.f32 [tilespmem:s19], [sflag:$0x5], $0x80, s16, s8, $0xb8;
	[tilespmem:$0x1E800] =	vst v63  }
0x17e: {  	_ =	swait.ge [sflag:s4], $0x2000  }
0x17f: {  	[sflag:s4] =	ssyncset.done $0x0  }
0x180: {  	s28 =	stileid.u32;
	[sflag:s4] =	ssyncadd.s32 $0xFFFFE000  }
0x181: {  	s2 =	sshll.u32 s28, $0x6;
	[bflag:$0x0] =	sbarrier.arrive $0xFFFF  }
0x182: {  	s2 =	sor.u32 $0x1C05, s2;
	s9 =	sshrl.u32 s5, $0x3;
	s10 =	rddreg [dreg:$0xd]  }
0x183: {  	[hbm:s10], [sflag:s2] =	dma.local [spmem:s9], $0x2800  }
0x184: {  	_ =	swait.ge [sflag:s4], $0x2800  }
0x185: {  	s23 =	sadd.s32 $0x1, s23;
	s31 =	rddreg [dreg:$0xe]  }
0x186: {  	p1 =	sne.s32 s23, s31  }
.Ltmp7:
0x187: {  	_ = 	snop;
	(pc) =	sbr.rel @p1 .LBB2_1-.Ltmp7, $4  }
.Ltmp8:
0x188: {  	_ = 	snop;
	(pc) =	sbr.rel @!p1 .LBB2_12-.Ltmp8, $4  }
0x189: {  	_ = 	snop  }
0x18a: {  	[sflag:s4] =	ssyncset.done $0x0  }
0x18b: {  	[sflag:s4] =	ssyncadd.s32 $0xFFFFD800  }
0x18c: {  	_ = 	snop  }
.LBB2_5:
.Ltmp9:
0x18d: {  	(pc) =	sbr.rel .LBB2_8-.Ltmp9, $4  }
0x18e: {  	_ = 	snop  }
0x18f: {  	s13 =	smov.u32 s15  }
0x190: {  	s14 =	smov.u32 s16;
	s15 =	smov.u32 s7;
	s7 =	smov.u32 s29  }
0x191: {  	s16 =	smov.u32 s30;
	s29 =	simm.s32 $0x14000;
	s30 =	simm.s32 $0x14040  }
.LBB2_12:
0x192: {  	_ =	sfence.sel $0x180000  }
0x193: {  	[bflag:$0x0] =	sbarrier.arrive $0xFFFF  }
0x194: {  	_ =	strace $0x9000004A  }
0x195: {  	s0 =	stileid.u32;
	[bflag:$0x2] =	sbarrier.arrive $0xFFFF  }
0x196: {  	p0 =	sne.s32 s0, $0x0;
	s0 =	rddreg [dreg:$0x3]  }
0x197: {  	s0 =	sadd.s32 @!p0 $0x100000, s0  }
0x198: {  	[sflag:s0] =	ssyncadd.tile.s32 @!p0 $0x1;
	_ =	shalt  }
.Lfunc_end2:
_tile_overlayer_lowered:
.L_overlay_start_2:
0x199: {  	(tag) =	ssettag $0x2  }
0x19a: {  	s0 =	rddreg [dreg:$0x0];
	s2 =	stileid.u32  }
0x19b: {  	s1 =	rddreg [dreg:$0x1];
	p0 =	sne.s32 s2, $0x0  }
0x19c: {  	s3 =	rddreg [dreg:$0x2];
	[bflag:$0x3] =	sbarrier.arrive $0xFFFF;
	s2 =	simm.s32 @!p0 $0x1C05  }
0x19d: {  	[timem:s3], [sflag:s2] =	dma.local @!p0 [hbm:s0], s1  }
0x19e: {  	s0 =	simm.s32 @!p0 $0x5  }
0x19f: {  	_ =	swait.ge @!p0 [sflag:s0], s1  }
0x1a0: {  	s1 =	ssub.s32 @!p0 $0x0, s1;
	[sflag:s0] =	ssyncset.done @!p0 $0x0  }
0x1a1: {  	[sflag:s0] =	ssyncadd.s32 @!p0 s1  }
0x1a2: {  	[bflag:$0x3] =	sbarrier.arrive $0xFFFF  }
0x1a3: {  	_ =	shalt  }

// kernel: kernel.14.cloned.1.call-start
scs
__scs_entry_jumppad:
0x0: {  	(pc) =	sbr.rel $0x88, $3  }
0x1: {  	(tag) =	ssettag $0x0;
	lr =	simm.s32 $0x1  }
0x2: {  	[smem:$0x3F9B] =	sst lr;
	_ =	strace $0xD0000000  }
0x3: {  	_ = 	snop  }
0x4: {  	_ = 	snop  }
0x5: {  	_ = 	snop  }
0x6: {  	_ = 	snop  }
0x7: {  	_ = 	snop  }
__scs_overlays_trampoline_lowered:
0x8: {  	[smem:$0x3FAA] =	sst s0  }
0x9: {  	[smem:$0x3FAB] =	sst s1  }
0xa: {  	[smem:$0x3FAC] =	sst s2  }
0xb: {  	[smem:$0x3FAD] =	sst s3  }
0xc: {  	[smem:$0x3FAE] =	sst s4  }
0xd: {  	[smem:$0x3FAF] =	sst s5  }
0xe: {  	[smem:$0x3FB0] =	sst s6  }
0xf: {  	[smem:$0x3FB1] =	sst s7  }
0x10: {  	[smem:$0x3FB2] =	sst s8  }
0x11: {  	[smem:$0x3FB3] =	sst s9;
	s0 =	simm.s32 @!p0 $0x0  }
0x12: {  	s1 =	sld [smem:$0x3F99];
	s0 =	simm.s32 @p0 $0x1  }
0x13: {  	[smem:$0x3FB4] =	sst s0;
	s0 =	simm.s32 @!p1 $0x0  }
0x14: {  	s2 =	sld [smem:$0x3F98];
	s0 =	simm.s32 @p1 $0x1  }
0x15: {  	[smem:$0x3FB5] =	sst s0;
	s0 =	simm.s32 @!p2 $0x0  }
0x16: {  	s3 =	sld [smem:$0x3FDB];
	s0 =	simm.s32 @p2 $0x1  }
0x17: {  	s4 =	simm.s32 $0x1BF5;
	[smem:$0x3FB7] =	sst s0  }
0x18: {  	s0 =	sld [smem:$0x3F9A];
	_ =	swait.ge [sflag:s4], $0x0  }
0x19: {  	s7 =	sld [smem:$0x3F9B]  }
0x1a: {  	s8 =	sadd.s32 $0xFFFFE003, lr  }
0x1b: {  	s9 =	sadd.s32 $0xFFFFFEF7, lr;
	s5 =	simm.s32 $0xFFFFFFFF;
	p2 =	slt.u32 s8, $0xFFFFF086  }
0x1c: {  	p1 =	slt.u32 s9, $0xF7A;
	s5 =	simm.s32 @!p2 $0x0  }
0x1d: {  	s5 =	simm.s32 @p1 $0x1;
	p0 =	seq.s32 s7, s2  }
0x1e: {  	s7 =	smul.u32 @!p0 $0xF7A, s2;
	p2 =	seq.s32 @!p0 s5, $0x0  }
0x1f: {  	s9 =	smul.u32 $0xF7A, s1;
	s8 =	simm.s32 @!p0 $0x1BF5;
	p2 =	por !p2, p0  }
0x20: {  	[sflag:s8] =	ssyncset.s32 @!p0 $0xFFFFF086;
	s6 =	sadd.s32 @!p0 s3, s7;
	s7 =	simm.s32 @!p0 $0x108  }
0x21: {  	s3 =	sadd.s32 s3, s9;
	s6 =	sadd.s32 @!p0 $0x88, s6;
	s7 =	simm.s32 @p2 $0x1082  }
0x22: {  	[simem:s7], [sflag:s8] =	dma.local @!p0 [hbm:s6], $0xF7A  }
0x23: {  	s9 =	sor.u32 $0xD0000000, s2;
	s6 =	simm.s32 $0x108;
	_ =	swait.ge @!p0 [sflag:s8], $0x0  }
0x24: {  	s3 =	sadd.s32 $0x88, s3;
	s6 =	simm.s32 @!p1 $0x1082;
	[sflag:s4] =	ssyncset.s32 $0xFFFFF086  }
0x25: {  	[simem:s6], [sflag:s4] =	dma.local [hbm:s3], $0xF7A  }
0x26: {  	[smem:$0x3F9B] =	sst s1;
	(tag) =	ssettag s2;
	_ =	strace s9  }
0x27: {  	s1 =	sld [smem:$0x3FAB]  }
0x28: {  	s2 =	sld [smem:$0x3FAC]  }
0x29: {  	s4 =	sld [smem:$0x3FAE]  }
0x2a: {  	p0 =	seq.s32 s5, $0x0;
	s5 =	sld [smem:$0x3FAF]  }
0x2b: {  	s6 =	sld [smem:$0x3FB0]  }
0x2c: {  	s7 =	sld [smem:$0x3FB1]  }
0x2d: {  	s3 =	simm.s32 $0x108;
	s8 =	sld [smem:$0x3FB2]  }
0x2e: {  	s3 =	simm.s32 @!p0 $0x1082;
	s9 =	sld [smem:$0x3FB3]  }
0x2f: {  	lr =	sadd.s32 s0, s3;
	s0 =	sld [smem:$0x3FAA]  }
0x30: {  	s3 =	sld [smem:$0x3FAD]  }
0x31: {  	[smem:$0x3FB6] =	sst s10  }
0x32: {  	s10 =	sld [smem:$0x3FB4];
	_ =	sdelay $0x3  }
0x33: {  	p0 =	seq.s32 s10, $0x1;
	s10 =	sld [smem:$0x3FB6];
	_ =	sdelay $0x3  }
0x34: {  	[smem:$0x3FB6] =	sst s10  }
0x35: {  	s10 =	sld [smem:$0x3FB5];
	_ =	sdelay $0x3  }
0x36: {  	p1 =	seq.s32 s10, $0x1;
	s10 =	sld [smem:$0x3FB6];
	_ =	sdelay $0x3  }
0x37: {  	[smem:$0x3FB6] =	sst s10  }
0x38: {  	s10 =	sld [smem:$0x3FB7]  }
0x39: {  	_ = 	snop;
	(pc) =	sbr.ind lr, $3  }
0x3a: {  	_ = 	snop  }
0x3b: {  	_ = 	snop  }
0x3c: {  	p2 =	seq.s32 s10, $0x1;
	s10 =	sld [smem:$0x3FB6]  }
0x3d: {  	_ =	shalt  }
0x3e: {  	_ =	shalt  }
0x3f: {  	_ =	shalt  }
0x40: {  	_ =	shalt  }
0x41: {  	_ =	shalt  }
0x42: {  	_ =	shalt  }
0x43: {  	_ =	shalt  }
0x44: {  	_ =	shalt  }
0x45: {  	_ =	shalt  }
0x46: {  	_ =	shalt  }
0x47: {  	_ =	shalt  }
0x48: {  	_ =	shalt  }
0x49: {  	_ =	shalt  }
0x4a: {  	_ =	shalt  }
0x4b: {  	_ =	shalt  }
0x4c: {  	_ =	shalt  }
0x4d: {  	_ =	shalt  }
0x4e: {  	_ =	shalt  }
0x4f: {  	_ =	shalt  }
0x50: {  	_ =	shalt  }
0x51: {  	_ =	shalt  }
0x52: {  	_ =	shalt  }
0x53: {  	_ =	shalt  }
0x54: {  	_ =	shalt  }
0x55: {  	_ =	shalt  }
0x56: {  	_ =	shalt  }
0x57: {  	_ =	shalt  }
0x58: {  	_ =	shalt  }
0x59: {  	_ =	shalt  }
0x5a: {  	_ =	shalt  }
0x5b: {  	_ =	shalt  }
0x5c: {  	_ =	shalt  }
0x5d: {  	_ =	shalt  }
0x5e: {  	_ =	shalt  }
0x5f: {  	_ =	shalt  }
0x60: {  	_ =	shalt  }
0x61: {  	_ =	shalt  }
0x62: {  	_ =	shalt  }
0x63: {  	_ =	shalt  }
0x64: {  	_ =	shalt  }
0x65: {  	_ =	shalt  }
0x66: {  	_ =	shalt  }
0x67: {  	_ =	shalt  }
0x68: {  	_ =	shalt  }
0x69: {  	_ =	shalt  }
0x6a: {  	_ =	shalt  }
0x6b: {  	_ =	shalt  }
0x6c: {  	_ =	shalt  }
0x6d: {  	_ =	shalt  }
0x6e: {  	_ =	shalt  }
0x6f: {  	_ =	shalt  }
0x70: {  	_ =	shalt  }
0x71: {  	_ =	shalt  }
0x72: {  	_ =	shalt  }
0x73: {  	_ =	shalt  }
0x74: {  	_ =	shalt  }
0x75: {  	_ =	shalt  }
0x76: {  	_ =	shalt  }
0x77: {  	_ =	shalt  }
0x78: {  	_ =	shalt  }
0x79: {  	_ =	shalt  }
0x7a: {  	_ =	shalt  }
0x7b: {  	_ =	shalt  }
0x7c: {  	_ =	shalt  }
0x7d: {  	_ =	shalt  }
0x7e: {  	_ =	shalt  }
0x7f: {  	_ =	shalt  }
0x80: {  	_ =	shalt  }
0x81: {  	_ =	shalt  }
0x82: {  	_ =	shalt  }
0x83: {  	_ =	shalt  }
0x84: {  	_ =	shalt  }
0x85: {  	_ =	shalt  }
0x86: {  	_ =	shalt  }
0x87: {  	_ =	shalt  }
.Lfunc_end0:
.L_simem_size_0:
called_computation.2_lowered:
.L_overlay_start_0:
0x88: {  	s2 =	sld [smem:$0x3FD9]  }
0x89: {  	s3 =	sld [smem:$0x3FFE];
	_ =	sdelay $0x1  }
0x8a: {  	s1 =	srdreg.scid  }
0x8b: {  	s0 =	sand.u32 $0x1, s1  }
0x8c: {  	s17 =	sshll.u32 s0, $0xA;
	s2 =	sadd.s32 s3, s2  }
0x8d: {  	s2 =	sadd.s32 s2, s17  }
0x8e: {  	[smem:$0x3FC2] =	sst s2  }
0x8f: {  	_ = 	snop  }
0x90: {  	s2 =	sld [smem:$0x3FD0];
	(tm) =	ssettm $0x1  }
0x91: {  	s18 =	sld [smem:$0x3FFB];
	_ =	sdelay $0x3  }
0x92: {  	_ =	strace s18  }
0x93: {  	s3 =	sld [smem:$0x3FFC];
	_ =	sdelay $0x3  }
0x94: {  	_ =	strace s3  }
0x95: {  	s3 =	sld [smem:$0x3FFD];
	_ =	sdelay $0x3  }
0x96: {  	_ =	strace s3  }
0x97: {  	_ =	strace $0x8FFFFFFF  }
0x98: {  	s19 =	sld [smem:$0x3FDB];
	_ =	sdelay $0x1  }
0x99: {  	s4 =	simm.s32 $_scs_section_size  }
0x9a: {  	s5 =	simm.s32 $_size__tile_overlayer_lowered;
	s6 =	simm.s32 $_tile_overlayer_lowered  }
0x9b: {  	s22 =	simm.s32 $0x1BFF;
	s21 =	sshll.u32 s6, $0x1;
	s3 =	sadd.s32 s4, s19  }
0x9c: {  	s7 =	simm.s32 $0x0;
	s20 =	sshll.u32 s5, $0x1;
	s5 =	sadd.s32 s21, s3  }
0x9d: {  	[timem:s7], [sflag:s22] =	dma.local [hbm:s5], s20  }
0x9e: {  	_ =	swait.ge [sflag:s22], s20  }
0x9f: {  	s4 =	ssub.s32 $0x0, s20;
	[sflag:s22] =	ssyncset.done $0x0  }
0xa0: {  	[sflag:s22] =	ssyncadd.s32 s4;
	_ =	sdelay $0x1  }
0xa1: {  	s23 =	simm.s32 $0x1B8B  }
0xa2: {  	_ =	swait.ge [sflag:s23], $0x1  }
0xa3: {  	[sflag:s23] =	ssyncset.done $0x0  }
0xa4: {  	s25 =	simm.s32 $0x1B8E;
	s24 =	sld [smem:$0x3FFE];
	[sflag:s23] =	ssyncadd.s32 $0xFFFFFFFF  }
0xa5: {  	s26 =	simm.s32 $execute0_lowered;
	[smem:$0x3FD2] =	sst s25  }
0xa6: {  	s5 =	sshll.u32 s26, $0x1;
	_ =	strace $0x8000004C;
	[dreg:$0x1] =	wrdreg $0xFFFFFFFF  }
0xa7: {  	s28 =	simm.s32 $_size_execute0_lowered;
	s3 =	sadd.s32 s3, s5;
	[dreg:$0x0] =	wrdreg $0x0  }
0xa8: {  	s5 =	sshll.u32 s28, $0x1;
	[dreg:$0x2] =	wrdreg s3  }
0xa9: {  	[dreg:$0x3] =	wrdreg s5  }
0xaa: {  	[dreg:$0x4] =	wrdreg $0xC0  }
0xab: {  	_ =	task [dreg:s7], $0x5FFFF  }
0xac: {  	[dreg:$0x1] =	wrdreg $0xFFFFFFFF  }
0xad: {  	[dreg:$0x0] =	wrdreg $0x60  }
0xae: {  	[dreg:$0x2] =	wrdreg s2  }
0xaf: {  	[dreg:$0x3] =	wrdreg s24  }
0xb0: {  	[dreg:$0x4] =	wrdreg $0x0  }
0xb1: {  	[dreg:$0x5] =	wrdreg $0x9  }
0xb2: {  	_ =	task.clear_ibuf [dreg:s7], $0x6FFFF;
	_ =	strace $0x9000004C  }
0xb3: {  	s29 =	simm.s32 $0x9;
	_ =	strace $0x8000004E  }
0xb4: {  	_ =	swait.ge [sflag:s29], $0x1  }
0xb5: {  	[sflag:s29] =	ssyncadd.s32 $0xFFFFFFFF  }
0xb6: {  	_ =	strace $0x9000004E  }
0xb7: {  	_ =	sfence  }
0xb8: {  	s30 =	sld [smem:$0x0];
	_ =	sdelay $0x2  }
0xb9: {  	s31 =	sshll.u32 s1, $0xD;
	s1 =	sshrl.u32 s1, $0x2  }
0xba: {  	s3 =	sand.u32 $0x4000, s31;
	s1 =	sadd.s32 s1, s30  }
0xbb: {  	s0 =	sor.u32 s3, s0;
	s1 =	sshll.u32 s1, $0x11  }
0xbc: {  	s0 =	sor.u32 s1, s0  }
0xbd: {  	s0 =	sadd.s32 $0x8F2B, s0  }
0xbe: {  	[sflag:s0] =	ssyncadd.remote.s32 $0x1  }
0xbf: {  	_ =	sfence.sel $0xFFFF  }
0xc0: {  	[dreg:$0x0] =	wrdreg $0xFFFFFFFF;
	(pc) =	sbr.abs _section_cstart, $3  }
0xc1: {  	[dreg:$0x1] =	wrdreg $0xFFFFFFFF  }
0xc2: {  	_ =	task.clear_ibuf [dreg:s7], $0x2FFFF;
	_ =	strace $0x9FFFFFFF  }
0xc3: {  	(tm) =	ssettm $0x7FFFFFFF  }
tec
execute0_lowered:
.L_overlay_start_1:
0x0: {  	(tag) =	ssettag $0x1  }
0x1: {  	s1 =	rddreg [dreg:$0x0]  }
0x2: {  	s0 =	srdreg.scid;
	s4 =	rddreg [dreg:$0x1]  }
0x3: {  	s8 =	stileid.u32;
	s3 =	rddreg [dreg:$0x2];
	s7 =	simm.s32 $0x0  }
0x4: {  	s29 =	simm.s32 $0x14000;
	s30 =	simm.s32 $0x14040;
	s0 =	sand.u32 $0x1, s0  }
0x5: {  	s2 =	sshll.u32 s8, $0x1;
	[smem:$0x7FF] =	sst s7;
	s21 =	smul.u32 $0x14000, s8  }
0x6: {  	s22 =	smul.u32 $0x50000, s8;
	s7 =	simm.s32 $0x4;
	s31 =	sadd.s32 $0xC100, s4  }
0x7: {  	s17 =	sadd.s32 $0xC1A0, s4;
	s18 =	sadd.s32 $0x15DE0, s4;
	s8 =	simm.s32 $0x40  }
0x8: {  	s2 =	sor.u32 s0, s2;
	_ =	strace $0x8000004D;
	[dreg:$0x6] =	wrdreg s31  }
0x9: {  	s6 =	smul.u32 $0x140000, s0;
	s0 =	ssub.s32 $0x2, s0;
	[dreg:$0xb] =	wrdreg s17  }
0xa: {  	[dreg:$0xc] =	wrdreg s18;
	s18 =	simm.s32 $0x1A800;
	s5 =	smul.u32 $0x2800, s2  }
0xb: {  	s25 =	sshrl.u32 s0, $0x1;
	s26 =	sshrl.u32 s22, $0x2;
	p0 =	seq.s32 s2, $0x1F  }
0xc: {  	s2 =	simm.s32 $0x400;
	s0 =	ssub.s32 s0, s25;
	s7 =	simm.s32 @!p0 $0x13  }
0xd: {  	s5 =	sshrl.u32 s5, $0x3;
	[dreg:$0x8] =	wrdreg s7;
	s7 =	sadd.s32 $0x15D40, s4  }
0xe: {  	s0 =	smax.u32 s0, $0x1;
	s23 =	sadd.s32 s5, s4;
	[dreg:$0x7] =	wrdreg s7  }
0xf: {  	s6 =	sadd.s32 s21, s6;
	[dreg:$0xe] =	wrdreg s0;
	s10 =	sadd.s32 $0x2600, s23  }
0x10: {  	s2 =	simm.s32 @!p0 $0x1300;
	s28 =	sadd.s32 $0xC240, s23;
	[dreg:$0x4] =	wrdreg s10  }
0x11: {  	s24 =	sshrl.u32 s6, $0x3;
	s11 =	sadd.s32 $0x2880, s23;
	[dreg:$0x5] =	wrdreg s28  }
0x12: {  	s9 =	sadd.s32 s24, s4;
	s12 =	sadd.s32 $0xC4C0, s23;
	[dreg:$0x9] =	wrdreg s11  }
0x13: {  	s5 =	sadd.s32 s26, s3;
	s19 =	sadd.s32 $0x16000, s9;
	[dreg:$0xa] =	wrdreg s12  }
0x14: {  	s6 =	simm.s32 $0x4;
	s20 =	sadd.s32 $0x2000, s5;
	[dreg:$0xd] =	wrdreg s19  }
0x15: {  	s13 =	sor.u32 $0x140C0, s2;
	s21 =	sadd.s32 $0x4000, s5;
	[dreg:$0xf] =	wrdreg s20  }
0x16: {  	s14 =	sadd.s32 $0x15400, s2;
	s22 =	sadd.s32 $0x6000, s5;
	[dreg:$0x10] =	wrdreg s21  }
0x17: {  	s15 =	sadd.s32 $0x15440, s2;
	s23 =	sadd.s32 $0x8000, s5;
	[dreg:$0x11] =	wrdreg s22  }
0x18: {  	s16 =	sadd.s32 $0x154C0, s2;
	s24 =	sadd.s32 $0xA000, s5;
	[dreg:$0x12] =	wrdreg s23  }
0x19: {  	s7 =	sadd.s32 $0x15480, s2;
	s25 =	sadd.s32 $0xC000, s5;
	[dreg:$0x13] =	wrdreg s24  }
0x1a: {  	s0 =	simm.s32 $0x16800;
	s26 =	sadd.s32 $0xE000, s5;
	[dreg:$0x14] =	wrdreg s25  }
0x1b: {  	s4 =	simm.s32 $0x5;
	s31 =	sadd.s32 $0x12000, s5;
	[dreg:$0x15] =	wrdreg s26  }
0x1c: {  	s28 =	sadd.s32 $0x10000, s5;
	[dreg:$0x17] =	wrdreg s31;
	s11 =	simm.s32 $0x18800  }
0x1d: {  	s19 =	simm.s32 $0x1C800;
	s20 =	simm.s32 $0x1;
	s21 =	simm.s32 $0x2  }
0x1e: {  	v0 =	vimm.f32 $0.0e+00;
	s22 =	simm.s32 $0x3;
	s23 =	simm.s32 $0x0;
	[dreg:$0x16] =	wrdreg s28  }
.LBB2_1:
0x1f: {  	s9 =	simm.s32 $0x0  }
0x20: {  	s2 =	sand.u32 $0x7E00, s9  }
0x21: {  	s9 =	sand.u32 $0x70, s9;
	s10 =	sshrl.u32 s2, $0x2  }
0x22: {  	s2 =	simm.s32 $0x40;
	s10 =	sor.u32 s9, s10;
	s9 =	simm.s32 $0x0  }
.LBB2_2:
0x23: {  	p1 =	sne.s32 s2, $0x7FC0  }
0x24: {  	[tilespmem:s10+$0x16800] =	vst v0;
	s9 =	sadd.s32 $0x10, s9;
	s10 =	smov.u32 s2;
	s2 =	sadd.s32 $0x40, s2  }
.Ltmp0:
0x25: {  	(pc) =	sbr.rel @p1 .LBB2_2-.Ltmp0, $4  }
0x26: {  	_ = 	snop  }
0x27: {  	s10 =	sand.u32 $0x7E00, s10  }
0x28: {  	s12 =	sand.u32 $0x70, s9;
	s10 =	sshrl.u32 s10, $0x2  }
0x29: {  	s10 =	sor.u32 s12, s10  }
0x2a: {  	[tilespmem:s10+$0x16800] =	vst v0  }
0x2b: {  	[spmem:s5] =	stream.linear.scatter [tilespmem:s0], [sflag:$0x5], $0x2000, $0x38;
	[tilespmem:$0x1E800] =	vst v63  }
0x2c: {  	_ =	swait.ge [sflag:s4], $0x2000  }
0x2d: {  	[sflag:s4] =	ssyncset.done $0x0  }
0x2e: {  	s2 =	rddreg [dreg:$0xf];
	[sflag:s4] =	ssyncadd.s32 $0xFFFFE000  }
0x2f: {  	[spmem:s2] =	stream.linear.scatter [tilespmem:s0], [sflag:$0x5], $0x2000, $0x38;
	[tilespmem:$0x1E800] =	vst v63  }
0x30: {  	_ =	swait.ge [sflag:s4], $0x2000  }
0x31: {  	[sflag:s4] =	ssyncset.done $0x0  }
0x32: {  	s17 =	rddreg [dreg:$0x10];
	[sflag:s4] =	ssyncadd.s32 $0xFFFFE000  }
0x33: {  	[spmem:s17] =	stream.linear.scatter [tilespmem:s0], [sflag:$0x5], $0x2000, $0x38;
	[tilespmem:$0x1E800] =	vst v63  }
0x34: {  	_ =	swait.ge [sflag:s4], $0x2000  }
0x35: {  	[sflag:s4] =	ssyncset.done $0x0  }
0x36: {  	s24 =	rddreg [dreg:$0x11];
	[sflag:s4] =	ssyncadd.s32 $0xFFFFE000  }
0x37: {  	[spmem:s24] =	stream.linear.scatter [tilespmem:s0], [sflag:$0x5], $0x2000, $0x38;
	[tilespmem:$0x1E800] =	vst v63  }
0x38: {  	_ =	swait.ge [sflag:s4], $0x2000  }
0x39: {  	[sflag:s4] =	ssyncset.done $0x0  }
0x3a: {  	s25 =	rddreg [dreg:$0x12];
	[sflag:s4] =	ssyncadd.s32 $0xFFFFE000  }
0x3b: {  	[spmem:s25] =	stream.linear.scatter [tilespmem:s0], [sflag:$0x5], $0x2000, $0x38;
	[tilespmem:$0x1E800] =	vst v63  }
0x3c: {  	_ =	swait.ge [sflag:s4], $0x2000  }
0x3d: {  	[sflag:s4] =	ssyncset.done $0x0  }
0x3e: {  	s26 =	rddreg [dreg:$0x13];
	[sflag:s4] =	ssyncadd.s32 $0xFFFFE000  }
0x3f: {  	[spmem:s26] =	stream.linear.scatter [tilespmem:s0], [sflag:$0x5], $0x2000, $0x38;
	[tilespmem:$0x1E800] =	vst v63  }
0x40: {  	_ =	swait.ge [sflag:s4], $0x2000  }
0x41: {  	[sflag:s4] =	ssyncset.done $0x0  }
0x42: {  	s9 =	rddreg [dreg:$0x14];
	[sflag:s4] =	ssyncadd.s32 $0xFFFFE000  }
0x43: {  	[spmem:s9] =	stream.linear.scatter [tilespmem:s0], [sflag:$0x5], $0x2000, $0x38;
	[tilespmem:$0x1E800] =	vst v63  }
0x44: {  	_ =	swait.ge [sflag:s4], $0x2000  }
0x45: {  	[sflag:s4] =	ssyncset.done $0x0  }
0x46: {  	s10 =	rddreg [dreg:$0x15];
	[sflag:s4] =	ssyncadd.s32 $0xFFFFE000  }
0x47: {  	[spmem:s10] =	stream.linear.scatter [tilespmem:s0], [sflag:$0x5], $0x2000, $0x38;
	[tilespmem:$0x1E800] =	vst v63  }
0x48: {  	_ =	swait.ge [sflag:s4], $0x2000  }
0x49: {  	[sflag:s4] =	ssyncset.done $0x0  }
0x4a: {  	s12 =	rddreg [dreg:$0x16];
	[sflag:s4] =	ssyncadd.s32 $0xFFFFE000  }
0x4b: {  	[spmem:s12] =	stream.linear.scatter [tilespmem:s0], [sflag:$0x5], $0x2000, $0x38;
	[tilespmem:$0x1E800] =	vst v63  }
0x4c: {  	_ =	swait.ge [sflag:s4], $0x2000  }
0x4d: {  	[sflag:s4] =	ssyncset.done $0x0  }
0x4e: {  	s17 =	rddreg [dreg:$0x17];
	[sflag:s4] =	ssyncadd.s32 $0xFFFFE000  }
0x4f: {  	[spmem:s17] =	stream.linear.scatter [tilespmem:s0], [sflag:$0x5], $0x2000, $0x38;
	[tilespmem:$0x1E800] =	vst v63  }
0x50: {  	_ =	swait.ge [sflag:s4], $0x2000  }
0x51: {  	[sflag:s4] =	ssyncset.done $0x0  }
0x52: {  	[sflag:s4] =	ssyncadd.s32 $0xFFFFE000  }
0x53: {  	[bflag:$0x0] =	sbarrier.arrive $0xFFFF  }
0x54: {  	s26 =	simm.s32 @p0 $0x0;
	s9 =	simm.s32 @p0 $0x14000;
	s2 =	rddreg [dreg:$0x6]  }
0x55: {  	[tilespmem:s9], [sflag:$0x5] =	stream.linear.gather @p0 [hbm4b:s2+s26], $0x500, $0x38;
	[tilespmem:$0x1E800] =	vst v63  }
0x56: {  	s9 =	simm.s32 @p0 $0x5  }
0x57: {  	_ =	swait.ge @p0 [sflag:s9], $0x500  }
0x58: {  	[sflag:s9] =	ssyncset.done @p0 $0x0  }
0x59: {  	s10 =	simm.s32 @p0 $0x15400;
	s2 =	rddreg [dreg:$0x7];
	[sflag:s9] =	ssyncadd.s32 @p0 $0xFFFFFB00  }
0x5a: {  	[tilespmem:s10], [sflag:$0x5] =	stream.linear.gather @p0 [hbm4b:s2+s26], $0x500, $0x38;
	[tilespmem:$0x1E800] =	vst v63  }
0x5b: {  	_ =	swait.ge @p0 [sflag:s9], $0x500  }
0x5c: {  	s28 =	simm.s32 @!p0 $0x0;
	s17 =	simm.s32 @!p0 $0x14000;
	[sflag:s9] =	ssyncset.done @p0 $0x0  }
0x5d: {  	s10 =	simm.s32 @!p0 $0x5;
	s2 =	rddreg [dreg:$0x4];
	[sflag:s9] =	ssyncadd.s32 @p0 $0xFFFFFB00  }
0x5e: {  	[tilespmem:s17], [sflag:$0x5] =	stream.linear.gather @!p0 [hbm4b:s2+s28], $0x1400, $0x38;
	[tilespmem:$0x1E800] =	vst v63  }
0x5f: {  	_ =	swait.ge @!p0 [sflag:s10], $0x1400  }
0x60: {  	[sflag:s10] =	ssyncset.done @!p0 $0x0  }
0x61: {  	s31 =	simm.s32 @!p0 $0x15400;
	s2 =	rddreg [dreg:$0x5];
	[sflag:s10] =	ssyncadd.s32 @!p0 $0xFFFFEC00  }
0x62: {  	[tilespmem:s31], [sflag:$0x5] =	stream.linear.gather @!p0 [hbm4b:s2+s28], $0x1400, $0x38;
	[tilespmem:$0x1E800] =	vst v63  }
0x63: {  	_ =	swait.ge @!p0 [sflag:s10], $0x1400  }
0x64: {  	[sflag:s10] =	ssyncset.done @!p0 $0x0;
	s25 =	rddreg [dreg:$0x8]  }
0x65: {  	[sflag:s10] =	ssyncadd.s32 @!p0 $0xFFFFEC00;
	p2 =	sne.s32 s25, $0x1  }
0x66: {  	[tilespmem:s0], [sflag:$0x1] =	stream.indirect.gather [hbm4b:s1+s8], $0x80, s29, s8, $0xb8;
	[tilespmem:$0x1E800] =	vst v63  }
.Ltmp1:
0x67: {  	_ = 	snop;
	(pc) =	sbr.rel @!p2 .LBB2_8-.Ltmp1, $4  }
0x68: {  	[tilespmem:s11], [sflag:$0x2] =	stream.indirect.gather [hbm4b:s1+s8], $0x80, s30, s8, $0xb8;
	[tilespmem:$0x1E800] =	vst v63  }
0x69: {  	p1 =	por $0x0, $0x0;
	p3 =	por $0x0, $0x0;
	s24 =	simm.s32 $0x14080  }
0x6a: {  	[tilespmem:s18], [sflag:$0x3] =	stream.indirect.gather [hbm4b:s1+s8], $0x80, s24, s8, $0xb8;
	[tilespmem:$0x1E800] =	vst v63  }
0x6b: {  	s2 =	simm.s32 $0x0;
	s25 =	sadd.s32 $0xFFFFFFFF, s25;
	s24 =	simm.s32 $0x0  }
0x6c: {  	s2 =	simm.s32 $0x140C0  }
0x6d: {  	[tilespmem:s19], [sflag:$0x4] =	stream.indirect.gather [hbm4b:s1+s8], $0x80, s2, s8, $0xb8;
	[tilespmem:$0x1E800] =	vst v63  }
0x6e: {  	_ =	swait.ge [sflag:s20], $0x2000  }
0x6f: {  	s30 =	smov.u32 s16;
	[sflag:s20] =	ssyncset.done $0x0  }
0x70: {  	s16 =	smov.u32 s14;
	s14 =	simm.s32 $0x15400;
	[sflag:s20] =	ssyncadd.s32 $0xFFFFE000  }
0x71: {  	[spmem:s3] =	stream.indirect.scatter.add.f32 [tilespmem:s0], [sflag:$0x5], $0x80, s14, s8, $0xb8;
	[tilespmem:$0x1E800] =	vst v63  }
0x72: {  	_ =	swait.ge [sflag:s4], $0x2000  }
0x73: {  	[sflag:s4] =	ssyncset.done $0x0  }
0x74: {  	s12 =	simm.s32 $0x14100;
	[sflag:s4] =	ssyncadd.s32 $0xFFFFE000  }
0x75: {  	[tilespmem:s0], [sflag:$0x1] =	stream.indirect.gather [hbm4b:s1+s8], $0x80, s12, s8, $0xb8;
	[tilespmem:$0x1E800] =	vst v63  }
0x76: {  	_ =	swait.ge [sflag:s21], $0x2000  }
0x77: {  	s29 =	smov.u32 s7;
	s7 =	smov.u32 s15;
	[sflag:s21] =	ssyncset.done $0x0  }
0x78: {  	s15 =	smov.u32 s13;
	s13 =	simm.s32 $0x15440;
	[sflag:s21] =	ssyncadd.s32 $0xFFFFE000  }
0x79: {  	[spmem:s3] =	stream.indirect.scatter.add.f32 [tilespmem:s11], [sflag:$0x5], $0x80, s13, s8, $0xb8;
	[tilespmem:$0x1E800] =	vst v63  }
0x7a: {  	_ =	swait.ge [sflag:s4], $0x2000  }
0x7b: {  	[sflag:s4] =	ssyncset.done $0x0  }
0x7c: {  	s14 =	simm.s32 $0x14140;
	[sflag:s4] =	ssyncadd.s32 $0xFFFFE000  }
0x7d: {  	[tilespmem:s11], [sflag:$0x2] =	stream.indirect.gather [hbm4b:s1+s8], $0x80, s14, s8, $0xb8;
	[tilespmem:$0x1E800] =	vst v63  }
0x7e: {  	_ =	swait.ge [sflag:s22], $0x2000  }
0x7f: {  	[sflag:s22] =	ssyncset.done $0x0  }
0x80: {  	s12 =	simm.s32 $0x15480;
	[sflag:s22] =	ssyncadd.s32 $0xFFFFE000  }
0x81: {  	[spmem:s3] =	stream.indirect.scatter.add.f32 [tilespmem:s18], [sflag:$0x5], $0x80, s12, s8, $0xb8;
	[tilespmem:$0x1E800] =	vst v63  }
0x82: {  	_ =	swait.ge [sflag:s4], $0x2000  }
0x83: {  	[sflag:s4] =	ssyncset.done $0x0  }
0x84: {  	s13 =	simm.s32 $0x14180;
	[sflag:s4] =	ssyncadd.s32 $0xFFFFE000  }
0x85: {  	[tilespmem:s18], [sflag:$0x3] =	stream.indirect.gather [hbm4b:s1+s8], $0x80, s13, s8, $0xb8;
	[tilespmem:$0x1E800] =	vst v63  }
0x86: {  	p4 =	sne.s32 s25, $0x1;
	_ =	swait.ge [sflag:s6], $0x2000  }
.Ltmp2:
0x87: {  	[sflag:s6] =	ssyncset.done $0x0;
	(pc) =	sbr.rel @!p4 .LBB2_5-.Ltmp2, $4  }
0x88: {  	s14 =	simm.s32 $0x154C0;
	[sflag:s6] =	ssyncadd.s32 $0xFFFFE000  }
0x89: {  	[spmem:s3] =	stream.indirect.scatter.add.f32 [tilespmem:s19], [sflag:$0x5], $0x80, s14, s8, $0xb8;
	[tilespmem:$0x1E800] =	vst v63  }
0x8a: {  	p3 =	por $0x1, $0x1;
	s2 =	simm.s32 $0x100;
	_ =	swait.ge [sflag:s4], $0x2000  }
0x8b: {  	s12 =	sadd.s32 $0xFFFFFFFF, s25;
	s13 =	simm.s32 $0x400;
	[sflag:s4] =	ssyncset.done $0x0  }
.LBB2_6:
0x8c: {  	p4 =	sne.s32 s12, $0x1;
	s14 =	sadd.s32 $0x140C0, s2;
	[sflag:s4] =	ssyncadd.s32 $0xFFFFE000  }
0x8d: {  	[tilespmem:s19], [sflag:$0x4] =	stream.indirect.gather [hbm4b:s1+s8], $0x80, s14, s8, $0xb8;
	[tilespmem:$0x1E800] =	vst v63  }
0x8e: {  	s12 =	sadd.s32 $0xFFFFFFFF, s12;
	_ =	swait.ge [sflag:s20], $0x2000  }
0x8f: {  	[sflag:s20] =	ssyncset.done $0x0  }
0x90: {  	s14 =	sadd.s32 $0x15400, s2;
	[sflag:s20] =	ssyncadd.s32 $0xFFFFE000  }
0x91: {  	[spmem:s3] =	stream.indirect.scatter.add.f32 [tilespmem:s0], [sflag:$0x5], $0x80, s14, s8, $0xb8;
	[tilespmem:$0x1E800] =	vst v63  }
0x92: {  	_ =	swait.ge [sflag:s4], $0x2000  }
0x93: {  	[sflag:s4] =	ssyncset.done $0x0  }
0x94: {  	s14 =	sadd.s32 $0x14100, s2;
	[sflag:s4] =	ssyncadd.s32 $0xFFFFE000  }
0x95: {  	[tilespmem:s0], [sflag:$0x1] =	stream.indirect.gather [hbm4b:s1+s8], $0x80, s14, s8, $0xb8;
	[tilespmem:$0x1E800] =	vst v63  }
0x96: {  	_ =	swait.ge [sflag:s21], $0x2000  }
0x97: {  	[sflag:s21] =	ssyncset.done $0x0  }
0x98: {  	s14 =	sadd.s32 $0x15440, s2;
	[sflag:s21] =	ssyncadd.s32 $0xFFFFE000  }
0x99: {  	[spmem:s3] =	stream.indirect.scatter.add.f32 [tilespmem:s11], [sflag:$0x5], $0x80, s14, s8, $0xb8;
	[tilespmem:$0x1E800] =	vst v63  }
0x9a: {  	_ =	swait.ge [sflag:s4], $0x2000  }
0x9b: {  	[sflag:s4] =	ssyncset.done $0x0  }
0x9c: {  	s14 =	sadd.s32 $0x14140, s2;
	[sflag:s4] =	ssyncadd.s32 $0xFFFFE000  }
0x9d: {  	[tilespmem:s11], [sflag:$0x2] =	stream.indirect.gather [hbm4b:s1+s8], $0x80, s14, s8, $0xb8;
	[tilespmem:$0x1E800] =	vst v63  }
0x9e: {  	_ =	swait.ge [sflag:s22], $0x2000  }
0x9f: {  	[sflag:s22] =	ssyncset.done $0x0  }
0xa0: {  	s14 =	sadd.s32 $0x15480, s2;
	[sflag:s22] =	ssyncadd.s32 $0xFFFFE000  }
0xa1: {  	[spmem:s3] =	stream.indirect.scatter.add.f32 [tilespmem:s18], [sflag:$0x5], $0x80, s14, s8, $0xb8;
	[tilespmem:$0x1E800] =	vst v63  }
0xa2: {  	_ =	swait.ge [sflag:s4], $0x2000  }
0xa3: {  	[sflag:s4] =	ssyncset.done $0x0  }
0xa4: {  	s14 =	sadd.s32 $0x14180, s2;
	[sflag:s4] =	ssyncadd.s32 $0xFFFFE000  }
0xa5: {  	[tilespmem:s18], [sflag:$0x3] =	stream.indirect.gather [hbm4b:s1+s8], $0x80, s14, s8, $0xb8;
	[tilespmem:$0x1E800] =	vst v63  }
0xa6: {  	_ =	swait.ge [sflag:s6], $0x2000  }
.Ltmp3:
0xa7: {  	[sflag:s6] =	ssyncset.done $0x0;
	(pc) =	sbr.rel @p4 .LBB2_6-.Ltmp3, $4  }
0xa8: {  	s2 =	sadd.s32 $0x154C0, s2;
	[sflag:s6] =	ssyncadd.s32 $0xFFFFE000  }
0xa9: {  	[spmem:s3] =	stream.indirect.scatter.add.f32 [tilespmem:s19], [sflag:$0x5], $0x80, s2, s8, $0xb8;
	[tilespmem:$0x1E800] =	vst v63  }
0xaa: {  	s13 =	sadd.s32 $0x400, s13;
	_ =	swait.ge [sflag:s4], $0x2000  }
0xab: {  	s2 =	sshra.s32 s13, $0x2;
	[sflag:s4] =	ssyncset.done $0x0  }
0xac: {  	s13 =	smov.u32 s15  }
0xad: {  	s14 =	smov.u32 s16;
	s15 =	smov.u32 s7;
	s7 =	smov.u32 s29  }
0xae: {  	s16 =	smov.u32 s30;
	s29 =	simm.s32 $0x14000;
	s30 =	simm.s32 $0x14040  }
.LBB2_8:
0xaf: {  	s12 =	sadd.s32 $0x140C0, s2;
	[sflag:s4] =	ssyncadd.s32 @p3 $0xFFFFE000  }
0xb0: {  	[tilespmem:s19], [sflag:$0x4] =	stream.indirect.gather [hbm4b:s1+s8], $0x80, s12, s8, $0xb8;
	[tilespmem:$0x1E800] =	vst v63  }
0xb1: {  	_ =	swait.ge [sflag:s20], $0x2000  }
0xb2: {  	[sflag:s20] =	ssyncset.done $0x0  }
0xb3: {  	s12 =	sadd.s32 $0x15400, s2;
	[sflag:s20] =	ssyncadd.s32 $0xFFFFE000  }
0xb4: {  	[spmem:s3] =	stream.indirect.scatter.add.f32 [tilespmem:s0], [sflag:$0x5], $0x80, s12, s8, $0xb8;
	[tilespmem:$0x1E800] =	vst v63  }
0xb5: {  	_ =	swait.ge [sflag:s4], $0x2000  }
0xb6: {  	[sflag:s4] =	ssyncset.done $0x0  }
0xb7: {  	s12 =	sadd.s32 $0x14100, s2;
	[sflag:s4] =	ssyncadd.s32 $0xFFFFE000  }
0xb8: {  	[tilespmem:s0], [sflag:$0x1] =	stream.indirect.gather [hbm4b:s1+s8], $0x80, s12, s8, $0xb8;
	[tilespmem:$0x1E800] =	vst v63  }
0xb9: {  	_ =	swait.ge [sflag:s21], $0x2000  }
0xba: {  	[sflag:s21] =	ssyncset.done $0x0  }
0xbb: {  	s12 =	sadd.s32 $0x15440, s2;
	[sflag:s21] =	ssyncadd.s32 $0xFFFFE000  }
0xbc: {  	[spmem:s3] =	stream.indirect.scatter.add.f32 [tilespmem:s11], [sflag:$0x5], $0x80, s12, s8, $0xb8;
	[tilespmem:$0x1E800] =	vst v63  }
0xbd: {  	_ =	swait.ge [sflag:s4], $0x2000  }
0xbe: {  	[sflag:s4] =	ssyncset.done $0x0  }
0xbf: {  	s12 =	sadd.s32 $0x14140, s2;
	[sflag:s4] =	ssyncadd.s32 $0xFFFFE000  }
0xc0: {  	[tilespmem:s11], [sflag:$0x2] =	stream.indirect.gather [hbm4b:s1+s8], $0x80, s12, s8, $0xb8;
	[tilespmem:$0x1E800] =	vst v63  }
0xc1: {  	_ =	swait.ge [sflag:s22], $0x2000  }
0xc2: {  	[sflag:s22] =	ssyncset.done $0x0  }
0xc3: {  	s12 =	sadd.s32 $0x15480, s2;
	[sflag:s22] =	ssyncadd.s32 $0xFFFFE000  }
0xc4: {  	[spmem:s3] =	stream.indirect.scatter.add.f32 [tilespmem:s18], [sflag:$0x5], $0x80, s12, s8, $0xb8;
	[tilespmem:$0x1E800] =	vst v63  }
0xc5: {  	_ =	swait.ge [sflag:s4], $0x2000  }
0xc6: {  	[sflag:s4] =	ssyncset.done $0x0  }
0xc7: {  	s12 =	sadd.s32 $0x14180, s2;
	[sflag:s4] =	ssyncadd.s32 $0xFFFFE000  }
0xc8: {  	[tilespmem:s18], [sflag:$0x3] =	stream.indirect.gather [hbm4b:s1+s8], $0x80, s12, s8, $0xb8;
	[tilespmem:$0x1E800] =	vst v63  }
0xc9: {  	_ =	swait.ge [sflag:s6], $0x2000  }
0xca: {  	[sflag:s6] =	ssyncset.done $0x0  }
0xcb: {  	s12 =	sadd.s32 $0x154C0, s2;
	[sflag:s6] =	ssyncadd.s32 $0xFFFFE000  }
0xcc: {  	[spmem:s3] =	stream.indirect.scatter.add.f32 [tilespmem:s19], [sflag:$0x5], $0x80, s12, s8, $0xb8;
	[tilespmem:$0x1E800] =	vst v63  }
0xcd: {  	_ =	swait.ge [sflag:s4], $0x2000  }
0xce: {  	[sflag:s4] =	ssyncset.done $0x0  }
0xcf: {  	[sflag:s4] =	ssyncadd.s32 $0xFFFFE000  }
0xd0: {  	[tilespmem:s19], [sflag:$0x4] =	stream.indirect.gather [hbm4b:s1+s8], $0x80, s13, s8, $0xb8;
	[tilespmem:$0x1E800] =	vst v63  }
0xd1: {  	_ =	swait.ge [sflag:s20], $0x2000  }
0xd2: {  	[sflag:s20] =	ssyncset.done $0x0  }
0xd3: {  	[sflag:s20] =	ssyncadd.s32 $0xFFFFE000  }
0xd4: {  	[spmem:s3] =	stream.indirect.scatter.add.f32 [tilespmem:s0], [sflag:$0x5], $0x80, s14, s8, $0xb8;
	[tilespmem:$0x1E800] =	vst v63  }
0xd5: {  	_ =	swait.ge [sflag:s4], $0x2000  }
0xd6: {  	[sflag:s4] =	ssyncset.done $0x0  }
0xd7: {  	[sflag:s4] =	ssyncadd.s32 $0xFFFFE000  }
0xd8: {  	_ =	swait.ge [sflag:s21], $0x2000  }
0xd9: {  	[sflag:s21] =	ssyncset.done $0x0  }
0xda: {  	[sflag:s21] =	ssyncadd.s32 $0xFFFFE000  }
0xdb: {  	[spmem:s3] =	stream.indirect.scatter.add.f32 [tilespmem:s11], [sflag:$0x5], $0x80, s15, s8, $0xb8;
	[tilespmem:$0x1E800] =	vst v63  }
0xdc: {  	_ =	swait.ge [sflag:s4], $0x2000  }
0xdd: {  	[sflag:s4] =	ssyncset.done $0x0  }
0xde: {  	[sflag:s4] =	ssyncadd.s32 $0xFFFFE000  }
0xdf: {  	_ =	swait.ge [sflag:s22], $0x2000  }
0xe0: {  	[sflag:s22] =	ssyncset.done $0x0  }
0xe1: {  	[sflag:s22] =	ssyncadd.s32 $0xFFFFE000  }
0xe2: {  	[spmem:s3] =	stream.indirect.scatter.add.f32 [tilespmem:s18], [sflag:$0x5], $0x80, s7, s8, $0xb8;
	[tilespmem:$0x1E800] =	vst v63  }
0xe3: {  	_ =	swait.ge [sflag:s4], $0x2000  }
0xe4: {  	[sflag:s4] =	ssyncset.done $0x0  }
0xe5: {  	[sflag:s4] =	ssyncadd.s32 $0xFFFFE000  }
0xe6: {  	_ =	swait.ge [sflag:s6], $0x2000  }
0xe7: {  	[sflag:s6] =	ssyncset.done $0x0  }
0xe8: {  	[sflag:s6] =	ssyncadd.s32 $0xFFFFE000  }
0xe9: {  	[spmem:s3] =	stream.indirect.scatter.add.f32 [tilespmem:s19], [sflag:$0x5], $0x80, s16, s8, $0xb8;
	[tilespmem:$0x1E800] =	vst v63  }
0xea: {  	_ =	swait.ge [sflag:s4], $0x2000  }
0xeb: {  	[sflag:s4] =	ssyncset.done $0x0  }
0xec: {  	s12 =	simm.s32 @p0 $0x14000;
	s2 =	rddreg [dreg:$0xb];
	[sflag:s4] =	ssyncadd.s32 $0xFFFFE000  }
0xed: {  	[tilespmem:s12], [sflag:$0x5] =	stream.linear.gather @p0 [hbm4b:s2+s26], $0x500, $0x38;
	[tilespmem:$0x1E800] =	vst v63  }
0xee: {  	_ =	swait.ge @p0 [sflag:s9], $0x500  }
0xef: {  	[sflag:s9] =	ssyncset.done @p0 $0x0  }
0xf0: {  	s12 =	simm.s32 @p0 $0x15400;
	s2 =	rddreg [dreg:$0xc];
	[sflag:s9] =	ssyncadd.s32 @p0 $0xFFFFFB00  }
0xf1: {  	[tilespmem:s12], [sflag:$0x5] =	stream.linear.gather @p0 [hbm4b:s2+s26], $0x500, $0x38;
	[tilespmem:$0x1E800] =	vst v63  }
0xf2: {  	_ =	swait.ge @p0 [sflag:s9], $0x500  }
0xf3: {  	[sflag:s9] =	ssyncset.done @p0 $0x0  }
0xf4: {  	s2 =	rddreg [dreg:$0x9];
	[sflag:s9] =	ssyncadd.s32 @p0 $0xFFFFFB00  }
0xf5: {  	[tilespmem:s17], [sflag:$0x5] =	stream.linear.gather @!p0 [hbm4b:s2+s28], $0x1400, $0x38;
	[tilespmem:$0x1E800] =	vst v63  }
0xf6: {  	_ =	swait.ge @!p0 [sflag:s10], $0x1400  }
0xf7: {  	[sflag:s10] =	ssyncset.done @!p0 $0x0  }
0xf8: {  	s2 =	rddreg [dreg:$0xa];
	[sflag:s10] =	ssyncadd.s32 @!p0 $0xFFFFEC00  }
0xf9: {  	[tilespmem:s31], [sflag:$0x5] =	stream.linear.gather @!p0 [hbm4b:s2+s28], $0x1400, $0x38;
	[tilespmem:$0x1E800] =	vst v63  }
0xfa: {  	_ =	swait.ge @!p0 [sflag:s10], $0x1400  }
0xfb: {  	[sflag:s10] =	ssyncset.done @!p0 $0x0  }
0xfc: {  	[sflag:s10] =	ssyncadd.s32 @!p0 $0xFFFFEC00  }
0xfd: {  	[tilespmem:s0], [sflag:$0x1] =	stream.indirect.gather [hbm4b:s1+s8], $0x80, s29, s8, $0xb8;
	[tilespmem:$0x1E800] =	vst v63  }
.Ltmp4:
0xfe: {  	_ = 	snop;
	(pc) =	sbr.rel @!p2 .LBB2_11-.Ltmp4, $4  }
0xff: {  	_ = 	snop  }
0x100: {  	[tilespmem:s11], [sflag:$0x2] =	stream.indirect.gather [hbm4b:s1+s8], $0x80, s30, s8, $0xb8;
	[tilespmem:$0x1E800] =	vst v63  }
0x101: {  	s31 =	simm.s32 $0x14080  }
0x102: {  	[tilespmem:s18], [sflag:$0x3] =	stream.indirect.gather [hbm4b:s1+s8], $0x80, s31, s8, $0xb8;
	[tilespmem:$0x1E800] =	vst v63  }
0x103: {  	s2 =	simm.s32 $0x140C0  }
0x104: {  	[tilespmem:s19], [sflag:$0x4] =	stream.indirect.gather [hbm4b:s1+s8], $0x80, s2, s8, $0xb8;
	[tilespmem:$0x1E800] =	vst v63  }
0x105: {  	_ =	swait.ge [sflag:s20], $0x2000  }
0x106: {  	[sflag:s20] =	ssyncset.done $0x0  }
0x107: {  	s10 =	simm.s32 $0x15400;
	[sflag:s20] =	ssyncadd.s32 $0xFFFFE000  }
0x108: {  	[spmem:s3] =	stream.indirect.scatter.add.f32 [tilespmem:s0], [sflag:$0x5], $0x80, s10, s8, $0xb8;
	[tilespmem:$0x1E800] =	vst v63  }
0x109: {  	_ =	swait.ge [sflag:s4], $0x2000  }
0x10a: {  	[sflag:s4] =	ssyncset.done $0x0  }
0x10b: {  	s12 =	simm.s32 $0x14100;
	[sflag:s4] =	ssyncadd.s32 $0xFFFFE000  }
0x10c: {  	[tilespmem:s0], [sflag:$0x1] =	stream.indirect.gather [hbm4b:s1+s8], $0x80, s12, s8, $0xb8;
	[tilespmem:$0x1E800] =	vst v63  }
0x10d: {  	_ =	swait.ge [sflag:s21], $0x2000  }
0x10e: {  	[sflag:s21] =	ssyncset.done $0x0  }
0x10f: {  	s17 =	simm.s32 $0x15440;
	[sflag:s21] =	ssyncadd.s32 $0xFFFFE000  }
0x110: {  	[spmem:s3] =	stream.indirect.scatter.add.f32 [tilespmem:s11], [sflag:$0x5], $0x80, s17, s8, $0xb8;
	[tilespmem:$0x1E800] =	vst v63  }
0x111: {  	_ =	swait.ge [sflag:s4], $0x2000  }
0x112: {  	[sflag:s4] =	ssyncset.done $0x0  }
0x113: {  	s24 =	simm.s32 $0x14140;
	[sflag:s4] =	ssyncadd.s32 $0xFFFFE000  }
0x114: {  	[tilespmem:s11], [sflag:$0x2] =	stream.indirect.gather [hbm4b:s1+s8], $0x80, s24, s8, $0xb8;
	[tilespmem:$0x1E800] =	vst v63  }
0x115: {  	_ =	swait.ge [sflag:s22], $0x2000  }
0x116: {  	[sflag:s22] =	ssyncset.done $0x0  }
0x117: {  	s26 =	simm.s32 $0x15480;
	[sflag:s22] =	ssyncadd.s32 $0xFFFFE000  }
0x118: {  	[spmem:s3] =	stream.indirect.scatter.add.f32 [tilespmem:s18], [sflag:$0x5], $0x80, s26, s8, $0xb8;
	[tilespmem:$0x1E800] =	vst v63  }
0x119: {  	_ =	swait.ge [sflag:s4], $0x2000  }
0x11a: {  	[sflag:s4] =	ssyncset.done $0x0  }
0x11b: {  	s28 =	simm.s32 $0x14180;
	[sflag:s4] =	ssyncadd.s32 $0xFFFFE000  }
0x11c: {  	[tilespmem:s18], [sflag:$0x3] =	stream.indirect.gather [hbm4b:s1+s8], $0x80, s28, s8, $0xb8;
	[tilespmem:$0x1E800] =	vst v63  }
0x11d: {  	p2 =	sne.s32 s25, $0x1;
	_ =	swait.ge [sflag:s6], $0x2000  }
.Ltmp5:
0x11e: {  	[sflag:s6] =	ssyncset.done $0x0;
	(pc) =	sbr.rel @!p2 .LBB2_11-.Ltmp5, $4  }
0x11f: {  	s31 =	simm.s32 $0x154C0;
	[sflag:s6] =	ssyncadd.s32 $0xFFFFE000  }
0x120: {  	[spmem:s3] =	stream.indirect.scatter.add.f32 [tilespmem:s19], [sflag:$0x5], $0x80, s31, s8, $0xb8;
	[tilespmem:$0x1E800] =	vst v63  }
0x121: {  	s9 =	simm.s32 $0x400;
	p1 =	por $0x1, $0x1;
	_ =	swait.ge [sflag:s4], $0x2000  }
0x122: {  	s2 =	sadd.s32 $0xFFFFFFFF, s25;
	s24 =	simm.s32 $0x100;
	[sflag:s4] =	ssyncset.done $0x0  }
.LBB2_10:
0x123: {  	p2 =	sne.s32 s2, $0x1;
	s10 =	sadd.s32 $0x140C0, s24;
	[sflag:s4] =	ssyncadd.s32 $0xFFFFE000  }
0x124: {  	[tilespmem:s19], [sflag:$0x4] =	stream.indirect.gather [hbm4b:s1+s8], $0x80, s10, s8, $0xb8;
	[tilespmem:$0x1E800] =	vst v63  }
0x125: {  	s2 =	sadd.s32 $0xFFFFFFFF, s2;
	_ =	swait.ge [sflag:s20], $0x2000  }
0x126: {  	[sflag:s20] =	ssyncset.done $0x0  }
0x127: {  	s10 =	sadd.s32 $0x15400, s24;
	[sflag:s20] =	ssyncadd.s32 $0xFFFFE000  }
0x128: {  	[spmem:s3] =	stream.indirect.scatter.add.f32 [tilespmem:s0], [sflag:$0x5], $0x80, s10, s8, $0xb8;
	[tilespmem:$0x1E800] =	vst v63  }
0x129: {  	_ =	swait.ge [sflag:s4], $0x2000  }
0x12a: {  	[sflag:s4] =	ssyncset.done $0x0  }
0x12b: {  	s10 =	sadd.s32 $0x14100, s24;
	[sflag:s4] =	ssyncadd.s32 $0xFFFFE000  }
0x12c: {  	[tilespmem:s0], [sflag:$0x1] =	stream.indirect.gather [hbm4b:s1+s8], $0x80, s10, s8, $0xb8;
	[tilespmem:$0x1E800] =	vst v63  }
0x12d: {  	_ =	swait.ge [sflag:s21], $0x2000  }
0x12e: {  	[sflag:s21] =	ssyncset.done $0x0  }
0x12f: {  	s10 =	sadd.s32 $0x15440, s24;
	[sflag:s21] =	ssyncadd.s32 $0xFFFFE000  }
0x130: {  	[spmem:s3] =	stream.indirect.scatter.add.f32 [tilespmem:s11], [sflag:$0x5], $0x80, s10, s8, $0xb8;
	[tilespmem:$0x1E800] =	vst v63  }
0x131: {  	_ =	swait.ge [sflag:s4], $0x2000  }
0x132: {  	[sflag:s4] =	ssyncset.done $0x0  }
0x133: {  	s10 =	sadd.s32 $0x14140, s24;
	[sflag:s4] =	ssyncadd.s32 $0xFFFFE000  }
0x134: {  	[tilespmem:s11], [sflag:$0x2] =	stream.indirect.gather [hbm4b:s1+s8], $0x80, s10, s8, $0xb8;
	[tilespmem:$0x1E800] =	vst v63  }
0x135: {  	_ =	swait.ge [sflag:s22], $0x2000  }
0x136: {  	[sflag:s22] =	ssyncset.done $0x0  }
0x137: {  	s10 =	sadd.s32 $0x15480, s24;
	[sflag:s22] =	ssyncadd.s32 $0xFFFFE000  }
0x138: {  	[spmem:s3] =	stream.indirect.scatter.add.f32 [tilespmem:s18], [sflag:$0x5], $0x80, s10, s8, $0xb8;
	[tilespmem:$0x1E800] =	vst v63  }
0x139: {  	_ =	swait.ge [sflag:s4], $0x2000  }
0x13a: {  	[sflag:s4] =	ssyncset.done $0x0  }
0x13b: {  	s10 =	sadd.s32 $0x14180, s24;
	[sflag:s4] =	ssyncadd.s32 $0xFFFFE000  }
0x13c: {  	[tilespmem:s18], [sflag:$0x3] =	stream.indirect.gather [hbm4b:s1+s8], $0x80, s10, s8, $0xb8;
	[tilespmem:$0x1E800] =	vst v63  }
0x13d: {  	_ =	swait.ge [sflag:s6], $0x2000  }
.Ltmp6:
0x13e: {  	[sflag:s6] =	ssyncset.done $0x0;
	(pc) =	sbr.rel @p2 .LBB2_10-.Ltmp6, $4  }
0x13f: {  	s10 =	sadd.s32 $0x154C0, s24;
	[sflag:s6] =	ssyncadd.s32 $0xFFFFE000  }
0x140: {  	[spmem:s3] =	stream.indirect.scatter.add.f32 [tilespmem:s19], [sflag:$0x5], $0x80, s10, s8, $0xb8;
	[tilespmem:$0x1E800] =	vst v63  }
0x141: {  	s9 =	sadd.s32 $0x400, s9;
	_ =	swait.ge [sflag:s4], $0x2000  }
0x142: {  	s24 =	sshra.s32 s9, $0x2;
	[sflag:s4] =	ssyncset.done $0x0  }
.LBB2_11:
0x143: {  	s2 =	sadd.s32 $0x140C0, s24;
	[sflag:s4] =	ssyncadd.s32 @p1 $0xFFFFE000  }
0x144: {  	[tilespmem:s19], [sflag:$0x4] =	stream.indirect.gather [hbm4b:s1+s8], $0x80, s2, s8, $0xb8;
	[tilespmem:$0x1E800] =	vst v63  }
0x145: {  	_ =	swait.ge [sflag:s20], $0x2000  }
0x146: {  	[sflag:s20] =	ssyncset.done $0x0  }
0x147: {  	s31 =	sadd.s32 $0x15400, s24;
	[sflag:s20] =	ssyncadd.s32 $0xFFFFE000  }
0x148: {  	[spmem:s3] =	stream.indirect.scatter.add.f32 [tilespmem:s0], [sflag:$0x5], $0x80, s31, s8, $0xb8;
	[tilespmem:$0x1E800] =	vst v63  }
0x149: {  	_ =	swait.ge [sflag:s4], $0x2000  }
0x14a: {  	[sflag:s4] =	ssyncset.done $0x0  }
0x14b: {  	s9 =	sadd.s32 $0x14100, s24;
	[sflag:s4] =	ssyncadd.s32 $0xFFFFE000  }
0x14c: {  	[tilespmem:s0], [sflag:$0x1] =	stream.indirect.gather [hbm4b:s1+s8], $0x80, s9, s8, $0xb8;
	[tilespmem:$0x1E800] =	vst v63  }
0x14d: {  	_ =	swait.ge [sflag:s21], $0x2000  }
0x14e: {  	[sflag:s21] =	ssyncset.done $0x0  }
0x14f: {  	s10 =	sadd.s32 $0x15440, s24;
	[sflag:s21] =	ssyncadd.s32 $0xFFFFE000  }
0x150: {  	[spmem:s3] =	stream.indirect.scatter.add.f32 [tilespmem:s11], [sflag:$0x5], $0x80, s10, s8, $0xb8;
	[tilespmem:$0x1E800] =	vst v63  }
0x151: {  	_ =	swait.ge [sflag:s4], $0x2000  }
0x152: {  	[sflag:s4] =	ssyncset.done $0x0  }
0x153: {  	s12 =	sadd.s32 $0x14140, s24;
	[sflag:s4] =	ssyncadd.s32 $0xFFFFE000  }
0x154: {  	[tilespmem:s11], [sflag:$0x2] =	stream.indirect.gather [hbm4b:s1+s8], $0x80, s12, s8, $0xb8;
	[tilespmem:$0x1E800] =	vst v63  }
0x155: {  	_ =	swait.ge [sflag:s22], $0x2000  }
0x156: {  	[sflag:s22] =	ssyncset.done $0x0  }
0x157: {  	s17 =	sadd.s32 $0x15480, s24;
	[sflag:s22] =	ssyncadd.s32 $0xFFFFE000  }
0x158: {  	[spmem:s3] =	stream.indirect.scatter.add.f32 [tilespmem:s18], [sflag:$0x5], $0x80, s17, s8, $0xb8;
	[tilespmem:$0x1E800] =	vst v63  }
0x159: {  	_ =	swait.ge [sflag:s4], $0x2000  }
0x15a: {  	[sflag:s4] =	ssyncset.done $0x0  }
0x15b: {  	s25 =	sadd.s32 $0x14180, s24;
	[sflag:s4] =	ssyncadd.s32 $0xFFFFE000  }
0x15c: {  	[tilespmem:s18], [sflag:$0x3] =	stream.indirect.gather [hbm4b:s1+s8], $0x80, s25, s8, $0xb8;
	[tilespmem:$0x1E800] =	vst v63  }
0x15d: {  	_ =	swait.ge [sflag:s6], $0x2000  }
0x15e: {  	[sflag:s6] =	ssyncset.done $0x0  }
0x15f: {  	s26 =	sadd.s32 $0x154C0, s24;
	[sflag:s6] =	ssyncadd.s32 $0xFFFFE000  }
0x160: {  	[spmem:s3] =	stream.indirect.scatter.add.f32 [tilespmem:s19], [sflag:$0x5], $0x80, s26, s8, $0xb8;
	[tilespmem:$0x1E800] =	vst v63  }
0x161: {  	_ =	swait.ge [sflag:s4], $0x2000  }
0x162: {  	[sflag:s4] =	ssyncset.done $0x0  }
0x163: {  	[sflag:s4] =	ssyncadd.s32 $0xFFFFE000  }
0x164: {  	[tilespmem:s19], [sflag:$0x4] =	stream.indirect.gather [hbm4b:s1+s8], $0x80, s13, s8, $0xb8;
	[tilespmem:$0x1E800] =	vst v63  }
0x165: {  	_ =	swait.ge [sflag:s20], $0x2000  }
0x166: {  	[sflag:s20] =	ssyncset.done $0x0  }
0x167: {  	[sflag:s20] =	ssyncadd.s32 $0xFFFFE000  }
0x168: {  	[spmem:s3] =	stream.indirect.scatter.add.f32 [tilespmem:s0], [sflag:$0x5], $0x80, s14, s8, $0xb8;
	[tilespmem:$0x1E800] =	vst v63  }
0x169: {  	_ =	swait.ge [sflag:s4], $0x2000  }
0x16a: {  	[sflag:s4] =	ssyncset.done $0x0  }
0x16b: {  	[sflag:s4] =	ssyncadd.s32 $0xFFFFE000  }
0x16c: {  	_ =	swait.ge [sflag:s21], $0x2000  }
0x16d: {  	[sflag:s21] =	ssyncset.done $0x0  }
0x16e: {  	[sflag:s21] =	ssyncadd.s32 $0xFFFFE000  }
0x16f: {  	[spmem:s3] =	stream.indirect.scatter.add.f32 [tilespmem:s11], [sflag:$0x5], $0x80, s15, s8, $0xb8;
	[tilespmem:$0x1E800] =	vst v63  }
0x170: {  	_ =	swait.ge [sflag:s4], $0x2000  }
0x171: {  	[sflag:s4] =	ssyncset.done $0x0  }
0x172: {  	[sflag:s4] =	ssyncadd.s32 $0xFFFFE000  }
0x173: {  	_ =	swait.ge [sflag:s22], $0x2000  }
0x174: {  	[sflag:s22] =	ssyncset.done $0x0  }
0x175: {  	[sflag:s22] =	ssyncadd.s32 $0xFFFFE000  }
0x176: {  	[spmem:s3] =	stream.indirect.scatter.add.f32 [tilespmem:s18], [sflag:$0x5], $0x80, s7, s8, $0xb8;
	[tilespmem:$0x1E800] =	vst v63  }
0x177: {  	_ =	swait.ge [sflag:s4], $0x2000  }
0x178: {  	[sflag:s4] =	ssyncset.done $0x0  }
0x179: {  	[sflag:s4] =	ssyncadd.s32 $0xFFFFE000  }
0x17a: {  	_ =	swait.ge [sflag:s6], $0x2000  }
0x17b: {  	[sflag:s6] =	ssyncset.done $0x0  }
0x17c: {  	[sflag:s6] =	ssyncadd.s32 $0xFFFFE000  }
0x17d: {  	[spmem:s3] =	stream.indirect.scatter.add.f32 [tilespmem:s19], [sflag:$0x5], $0x80, s16, s8, $0xb8;
	[tilespmem:$0x1E800] =	vst v63  }
0x17e: {  	_ =	swait.ge [sflag:s4], $0x2000  }
0x17f: {  	[sflag:s4] =	ssyncset.done $0x0  }
0x180: {  	s28 =	stileid.u32;
	[sflag:s4] =	ssyncadd.s32 $0xFFFFE000  }
0x181: {  	s2 =	sshll.u32 s28, $0x6;
	[bflag:$0x0] =	sbarrier.arrive $0xFFFF  }
0x182: {  	s2 =	sor.u32 $0x1C05, s2;
	s9 =	sshrl.u32 s5, $0x3;
	s10 =	rddreg [dreg:$0xd]  }
0x183: {  	[hbm:s10], [sflag:s2] =	dma.local [spmem:s9], $0x2800  }
0x184: {  	_ =	swait.ge [sflag:s4], $0x2800  }
0x185: {  	s23 =	sadd.s32 $0x1, s23;
	s31 =	rddreg [dreg:$0xe]  }
0x186: {  	p1 =	sne.s32 s23, s31  }
.Ltmp7:
0x187: {  	_ = 	snop;
	(pc) =	sbr.rel @p1 .LBB2_1-.Ltmp7, $4  }
.Ltmp8:
0x188: {  	_ = 	snop;
	(pc) =	sbr.rel @!p1 .LBB2_12-.Ltmp8, $4  }
0x189: {  	_ = 	snop  }
0x18a: {  	[sflag:s4] =	ssyncset.done $0x0  }
0x18b: {  	[sflag:s4] =	ssyncadd.s32 $0xFFFFD800  }
0x18c: {  	_ = 	snop  }
.LBB2_5:
.Ltmp9:
0x18d: {  	(pc) =	sbr.rel .LBB2_8-.Ltmp9, $4  }
0x18e: {  	_ = 	snop  }
0x18f: {  	s13 =	smov.u32 s15  }
0x190: {  	s14 =	smov.u32 s16;
	s15 =	smov.u32 s7;
	s7 =	smov.u32 s29  }
0x191: {  	s16 =	smov.u32 s30;
	s29 =	simm.s32 $0x14000;
	s30 =	simm.s32 $0x14040  }
.LBB2_12:
0x192: {  	_ =	sfence.sel $0x180000  }
0x193: {  	[bflag:$0x0] =	sbarrier.arrive $0xFFFF  }
0x194: {  	_ =	strace $0x9000004D  }
0x195: {  	s0 =	stileid.u32;
	[bflag:$0x2] =	sbarrier.arrive $0xFFFF  }
0x196: {  	p0 =	sne.s32 s0, $0x0;
	s0 =	rddreg [dreg:$0x3]  }
0x197: {  	s0 =	sadd.s32 @!p0 $0x100000, s0  }
0x198: {  	[sflag:s0] =	ssyncadd.tile.s32 @!p0 $0x1;
	_ =	shalt  }
.Lfunc_end2:
_tile_overlayer_lowered:
.L_overlay_start_2:
0x199: {  	(tag) =	ssettag $0x2  }
0x19a: {  	s0 =	rddreg [dreg:$0x0];
	s2 =	stileid.u32  }
0x19b: {  	s1 =	rddreg [dreg:$0x1];
	p0 =	sne.s32 s2, $0x0  }
0x19c: {  	s3 =	rddreg [dreg:$0x2];
	[bflag:$0x3] =	sbarrier.arrive $0xFFFF;
	s2 =	simm.s32 @!p0 $0x1C05  }
0x19d: {  	[timem:s3], [sflag:s2] =	dma.local @!p0 [hbm:s0], s1  }
0x19e: {  	s0 =	simm.s32 @!p0 $0x5  }
0x19f: {  	_ =	swait.ge @!p0 [sflag:s0], s1  }
0x1a0: {  	s1 =	ssub.s32 @!p0 $0x0, s1;
	[sflag:s0] =	ssyncset.done @!p0 $0x0  }
0x1a1: {  	[sflag:s0] =	ssyncadd.s32 @!p0 s1  }
0x1a2: {  	[bflag:$0x3] =	sbarrier.arrive $0xFFFF  }
0x1a3: {  	_ =	shalt  }

// kernel: kernel.8.cloned.1.call-start
scs
__scs_entry_jumppad:
0x0: {  	(pc) =	sbr.rel $0x88, $3  }
0x1: {  	(tag) =	ssettag $0x0;
	lr =	simm.s32 $0x1  }
0x2: {  	[smem:$0x3F9B] =	sst lr;
	_ =	strace $0xD0000000  }
0x3: {  	_ = 	snop  }
0x4: {  	_ = 	snop  }
0x5: {  	_ = 	snop  }
0x6: {  	_ = 	snop  }
0x7: {  	_ = 	snop  }
__scs_overlays_trampoline_lowered:
0x8: {  	[smem:$0x3FAA] =	sst s0  }
0x9: {  	[smem:$0x3FAB] =	sst s1  }
0xa: {  	[smem:$0x3FAC] =	sst s2  }
0xb: {  	[smem:$0x3FAD] =	sst s3  }
0xc: {  	[smem:$0x3FAE] =	sst s4  }
0xd: {  	[smem:$0x3FAF] =	sst s5  }
0xe: {  	[smem:$0x3FB0] =	sst s6  }
0xf: {  	[smem:$0x3FB1] =	sst s7  }
0x10: {  	[smem:$0x3FB2] =	sst s8  }
0x11: {  	[smem:$0x3FB3] =	sst s9;
	s0 =	simm.s32 @!p0 $0x0  }
0x12: {  	s1 =	sld [smem:$0x3F99];
	s0 =	simm.s32 @p0 $0x1  }
0x13: {  	[smem:$0x3FB4] =	sst s0;
	s0 =	simm.s32 @!p1 $0x0  }
0x14: {  	s2 =	sld [smem:$0x3F98];
	s0 =	simm.s32 @p1 $0x1  }
0x15: {  	[smem:$0x3FB5] =	sst s0;
	s0 =	simm.s32 @!p2 $0x0  }
0x16: {  	s3 =	sld [smem:$0x3FDB];
	s0 =	simm.s32 @p2 $0x1  }
0x17: {  	s4 =	simm.s32 $0x1BF5;
	[smem:$0x3FB7] =	sst s0  }
0x18: {  	s0 =	sld [smem:$0x3F9A];
	_ =	swait.ge [sflag:s4], $0x0  }
0x19: {  	s7 =	sld [smem:$0x3F9B]  }
0x1a: {  	s8 =	sadd.s32 $0xFFFFE003, lr  }
0x1b: {  	s9 =	sadd.s32 $0xFFFFFEF7, lr;
	s5 =	simm.s32 $0xFFFFFFFF;
	p2 =	slt.u32 s8, $0xFFFFF086  }
0x1c: {  	p1 =	slt.u32 s9, $0xF7A;
	s5 =	simm.s32 @!p2 $0x0  }
0x1d: {  	s5 =	simm.s32 @p1 $0x1;
	p0 =	seq.s32 s7, s2  }
0x1e: {  	s7 =	smul.u32 @!p0 $0xF7A, s2;
	p2 =	seq.s32 @!p0 s5, $0x0  }
0x1f: {  	s9 =	smul.u32 $0xF7A, s1;
	s8 =	simm.s32 @!p0 $0x1BF5;
	p2 =	por !p2, p0  }
0x20: {  	[sflag:s8] =	ssyncset.s32 @!p0 $0xFFFFF086;
	s6 =	sadd.s32 @!p0 s3, s7;
	s7 =	simm.s32 @!p0 $0x108  }
0x21: {  	s3 =	sadd.s32 s3, s9;
	s6 =	sadd.s32 @!p0 $0x88, s6;
	s7 =	simm.s32 @p2 $0x1082  }
0x22: {  	[simem:s7], [sflag:s8] =	dma.local @!p0 [hbm:s6], $0xF7A  }
0x23: {  	s9 =	sor.u32 $0xD0000000, s2;
	s6 =	simm.s32 $0x108;
	_ =	swait.ge @!p0 [sflag:s8], $0x0  }
0x24: {  	s3 =	sadd.s32 $0x88, s3;
	s6 =	simm.s32 @!p1 $0x1082;
	[sflag:s4] =	ssyncset.s32 $0xFFFFF086  }
0x25: {  	[simem:s6], [sflag:s4] =	dma.local [hbm:s3], $0xF7A  }
0x26: {  	[smem:$0x3F9B] =	sst s1;
	(tag) =	ssettag s2;
	_ =	strace s9  }
0x27: {  	s1 =	sld [smem:$0x3FAB]  }
0x28: {  	s2 =	sld [smem:$0x3FAC]  }
0x29: {  	s4 =	sld [smem:$0x3FAE]  }
0x2a: {  	p0 =	seq.s32 s5, $0x0;
	s5 =	sld [smem:$0x3FAF]  }
0x2b: {  	s6 =	sld [smem:$0x3FB0]  }
0x2c: {  	s7 =	sld [smem:$0x3FB1]  }
0x2d: {  	s3 =	simm.s32 $0x108;
	s8 =	sld [smem:$0x3FB2]  }
0x2e: {  	s3 =	simm.s32 @!p0 $0x1082;
	s9 =	sld [smem:$0x3FB3]  }
0x2f: {  	lr =	sadd.s32 s0, s3;
	s0 =	sld [smem:$0x3FAA]  }
0x30: {  	s3 =	sld [smem:$0x3FAD]  }
0x31: {  	[smem:$0x3FB6] =	sst s10  }
0x32: {  	s10 =	sld [smem:$0x3FB4];
	_ =	sdelay $0x3  }
0x33: {  	p0 =	seq.s32 s10, $0x1;
	s10 =	sld [smem:$0x3FB6];
	_ =	sdelay $0x3  }
0x34: {  	[smem:$0x3FB6] =	sst s10  }
0x35: {  	s10 =	sld [smem:$0x3FB5];
	_ =	sdelay $0x3  }
0x36: {  	p1 =	seq.s32 s10, $0x1;
	s10 =	sld [smem:$0x3FB6];
	_ =	sdelay $0x3  }
0x37: {  	[smem:$0x3FB6] =	sst s10  }
0x38: {  	s10 =	sld [smem:$0x3FB7]  }
0x39: {  	_ = 	snop;
	(pc) =	sbr.ind lr, $3  }
0x3a: {  	_ = 	snop  }
0x3b: {  	_ = 	snop  }
0x3c: {  	p2 =	seq.s32 s10, $0x1;
	s10 =	sld [smem:$0x3FB6]  }
0x3d: {  	_ =	shalt  }
0x3e: {  	_ =	shalt  }
0x3f: {  	_ =	shalt  }
0x40: {  	_ =	shalt  }
0x41: {  	_ =	shalt  }
0x42: {  	_ =	shalt  }
0x43: {  	_ =	shalt  }
0x44: {  	_ =	shalt  }
0x45: {  	_ =	shalt  }
0x46: {  	_ =	shalt  }
0x47: {  	_ =	shalt  }
0x48: {  	_ =	shalt  }
0x49: {  	_ =	shalt  }
0x4a: {  	_ =	shalt  }
0x4b: {  	_ =	shalt  }
0x4c: {  	_ =	shalt  }
0x4d: {  	_ =	shalt  }
0x4e: {  	_ =	shalt  }
0x4f: {  	_ =	shalt  }
0x50: {  	_ =	shalt  }
0x51: {  	_ =	shalt  }
0x52: {  	_ =	shalt  }
0x53: {  	_ =	shalt  }
0x54: {  	_ =	shalt  }
0x55: {  	_ =	shalt  }
0x56: {  	_ =	shalt  }
0x57: {  	_ =	shalt  }
0x58: {  	_ =	shalt  }
0x59: {  	_ =	shalt  }
0x5a: {  	_ =	shalt  }
0x5b: {  	_ =	shalt  }
0x5c: {  	_ =	shalt  }
0x5d: {  	_ =	shalt  }
0x5e: {  	_ =	shalt  }
0x5f: {  	_ =	shalt  }
0x60: {  	_ =	shalt  }
0x61: {  	_ =	shalt  }
0x62: {  	_ =	shalt  }
0x63: {  	_ =	shalt  }
0x64: {  	_ =	shalt  }
0x65: {  	_ =	shalt  }
0x66: {  	_ =	shalt  }
0x67: {  	_ =	shalt  }
0x68: {  	_ =	shalt  }
0x69: {  	_ =	shalt  }
0x6a: {  	_ =	shalt  }
0x6b: {  	_ =	shalt  }
0x6c: {  	_ =	shalt  }
0x6d: {  	_ =	shalt  }
0x6e: {  	_ =	shalt  }
0x6f: {  	_ =	shalt  }
0x70: {  	_ =	shalt  }
0x71: {  	_ =	shalt  }
0x72: {  	_ =	shalt  }
0x73: {  	_ =	shalt  }
0x74: {  	_ =	shalt  }
0x75: {  	_ =	shalt  }
0x76: {  	_ =	shalt  }
0x77: {  	_ =	shalt  }
0x78: {  	_ =	shalt  }
0x79: {  	_ =	shalt  }
0x7a: {  	_ =	shalt  }
0x7b: {  	_ =	shalt  }
0x7c: {  	_ =	shalt  }
0x7d: {  	_ =	shalt  }
0x7e: {  	_ =	shalt  }
0x7f: {  	_ =	shalt  }
0x80: {  	_ =	shalt  }
0x81: {  	_ =	shalt  }
0x82: {  	_ =	shalt  }
0x83: {  	_ =	shalt  }
0x84: {  	_ =	shalt  }
0x85: {  	_ =	shalt  }
0x86: {  	_ =	shalt  }
0x87: {  	_ =	shalt  }
.Lfunc_end0:
.L_simem_size_0:
called_computation_lowered:
.L_overlay_start_0:
0x88: {  	s2 =	sld [smem:$0x3FD9]  }
0x89: {  	s3 =	sld [smem:$0x3FFE];
	_ =	sdelay $0x1  }
0x8a: {  	s1 =	srdreg.scid  }
0x8b: {  	s0 =	sand.u32 $0x1, s1  }
0x8c: {  	s17 =	sshll.u32 s0, $0xA;
	s2 =	sadd.s32 s3, s2  }
0x8d: {  	s2 =	sadd.s32 s2, s17  }
0x8e: {  	[smem:$0x3FC2] =	sst s2  }
0x8f: {  	_ = 	snop  }
0x90: {  	s2 =	sld [smem:$0x3FD0];
	(tm) =	ssettm $0x1  }
0x91: {  	s18 =	sld [smem:$0x3FFB];
	_ =	sdelay $0x3  }
0x92: {  	_ =	strace s18  }
0x93: {  	s3 =	sld [smem:$0x3FFC];
	_ =	sdelay $0x3  }
0x94: {  	_ =	strace s3  }
0x95: {  	s3 =	sld [smem:$0x3FFD];
	_ =	sdelay $0x3  }
0x96: {  	_ =	strace s3  }
0x97: {  	_ =	strace $0x8FFFFFFF  }
0x98: {  	s19 =	sld [smem:$0x3FDB];
	_ =	sdelay $0x1  }
0x99: {  	s4 =	simm.s32 $_scs_section_size  }
0x9a: {  	s5 =	simm.s32 $_size__tile_overlayer_lowered;
	s6 =	simm.s32 $_tile_overlayer_lowered  }
0x9b: {  	s22 =	simm.s32 $0x1BFF;
	s21 =	sshll.u32 s6, $0x1;
	s3 =	sadd.s32 s4, s19  }
0x9c: {  	s7 =	simm.s32 $0x0;
	s20 =	sshll.u32 s5, $0x1;
	s5 =	sadd.s32 s21, s3  }
0x9d: {  	[timem:s7], [sflag:s22] =	dma.local [hbm:s5], s20  }
0x9e: {  	_ =	swait.ge [sflag:s22], s20  }
0x9f: {  	s4 =	ssub.s32 $0x0, s20;
	[sflag:s22] =	ssyncset.done $0x0  }
0xa0: {  	[sflag:s22] =	ssyncadd.s32 s4;
	_ =	sdelay $0x1  }
0xa1: {  	s23 =	simm.s32 $0x1B8B  }
0xa2: {  	_ =	swait.ge [sflag:s23], $0x1  }
0xa3: {  	[sflag:s23] =	ssyncset.done $0x0  }
0xa4: {  	s25 =	simm.s32 $0x1B8E;
	s24 =	sld [smem:$0x3FFE];
	[sflag:s23] =	ssyncadd.s32 $0xFFFFFFFF  }
0xa5: {  	s26 =	simm.s32 $execute0_lowered;
	[smem:$0x3FD2] =	sst s25  }
0xa6: {  	s5 =	sshll.u32 s26, $0x1;
	_ =	strace $0x80000046;
	[dreg:$0x1] =	wrdreg $0xFFFFFFFF  }
0xa7: {  	s28 =	simm.s32 $_size_execute0_lowered;
	s3 =	sadd.s32 s3, s5;
	[dreg:$0x0] =	wrdreg $0x0  }
0xa8: {  	s5 =	sshll.u32 s28, $0x1;
	[dreg:$0x2] =	wrdreg s3  }
0xa9: {  	[dreg:$0x3] =	wrdreg s5  }
0xaa: {  	[dreg:$0x4] =	wrdreg $0xC0  }
0xab: {  	_ =	task [dreg:s7], $0x5FFFF  }
0xac: {  	[dreg:$0x1] =	wrdreg $0xFFFFFFFF  }
0xad: {  	[dreg:$0x0] =	wrdreg $0x60  }
0xae: {  	[dreg:$0x2] =	wrdreg s24  }
0xaf: {  	[dreg:$0x3] =	wrdreg s2  }
0xb0: {  	[dreg:$0x4] =	wrdreg $0x0  }
0xb1: {  	[dreg:$0x5] =	wrdreg $0x9  }
0xb2: {  	_ =	task.clear_ibuf [dreg:s7], $0x6FFFF;
	_ =	strace $0x90000046  }
0xb3: {  	s29 =	simm.s32 $0x9;
	_ =	strace $0x80000048  }
0xb4: {  	_ =	swait.ge [sflag:s29], $0x1  }
0xb5: {  	[sflag:s29] =	ssyncadd.s32 $0xFFFFFFFF  }
0xb6: {  	_ =	strace $0x90000048  }
0xb7: {  	_ =	sfence  }
0xb8: {  	s30 =	sld [smem:$0x0];
	_ =	sdelay $0x2  }
0xb9: {  	s31 =	sshll.u32 s1, $0xD;
	s1 =	sshrl.u32 s1, $0x2  }
0xba: {  	s3 =	sand.u32 $0x4000, s31;
	s1 =	sadd.s32 s1, s30  }
0xbb: {  	s0 =	sor.u32 s3, s0;
	s1 =	sshll.u32 s1, $0x11  }
0xbc: {  	s0 =	sor.u32 s1, s0  }
0xbd: {  	s0 =	sadd.s32 $0x8F2B, s0  }
0xbe: {  	[sflag:s0] =	ssyncadd.remote.s32 $0x1  }
0xbf: {  	_ =	sfence.sel $0xFFFF  }
0xc0: {  	[dreg:$0x0] =	wrdreg $0xFFFFFFFF;
	(pc) =	sbr.abs _section_cstart, $3  }
0xc1: {  	[dreg:$0x1] =	wrdreg $0xFFFFFFFF  }
0xc2: {  	_ =	task.clear_ibuf [dreg:s7], $0x2FFFF;
	_ =	strace $0x9FFFFFFF  }
0xc3: {  	(tm) =	ssettm $0x7FFFFFFF  }
tec
execute0_lowered:
.L_overlay_start_1:
0x0: {  	(tag) =	ssettag $0x1  }
0x1: {  	s6 =	rddreg [dreg:$0x0]  }
0x2: {  	s7 =	rddreg [dreg:$0x1]  }
0x3: {  	s2 =	rddreg [dreg:$0x2]  }
0x4: {  	s0 =	rddreg [dreg:$0x3]  }
0x5: {  	s4 =	srdreg.scid;
	s1 =	stileid.u32  }
0x6: {  	s3 =	simm.s32 $0x0;
	s15 =	simm.s32 $0x20;
	s16 =	simm.s32 $0x10  }
0x7: {  	s4 =	sand.u32 $0x1, s4;
	s5 =	sshll.u32 s1, $0x1;
	s29 =	smul.u32 $0xA00, s1  }
0x8: {  	[smem:$0x7FF] =	sst s3;
	s30 =	smul.u32 $0x500, s1;
	s13 =	sshll.u32 s1, $0x6  }
0x9: {  	s8 =	ssub.s32 $0x2, s4;
	s9 =	sor.u32 s4, s5;
	_ =	strace $0x80000047  }
0xa: {  	s12 =	sshll.u32 s4, $0x7;
	s13 =	sor.u32 $0x1C01, s13;
	s10 =	sshrl.u32 s8, $0x1  }
0xb: {  	s11 =	smul.u32 $0x2800, s9;
	s5 =	sshrl.u32 s29, $0x2;
	p0 =	seq.s32 s9, $0x1F  }
0xc: {  	s9 =	simm.s32 $0x2C80;
	s8 =	ssub.s32 s8, s10;
	s4 =	sadd.s32 s5, s2  }
0xd: {  	s10 =	sor.u32 s12, s30;
	s12 =	simm.s32 $0x2A80;
	s11 =	sshrl.u32 s11, $0x3  }
0xe: {  	s10 =	sshrl.u32 s10, $0x3;
	s8 =	smax.u32 s8, $0x1;
	s14 =	sshrl.u32 s4, $0x3  }
0xf: {  	s31 =	sadd.s32 s6, s11;
	s6 =	sadd.s32 $0x15D40, s6;
	s7 =	sadd.s32 s7, s10  }
0x10: {  	v0 =	vimm.f32 $1.000000000e+00;
	v1 =	vimm.f32 $0.0e+00;
	s10 =	simm.s32 $0x1;
	s11 =	simm.s32 $0x200;
	s5 =	sadd.s32 $0xC240, s31  }
.LBB2_1:
0x11: {  	[tilespmem:$0x2A80] =	vst v0  }
0x12: {  	[tilespmem:$0x2A90] =	vst v0  }
0x13: {  	[tilespmem:$0x2AA0] =	vst v0  }
0x14: {  	[tilespmem:$0x2AB0] =	vst v0  }
0x15: {  	[tilespmem:$0x2AC0] =	vst v0  }
0x16: {  	[tilespmem:$0x2AD0] =	vst v0  }
0x17: {  	[tilespmem:$0x2AE0] =	vst v0  }
0x18: {  	[tilespmem:$0x2AF0] =	vst v0  }
0x19: {  	[tilespmem:$0x2B00] =	vst v0  }
0x1a: {  	[tilespmem:$0x2B10] =	vst v0  }
0x1b: {  	[tilespmem:$0x2B20] =	vst v0  }
0x1c: {  	[tilespmem:$0x2B30] =	vst v0  }
0x1d: {  	[tilespmem:$0x2B40] =	vst v0  }
0x1e: {  	[tilespmem:$0x2B50] =	vst v0  }
0x1f: {  	[tilespmem:$0x2B60] =	vst v0  }
0x20: {  	[tilespmem:$0x2B70] =	vst v0  }
0x21: {  	[tilespmem:$0x2B80] =	vst v0  }
0x22: {  	[tilespmem:$0x2B90] =	vst v0  }
0x23: {  	[tilespmem:$0x2BA0] =	vst v0  }
0x24: {  	[tilespmem:$0x2BB0] =	vst v0  }
0x25: {  	[tilespmem:$0x2BC0] =	vst v0  }
0x26: {  	[tilespmem:$0x2BD0] =	vst v0  }
0x27: {  	[tilespmem:$0x2BE0] =	vst v0  }
0x28: {  	[tilespmem:$0x2BF0] =	vst v0  }
0x29: {  	[tilespmem:$0x2C00] =	vst v0  }
0x2a: {  	[tilespmem:$0x2C10] =	vst v0  }
0x2b: {  	[tilespmem:$0x2C20] =	vst v0  }
0x2c: {  	[tilespmem:$0x2C30] =	vst v0  }
0x2d: {  	[tilespmem:$0x2C40] =	vst v0  }
0x2e: {  	[tilespmem:$0x2C50] =	vst v0  }
0x2f: {  	[tilespmem:$0x2C60] =	vst v0  }
0x30: {  	[tilespmem:$0x2C70] =	vst v0  }
0x31: {  	[tilespmem:$0x2C80] =	vst v1  }
0x32: {  	[tilespmem:$0x2C90] =	vst v1  }
0x33: {  	[tilespmem:$0x2CA0] =	vst v1  }
0x34: {  	[tilespmem:$0x2CB0] =	vst v1  }
0x35: {  	[tilespmem:$0x2CC0] =	vst v1  }
0x36: {  	[tilespmem:$0x2CD0] =	vst v1  }
0x37: {  	[tilespmem:$0x2CE0] =	vst v1  }
0x38: {  	[tilespmem:$0x2CF0] =	vst v1  }
0x39: {  	[tilespmem:$0x2D00] =	vst v1  }
0x3a: {  	[tilespmem:$0x2D10] =	vst v1  }
0x3b: {  	[tilespmem:$0x2D20] =	vst v1  }
0x3c: {  	[tilespmem:$0x2D30] =	vst v1  }
0x3d: {  	[tilespmem:$0x2D40] =	vst v1  }
0x3e: {  	[tilespmem:$0x2D50] =	vst v1  }
0x3f: {  	[tilespmem:$0x2D60] =	vst v1  }
0x40: {  	[tilespmem:$0x2D70] =	vst v1  }
0x41: {  	[tilespmem:$0x2D80] =	vst v1  }
0x42: {  	[tilespmem:$0x2D90] =	vst v1  }
0x43: {  	[tilespmem:$0x2DA0] =	vst v1  }
0x44: {  	[tilespmem:$0x2DB0] =	vst v1  }
0x45: {  	[tilespmem:$0x2DC0] =	vst v1  }
0x46: {  	[tilespmem:$0x2DD0] =	vst v1  }
0x47: {  	[tilespmem:$0x2DE0] =	vst v1  }
0x48: {  	[tilespmem:$0x2DF0] =	vst v1  }
0x49: {  	[tilespmem:$0x2E00] =	vst v1  }
0x4a: {  	[tilespmem:$0x2E10] =	vst v1  }
0x4b: {  	[tilespmem:$0x2E20] =	vst v1  }
0x4c: {  	[tilespmem:$0x2E30] =	vst v1  }
0x4d: {  	[tilespmem:$0x2E40] =	vst v1  }
0x4e: {  	[tilespmem:$0x2E50] =	vst v1  }
0x4f: {  	[tilespmem:$0x2E60] =	vst v1  }
0x50: {  	[tilespmem:$0x2E70] =	vst v1  }
0x51: {  	[tilespmem:$0x2E80] =	vst v1  }
0x52: {  	[tilespmem:$0x2E90] =	vst v1  }
0x53: {  	[tilespmem:$0x2EA0] =	vst v1  }
0x54: {  	[tilespmem:$0x2EB0] =	vst v1  }
0x55: {  	[tilespmem:$0x2EC0] =	vst v1  }
0x56: {  	[tilespmem:$0x2ED0] =	vst v1  }
0x57: {  	[tilespmem:$0x2EE0] =	vst v1  }
0x58: {  	[tilespmem:$0x2EF0] =	vst v1  }
0x59: {  	[spmem:s4] =	stream.linear.scatter [tilespmem:s9], [sflag:$0x1], $0x280, $0x38;
	[tilespmem:$0x2F00] =	vst v63  }
0x5a: {  	_ =	swait.ge [sflag:s10], $0x280  }
0x5b: {  	[sflag:s10] =	ssyncset.done $0x0  }
0x5c: {  	[sflag:s10] =	ssyncadd.s32 $0xFFFFFD80  }
0x5d: {  	s17 =	simm.s32 @p0 $0x0;
	s18 =	simm.s32 @p0 $0x280;
	[bflag:$0x0] =	sbarrier.arrive $0xFFFF  }
0x5e: {  	[tilespmem:s18], [sflag:$0x1] =	stream.linear.gather @p0 [hbm4b:s6+s17], $0xA00, $0x38;
	[tilespmem:$0x2F00] =	vst v63  }
0x5f: {  	s17 =	simm.s32 @p0 $0x1  }
0x60: {  	_ =	swait.ge @p0 [sflag:s17], $0xA00  }
0x61: {  	[sflag:s17] =	ssyncset.done @p0 $0x0  }
0x62: {  	s18 =	simm.s32 @!p0 $0x280;
	[sflag:s17] =	ssyncadd.s32 @p0 $0xFFFFF600;
	s17 =	simm.s32 @!p0 $0x0  }
0x63: {  	[tilespmem:s18], [sflag:$0x1] =	stream.linear.gather @!p0 [hbm4b:s5+s17], $0x2800, $0x38;
	[tilespmem:$0x2F00] =	vst v63  }
0x64: {  	s18 =	simm.s32 @!p0 $0x14  }
0x65: {  	s17 =	simm.s32 @!p0 $0x1;
	s18 =	simm.s32 @p0 $0x5  }
0x66: {  	_ =	swait.ge @!p0 [sflag:s17], $0x2800;
	p1 =	sne.s32 s18, $0x1  }
.Ltmp0:
0x67: {  	[sflag:s17] =	ssyncset.done @!p0 $0x0;
	(pc) =	sbr.rel @!p1 .LBB2_3-.Ltmp0, $4  }
0x68: {  	[sflag:s17] =	ssyncadd.s32 @!p0 $0xFFFFD800;
	s17 =	simm.s32 $0x280  }
0x69: {  	[spmem:s2] =	stream.indirect.scatter.add.f32 [tilespmem:s12], [sflag:$0x1], $0x1, s17, s11, $0xb8;
	[tilespmem:$0x2F00] =	vst v63  }
0x6a: {  	_ =	swait.ge [sflag:s10], $0x200  }
0x6b: {  	s18 =	sadd.s32 $0xFFFFFFFF, s18;
	[sflag:s10] =	ssyncset.done $0x0  }
.LBB2_2:
0x6c: {  	p1 =	sne.s32 s18, $0x1;
	[sflag:s10] =	ssyncadd.s32 $0xFFFFFE00;
	s17 =	sadd.s32 $0x200, s17  }
.Ltmp1:
0x6d: {  	s18 =	sadd.s32 $0xFFFFFFFF, s18;
	(pc) =	sbr.rel @p1 .LBB2_2-.Ltmp1, $4  }
0x6e: {  	_ = 	snop  }
0x6f: {  	[spmem:s2] =	stream.indirect.scatter.add.f32 [tilespmem:s12], [sflag:$0x1], $0x1, s17, s11, $0xb8;
	[tilespmem:$0x2F00] =	vst v63  }
0x70: {  	_ =	swait.ge [sflag:s10], $0x200  }
0x71: {  	[sflag:s10] =	ssyncset.done $0x0  }
.LBB2_3:
0x72: {  	s3 =	sadd.s32 $0x1, s3  }
0x73: {  	[sflag:s10] =	ssyncadd.s32 $0xFFFFFE00;
	p1 =	sne.s32 s3, s8  }
.Ltmp2:
0x74: {  	[bflag:$0x0] =	sbarrier.arrive $0xFFFF;
	(pc) =	sbr.rel @p1 .LBB2_1-.Ltmp2, $4  }
0x75: {  	[hbm:s7@s15], [sflag:s13] =	dma.strided [spmem:s14@s16], $0x50, s10, $0x10   }
0x76: {  	_ =	swait.ge [sflag:s10], $0x50  }
0x77: {  	[sflag:s10] =	ssyncset.done $0x0  }
0x78: {  	[sflag:s10] =	ssyncadd.s32 $0xFFFFFFB0  }
0x79: {  	_ =	sfence.sel $0x180000  }
0x7a: {  	[bflag:$0x0] =	sbarrier.arrive $0xFFFF  }
0x7b: {  	p0 =	sne.s32 s1, $0x0;
	_ =	strace $0x90000047  }
0x7c: {  	s0 =	sadd.s32 @!p0 $0x100000, s0;
	[bflag:$0x2] =	sbarrier.arrive $0xFFFF  }
0x7d: {  	[sflag:s0] =	ssyncadd.tile.s32 @!p0 $0x1;
	_ =	shalt  }
.Lfunc_end2:
_tile_overlayer_lowered:
.L_overlay_start_2:
0x7e: {  	(tag) =	ssettag $0x2  }
0x7f: {  	s0 =	rddreg [dreg:$0x0];
	s2 =	stileid.u32  }
0x80: {  	s1 =	rddreg [dreg:$0x1];
	p0 =	sne.s32 s2, $0x0  }
0x81: {  	s3 =	rddreg [dreg:$0x2];
	[bflag:$0x3] =	sbarrier.arrive $0xFFFF;
	s2 =	simm.s32 @!p0 $0x1C01  }
0x82: {  	[timem:s3], [sflag:s2] =	dma.local @!p0 [hbm:s0], s1  }
0x83: {  	s0 =	simm.s32 @!p0 $0x1  }
0x84: {  	_ =	swait.ge @!p0 [sflag:s0], s1  }
0x85: {  	s1 =	ssub.s32 @!p0 $0x0, s1;
	[sflag:s0] =	ssyncset.done @!p0 $0x0  }
0x86: {  	[sflag:s0] =	ssyncadd.s32 @!p0 s1  }
0x87: {  	[bflag:$0x3] =	sbarrier.arrive $0xFFFF  }
0x88: {  	_ =	shalt  }

</sc_bundles>
